<compile_context>
chip_gen: v7x
topology: tpu7x:2x2x1
jax: 0.10.2.dev20260603
libtpu: 0.0.44.dev20260713+nightly
codegen_flags: <defaults>
</compile_context>

<pallas_src>
import functools

import jax
import jax.numpy as jnp
from jax import lax
from jax.experimental import pallas as pl
from jax.experimental.pallas import tpu as pltpu
from jax.experimental.pallas import tpu_sc as plsc

N = 10000
E = 320000
D = 128
H = 128
NUM_MASK = N // 2

NC = 2
NS = 16
NW = NC * NS

CHUNK = 128
CPT = 80
EPAD = NW * CPT * CHUNK
MCPT = 2
MASKPAD = NW * MCPT * CHUNK
SINK_ROWS = 768
NSINK = N + SINK_ROWS

def _per_tile_copy(sid, nrows, src_fn, dst_fn):
    base = (nrows // NS) // 8 * 8
    last = nrows - base * (NS - 1)
    r0 = pl.multiple_of(sid * base, 8)

    @pl.when(sid < NS - 1)
    def _():
        pltpu.sync_copy(src_fn(r0, base), dst_fn(r0, base))

    @pl.when(sid == NS - 1)
    def _():
        r1 = base * (NS - 1)
        pltpu.sync_copy(src_fn(r1, last), dst_fn(r1, last))



def _make_hist(cpt):
    def body(idx3_hbm, ones_hbm, z_hbm, out_hbm, idxb, ones_v, acc_sh):
        cid = lax.axis_index("c")
        sid = lax.axis_index("s")
        wid = sid * NC + cid

        pltpu.sync_copy(ones_hbm, ones_v)
        pltpu.sync_copy(idx3_hbm.at[wid], idxb)
        _per_tile_copy(sid, NSINK,
                       lambda o, s: z_hbm.at[pl.ds(o, s)],
                       lambda o, s: acc_sh.at[pl.ds(o, s)])
        plsc.subcore_barrier()

        def bd(c, carry):
            pltpu.sync_copy(ones_v, acc_sh.at[idxb.at[c]], add=True)
            return carry

        lax.fori_loop(0, cpt, bd, 0)
        plsc.subcore_barrier()

        _per_tile_copy(sid, N,
                       lambda o, s: acc_sh.at[pl.ds(o, s)],
                       lambda o, s: out_hbm.at[cid, pl.ds(o, s)])

    return pl.kernel(
        body,
        out_type=jax.ShapeDtypeStruct((NC, N, H), jnp.float32),
        mesh=plsc.VectorSubcoreMesh(core_axis_name="c", subcore_axis_name="s",
                                    num_cores=NC, num_subcores=NS),
        scratch_types=[
            pltpu.VMEM((cpt, CHUNK), jnp.int32),
            pltpu.VMEM((CHUNK, H), jnp.float32),
            pltpu.VMEM_SHARED((NSINK, H), jnp.float32),
        ],
    )


_sc_deg_hist = _make_hist(CPT)
_sc_mask_hist = _make_hist(MCPT)


def _sc_agg_body(y_hbm, src3_hbm, dst3_hbm, z_hbm, out_hbm,
                 srcb, dstb, rows_a, rows_b, agg_sh, gsem_a, gsem_b):
    cid = lax.axis_index("c")
    sid = lax.axis_index("s")
    wid = sid * NC + cid

    _per_tile_copy(sid, NSINK,
                   lambda o, s: z_hbm.at[pl.ds(o, s)],
                   lambda o, s: agg_sh.at[pl.ds(o, s)])
    plsc.subcore_barrier()

    PH = CPT // 2

    for p in range(2):
        pltpu.sync_copy(src3_hbm.at[wid, pl.ds(p * PH, PH)], srcb)
        pltpu.sync_copy(dst3_hbm.at[wid, pl.ds(p * PH, PH)], dstb)
        pltpu.async_copy(y_hbm.at[srcb.at[0]], rows_a, gsem_a)

        def pair(i, carry):
            ca = 2 * i
            cb = ca + 1
            pltpu.async_copy(y_hbm.at[srcb.at[cb]], rows_b, gsem_b)
            pltpu.make_async_copy(y_hbm.at[srcb.at[ca]], rows_a, gsem_a).wait()
            pltpu.sync_copy(rows_a, agg_sh.at[dstb.at[ca]], add=True)

            @pl.when(i < PH // 2 - 1)
            def _():
                pltpu.async_copy(y_hbm.at[srcb.at[ca + 2]], rows_a, gsem_a)

            pltpu.make_async_copy(y_hbm.at[srcb.at[cb]], rows_b, gsem_b).wait()
            pltpu.sync_copy(rows_b, agg_sh.at[dstb.at[cb]], add=True)
            return carry

        lax.fori_loop(0, PH // 2, pair, 0)

    plsc.subcore_barrier()

    _per_tile_copy(sid, N,
                   lambda o, s: agg_sh.at[pl.ds(o, s)],
                   lambda o, s: out_hbm.at[cid, pl.ds(o, s)])


_sc_agg = pl.kernel(
    _sc_agg_body,
    out_type=jax.ShapeDtypeStruct((NC, N, H), jnp.float32),
    mesh=plsc.VectorSubcoreMesh(core_axis_name="c", subcore_axis_name="s", num_cores=NC, num_subcores=NS),
    scratch_types=[
        pltpu.VMEM((CPT // 2, CHUNK), jnp.int32),
        pltpu.VMEM((CPT // 2, CHUNK), jnp.int32),
        pltpu.VMEM((CHUNK, H), jnp.float32),
        pltpu.VMEM((CHUNK, H), jnp.float32),
        pltpu.VMEM_SHARED((NSINK, H), jnp.float32),
        pltpu.SemaphoreType.DMA,
        pltpu.SemaphoreType.DMA,
    ],
)


BN = 1000
GRID = N // BN


def _tca_body(x_ref, m0_ref, m1_ref, tok_ref, w_ref, b_ref, o_ref):
    m = m0_ref[0][:, 0:1] + m1_ref[0][:, 0:1]
    xm = x_ref[...] * (1.0 - m) + m * tok_ref[...]
    o_ref[...] = (jnp.dot(xm, w_ref[...], preferred_element_type=jnp.float32)
                  + b_ref[...])


_tca = pl.pallas_call(
    _tca_body,
    grid=(GRID,),
    in_specs=[
        pl.BlockSpec((BN, D), lambda i: (i, 0)),
        pl.BlockSpec((1, BN, 128), lambda i: (0, i, 0)),
        pl.BlockSpec((1, BN, 128), lambda i: (1, i, 0)),
        pl.BlockSpec((1, D), lambda i: (0, 0)),
        pl.BlockSpec((D, H), lambda i: (0, 0)),
        pl.BlockSpec((1, H), lambda i: (0, 0)),
    ],
    out_specs=pl.BlockSpec((BN, H), lambda i: (i, 0)),
    out_shape=jax.ShapeDtypeStruct((N, H), jnp.float32),
)


def _tcb_body(a0_ref, a1_ref, d0_ref, d1_ref, w_ref, b_ref, h1_ref, z2_ref):
    agg = a0_ref[0] + a1_ref[0]
    deg = jnp.maximum(d0_ref[0][:, 0:1] + d1_ref[0][:, 0:1], 1.0)
    h1 = jnp.maximum(agg / deg, 0.0)
    h1_ref[...] = h1
    z2_ref[...] = (jnp.dot(h1, w_ref[...], preferred_element_type=jnp.float32)
                   + b_ref[...])


_tcb = pl.pallas_call(
    _tcb_body,
    grid=(GRID,),
    in_specs=[
        pl.BlockSpec((1, BN, H), lambda i: (0, i, 0)),
        pl.BlockSpec((1, BN, H), lambda i: (1, i, 0)),
        pl.BlockSpec((1, BN, 128), lambda i: (0, i, 0)),
        pl.BlockSpec((1, BN, 128), lambda i: (1, i, 0)),
        pl.BlockSpec((H, H), lambda i: (0, 0)),
        pl.BlockSpec((1, H), lambda i: (0, 0)),
    ],
    out_specs=[
        pl.BlockSpec((BN, H), lambda i: (i, 0)),
        pl.BlockSpec((BN, H), lambda i: (i, 0)),
    ],
    out_shape=[
        jax.ShapeDtypeStruct((N, H), jnp.float32),
        jax.ShapeDtypeStruct((N, H), jnp.float32),
    ],
)


def _tcc_body(a0_ref, a1_ref, d0_ref, d1_ref, h1_ref, m0_ref, m1_ref,
              we1_ref, we2_ref, wd_ref, bd_ref, z3_ref):
    agg = a0_ref[0] + a1_ref[0]
    deg = jnp.maximum(d0_ref[0][:, 0:1] + d1_ref[0][:, 0:1], 1.0)
    h2 = jnp.maximum(agg / deg, 0.0)
    rep = (jnp.dot(h1_ref[...], we1_ref[...], preferred_element_type=jnp.float32)
           + jnp.dot(h2, we2_ref[...], preferred_element_type=jnp.float32))
    m = m0_ref[0][:, 0:1] + m1_ref[0][:, 0:1]
    rep = rep * (1.0 - m)
    z3_ref[...] = (jnp.dot(rep, wd_ref[...], preferred_element_type=jnp.float32)
                   + bd_ref[...])


_tcc = pl.pallas_call(
    _tcc_body,
    grid=(GRID,),
    in_specs=[
        pl.BlockSpec((1, BN, H), lambda i: (0, i, 0)),
        pl.BlockSpec((1, BN, H), lambda i: (1, i, 0)),
        pl.BlockSpec((1, BN, 128), lambda i: (0, i, 0)),
        pl.BlockSpec((1, BN, 128), lambda i: (1, i, 0)),
        pl.BlockSpec((BN, H), lambda i: (i, 0)),
        pl.BlockSpec((1, BN, 128), lambda i: (0, i, 0)),
        pl.BlockSpec((1, BN, 128), lambda i: (1, i, 0)),
        pl.BlockSpec((H, H), lambda i: (0, 0)),
        pl.BlockSpec((H, H), lambda i: (0, 0)),
        pl.BlockSpec((H, D), lambda i: (0, 0)),
        pl.BlockSpec((1, D), lambda i: (0, 0)),
    ],
    out_specs=pl.BlockSpec((BN, D), lambda i: (i, 0)),
    out_shape=jax.ShapeDtypeStruct((N, D), jnp.float32),
)


def _tcd_body(a0_ref, a1_ref, d0_ref, d1_ref, m0_ref, m1_ref, x_ref, o_ref):
    i = pl.program_id(0)
    agg = a0_ref[0] + a1_ref[0]
    deg = jnp.maximum(d0_ref[0][:, 0:1] + d1_ref[0][:, 0:1], 1.0)
    recon = agg / deg
    xb = x_ref[...]
    xn = xb / (jnp.sqrt(jnp.sum(xb * xb, axis=-1, keepdims=True)) + 1e-8)
    rn = recon / (jnp.sqrt(jnp.sum(recon * recon, axis=-1, keepdims=True)) + 1e-8)
    cos = jnp.sum(xn * rn, axis=-1)
    mcol = m0_ref[0][:, 0] + m1_ref[0][:, 0]
    part = jnp.sum(mcol * (1.0 - cos) ** 2) * (1.0 / NUM_MASK)

    @pl.when(i == 0)
    def _():
        o_ref[...] = jnp.zeros((1, 1), jnp.float32)

    o_ref[...] = o_ref[...] + part


_tcd = pl.pallas_call(
    _tcd_body,
    grid=(GRID,),
    in_specs=[
        pl.BlockSpec((1, BN, D), lambda i: (0, i, 0)),
        pl.BlockSpec((1, BN, D), lambda i: (1, i, 0)),
        pl.BlockSpec((1, BN, 128), lambda i: (0, i, 0)),
        pl.BlockSpec((1, BN, 128), lambda i: (1, i, 0)),
        pl.BlockSpec((1, BN, 128), lambda i: (0, i, 0)),
        pl.BlockSpec((1, BN, 128), lambda i: (1, i, 0)),
        pl.BlockSpec((BN, D), lambda i: (i, 0)),
    ],
    out_specs=pl.BlockSpec((1, 1), lambda i: (0, 0)),
    out_shape=jax.ShapeDtypeStruct((1, 1), jnp.float32),
)


def kernel(x, edge_index, mask_nodes, enc_mask_token, W1, b1, W2, b2, W_e2d, Wd, bd):
    src = edge_index[0]
    dst = edge_index[1]
    src3 = jnp.concatenate(
        [src, jnp.arange(EPAD - E, dtype=jnp.int32) % N]).reshape(NW, CPT, CHUNK)
    dst3 = jnp.concatenate(
        [dst, N + (jnp.arange(EPAD - E, dtype=jnp.int32) % SINK_ROWS)]
    ).reshape(NW, CPT, CHUNK)
    mn3 = jnp.concatenate(
        [mask_nodes.astype(jnp.int32),
         N + (jnp.arange(MASKPAD - NUM_MASK, dtype=jnp.int32) % SINK_ROWS)]
    ).reshape(NW, MCPT, CHUNK)
    ones128 = jnp.ones((CHUNK, H), jnp.float32)
    zsink = jnp.zeros((NSINK, H), jnp.float32)
    b1r = b1.reshape(1, H)
    b2r = b2.reshape(1, H)
    bdr = bd.reshape(1, D)
    we1 = W_e2d[:H]
    we2 = W_e2d[H:]

    degp = _sc_deg_hist(dst3, ones128, zsink)
    maskp = _sc_mask_hist(mn3, ones128, zsink)
    z1 = _tca(x, maskp, maskp, enc_mask_token, W1, b1r)
    a1 = _sc_agg(z1, src3, dst3, zsink)
    h1, z2 = _tcb(a1, a1, degp, degp, W2, b2r)
    a2 = _sc_agg(z2, src3, dst3, zsink)
    z3 = _tcc(a2, a2, degp, degp, h1, maskp, maskp, we1, we2, Wd, bdr)
    a3 = _sc_agg(z3, src3, dst3, zsink)
    lossm = _tcd(a3, a3, degp, degp, maskp, maskp, x)
    return lossm[0, 0]

# --- scband reference (transcript-rebuilt; emitter-appended) ---
"""Pipeline reference for scband-gmaemodel-30700426232200 (READ-ONLY COPY).

The authoritative reference and input builder live on the scoring server;
editing this copy changes nothing except your own understanding.
"""

import jax, jax.numpy as jnp
import numpy as np

N = 10000
E = 320000
D = 128   # n_dim
H = 128   # hidden_dim
NL = 2    # n_layers
NUM_MASK = N // 2


def setup_inputs(seed: int = 0) -> dict:
    key = jax.random.key(seed)
    ks = jax.random.split(key, 12)
    x = jax.random.normal(ks[0], (N, D), dtype=jnp.float32)
    edge_index = jax.random.randint(ks[1], (2, E), 0, N, dtype=jnp.int32)
    mask_nodes = jax.random.permutation(ks[2], N)[:NUM_MASK].astype(jnp.int32)
    enc_mask_token = jnp.zeros((1, D), dtype=jnp.float32)
    s_in = 1.0 / np.sqrt(D)
    s_h = 1.0 / np.sqrt(H)
    s_cat = 1.0 / np.sqrt(H * NL)
    W1 = jax.random.uniform(ks[3], (D, H), minval=-s_in, maxval=s_in, dtype=jnp.float32)
    b1 = jnp.zeros((H,), dtype=jnp.float32)
    W2 = jax.random.uniform(ks[4], (H, H), minval=-s_h, maxval=s_h, dtype=jnp.float32)
    b2 = jnp.zeros((H,), dtype=jnp.float32)
    W_e2d = jax.random.uniform(ks[5], (H * NL, H), minval=-s_cat, maxval=s_cat, dtype=jnp.float32)
    Wd = jax.random.uniform(ks[6], (H, D), minval=-s_h, maxval=s_h, dtype=jnp.float32)
    bd = jnp.zeros((D,), dtype=jnp.float32)
    return {"x": x, "edge_index": edge_index, "mask_nodes": mask_nodes,
            "enc_mask_token": enc_mask_token, "W1": W1, "b1": b1, "W2": W2,
            "b2": b2, "W_e2d": W_e2d, "Wd": Wd, "bd": bd}


def _gcn_layer(h, src, dst, W, b, act):
    # GraphConv: mean aggregation over incoming edges, then linear + activation
    m = (h @ W + b)[src]
    agg = jax.ops.segment_sum(m, dst, num_segments=N)
    deg = jax.ops.segment_sum(jnp.ones((src.shape[0],), jnp.float32), dst, num_segments=N)
    agg = agg / jnp.clip(deg, 1.0, None)[:, None]
    if act:
        agg = jax.nn.relu(agg)
    return agg


def _sce_loss(x_t, x_r, alpha=2.0, eps=1e-8):
    xn = x_t / (jnp.linalg.norm(x_t, axis=-1, keepdims=True) + eps)
    rn = x_r / (jnp.linalg.norm(x_r, axis=-1, keepdims=True) + eps)
    cos = jnp.sum(xn * rn, axis=-1)
    return jnp.mean((1.0 - cos) ** alpha)


def reference(x, edge_index, mask_nodes, enc_mask_token, W1, b1, W2, b2, W_e2d, Wd, bd):
    src = edge_index[0]
    dst = edge_index[1]
    # encoding_mask_noise: replace masked node attrs with the learned mask token
    x_masked = x.at[mask_nodes].set(jnp.broadcast_to(enc_mask_token, (mask_nodes.shape[0], D)))
    # GCN encoder (n_layers), concat all layer outputs (enc_rep dim = hidden*n_layers)
    h1 = _gcn_layer(x_masked, src, dst, W1, b1, act=True)
    h2 = _gcn_layer(h1, src, dst, W2, b2, act=True)
    enc_rep = jnp.concatenate([h1, h2], axis=-1)
    # encoder_to_decoder (no bias)
    rep = enc_rep @ W_e2d
    # re-mask decoder input at masked nodes
    rep = rep.at[mask_nodes].set(0.0)
    # 1-layer GCN decoder back to n_dim (no activation, encoding=False)
    recon = _gcn_layer(rep, src, dst, Wd, bd, act=False)
    # sce reconstruction loss on masked nodes
    x_init = x[mask_nodes]
    x_rec = recon[mask_nodes]
    recon_loss = _sce_loss(x_init, x_rec, alpha=2.0)
    return recon_loss

if __name__ == "__main__":
    import jax
    _d = setup_inputs()
    print(jax.jit(kernel)(*tuple(_d.values())))

</pallas_src>

<mosaic_0001>
#map = affine_map<(d0, d1) -> (0, 0)>
#map1 = affine_map<(d0, d1) -> (0, 0, 0)>
module attributes {stable_mosaic.version = 14 : i64} {
  func.func @_sc_agg_body(%arg0: i32, %arg1: i32, %arg2: memref<10000x128xf32, #tpu.memory_space<hbm>>, %arg3: memref<32x80x128xi32, #tpu.memory_space<hbm>>, %arg4: memref<32x80x128xi32, #tpu.memory_space<hbm>>, %arg5: memref<10768x128xf32, #tpu.memory_space<hbm>>, %arg6: memref<2x10000x128xf32, #tpu.memory_space<hbm>>, %arg7: memref<40x128xi32, #tpu.memory_space<vmem>>, %arg8: memref<40x128xi32, #tpu.memory_space<vmem>>, %arg9: memref<128x128xf32, #tpu.memory_space<vmem>>, %arg10: memref<128x128xf32, #tpu.memory_space<vmem>>, %arg11: memref<10768x128xf32, #tpu.memory_space<vmem_shared>>, %arg12: memref<!tpu.dma_semaphore, #tpu.memory_space<semaphore_mem>>, %arg13: memref<!tpu.dma_semaphore, #tpu.memory_space<semaphore_mem>>) attributes {dimension_semantics = [#tpu.dimension_semantics<core_parallel>, #tpu.dimension_semantics<subcore_parallel>], iteration_bounds = array<i64: 2, 16>, scalar_prefetch = 0 : i64, scratch_operands = 7 : i64, tpu.core_type = #tpu.core_type<sc_vector_subcore>, window_params = [{transform_indices = #map}, {transform_indices = #map1}, {transform_indices = #map1}, {transform_indices = #map}, {transform_indices = #map1}]} {
    %mul3A = arith.constant 2 : i32
    %mul3A_0 = arith.muli %arg1, %mul3A : i32
    %add3A = arith.addi %mul3A_0, %arg0 : i32
    %mul3A_1 = arith.constant 672 : i32
    %mul3A_2 = arith.muli %arg1, %mul3A_1 : i32
    %multiple_of3A = tpu.assume_multiple %mul3A_2, 8 : i32
    %lt3A = arith.constant 15 : i32
    %lt3A_3 = arith.cmpi slt, %arg1, %lt3A : i32
    %convert_element_type3A = arith.extui %lt3A_3 : i1 to i32
    %cond3A = arith.constant 0 : i32
    %cond3A_4 = arith.cmpi ne, %convert_element_type3A, %cond3A : i32
    scf.if %cond3A_4 {
      "tpu.region"() ({
        %run_scoped3A = tpu.sem_alloc : memref<!tpu.dma_semaphore, #tpu.memory_space<semaphore_mem>>
        %dma_start3A_47 = arith.constant 0 : i32
        %dma_start3A_48 = tpu.memref_slice %arg11[%multiple_of3A, %dma_start3A_47] : memref<10768x128xf32, #tpu.memory_space<vmem_shared>> -> memref<672x128xf32, #tpu.memory_space<vmem_shared>>
        %dma_start3A_49 = arith.constant 0 : i32
        %dma_start3A_50 = tpu.memref_slice %arg5[%multiple_of3A, %dma_start3A_49] : memref<10768x128xf32, #tpu.memory_space<hbm>> -> memref<672x128xf32, #tpu.memory_space<hbm>>
        tpu.enqueue_dma source(%dma_start3A_50 : memref<672x128xf32, #tpu.memory_space<hbm>>) target(%dma_start3A_48 : memref<672x128xf32, #tpu.memory_space<vmem_shared>>) target_semaphore(%run_scoped3A : memref<!tpu.dma_semaphore, #tpu.memory_space<semaphore_mem>>)
        %dma_wait3A = arith.constant 0 : i32
        %dma_wait3A_51 = tpu.memref_slice %arg11[%multiple_of3A, %dma_wait3A] : memref<10768x128xf32, #tpu.memory_space<vmem_shared>> -> memref<672x128xf32, #tpu.memory_space<vmem_shared>>
        %dma_wait3A_52 = arith.constant 0 : i32
        %dma_wait3A_53 = tpu.memref_slice %arg5[%multiple_of3A, %dma_wait3A_52] : memref<10768x128xf32, #tpu.memory_space<hbm>> -> memref<672x128xf32, #tpu.memory_space<hbm>>
        tpu.wait_dma2 semaphore(%run_scoped3A : memref<!tpu.dma_semaphore, #tpu.memory_space<semaphore_mem>>) src(%dma_wait3A_53 : memref<672x128xf32, #tpu.memory_space<hbm>>) dst(%dma_wait3A_51 : memref<672x128xf32, #tpu.memory_space<vmem_shared>>)
        tpu.yield
      }) : () -> ()
    } else {
    }
    %eq3A = arith.constant 15 : i32
    %eq3A_5 = arith.cmpi eq, %arg1, %eq3A : i32
    %convert_element_type3A_6 = arith.extui %eq3A_5 : i1 to i32
    %cond3A_7 = arith.constant 0 : i32
    %cond3A_8 = arith.cmpi ne, %convert_element_type3A_6, %cond3A_7 : i32
    scf.if %cond3A_8 {
      "tpu.region"() ({
        %run_scoped3A = tpu.sem_alloc : memref<!tpu.dma_semaphore, #tpu.memory_space<semaphore_mem>>
        %dma_start3A_47 = arith.constant 10080 : i32
        %dma_start3A_48 = arith.constant 0 : i32
        %dma_start3A_49 = tpu.memref_slice %arg11[%dma_start3A_47, %dma_start3A_48] : memref<10768x128xf32, #tpu.memory_space<vmem_shared>> -> memref<688x128xf32, #tpu.memory_space<vmem_shared>>
        %dma_start3A_50 = arith.constant 10080 : i32
        %dma_start3A_51 = arith.constant 0 : i32
        %dma_start3A_52 = tpu.memref_slice %arg5[%dma_start3A_50, %dma_start3A_51] : memref<10768x128xf32, #tpu.memory_space<hbm>> -> memref<688x128xf32, #tpu.memory_space<hbm>>
        tpu.enqueue_dma source(%dma_start3A_52 : memref<688x128xf32, #tpu.memory_space<hbm>>) target(%dma_start3A_49 : memref<688x128xf32, #tpu.memory_space<vmem_shared>>) target_semaphore(%run_scoped3A : memref<!tpu.dma_semaphore, #tpu.memory_space<semaphore_mem>>)
        %dma_wait3A = arith.constant 10080 : i32
        %dma_wait3A_53 = arith.constant 0 : i32
        %dma_wait3A_54 = tpu.memref_slice %arg11[%dma_wait3A, %dma_wait3A_53] : memref<10768x128xf32, #tpu.memory_space<vmem_shared>> -> memref<688x128xf32, #tpu.memory_space<vmem_shared>>
        %dma_wait3A_55 = arith.constant 10080 : i32
        %dma_wait3A_56 = arith.constant 0 : i32
        %dma_wait3A_57 = tpu.memref_slice %arg5[%dma_wait3A_55, %dma_wait3A_56] : memref<10768x128xf32, #tpu.memory_space<hbm>> -> memref<688x128xf32, #tpu.memory_space<hbm>>
        tpu.wait_dma2 semaphore(%run_scoped3A : memref<!tpu.dma_semaphore, #tpu.memory_space<semaphore_mem>>) src(%dma_wait3A_57 : memref<688x128xf32, #tpu.memory_space<hbm>>) dst(%dma_wait3A_54 : memref<688x128xf32, #tpu.memory_space<vmem_shared>>)
        tpu.yield
      }) : () -> ()
    } else {
    }
    %barrier3A = arith.constant 0 : index
    tpu.barrier barrier_id(%barrier3A)
    "tpu.region"() ({
      %run_scoped3A = tpu.sem_alloc : memref<!tpu.dma_semaphore, #tpu.memory_space<semaphore_mem>>
      %dma_start3A_47 = arith.constant 0 : i32
      %dma_start3A_48 = arith.constant 0 : i32
      %dma_start3A_49 = tpu.memref_slice %arg3[%add3A, %dma_start3A_47, %dma_start3A_48] : memref<32x80x128xi32, #tpu.memory_space<hbm>> -> memref<1x40x128xi32, #tpu.memory_space<hbm>>
      %dma_start3A_50 = tpu.memref_squeeze %dma_start3A_49 : memref<1x40x128xi32, #tpu.memory_space<hbm>> -> memref<40x128xi32, #tpu.memory_space<hbm>>
      %dma_start3A_51 = arith.constant 0 : i32
      %dma_start3A_52 = arith.constant 0 : i32
      %dma_start3A_53 = tpu.memref_slice %arg3[%add3A, %dma_start3A_51, %dma_start3A_52] : memref<32x80x128xi32, #tpu.memory_space<hbm>> -> memref<1x40x128xi32, #tpu.memory_space<hbm>>
      %dma_start3A_54 = tpu.memref_squeeze %dma_start3A_53 : memref<1x40x128xi32, #tpu.memory_space<hbm>> -> memref<40x128xi32, #tpu.memory_space<hbm>>
      tpu.enqueue_dma source(%dma_start3A_54 : memref<40x128xi32, #tpu.memory_space<hbm>>) target(%arg7 : memref<40x128xi32, #tpu.memory_space<vmem>>) target_semaphore(%run_scoped3A : memref<!tpu.dma_semaphore, #tpu.memory_space<semaphore_mem>>)
      %dma_wait3A = arith.constant 0 : i32
      %dma_wait3A_55 = arith.constant 0 : i32
      %dma_wait3A_56 = tpu.memref_slice %arg3[%add3A, %dma_wait3A, %dma_wait3A_55] : memref<32x80x128xi32, #tpu.memory_space<hbm>> -> memref<1x40x128xi32, #tpu.memory_space<hbm>>
      %dma_wait3A_57 = tpu.memref_squeeze %dma_wait3A_56 : memref<1x40x128xi32, #tpu.memory_space<hbm>> -> memref<40x128xi32, #tpu.memory_space<hbm>>
      %dma_wait3A_58 = arith.constant 0 : i32
      %dma_wait3A_59 = arith.constant 0 : i32
      %dma_wait3A_60 = tpu.memref_slice %arg3[%add3A, %dma_wait3A_58, %dma_wait3A_59] : memref<32x80x128xi32, #tpu.memory_space<hbm>> -> memref<1x40x128xi32, #tpu.memory_space<hbm>>
      %dma_wait3A_61 = tpu.memref_squeeze %dma_wait3A_60 : memref<1x40x128xi32, #tpu.memory_space<hbm>> -> memref<40x128xi32, #tpu.memory_space<hbm>>
      tpu.wait_dma2 semaphore(%run_scoped3A : memref<!tpu.dma_semaphore, #tpu.memory_space<semaphore_mem>>) src(%dma_wait3A_61 : memref<40x128xi32, #tpu.memory_space<hbm>>) dst(%arg7 : memref<40x128xi32, #tpu.memory_space<vmem>>)
      tpu.yield
    }) : () -> ()
    "tpu.region"() ({
      %run_scoped3A = tpu.sem_alloc : memref<!tpu.dma_semaphore, #tpu.memory_space<semaphore_mem>>
      %dma_start3A_47 = arith.constant 0 : i32
      %dma_start3A_48 = arith.constant 0 : i32
      %dma_start3A_49 = tpu.memref_slice %arg4[%add3A, %dma_start3A_47, %dma_start3A_48] : memref<32x80x128xi32, #tpu.memory_space<hbm>> -> memref<1x40x128xi32, #tpu.memory_space<hbm>>
      %dma_start3A_50 = tpu.memref_squeeze %dma_start3A_49 : memref<1x40x128xi32, #tpu.memory_space<hbm>> -> memref<40x128xi32, #tpu.memory_space<hbm>>
      %dma_start3A_51 = arith.constant 0 : i32
      %dma_start3A_52 = arith.constant 0 : i32
      %dma_start3A_53 = tpu.memref_slice %arg4[%add3A, %dma_start3A_51, %dma_start3A_52] : memref<32x80x128xi32, #tpu.memory_space<hbm>> -> memref<1x40x128xi32, #tpu.memory_space<hbm>>
      %dma_start3A_54 = tpu.memref_squeeze %dma_start3A_53 : memref<1x40x128xi32, #tpu.memory_space<hbm>> -> memref<40x128xi32, #tpu.memory_space<hbm>>
      tpu.enqueue_dma source(%dma_start3A_54 : memref<40x128xi32, #tpu.memory_space<hbm>>) target(%arg8 : memref<40x128xi32, #tpu.memory_space<vmem>>) target_semaphore(%run_scoped3A : memref<!tpu.dma_semaphore, #tpu.memory_space<semaphore_mem>>)
      %dma_wait3A = arith.constant 0 : i32
      %dma_wait3A_55 = arith.constant 0 : i32
      %dma_wait3A_56 = tpu.memref_slice %arg4[%add3A, %dma_wait3A, %dma_wait3A_55] : memref<32x80x128xi32, #tpu.memory_space<hbm>> -> memref<1x40x128xi32, #tpu.memory_space<hbm>>
      %dma_wait3A_57 = tpu.memref_squeeze %dma_wait3A_56 : memref<1x40x128xi32, #tpu.memory_space<hbm>> -> memref<40x128xi32, #tpu.memory_space<hbm>>
      %dma_wait3A_58 = arith.constant 0 : i32
      %dma_wait3A_59 = arith.constant 0 : i32
      %dma_wait3A_60 = tpu.memref_slice %arg4[%add3A, %dma_wait3A_58, %dma_wait3A_59] : memref<32x80x128xi32, #tpu.memory_space<hbm>> -> memref<1x40x128xi32, #tpu.memory_space<hbm>>
      %dma_wait3A_61 = tpu.memref_squeeze %dma_wait3A_60 : memref<1x40x128xi32, #tpu.memory_space<hbm>> -> memref<40x128xi32, #tpu.memory_space<hbm>>
      tpu.wait_dma2 semaphore(%run_scoped3A : memref<!tpu.dma_semaphore, #tpu.memory_space<semaphore_mem>>) src(%dma_wait3A_61 : memref<40x128xi32, #tpu.memory_space<hbm>>) dst(%arg8 : memref<40x128xi32, #tpu.memory_space<vmem>>)
      tpu.yield
    }) : () -> ()
    %dma_start3A = arith.constant 0 : i32
    %dma_start3A_9 = arith.constant 0 : i32
    %dma_start3A_10 = tpu.memref_slice %arg7[%dma_start3A, %dma_start3A_9] : memref<40x128xi32, #tpu.memory_space<vmem>> -> memref<1x128xi32, #tpu.memory_space<vmem>>
    %dma_start3A_11 = tpu.memref_squeeze %dma_start3A_10 : memref<1x128xi32, #tpu.memory_space<vmem>> -> memref<128xi32, #tpu.memory_space<vmem>>
    %dma_start3A_12 = arith.constant 0 : i32
    %dma_start3A_13 = arith.constant 0 : i32
    %dma_start3A_14 = tpu.memref_slice %arg2[%dma_start3A_12, %dma_start3A_13] : memref<10000x128xf32, #tpu.memory_space<hbm>> -> memref<10000x128xf32, #tpu.memory_space<hbm>>
    tpu.enqueue_indirect_dma source(%dma_start3A_14 : memref<10000x128xf32, #tpu.memory_space<hbm>>) target(%arg9 : memref<128x128xf32, #tpu.memory_space<vmem>>) offsets(%dma_start3A_11 : memref<128xi32, #tpu.memory_space<vmem>>) semaphore(%arg12 : memref<!tpu.dma_semaphore, #tpu.memory_space<semaphore_mem>>)
    %scan3A = arith.constant 0 : i32
    %scan3A_15 = arith.constant 0 : i32
    %scan3A_16 = arith.constant 20 : i32
    %scan3A_17 = arith.addi %scan3A_15, %scan3A_16 : i32
    %scan3A_18 = arith.constant 1 : i32
    scf.for %scan3A_47 = %scan3A_15 to %scan3A_17 step %scan3A_18  : i32 {
      %mul3A_48 = arith.constant 2 : i32
      %mul3A_49 = arith.muli %mul3A_48, %scan3A_47 : i32
      %add3A_50 = arith.constant 1 : i32
      %add3A_51 = arith.addi %mul3A_49, %add3A_50 : i32
      %dma_start3A_52 = arith.constant 0 : i32
      %dma_start3A_53 = tpu.memref_slice %arg7[%add3A_51, %dma_start3A_52] : memref<40x128xi32, #tpu.memory_space<vmem>> -> memref<1x128xi32, #tpu.memory_space<vmem>>
      %dma_start3A_54 = tpu.memref_squeeze %dma_start3A_53 : memref<1x128xi32, #tpu.memory_space<vmem>> -> memref<128xi32, #tpu.memory_space<vmem>>
      %dma_start3A_55 = arith.constant 0 : i32
      %dma_start3A_56 = arith.constant 0 : i32
      %dma_start3A_57 = tpu.memref_slice %arg2[%dma_start3A_55, %dma_start3A_56] : memref<10000x128xf32, #tpu.memory_space<hbm>> -> memref<10000x128xf32, #tpu.memory_space<hbm>>
      tpu.enqueue_indirect_dma source(%dma_start3A_57 : memref<10000x128xf32, #tpu.memory_space<hbm>>) target(%arg10 : memref<128x128xf32, #tpu.memory_space<vmem>>) offsets(%dma_start3A_54 : memref<128xi32, #tpu.memory_space<vmem>>) semaphore(%arg13 : memref<!tpu.dma_semaphore, #tpu.memory_space<semaphore_mem>>)
      %dma_wait3A = arith.constant 0 : i32
      %dma_wait3A_58 = tpu.memref_slice %arg7[%mul3A_49, %dma_wait3A] : memref<40x128xi32, #tpu.memory_space<vmem>> -> memref<1x128xi32, #tpu.memory_space<vmem>>
      %dma_wait3A_59 = tpu.memref_squeeze %dma_wait3A_58 : memref<1x128xi32, #tpu.memory_space<vmem>> -> memref<128xi32, #tpu.memory_space<vmem>>
      %dma_wait3A_60 = arith.constant 0 : i32
      %dma_wait3A_61 = arith.constant 0 : i32
      %dma_wait3A_62 = tpu.memref_slice %arg2[%dma_wait3A_60, %dma_wait3A_61] : memref<10000x128xf32, #tpu.memory_space<hbm>> -> memref<10000x128xf32, #tpu.memory_space<hbm>>
      tpu.wait_indirect_dma semaphore(%arg12 : memref<!tpu.dma_semaphore, #tpu.memory_space<semaphore_mem>>) src(%dma_wait3A_62 : memref<10000x128xf32, #tpu.memory_space<hbm>>) dst(%arg9 : memref<128x128xf32, #tpu.memory_space<vmem>>)
      "tpu.region"() ({
        %run_scoped3A = tpu.sem_alloc : memref<!tpu.dma_semaphore, #tpu.memory_space<semaphore_mem>>
        %dma_start3A_74 = arith.constant 0 : i32
        %dma_start3A_75 = tpu.memref_slice %arg8[%mul3A_49, %dma_start3A_74] : memref<40x128xi32, #tpu.memory_space<vmem>> -> memref<1x128xi32, #tpu.memory_space<vmem>>
        %dma_start3A_76 = tpu.memref_squeeze %dma_start3A_75 : memref<1x128xi32, #tpu.memory_space<vmem>> -> memref<128xi32, #tpu.memory_space<vmem>>
        %dma_start3A_77 = arith.constant 0 : i32
        %dma_start3A_78 = arith.constant 0 : i32
        %dma_start3A_79 = tpu.memref_slice %arg11[%dma_start3A_77, %dma_start3A_78] : memref<10768x128xf32, #tpu.memory_space<vmem_shared>> -> memref<10768x128xf32, #tpu.memory_space<vmem_shared>>
        tpu.enqueue_indirect_dma source(%arg9 : memref<128x128xf32, #tpu.memory_space<vmem>>) target(%dma_start3A_79 : memref<10768x128xf32, #tpu.memory_space<vmem_shared>>) offsets(%dma_start3A_76 : memref<128xi32, #tpu.memory_space<vmem>>) semaphore(%run_scoped3A : memref<!tpu.dma_semaphore, #tpu.memory_space<semaphore_mem>>) {add = true}
        %dma_wait3A_80 = arith.constant 0 : i32
        %dma_wait3A_81 = tpu.memref_slice %arg8[%mul3A_49, %dma_wait3A_80] : memref<40x128xi32, #tpu.memory_space<vmem>> -> memref<1x128xi32, #tpu.memory_space<vmem>>
        %dma_wait3A_82 = tpu.memref_squeeze %dma_wait3A_81 : memref<1x128xi32, #tpu.memory_space<vmem>> -> memref<128xi32, #tpu.memory_space<vmem>>
        %dma_wait3A_83 = arith.constant 0 : i32
        %dma_wait3A_84 = arith.constant 0 : i32
        %dma_wait3A_85 = tpu.memref_slice %arg11[%dma_wait3A_83, %dma_wait3A_84] : memref<10768x128xf32, #tpu.memory_space<vmem_shared>> -> memref<10768x128xf32, #tpu.memory_space<vmem_shared>>
        tpu.wait_indirect_dma semaphore(%run_scoped3A : memref<!tpu.dma_semaphore, #tpu.memory_space<semaphore_mem>>) src(%arg9 : memref<128x128xf32, #tpu.memory_space<vmem>>) dst(%dma_wait3A_85 : memref<10768x128xf32, #tpu.memory_space<vmem_shared>>)
        tpu.yield
      }) : () -> ()
      %lt3A_63 = arith.constant 19 : i32
      %lt3A_64 = arith.cmpi slt, %scan3A_47, %lt3A_63 : i32
      %convert_element_type3A_65 = arith.extui %lt3A_64 : i1 to i32
      %cond3A_66 = arith.constant 0 : i32
      %cond3A_67 = arith.cmpi ne, %convert_element_type3A_65, %cond3A_66 : i32
      scf.if %cond3A_67 {
        %add3A_74 = arith.constant 2 : i32
        %add3A_75 = arith.addi %mul3A_49, %add3A_74 : i32
        %dma_start3A_76 = arith.constant 0 : i32
        %dma_start3A_77 = tpu.memref_slice %arg7[%add3A_75, %dma_start3A_76] : memref<40x128xi32, #tpu.memory_space<vmem>> -> memref<1x128xi32, #tpu.memory_space<vmem>>
        %dma_start3A_78 = tpu.memref_squeeze %dma_start3A_77 : memref<1x128xi32, #tpu.memory_space<vmem>> -> memref<128xi32, #tpu.memory_space<vmem>>
        %dma_start3A_79 = arith.constant 0 : i32
        %dma_start3A_80 = arith.constant 0 : i32
        %dma_start3A_81 = tpu.memref_slice %arg2[%dma_start3A_79, %dma_start3A_80] : memref<10000x128xf32, #tpu.memory_space<hbm>> -> memref<10000x128xf32, #tpu.memory_space<hbm>>
        tpu.enqueue_indirect_dma source(%dma_start3A_81 : memref<10000x128xf32, #tpu.memory_space<hbm>>) target(%arg9 : memref<128x128xf32, #tpu.memory_space<vmem>>) offsets(%dma_start3A_78 : memref<128xi32, #tpu.memory_space<vmem>>) semaphore(%arg12 : memref<!tpu.dma_semaphore, #tpu.memory_space<semaphore_mem>>)
      } else {
      }
      %dma_wait3A_68 = arith.constant 0 : i32
      %dma_wait3A_69 = tpu.memref_slice %arg7[%add3A_51, %dma_wait3A_68] : memref<40x128xi32, #tpu.memory_space<vmem>> -> memref<1x128xi32, #tpu.memory_space<vmem>>
      %dma_wait3A_70 = tpu.memref_squeeze %dma_wait3A_69 : memref<1x128xi32, #tpu.memory_space<vmem>> -> memref<128xi32, #tpu.memory_space<vmem>>
      %dma_wait3A_71 = arith.constant 0 : i32
      %dma_wait3A_72 = arith.constant 0 : i32
      %dma_wait3A_73 = tpu.memref_slice %arg2[%dma_wait3A_71, %dma_wait3A_72] : memref<10000x128xf32, #tpu.memory_space<hbm>> -> memref<10000x128xf32, #tpu.memory_space<hbm>>
      tpu.wait_indirect_dma semaphore(%arg13 : memref<!tpu.dma_semaphore, #tpu.memory_space<semaphore_mem>>) src(%dma_wait3A_73 : memref<10000x128xf32, #tpu.memory_space<hbm>>) dst(%arg10 : memref<128x128xf32, #tpu.memory_space<vmem>>)
      "tpu.region"() ({
        %run_scoped3A = tpu.sem_alloc : memref<!tpu.dma_semaphore, #tpu.memory_space<semaphore_mem>>
        %dma_start3A_74 = arith.constant 0 : i32
        %dma_start3A_75 = tpu.memref_slice %arg8[%add3A_51, %dma_start3A_74] : memref<40x128xi32, #tpu.memory_space<vmem>> -> memref<1x128xi32, #tpu.memory_space<vmem>>
        %dma_start3A_76 = tpu.memref_squeeze %dma_start3A_75 : memref<1x128xi32, #tpu.memory_space<vmem>> -> memref<128xi32, #tpu.memory_space<vmem>>
        %dma_start3A_77 = arith.constant 0 : i32
        %dma_start3A_78 = arith.constant 0 : i32
        %dma_start3A_79 = tpu.memref_slice %arg11[%dma_start3A_77, %dma_start3A_78] : memref<10768x128xf32, #tpu.memory_space<vmem_shared>> -> memref<10768x128xf32, #tpu.memory_space<vmem_shared>>
        tpu.enqueue_indirect_dma source(%arg10 : memref<128x128xf32, #tpu.memory_space<vmem>>) target(%dma_start3A_79 : memref<10768x128xf32, #tpu.memory_space<vmem_shared>>) offsets(%dma_start3A_76 : memref<128xi32, #tpu.memory_space<vmem>>) semaphore(%run_scoped3A : memref<!tpu.dma_semaphore, #tpu.memory_space<semaphore_mem>>) {add = true}
        %dma_wait3A_80 = arith.constant 0 : i32
        %dma_wait3A_81 = tpu.memref_slice %arg8[%add3A_51, %dma_wait3A_80] : memref<40x128xi32, #tpu.memory_space<vmem>> -> memref<1x128xi32, #tpu.memory_space<vmem>>
        %dma_wait3A_82 = tpu.memref_squeeze %dma_wait3A_81 : memref<1x128xi32, #tpu.memory_space<vmem>> -> memref<128xi32, #tpu.memory_space<vmem>>
        %dma_wait3A_83 = arith.constant 0 : i32
        %dma_wait3A_84 = arith.constant 0 : i32
        %dma_wait3A_85 = tpu.memref_slice %arg11[%dma_wait3A_83, %dma_wait3A_84] : memref<10768x128xf32, #tpu.memory_space<vmem_shared>> -> memref<10768x128xf32, #tpu.memory_space<vmem_shared>>
        tpu.wait_indirect_dma semaphore(%run_scoped3A : memref<!tpu.dma_semaphore, #tpu.memory_space<semaphore_mem>>) src(%arg10 : memref<128x128xf32, #tpu.memory_space<vmem>>) dst(%dma_wait3A_85 : memref<10768x128xf32, #tpu.memory_space<vmem_shared>>)
        tpu.yield
      }) : () -> ()
    }
    %scan3A_19 = arith.constant 20 : i32
    "tpu.region"() ({
      %run_scoped3A = tpu.sem_alloc : memref<!tpu.dma_semaphore, #tpu.memory_space<semaphore_mem>>
      %dma_start3A_47 = arith.constant 40 : i32
      %dma_start3A_48 = arith.constant 0 : i32
      %dma_start3A_49 = tpu.memref_slice %arg3[%add3A, %dma_start3A_47, %dma_start3A_48] : memref<32x80x128xi32, #tpu.memory_space<hbm>> -> memref<1x40x128xi32, #tpu.memory_space<hbm>>
      %dma_start3A_50 = tpu.memref_squeeze %dma_start3A_49 : memref<1x40x128xi32, #tpu.memory_space<hbm>> -> memref<40x128xi32, #tpu.memory_space<hbm>>
      %dma_start3A_51 = arith.constant 40 : i32
      %dma_start3A_52 = arith.constant 0 : i32
      %dma_start3A_53 = tpu.memref_slice %arg3[%add3A, %dma_start3A_51, %dma_start3A_52] : memref<32x80x128xi32, #tpu.memory_space<hbm>> -> memref<1x40x128xi32, #tpu.memory_space<hbm>>
      %dma_start3A_54 = tpu.memref_squeeze %dma_start3A_53 : memref<1x40x128xi32, #tpu.memory_space<hbm>> -> memref<40x128xi32, #tpu.memory_space<hbm>>
      tpu.enqueue_dma source(%dma_start3A_54 : memref<40x128xi32, #tpu.memory_space<hbm>>) target(%arg7 : memref<40x128xi32, #tpu.memory_space<vmem>>) target_semaphore(%run_scoped3A : memref<!tpu.dma_semaphore, #tpu.memory_space<semaphore_mem>>)
      %dma_wait3A = arith.constant 40 : i32
      %dma_wait3A_55 = arith.constant 0 : i32
      %dma_wait3A_56 = tpu.memref_slice %arg3[%add3A, %dma_wait3A, %dma_wait3A_55] : memref<32x80x128xi32, #tpu.memory_space<hbm>> -> memref<1x40x128xi32, #tpu.memory_space<hbm>>
      %dma_wait3A_57 = tpu.memref_squeeze %dma_wait3A_56 : memref<1x40x128xi32, #tpu.memory_space<hbm>> -> memref<40x128xi32, #tpu.memory_space<hbm>>
      %dma_wait3A_58 = arith.constant 40 : i32
      %dma_wait3A_59 = arith.constant 0 : i32
      %dma_wait3A_60 = tpu.memref_slice %arg3[%add3A, %dma_wait3A_58, %dma_wait3A_59] : memref<32x80x128xi32, #tpu.memory_space<hbm>> -> memref<1x40x128xi32, #tpu.memory_space<hbm>>
      %dma_wait3A_61 = tpu.memref_squeeze %dma_wait3A_60 : memref<1x40x128xi32, #tpu.memory_space<hbm>> -> memref<40x128xi32, #tpu.memory_space<hbm>>
      tpu.wait_dma2 semaphore(%run_scoped3A : memref<!tpu.dma_semaphore, #tpu.memory_space<semaphore_mem>>) src(%dma_wait3A_61 : memref<40x128xi32, #tpu.memory_space<hbm>>) dst(%arg7 : memref<40x128xi32, #tpu.memory_space<vmem>>)
      tpu.yield
    }) : () -> ()
    "tpu.region"() ({
      %run_scoped3A = tpu.sem_alloc : memref<!tpu.dma_semaphore, #tpu.memory_space<semaphore_mem>>
      %dma_start3A_47 = arith.constant 40 : i32
      %dma_start3A_48 = arith.constant 0 : i32
      %dma_start3A_49 = tpu.memref_slice %arg4[%add3A, %dma_start3A_47, %dma_start3A_48] : memref<32x80x128xi32, #tpu.memory_space<hbm>> -> memref<1x40x128xi32, #tpu.memory_space<hbm>>
      %dma_start3A_50 = tpu.memref_squeeze %dma_start3A_49 : memref<1x40x128xi32, #tpu.memory_space<hbm>> -> memref<40x128xi32, #tpu.memory_space<hbm>>
      %dma_start3A_51 = arith.constant 40 : i32
      %dma_start3A_52 = arith.constant 0 : i32
      %dma_start3A_53 = tpu.memref_slice %arg4[%add3A, %dma_start3A_51, %dma_start3A_52] : memref<32x80x128xi32, #tpu.memory_space<hbm>> -> memref<1x40x128xi32, #tpu.memory_space<hbm>>
      %dma_start3A_54 = tpu.memref_squeeze %dma_start3A_53 : memref<1x40x128xi32, #tpu.memory_space<hbm>> -> memref<40x128xi32, #tpu.memory_space<hbm>>
      tpu.enqueue_dma source(%dma_start3A_54 : memref<40x128xi32, #tpu.memory_space<hbm>>) target(%arg8 : memref<40x128xi32, #tpu.memory_space<vmem>>) target_semaphore(%run_scoped3A : memref<!tpu.dma_semaphore, #tpu.memory_space<semaphore_mem>>)
      %dma_wait3A = arith.constant 40 : i32
      %dma_wait3A_55 = arith.constant 0 : i32
      %dma_wait3A_56 = tpu.memref_slice %arg4[%add3A, %dma_wait3A, %dma_wait3A_55] : memref<32x80x128xi32, #tpu.memory_space<hbm>> -> memref<1x40x128xi32, #tpu.memory_space<hbm>>
      %dma_wait3A_57 = tpu.memref_squeeze %dma_wait3A_56 : memref<1x40x128xi32, #tpu.memory_space<hbm>> -> memref<40x128xi32, #tpu.memory_space<hbm>>
      %dma_wait3A_58 = arith.constant 40 : i32
      %dma_wait3A_59 = arith.constant 0 : i32
      %dma_wait3A_60 = tpu.memref_slice %arg4[%add3A, %dma_wait3A_58, %dma_wait3A_59] : memref<32x80x128xi32, #tpu.memory_space<hbm>> -> memref<1x40x128xi32, #tpu.memory_space<hbm>>
      %dma_wait3A_61 = tpu.memref_squeeze %dma_wait3A_60 : memref<1x40x128xi32, #tpu.memory_space<hbm>> -> memref<40x128xi32, #tpu.memory_space<hbm>>
      tpu.wait_dma2 semaphore(%run_scoped3A : memref<!tpu.dma_semaphore, #tpu.memory_space<semaphore_mem>>) src(%dma_wait3A_61 : memref<40x128xi32, #tpu.memory_space<hbm>>) dst(%arg8 : memref<40x128xi32, #tpu.memory_space<vmem>>)
      tpu.yield
    }) : () -> ()
    %dma_start3A_20 = arith.constant 0 : i32
    %dma_start3A_21 = arith.constant 0 : i32
    %dma_start3A_22 = tpu.memref_slice %arg7[%dma_start3A_20, %dma_start3A_21] : memref<40x128xi32, #tpu.memory_space<vmem>> -> memref<1x128xi32, #tpu.memory_space<vmem>>
    %dma_start3A_23 = tpu.memref_squeeze %dma_start3A_22 : memref<1x128xi32, #tpu.memory_space<vmem>> -> memref<128xi32, #tpu.memory_space<vmem>>
    %dma_start3A_24 = arith.constant 0 : i32
    %dma_start3A_25 = arith.constant 0 : i32
    %dma_start3A_26 = tpu.memref_slice %arg2[%dma_start3A_24, %dma_start3A_25] : memref<10000x128xf32, #tpu.memory_space<hbm>> -> memref<10000x128xf32, #tpu.memory_space<hbm>>
    tpu.enqueue_indirect_dma source(%dma_start3A_26 : memref<10000x128xf32, #tpu.memory_space<hbm>>) target(%arg9 : memref<128x128xf32, #tpu.memory_space<vmem>>) offsets(%dma_start3A_23 : memref<128xi32, #tpu.memory_space<vmem>>) semaphore(%arg12 : memref<!tpu.dma_semaphore, #tpu.memory_space<semaphore_mem>>)
    %scan3A_27 = arith.constant 0 : i32
    %scan3A_28 = arith.constant 0 : i32
    %scan3A_29 = arith.constant 20 : i32
    %scan3A_30 = arith.addi %scan3A_28, %scan3A_29 : i32
    %scan3A_31 = arith.constant 1 : i32
    scf.for %scan3A_47 = %scan3A_28 to %scan3A_30 step %scan3A_31  : i32 {
      %mul3A_48 = arith.constant 2 : i32
      %mul3A_49 = arith.muli %mul3A_48, %scan3A_47 : i32
      %add3A_50 = arith.constant 1 : i32
      %add3A_51 = arith.addi %mul3A_49, %add3A_50 : i32
      %dma_start3A_52 = arith.constant 0 : i32
      %dma_start3A_53 = tpu.memref_slice %arg7[%add3A_51, %dma_start3A_52] : memref<40x128xi32, #tpu.memory_space<vmem>> -> memref<1x128xi32, #tpu.memory_space<vmem>>
      %dma_start3A_54 = tpu.memref_squeeze %dma_start3A_53 : memref<1x128xi32, #tpu.memory_space<vmem>> -> memref<128xi32, #tpu.memory_space<vmem>>
      %dma_start3A_55 = arith.constant 0 : i32
      %dma_start3A_56 = arith.constant 0 : i32
      %dma_start3A_57 = tpu.memref_slice %arg2[%dma_start3A_55, %dma_start3A_56] : memref<10000x128xf32, #tpu.memory_space<hbm>> -> memref<10000x128xf32, #tpu.memory_space<hbm>>
      tpu.enqueue_indirect_dma source(%dma_start3A_57 : memref<10000x128xf32, #tpu.memory_space<hbm>>) target(%arg10 : memref<128x128xf32, #tpu.memory_space<vmem>>) offsets(%dma_start3A_54 : memref<128xi32, #tpu.memory_space<vmem>>) semaphore(%arg13 : memref<!tpu.dma_semaphore, #tpu.memory_space<semaphore_mem>>)
      %dma_wait3A = arith.constant 0 : i32
      %dma_wait3A_58 = tpu.memref_slice %arg7[%mul3A_49, %dma_wait3A] : memref<40x128xi32, #tpu.memory_space<vmem>> -> memref<1x128xi32, #tpu.memory_space<vmem>>
      %dma_wait3A_59 = tpu.memref_squeeze %dma_wait3A_58 : memref<1x128xi32, #tpu.memory_space<vmem>> -> memref<128xi32, #tpu.memory_space<vmem>>
      %dma_wait3A_60 = arith.constant 0 : i32
      %dma_wait3A_61 = arith.constant 0 : i32
      %dma_wait3A_62 = tpu.memref_slice %arg2[%dma_wait3A_60, %dma_wait3A_61] : memref<10000x128xf32, #tpu.memory_space<hbm>> -> memref<10000x128xf32, #tpu.memory_space<hbm>>
      tpu.wait_indirect_dma semaphore(%arg12 : memref<!tpu.dma_semaphore, #tpu.memory_space<semaphore_mem>>) src(%dma_wait3A_62 : memref<10000x128xf32, #tpu.memory_space<hbm>>) dst(%arg9 : memref<128x128xf32, #tpu.memory_space<vmem>>)
      "tpu.region"() ({
        %run_scoped3A = tpu.sem_alloc : memref<!tpu.dma_semaphore, #tpu.memory_space<semaphore_mem>>
        %dma_start3A_74 = arith.constant 0 : i32
        %dma_start3A_75 = tpu.memref_slice %arg8[%mul3A_49, %dma_start3A_74] : memref<40x128xi32, #tpu.memory_space<vmem>> -> memref<1x128xi32, #tpu.memory_space<vmem>>
        %dma_start3A_76 = tpu.memref_squeeze %dma_start3A_75 : memref<1x128xi32, #tpu.memory_space<vmem>> -> memref<128xi32, #tpu.memory_space<vmem>>
        %dma_start3A_77 = arith.constant 0 : i32
        %dma_start3A_78 = arith.constant 0 : i32
        %dma_start3A_79 = tpu.memref_slice %arg11[%dma_start3A_77, %dma_start3A_78] : memref<10768x128xf32, #tpu.memory_space<vmem_shared>> -> memref<10768x128xf32, #tpu.memory_space<vmem_shared>>
        tpu.enqueue_indirect_dma source(%arg9 : memref<128x128xf32, #tpu.memory_space<vmem>>) target(%dma_start3A_79 : memref<10768x128xf32, #tpu.memory_space<vmem_shared>>) offsets(%dma_start3A_76 : memref<128xi32, #tpu.memory_space<vmem>>) semaphore(%run_scoped3A : memref<!tpu.dma_semaphore, #tpu.memory_space<semaphore_mem>>) {add = true}
        %dma_wait3A_80 = arith.constant 0 : i32
        %dma_wait3A_81 = tpu.memref_slice %arg8[%mul3A_49, %dma_wait3A_80] : memref<40x128xi32, #tpu.memory_space<vmem>> -> memref<1x128xi32, #tpu.memory_space<vmem>>
        %dma_wait3A_82 = tpu.memref_squeeze %dma_wait3A_81 : memref<1x128xi32, #tpu.memory_space<vmem>> -> memref<128xi32, #tpu.memory_space<vmem>>
        %dma_wait3A_83 = arith.constant 0 : i32
        %dma_wait3A_84 = arith.constant 0 : i32
        %dma_wait3A_85 = tpu.memref_slice %arg11[%dma_wait3A_83, %dma_wait3A_84] : memref<10768x128xf32, #tpu.memory_space<vmem_shared>> -> memref<10768x128xf32, #tpu.memory_space<vmem_shared>>
        tpu.wait_indirect_dma semaphore(%run_scoped3A : memref<!tpu.dma_semaphore, #tpu.memory_space<semaphore_mem>>) src(%arg9 : memref<128x128xf32, #tpu.memory_space<vmem>>) dst(%dma_wait3A_85 : memref<10768x128xf32, #tpu.memory_space<vmem_shared>>)
        tpu.yield
      }) : () -> ()
      %lt3A_63 = arith.constant 19 : i32
      %lt3A_64 = arith.cmpi slt, %scan3A_47, %lt3A_63 : i32
      %convert_element_type3A_65 = arith.extui %lt3A_64 : i1 to i32
      %cond3A_66 = arith.constant 0 : i32
      %cond3A_67 = arith.cmpi ne, %convert_element_type3A_65, %cond3A_66 : i32
      scf.if %cond3A_67 {
        %add3A_74 = arith.constant 2 : i32
        %add3A_75 = arith.addi %mul3A_49, %add3A_74 : i32
        %dma_start3A_76 = arith.constant 0 : i32
        %dma_start3A_77 = tpu.memref_slice %arg7[%add3A_75, %dma_start3A_76] : memref<40x128xi32, #tpu.memory_space<vmem>> -> memref<1x128xi32, #tpu.memory_space<vmem>>
        %dma_start3A_78 = tpu.memref_squeeze %dma_start3A_77 : memref<1x128xi32, #tpu.memory_space<vmem>> -> memref<128xi32, #tpu.memory_space<vmem>>
        %dma_start3A_79 = arith.constant 0 : i32
        %dma_start3A_80 = arith.constant 0 : i32
        %dma_start3A_81 = tpu.memref_slice %arg2[%dma_start3A_79, %dma_start3A_80] : memref<10000x128xf32, #tpu.memory_space<hbm>> -> memref<10000x128xf32, #tpu.memory_space<hbm>>
        tpu.enqueue_indirect_dma source(%dma_start3A_81 : memref<10000x128xf32, #tpu.memory_space<hbm>>) target(%arg9 : memref<128x128xf32, #tpu.memory_space<vmem>>) offsets(%dma_start3A_78 : memref<128xi32, #tpu.memory_space<vmem>>) semaphore(%arg12 : memref<!tpu.dma_semaphore, #tpu.memory_space<semaphore_mem>>)
      } else {
      }
      %dma_wait3A_68 = arith.constant 0 : i32
      %dma_wait3A_69 = tpu.memref_slice %arg7[%add3A_51, %dma_wait3A_68] : memref<40x128xi32, #tpu.memory_space<vmem>> -> memref<1x128xi32, #tpu.memory_space<vmem>>
      %dma_wait3A_70 = tpu.memref_squeeze %dma_wait3A_69 : memref<1x128xi32, #tpu.memory_space<vmem>> -> memref<128xi32, #tpu.memory_space<vmem>>
      %dma_wait3A_71 = arith.constant 0 : i32
      %dma_wait3A_72 = arith.constant 0 : i32
      %dma_wait3A_73 = tpu.memref_slice %arg2[%dma_wait3A_71, %dma_wait3A_72] : memref<10000x128xf32, #tpu.memory_space<hbm>> -> memref<10000x128xf32, #tpu.memory_space<hbm>>
      tpu.wait_indirect_dma semaphore(%arg13 : memref<!tpu.dma_semaphore, #tpu.memory_space<semaphore_mem>>) src(%dma_wait3A_73 : memref<10000x128xf32, #tpu.memory_space<hbm>>) dst(%arg10 : memref<128x128xf32, #tpu.memory_space<vmem>>)
      "tpu.region"() ({
        %run_scoped3A = tpu.sem_alloc : memref<!tpu.dma_semaphore, #tpu.memory_space<semaphore_mem>>
        %dma_start3A_74 = arith.constant 0 : i32
        %dma_start3A_75 = tpu.memref_slice %arg8[%add3A_51, %dma_start3A_74] : memref<40x128xi32, #tpu.memory_space<vmem>> -> memref<1x128xi32, #tpu.memory_space<vmem>>
        %dma_start3A_76 = tpu.memref_squeeze %dma_start3A_75 : memref<1x128xi32, #tpu.memory_space<vmem>> -> memref<128xi32, #tpu.memory_space<vmem>>
        %dma_start3A_77 = arith.constant 0 : i32
        %dma_start3A_78 = arith.constant 0 : i32
        %dma_start3A_79 = tpu.memref_slice %arg11[%dma_start3A_77, %dma_start3A_78] : memref<10768x128xf32, #tpu.memory_space<vmem_shared>> -> memref<10768x128xf32, #tpu.memory_space<vmem_shared>>
        tpu.enqueue_indirect_dma source(%arg10 : memref<128x128xf32, #tpu.memory_space<vmem>>) target(%dma_start3A_79 : memref<10768x128xf32, #tpu.memory_space<vmem_shared>>) offsets(%dma_start3A_76 : memref<128xi32, #tpu.memory_space<vmem>>) semaphore(%run_scoped3A : memref<!tpu.dma_semaphore, #tpu.memory_space<semaphore_mem>>) {add = true}
        %dma_wait3A_80 = arith.constant 0 : i32
        %dma_wait3A_81 = tpu.memref_slice %arg8[%add3A_51, %dma_wait3A_80] : memref<40x128xi32, #tpu.memory_space<vmem>> -> memref<1x128xi32, #tpu.memory_space<vmem>>
        %dma_wait3A_82 = tpu.memref_squeeze %dma_wait3A_81 : memref<1x128xi32, #tpu.memory_space<vmem>> -> memref<128xi32, #tpu.memory_space<vmem>>
        %dma_wait3A_83 = arith.constant 0 : i32
        %dma_wait3A_84 = arith.constant 0 : i32
        %dma_wait3A_85 = tpu.memref_slice %arg11[%dma_wait3A_83, %dma_wait3A_84] : memref<10768x128xf32, #tpu.memory_space<vmem_shared>> -> memref<10768x128xf32, #tpu.memory_space<vmem_shared>>
        tpu.wait_indirect_dma semaphore(%run_scoped3A : memref<!tpu.dma_semaphore, #tpu.memory_space<semaphore_mem>>) src(%arg10 : memref<128x128xf32, #tpu.memory_space<vmem>>) dst(%dma_wait3A_85 : memref<10768x128xf32, #tpu.memory_space<vmem_shared>>)
        tpu.yield
      }) : () -> ()
    }
    %scan3A_32 = arith.constant 20 : i32
    %barrier3A_33 = arith.constant 0 : index
    tpu.barrier barrier_id(%barrier3A_33)
    %mul3A_34 = arith.constant 624 : i32
    %mul3A_35 = arith.muli %arg1, %mul3A_34 : i32
    %multiple_of3A_36 = tpu.assume_multiple %mul3A_35, 8 : i32
    %lt3A_37 = arith.constant 15 : i32
    %lt3A_38 = arith.cmpi slt, %arg1, %lt3A_37 : i32
    %convert_element_type3A_39 = arith.extui %lt3A_38 : i1 to i32
    %cond3A_40 = arith.constant 0 : i32
    %cond3A_41 = arith.cmpi ne, %convert_element_type3A_39, %cond3A_40 : i32
    scf.if %cond3A_41 {
      "tpu.region"() ({
        %run_scoped3A = tpu.sem_alloc : memref<!tpu.dma_semaphore, #tpu.memory_space<semaphore_mem>>
        %dma_start3A_47 = arith.constant 0 : i32
        %dma_start3A_48 = tpu.memref_slice %arg6[%arg0, %multiple_of3A_36, %dma_start3A_47] : memref<2x10000x128xf32, #tpu.memory_space<hbm>> -> memref<1x624x128xf32, #tpu.memory_space<hbm>>
        %dma_start3A_49 = tpu.memref_squeeze %dma_start3A_48 : memref<1x624x128xf32, #tpu.memory_space<hbm>> -> memref<624x128xf32, #tpu.memory_space<hbm>>
        %dma_start3A_50 = arith.constant 0 : i32
        %dma_start3A_51 = tpu.memref_slice %arg11[%multiple_of3A_36, %dma_start3A_50] : memref<10768x128xf32, #tpu.memory_space<vmem_shared>> -> memref<624x128xf32, #tpu.memory_space<vmem_shared>>
        tpu.enqueue_dma source(%dma_start3A_51 : memref<624x128xf32, #tpu.memory_space<vmem_shared>>) target(%dma_start3A_49 : memref<624x128xf32, #tpu.memory_space<hbm>>) target_semaphore(%run_scoped3A : memref<!tpu.dma_semaphore, #tpu.memory_space<semaphore_mem>>)
        %dma_wait3A = arith.constant 0 : i32
        %dma_wait3A_52 = tpu.memref_slice %arg6[%arg0, %multiple_of3A_36, %dma_wait3A] : memref<2x10000x128xf32, #tpu.memory_space<hbm>> -> memref<1x624x128xf32, #tpu.memory_space<hbm>>
        %dma_wait3A_53 = tpu.memref_squeeze %dma_wait3A_52 : memref<1x624x128xf32, #tpu.memory_space<hbm>> -> memref<624x128xf32, #tpu.memory_space<hbm>>
        %dma_wait3A_54 = arith.constant 0 : i32
        %dma_wait3A_55 = tpu.memref_slice %arg11[%multiple_of3A_36, %dma_wait3A_54] : memref<10768x128xf32, #tpu.memory_space<vmem_shared>> -> memref<624x128xf32, #tpu.memory_space<vmem_shared>>
        tpu.wait_dma2 semaphore(%run_scoped3A : memref<!tpu.dma_semaphore, #tpu.memory_space<semaphore_mem>>) src(%dma_wait3A_55 : memref<624x128xf32, #tpu.memory_space<vmem_shared>>) dst(%dma_wait3A_53 : memref<624x128xf32, #tpu.memory_space<hbm>>)
        tpu.yield
      }) : () -> ()
    } else {
    }
    %eq3A_42 = arith.constant 15 : i32
    %eq3A_43 = arith.cmpi eq, %arg1, %eq3A_42 : i32
    %convert_element_type3A_44 = arith.extui %eq3A_43 : i1 to i32
    %cond3A_45 = arith.constant 0 : i32
    %cond3A_46 = arith.cmpi ne, %convert_element_type3A_44, %cond3A_45 : i32
    scf.if %cond3A_46 {
      "tpu.region"() ({
        %run_scoped3A = tpu.sem_alloc : memref<!tpu.dma_semaphore, #tpu.memory_space<semaphore_mem>>
        %dma_start3A_47 = arith.constant 9360 : i32
        %dma_start3A_48 = arith.constant 0 : i32
        %dma_start3A_49 = tpu.memref_slice %arg6[%arg0, %dma_start3A_47, %dma_start3A_48] : memref<2x10000x128xf32, #tpu.memory_space<hbm>> -> memref<1x640x128xf32, #tpu.memory_space<hbm>>
        %dma_start3A_50 = tpu.memref_squeeze %dma_start3A_49 : memref<1x640x128xf32, #tpu.memory_space<hbm>> -> memref<640x128xf32, #tpu.memory_space<hbm>>
        %dma_start3A_51 = arith.constant 9360 : i32
        %dma_start3A_52 = arith.constant 0 : i32
        %dma_start3A_53 = tpu.memref_slice %arg11[%dma_start3A_51, %dma_start3A_52] : memref<10768x128xf32, #tpu.memory_space<vmem_shared>> -> memref<640x128xf32, #tpu.memory_space<vmem_shared>>
        tpu.enqueue_dma source(%dma_start3A_53 : memref<640x128xf32, #tpu.memory_space<vmem_shared>>) target(%dma_start3A_50 : memref<640x128xf32, #tpu.memory_space<hbm>>) target_semaphore(%run_scoped3A : memref<!tpu.dma_semaphore, #tpu.memory_space<semaphore_mem>>)
        %dma_wait3A = arith.constant 9360 : i32
        %dma_wait3A_54 = arith.constant 0 : i32
        %dma_wait3A_55 = tpu.memref_slice %arg6[%arg0, %dma_wait3A, %dma_wait3A_54] : memref<2x10000x128xf32, #tpu.memory_space<hbm>> -> memref<1x640x128xf32, #tpu.memory_space<hbm>>
        %dma_wait3A_56 = tpu.memref_squeeze %dma_wait3A_55 : memref<1x640x128xf32, #tpu.memory_space<hbm>> -> memref<640x128xf32, #tpu.memory_space<hbm>>
        %dma_wait3A_57 = arith.constant 9360 : i32
        %dma_wait3A_58 = arith.constant 0 : i32
        %dma_wait3A_59 = tpu.memref_slice %arg11[%dma_wait3A_57, %dma_wait3A_58] : memref<10768x128xf32, #tpu.memory_space<vmem_shared>> -> memref<640x128xf32, #tpu.memory_space<vmem_shared>>
        tpu.wait_dma2 semaphore(%run_scoped3A : memref<!tpu.dma_semaphore, #tpu.memory_space<semaphore_mem>>) src(%dma_wait3A_59 : memref<640x128xf32, #tpu.memory_space<vmem_shared>>) dst(%dma_wait3A_56 : memref<640x128xf32, #tpu.memory_space<hbm>>)
        tpu.yield
      }) : () -> ()
    } else {
    }
    return
  }
}

#map = affine_map<(d0, d1) -> (0, 0, 0)>
#map1 = affine_map<(d0, d1) -> (0, 0)>
module attributes {stable_mosaic.version = 14 : i64} {
  func.func @body(%arg0: i32, %arg1: i32, %arg2: memref<32x2x128xi32, #tpu.memory_space<hbm>>, %arg3: memref<128x128xf32, #tpu.memory_space<hbm>>, %arg4: memref<10768x128xf32, #tpu.memory_space<hbm>>, %arg5: memref<2x10000x128xf32, #tpu.memory_space<hbm>>, %arg6: memref<2x128xi32, #tpu.memory_space<vmem>>, %arg7: memref<128x128xf32, #tpu.memory_space<vmem>>, %arg8: memref<10768x128xf32, #tpu.memory_space<vmem_shared>>) attributes {dimension_semantics = [#tpu.dimension_semantics<core_parallel>, #tpu.dimension_semantics<subcore_parallel>], iteration_bounds = array<i64: 2, 16>, scalar_prefetch = 0 : i64, scratch_operands = 3 : i64, tpu.core_type = #tpu.core_type<sc_vector_subcore>, window_params = [{transform_indices = #map}, {transform_indices = #map1}, {transform_indices = #map1}, {transform_indices = #map}]} {
    %mul3A = arith.constant 2 : i32
    %mul3A_0 = arith.muli %arg1, %mul3A : i32
    %add3A = arith.addi %mul3A_0, %arg0 : i32
    "tpu.region"() ({
      %run_scoped3A = tpu.sem_alloc : memref<!tpu.dma_semaphore, #tpu.memory_space<semaphore_mem>>
      tpu.enqueue_dma source(%arg3 : memref<128x128xf32, #tpu.memory_space<hbm>>) target(%arg7 : memref<128x128xf32, #tpu.memory_space<vmem>>) target_semaphore(%run_scoped3A : memref<!tpu.dma_semaphore, #tpu.memory_space<semaphore_mem>>)
      tpu.wait_dma2 semaphore(%run_scoped3A : memref<!tpu.dma_semaphore, #tpu.memory_space<semaphore_mem>>) src(%arg3 : memref<128x128xf32, #tpu.memory_space<hbm>>) dst(%arg7 : memref<128x128xf32, #tpu.memory_space<vmem>>)
      tpu.yield
    }) : () -> ()
    "tpu.region"() ({
      %run_scoped3A = tpu.sem_alloc : memref<!tpu.dma_semaphore, #tpu.memory_space<semaphore_mem>>
      %dma_start3A = arith.constant 0 : i32
      %dma_start3A_28 = arith.constant 0 : i32
      %dma_start3A_29 = tpu.memref_slice %arg2[%add3A, %dma_start3A, %dma_start3A_28] : memref<32x2x128xi32, #tpu.memory_space<hbm>> -> memref<1x2x128xi32, #tpu.memory_space<hbm>>
      %dma_start3A_30 = tpu.memref_squeeze %dma_start3A_29 : memref<1x2x128xi32, #tpu.memory_space<hbm>> -> memref<2x128xi32, #tpu.memory_space<hbm>>
      %dma_start3A_31 = arith.constant 0 : i32
      %dma_start3A_32 = arith.constant 0 : i32
      %dma_start3A_33 = tpu.memref_slice %arg2[%add3A, %dma_start3A_31, %dma_start3A_32] : memref<32x2x128xi32, #tpu.memory_space<hbm>> -> memref<1x2x128xi32, #tpu.memory_space<hbm>>
      %dma_start3A_34 = tpu.memref_squeeze %dma_start3A_33 : memref<1x2x128xi32, #tpu.memory_space<hbm>> -> memref<2x128xi32, #tpu.memory_space<hbm>>
      tpu.enqueue_dma source(%dma_start3A_34 : memref<2x128xi32, #tpu.memory_space<hbm>>) target(%arg6 : memref<2x128xi32, #tpu.memory_space<vmem>>) target_semaphore(%run_scoped3A : memref<!tpu.dma_semaphore, #tpu.memory_space<semaphore_mem>>)
      %dma_wait3A = arith.constant 0 : i32
      %dma_wait3A_35 = arith.constant 0 : i32
      %dma_wait3A_36 = tpu.memref_slice %arg2[%add3A, %dma_wait3A, %dma_wait3A_35] : memref<32x2x128xi32, #tpu.memory_space<hbm>> -> memref<1x2x128xi32, #tpu.memory_space<hbm>>
      %dma_wait3A_37 = tpu.memref_squeeze %dma_wait3A_36 : memref<1x2x128xi32, #tpu.memory_space<hbm>> -> memref<2x128xi32, #tpu.memory_space<hbm>>
      %dma_wait3A_38 = arith.constant 0 : i32
      %dma_wait3A_39 = arith.constant 0 : i32
      %dma_wait3A_40 = tpu.memref_slice %arg2[%add3A, %dma_wait3A_38, %dma_wait3A_39] : memref<32x2x128xi32, #tpu.memory_space<hbm>> -> memref<1x2x128xi32, #tpu.memory_space<hbm>>
      %dma_wait3A_41 = tpu.memref_squeeze %dma_wait3A_40 : memref<1x2x128xi32, #tpu.memory_space<hbm>> -> memref<2x128xi32, #tpu.memory_space<hbm>>
      tpu.wait_dma2 semaphore(%run_scoped3A : memref<!tpu.dma_semaphore, #tpu.memory_space<semaphore_mem>>) src(%dma_wait3A_41 : memref<2x128xi32, #tpu.memory_space<hbm>>) dst(%arg6 : memref<2x128xi32, #tpu.memory_space<vmem>>)
      tpu.yield
    }) : () -> ()
    %mul3A_1 = arith.constant 672 : i32
    %mul3A_2 = arith.muli %arg1, %mul3A_1 : i32
    %multiple_of3A = tpu.assume_multiple %mul3A_2, 8 : i32
    %lt3A = arith.constant 15 : i32
    %lt3A_3 = arith.cmpi slt, %arg1, %lt3A : i32
    %convert_element_type3A = arith.extui %lt3A_3 : i1 to i32
    %cond3A = arith.constant 0 : i32
    %cond3A_4 = arith.cmpi ne, %convert_element_type3A, %cond3A : i32
    scf.if %cond3A_4 {
      "tpu.region"() ({
        %run_scoped3A = tpu.sem_alloc : memref<!tpu.dma_semaphore, #tpu.memory_space<semaphore_mem>>
        %dma_start3A = arith.constant 0 : i32
        %dma_start3A_28 = tpu.memref_slice %arg8[%multiple_of3A, %dma_start3A] : memref<10768x128xf32, #tpu.memory_space<vmem_shared>> -> memref<672x128xf32, #tpu.memory_space<vmem_shared>>
        %dma_start3A_29 = arith.constant 0 : i32
        %dma_start3A_30 = tpu.memref_slice %arg4[%multiple_of3A, %dma_start3A_29] : memref<10768x128xf32, #tpu.memory_space<hbm>> -> memref<672x128xf32, #tpu.memory_space<hbm>>
        tpu.enqueue_dma source(%dma_start3A_30 : memref<672x128xf32, #tpu.memory_space<hbm>>) target(%dma_start3A_28 : memref<672x128xf32, #tpu.memory_space<vmem_shared>>) target_semaphore(%run_scoped3A : memref<!tpu.dma_semaphore, #tpu.memory_space<semaphore_mem>>)
        %dma_wait3A = arith.constant 0 : i32
        %dma_wait3A_31 = tpu.memref_slice %arg8[%multiple_of3A, %dma_wait3A] : memref<10768x128xf32, #tpu.memory_space<vmem_shared>> -> memref<672x128xf32, #tpu.memory_space<vmem_shared>>
        %dma_wait3A_32 = arith.constant 0 : i32
        %dma_wait3A_33 = tpu.memref_slice %arg4[%multiple_of3A, %dma_wait3A_32] : memref<10768x128xf32, #tpu.memory_space<hbm>> -> memref<672x128xf32, #tpu.memory_space<hbm>>
        tpu.wait_dma2 semaphore(%run_scoped3A : memref<!tpu.dma_semaphore, #tpu.memory_space<semaphore_mem>>) src(%dma_wait3A_33 : memref<672x128xf32, #tpu.memory_space<hbm>>) dst(%dma_wait3A_31 : memref<672x128xf32, #tpu.memory_space<vmem_shared>>)
        tpu.yield
      }) : () -> ()
    } else {
    }
    %eq3A = arith.constant 15 : i32
    %eq3A_5 = arith.cmpi eq, %arg1, %eq3A : i32
    %convert_element_type3A_6 = arith.extui %eq3A_5 : i1 to i32
    %cond3A_7 = arith.constant 0 : i32
    %cond3A_8 = arith.cmpi ne, %convert_element_type3A_6, %cond3A_7 : i32
    scf.if %cond3A_8 {
      "tpu.region"() ({
        %run_scoped3A = tpu.sem_alloc : memref<!tpu.dma_semaphore, #tpu.memory_space<semaphore_mem>>
        %dma_start3A = arith.constant 10080 : i32
        %dma_start3A_28 = arith.constant 0 : i32
        %dma_start3A_29 = tpu.memref_slice %arg8[%dma_start3A, %dma_start3A_28] : memref<10768x128xf32, #tpu.memory_space<vmem_shared>> -> memref<688x128xf32, #tpu.memory_space<vmem_shared>>
        %dma_start3A_30 = arith.constant 10080 : i32
        %dma_start3A_31 = arith.constant 0 : i32
        %dma_start3A_32 = tpu.memref_slice %arg4[%dma_start3A_30, %dma_start3A_31] : memref<10768x128xf32, #tpu.memory_space<hbm>> -> memref<688x128xf32, #tpu.memory_space<hbm>>
        tpu.enqueue_dma source(%dma_start3A_32 : memref<688x128xf32, #tpu.memory_space<hbm>>) target(%dma_start3A_29 : memref<688x128xf32, #tpu.memory_space<vmem_shared>>) target_semaphore(%run_scoped3A : memref<!tpu.dma_semaphore, #tpu.memory_space<semaphore_mem>>)
        %dma_wait3A = arith.constant 10080 : i32
        %dma_wait3A_33 = arith.constant 0 : i32
        %dma_wait3A_34 = tpu.memref_slice %arg8[%dma_wait3A, %dma_wait3A_33] : memref<10768x128xf32, #tpu.memory_space<vmem_shared>> -> memref<688x128xf32, #tpu.memory_space<vmem_shared>>
        %dma_wait3A_35 = arith.constant 10080 : i32
        %dma_wait3A_36 = arith.constant 0 : i32
        %dma_wait3A_37 = tpu.memref_slice %arg4[%dma_wait3A_35, %dma_wait3A_36] : memref<10768x128xf32, #tpu.memory_space<hbm>> -> memref<688x128xf32, #tpu.memory_space<hbm>>
        tpu.wait_dma2 semaphore(%run_scoped3A : memref<!tpu.dma_semaphore, #tpu.memory_space<semaphore_mem>>) src(%dma_wait3A_37 : memref<688x128xf32, #tpu.memory_space<hbm>>) dst(%dma_wait3A_34 : memref<688x128xf32, #tpu.memory_space<vmem_shared>>)
        tpu.yield
      }) : () -> ()
    } else {
    }
    %barrier3A = arith.constant 0 : index
    tpu.barrier barrier_id(%barrier3A)
    %scan3A = arith.constant 0 : i32
    %scan3A_9 = arith.constant 0 : i32
    %scan3A_10 = arith.constant 2 : i32
    %scan3A_11 = arith.addi %scan3A_9, %scan3A_10 : i32
    %scan3A_12 = arith.constant 1 : i32
    scf.for %scan3A_28 = %scan3A_9 to %scan3A_11 step %scan3A_12  : i32 {
      "tpu.region"() ({
        %run_scoped3A = tpu.sem_alloc : memref<!tpu.dma_semaphore, #tpu.memory_space<semaphore_mem>>
        %dma_start3A = arith.constant 0 : i32
        %dma_start3A_29 = tpu.memref_slice %arg6[%scan3A_28, %dma_start3A] : memref<2x128xi32, #tpu.memory_space<vmem>> -> memref<1x128xi32, #tpu.memory_space<vmem>>
        %dma_start3A_30 = tpu.memref_squeeze %dma_start3A_29 : memref<1x128xi32, #tpu.memory_space<vmem>> -> memref<128xi32, #tpu.memory_space<vmem>>
        %dma_start3A_31 = arith.constant 0 : i32
        %dma_start3A_32 = arith.constant 0 : i32
        %dma_start3A_33 = tpu.memref_slice %arg8[%dma_start3A_31, %dma_start3A_32] : memref<10768x128xf32, #tpu.memory_space<vmem_shared>> -> memref<10768x128xf32, #tpu.memory_space<vmem_shared>>
        tpu.enqueue_indirect_dma source(%arg7 : memref<128x128xf32, #tpu.memory_space<vmem>>) target(%dma_start3A_33 : memref<10768x128xf32, #tpu.memory_space<vmem_shared>>) offsets(%dma_start3A_30 : memref<128xi32, #tpu.memory_space<vmem>>) semaphore(%run_scoped3A : memref<!tpu.dma_semaphore, #tpu.memory_space<semaphore_mem>>) {add = true}
        %dma_wait3A = arith.constant 0 : i32
        %dma_wait3A_34 = tpu.memref_slice %arg6[%scan3A_28, %dma_wait3A] : memref<2x128xi32, #tpu.memory_space<vmem>> -> memref<1x128xi32, #tpu.memory_space<vmem>>
        %dma_wait3A_35 = tpu.memref_squeeze %dma_wait3A_34 : memref<1x128xi32, #tpu.memory_space<vmem>> -> memref<128xi32, #tpu.memory_space<vmem>>
        %dma_wait3A_36 = arith.constant 0 : i32
        %dma_wait3A_37 = arith.constant 0 : i32
        %dma_wait3A_38 = tpu.memref_slice %arg8[%dma_wait3A_36, %dma_wait3A_37] : memref<10768x128xf32, #tpu.memory_space<vmem_shared>> -> memref<10768x128xf32, #tpu.memory_space<vmem_shared>>
        tpu.wait_indirect_dma semaphore(%run_scoped3A : memref<!tpu.dma_semaphore, #tpu.memory_space<semaphore_mem>>) src(%arg7 : memref<128x128xf32, #tpu.memory_space<vmem>>) dst(%dma_wait3A_38 : memref<10768x128xf32, #tpu.memory_space<vmem_shared>>)
        tpu.yield
      }) : () -> ()
    }
    %scan3A_13 = arith.constant 2 : i32
    %barrier3A_14 = arith.constant 0 : index
    tpu.barrier barrier_id(%barrier3A_14)
    %mul3A_15 = arith.constant 624 : i32
    %mul3A_16 = arith.muli %arg1, %mul3A_15 : i32
    %multiple_of3A_17 = tpu.assume_multiple %mul3A_16, 8 : i32
    %lt3A_18 = arith.constant 15 : i32
    %lt3A_19 = arith.cmpi slt, %arg1, %lt3A_18 : i32
    %convert_element_type3A_20 = arith.extui %lt3A_19 : i1 to i32
    %cond3A_21 = arith.constant 0 : i32
    %cond3A_22 = arith.cmpi ne, %convert_element_type3A_20, %cond3A_21 : i32
    scf.if %cond3A_22 {
      "tpu.region"() ({
        %run_scoped3A = tpu.sem_alloc : memref<!tpu.dma_semaphore, #tpu.memory_space<semaphore_mem>>
        %dma_start3A = arith.constant 0 : i32
        %dma_start3A_28 = tpu.memref_slice %arg5[%arg0, %multiple_of3A_17, %dma_start3A] : memref<2x10000x128xf32, #tpu.memory_space<hbm>> -> memref<1x624x128xf32, #tpu.memory_space<hbm>>
        %dma_start3A_29 = tpu.memref_squeeze %dma_start3A_28 : memref<1x624x128xf32, #tpu.memory_space<hbm>> -> memref<624x128xf32, #tpu.memory_space<hbm>>
        %dma_start3A_30 = arith.constant 0 : i32
        %dma_start3A_31 = tpu.memref_slice %arg8[%multiple_of3A_17, %dma_start3A_30] : memref<10768x128xf32, #tpu.memory_space<vmem_shared>> -> memref<624x128xf32, #tpu.memory_space<vmem_shared>>
        tpu.enqueue_dma source(%dma_start3A_31 : memref<624x128xf32, #tpu.memory_space<vmem_shared>>) target(%dma_start3A_29 : memref<624x128xf32, #tpu.memory_space<hbm>>) target_semaphore(%run_scoped3A : memref<!tpu.dma_semaphore, #tpu.memory_space<semaphore_mem>>)
        %dma_wait3A = arith.constant 0 : i32
        %dma_wait3A_32 = tpu.memref_slice %arg5[%arg0, %multiple_of3A_17, %dma_wait3A] : memref<2x10000x128xf32, #tpu.memory_space<hbm>> -> memref<1x624x128xf32, #tpu.memory_space<hbm>>
        %dma_wait3A_33 = tpu.memref_squeeze %dma_wait3A_32 : memref<1x624x128xf32, #tpu.memory_space<hbm>> -> memref<624x128xf32, #tpu.memory_space<hbm>>
        %dma_wait3A_34 = arith.constant 0 : i32
        %dma_wait3A_35 = tpu.memref_slice %arg8[%multiple_of3A_17, %dma_wait3A_34] : memref<10768x128xf32, #tpu.memory_space<vmem_shared>> -> memref<624x128xf32, #tpu.memory_space<vmem_shared>>
        tpu.wait_dma2 semaphore(%run_scoped3A : memref<!tpu.dma_semaphore, #tpu.memory_space<semaphore_mem>>) src(%dma_wait3A_35 : memref<624x128xf32, #tpu.memory_space<vmem_shared>>) dst(%dma_wait3A_33 : memref<624x128xf32, #tpu.memory_space<hbm>>)
        tpu.yield
      }) : () -> ()
    } else {
    }
    %eq3A_23 = arith.constant 15 : i32
    %eq3A_24 = arith.cmpi eq, %arg1, %eq3A_23 : i32
    %convert_element_type3A_25 = arith.extui %eq3A_24 : i1 to i32
    %cond3A_26 = arith.constant 0 : i32
    %cond3A_27 = arith.cmpi ne, %convert_element_type3A_25, %cond3A_26 : i32
    scf.if %cond3A_27 {
      "tpu.region"() ({
        %run_scoped3A = tpu.sem_alloc : memref<!tpu.dma_semaphore, #tpu.memory_space<semaphore_mem>>
        %dma_start3A = arith.constant 9360 : i32
        %dma_start3A_28 = arith.constant 0 : i32
        %dma_start3A_29 = tpu.memref_slice %arg5[%arg0, %dma_start3A, %dma_start3A_28] : memref<2x10000x128xf32, #tpu.memory_space<hbm>> -> memref<1x640x128xf32, #tpu.memory_space<hbm>>
        %dma_start3A_30 = tpu.memref_squeeze %dma_start3A_29 : memref<1x640x128xf32, #tpu.memory_space<hbm>> -> memref<640x128xf32, #tpu.memory_space<hbm>>
        %dma_start3A_31 = arith.constant 9360 : i32
        %dma_start3A_32 = arith.constant 0 : i32
        %dma_start3A_33 = tpu.memref_slice %arg8[%dma_start3A_31, %dma_start3A_32] : memref<10768x128xf32, #tpu.memory_space<vmem_shared>> -> memref<640x128xf32, #tpu.memory_space<vmem_shared>>
        tpu.enqueue_dma source(%dma_start3A_33 : memref<640x128xf32, #tpu.memory_space<vmem_shared>>) target(%dma_start3A_30 : memref<640x128xf32, #tpu.memory_space<hbm>>) target_semaphore(%run_scoped3A : memref<!tpu.dma_semaphore, #tpu.memory_space<semaphore_mem>>)
        %dma_wait3A = arith.constant 9360 : i32
        %dma_wait3A_34 = arith.constant 0 : i32
        %dma_wait3A_35 = tpu.memref_slice %arg5[%arg0, %dma_wait3A, %dma_wait3A_34] : memref<2x10000x128xf32, #tpu.memory_space<hbm>> -> memref<1x640x128xf32, #tpu.memory_space<hbm>>
        %dma_wait3A_36 = tpu.memref_squeeze %dma_wait3A_35 : memref<1x640x128xf32, #tpu.memory_space<hbm>> -> memref<640x128xf32, #tpu.memory_space<hbm>>
        %dma_wait3A_37 = arith.constant 9360 : i32
        %dma_wait3A_38 = arith.constant 0 : i32
        %dma_wait3A_39 = tpu.memref_slice %arg8[%dma_wait3A_37, %dma_wait3A_38] : memref<10768x128xf32, #tpu.memory_space<vmem_shared>> -> memref<640x128xf32, #tpu.memory_space<vmem_shared>>
        tpu.wait_dma2 semaphore(%run_scoped3A : memref<!tpu.dma_semaphore, #tpu.memory_space<semaphore_mem>>) src(%dma_wait3A_39 : memref<640x128xf32, #tpu.memory_space<vmem_shared>>) dst(%dma_wait3A_36 : memref<640x128xf32, #tpu.memory_space<hbm>>)
        tpu.yield
      }) : () -> ()
    } else {
    }
    return
  }
}

#map = affine_map<(d0, d1) -> (0, 0, 0)>
#map1 = affine_map<(d0, d1) -> (0, 0)>
module attributes {stable_mosaic.version = 14 : i64} {
  func.func @body(%arg0: i32, %arg1: i32, %arg2: memref<32x80x128xi32, #tpu.memory_space<hbm>>, %arg3: memref<128x128xf32, #tpu.memory_space<hbm>>, %arg4: memref<10768x128xf32, #tpu.memory_space<hbm>>, %arg5: memref<2x10000x128xf32, #tpu.memory_space<hbm>>, %arg6: memref<80x128xi32, #tpu.memory_space<vmem>>, %arg7: memref<128x128xf32, #tpu.memory_space<vmem>>, %arg8: memref<10768x128xf32, #tpu.memory_space<vmem_shared>>) attributes {dimension_semantics = [#tpu.dimension_semantics<core_parallel>, #tpu.dimension_semantics<subcore_parallel>], iteration_bounds = array<i64: 2, 16>, scalar_prefetch = 0 : i64, scratch_operands = 3 : i64, tpu.core_type = #tpu.core_type<sc_vector_subcore>, window_params = [{transform_indices = #map}, {transform_indices = #map1}, {transform_indices = #map1}, {transform_indices = #map}]} {
    %mul3A = arith.constant 2 : i32
    %mul3A_0 = arith.muli %arg1, %mul3A : i32
    %add3A = arith.addi %mul3A_0, %arg0 : i32
    "tpu.region"() ({
      %run_scoped3A = tpu.sem_alloc : memref<!tpu.dma_semaphore, #tpu.memory_space<semaphore_mem>>
      tpu.enqueue_dma source(%arg3 : memref<128x128xf32, #tpu.memory_space<hbm>>) target(%arg7 : memref<128x128xf32, #tpu.memory_space<vmem>>) target_semaphore(%run_scoped3A : memref<!tpu.dma_semaphore, #tpu.memory_space<semaphore_mem>>)
      tpu.wait_dma2 semaphore(%run_scoped3A : memref<!tpu.dma_semaphore, #tpu.memory_space<semaphore_mem>>) src(%arg3 : memref<128x128xf32, #tpu.memory_space<hbm>>) dst(%arg7 : memref<128x128xf32, #tpu.memory_space<vmem>>)
      tpu.yield
    }) : () -> ()
    "tpu.region"() ({
      %run_scoped3A = tpu.sem_alloc : memref<!tpu.dma_semaphore, #tpu.memory_space<semaphore_mem>>
      %dma_start3A = arith.constant 0 : i32
      %dma_start3A_28 = arith.constant 0 : i32
      %dma_start3A_29 = tpu.memref_slice %arg2[%add3A, %dma_start3A, %dma_start3A_28] : memref<32x80x128xi32, #tpu.memory_space<hbm>> -> memref<1x80x128xi32, #tpu.memory_space<hbm>>
      %dma_start3A_30 = tpu.memref_squeeze %dma_start3A_29 : memref<1x80x128xi32, #tpu.memory_space<hbm>> -> memref<80x128xi32, #tpu.memory_space<hbm>>
      %dma_start3A_31 = arith.constant 0 : i32
      %dma_start3A_32 = arith.constant 0 : i32
      %dma_start3A_33 = tpu.memref_slice %arg2[%add3A, %dma_start3A_31, %dma_start3A_32] : memref<32x80x128xi32, #tpu.memory_space<hbm>> -> memref<1x80x128xi32, #tpu.memory_space<hbm>>
      %dma_start3A_34 = tpu.memref_squeeze %dma_start3A_33 : memref<1x80x128xi32, #tpu.memory_space<hbm>> -> memref<80x128xi32, #tpu.memory_space<hbm>>
      tpu.enqueue_dma source(%dma_start3A_34 : memref<80x128xi32, #tpu.memory_space<hbm>>) target(%arg6 : memref<80x128xi32, #tpu.memory_space<vmem>>) target_semaphore(%run_scoped3A : memref<!tpu.dma_semaphore, #tpu.memory_space<semaphore_mem>>)
      %dma_wait3A = arith.constant 0 : i32
      %dma_wait3A_35 = arith.constant 0 : i32
      %dma_wait3A_36 = tpu.memref_slice %arg2[%add3A, %dma_wait3A, %dma_wait3A_35] : memref<32x80x128xi32, #tpu.memory_space<hbm>> -> memref<1x80x128xi32, #tpu.memory_space<hbm>>
      %dma_wait3A_37 = tpu.memref_squeeze %dma_wait3A_36 : memref<1x80x128xi32, #tpu.memory_space<hbm>> -> memref<80x128xi32, #tpu.memory_space<hbm>>
      %dma_wait3A_38 = arith.constant 0 : i32
      %dma_wait3A_39 = arith.constant 0 : i32
      %dma_wait3A_40 = tpu.memref_slice %arg2[%add3A, %dma_wait3A_38, %dma_wait3A_39] : memref<32x80x128xi32, #tpu.memory_space<hbm>> -> memref<1x80x128xi32, #tpu.memory_space<hbm>>
      %dma_wait3A_41 = tpu.memref_squeeze %dma_wait3A_40 : memref<1x80x128xi32, #tpu.memory_space<hbm>> -> memref<80x128xi32, #tpu.memory_space<hbm>>
      tpu.wait_dma2 semaphore(%run_scoped3A : memref<!tpu.dma_semaphore, #tpu.memory_space<semaphore_mem>>) src(%dma_wait3A_41 : memref<80x128xi32, #tpu.memory_space<hbm>>) dst(%arg6 : memref<80x128xi32, #tpu.memory_space<vmem>>)
      tpu.yield
    }) : () -> ()
    %mul3A_1 = arith.constant 672 : i32
    %mul3A_2 = arith.muli %arg1, %mul3A_1 : i32
    %multiple_of3A = tpu.assume_multiple %mul3A_2, 8 : i32
    %lt3A = arith.constant 15 : i32
    %lt3A_3 = arith.cmpi slt, %arg1, %lt3A : i32
    %convert_element_type3A = arith.extui %lt3A_3 : i1 to i32
    %cond3A = arith.constant 0 : i32
    %cond3A_4 = arith.cmpi ne, %convert_element_type3A, %cond3A : i32
    scf.if %cond3A_4 {
      "tpu.region"() ({
        %run_scoped3A = tpu.sem_alloc : memref<!tpu.dma_semaphore, #tpu.memory_space<semaphore_mem>>
        %dma_start3A = arith.constant 0 : i32
        %dma_start3A_28 = tpu.memref_slice %arg8[%multiple_of3A, %dma_start3A] : memref<10768x128xf32, #tpu.memory_space<vmem_shared>> -> memref<672x128xf32, #tpu.memory_space<vmem_shared>>
        %dma_start3A_29 = arith.constant 0 : i32
        %dma_start3A_30 = tpu.memref_slice %arg4[%multiple_of3A, %dma_start3A_29] : memref<10768x128xf32, #tpu.memory_space<hbm>> -> memref<672x128xf32, #tpu.memory_space<hbm>>
        tpu.enqueue_dma source(%dma_start3A_30 : memref<672x128xf32, #tpu.memory_space<hbm>>) target(%dma_start3A_28 : memref<672x128xf32, #tpu.memory_space<vmem_shared>>) target_semaphore(%run_scoped3A : memref<!tpu.dma_semaphore, #tpu.memory_space<semaphore_mem>>)
        %dma_wait3A = arith.constant 0 : i32
        %dma_wait3A_31 = tpu.memref_slice %arg8[%multiple_of3A, %dma_wait3A] : memref<10768x128xf32, #tpu.memory_space<vmem_shared>> -> memref<672x128xf32, #tpu.memory_space<vmem_shared>>
        %dma_wait3A_32 = arith.constant 0 : i32
        %dma_wait3A_33 = tpu.memref_slice %arg4[%multiple_of3A, %dma_wait3A_32] : memref<10768x128xf32, #tpu.memory_space<hbm>> -> memref<672x128xf32, #tpu.memory_space<hbm>>
        tpu.wait_dma2 semaphore(%run_scoped3A : memref<!tpu.dma_semaphore, #tpu.memory_space<semaphore_mem>>) src(%dma_wait3A_33 : memref<672x128xf32, #tpu.memory_space<hbm>>) dst(%dma_wait3A_31 : memref<672x128xf32, #tpu.memory_space<vmem_shared>>)
        tpu.yield
      }) : () -> ()
    } else {
    }
    %eq3A = arith.constant 15 : i32
    %eq3A_5 = arith.cmpi eq, %arg1, %eq3A : i32
    %convert_element_type3A_6 = arith.extui %eq3A_5 : i1 to i32
    %cond3A_7 = arith.constant 0 : i32
    %cond3A_8 = arith.cmpi ne, %convert_element_type3A_6, %cond3A_7 : i32
    scf.if %cond3A_8 {
      "tpu.region"() ({
        %run_scoped3A = tpu.sem_alloc : memref<!tpu.dma_semaphore, #tpu.memory_space<semaphore_mem>>
        %dma_start3A = arith.constant 10080 : i32
        %dma_start3A_28 = arith.constant 0 : i32
        %dma_start3A_29 = tpu.memref_slice %arg8[%dma_start3A, %dma_start3A_28] : memref<10768x128xf32, #tpu.memory_space<vmem_shared>> -> memref<688x128xf32, #tpu.memory_space<vmem_shared>>
        %dma_start3A_30 = arith.constant 10080 : i32
        %dma_start3A_31 = arith.constant 0 : i32
        %dma_start3A_32 = tpu.memref_slice %arg4[%dma_start3A_30, %dma_start3A_31] : memref<10768x128xf32, #tpu.memory_space<hbm>> -> memref<688x128xf32, #tpu.memory_space<hbm>>
        tpu.enqueue_dma source(%dma_start3A_32 : memref<688x128xf32, #tpu.memory_space<hbm>>) target(%dma_start3A_29 : memref<688x128xf32, #tpu.memory_space<vmem_shared>>) target_semaphore(%run_scoped3A : memref<!tpu.dma_semaphore, #tpu.memory_space<semaphore_mem>>)
        %dma_wait3A = arith.constant 10080 : i32
        %dma_wait3A_33 = arith.constant 0 : i32
        %dma_wait3A_34 = tpu.memref_slice %arg8[%dma_wait3A, %dma_wait3A_33] : memref<10768x128xf32, #tpu.memory_space<vmem_shared>> -> memref<688x128xf32, #tpu.memory_space<vmem_shared>>
        %dma_wait3A_35 = arith.constant 10080 : i32
        %dma_wait3A_36 = arith.constant 0 : i32
        %dma_wait3A_37 = tpu.memref_slice %arg4[%dma_wait3A_35, %dma_wait3A_36] : memref<10768x128xf32, #tpu.memory_space<hbm>> -> memref<688x128xf32, #tpu.memory_space<hbm>>
        tpu.wait_dma2 semaphore(%run_scoped3A : memref<!tpu.dma_semaphore, #tpu.memory_space<semaphore_mem>>) src(%dma_wait3A_37 : memref<688x128xf32, #tpu.memory_space<hbm>>) dst(%dma_wait3A_34 : memref<688x128xf32, #tpu.memory_space<vmem_shared>>)
        tpu.yield
      }) : () -> ()
    } else {
    }
    %barrier3A = arith.constant 0 : index
    tpu.barrier barrier_id(%barrier3A)
    %scan3A = arith.constant 0 : i32
    %scan3A_9 = arith.constant 0 : i32
    %scan3A_10 = arith.constant 80 : i32
    %scan3A_11 = arith.addi %scan3A_9, %scan3A_10 : i32
    %scan3A_12 = arith.constant 1 : i32
    scf.for %scan3A_28 = %scan3A_9 to %scan3A_11 step %scan3A_12  : i32 {
      "tpu.region"() ({
        %run_scoped3A = tpu.sem_alloc : memref<!tpu.dma_semaphore, #tpu.memory_space<semaphore_mem>>
        %dma_start3A = arith.constant 0 : i32
        %dma_start3A_29 = tpu.memref_slice %arg6[%scan3A_28, %dma_start3A] : memref<80x128xi32, #tpu.memory_space<vmem>> -> memref<1x128xi32, #tpu.memory_space<vmem>>
        %dma_start3A_30 = tpu.memref_squeeze %dma_start3A_29 : memref<1x128xi32, #tpu.memory_space<vmem>> -> memref<128xi32, #tpu.memory_space<vmem>>
        %dma_start3A_31 = arith.constant 0 : i32
        %dma_start3A_32 = arith.constant 0 : i32
        %dma_start3A_33 = tpu.memref_slice %arg8[%dma_start3A_31, %dma_start3A_32] : memref<10768x128xf32, #tpu.memory_space<vmem_shared>> -> memref<10768x128xf32, #tpu.memory_space<vmem_shared>>
        tpu.enqueue_indirect_dma source(%arg7 : memref<128x128xf32, #tpu.memory_space<vmem>>) target(%dma_start3A_33 : memref<10768x128xf32, #tpu.memory_space<vmem_shared>>) offsets(%dma_start3A_30 : memref<128xi32, #tpu.memory_space<vmem>>) semaphore(%run_scoped3A : memref<!tpu.dma_semaphore, #tpu.memory_space<semaphore_mem>>) {add = true}
        %dma_wait3A = arith.constant 0 : i32
        %dma_wait3A_34 = tpu.memref_slice %arg6[%scan3A_28, %dma_wait3A] : memref<80x128xi32, #tpu.memory_space<vmem>> -> memref<1x128xi32, #tpu.memory_space<vmem>>
        %dma_wait3A_35 = tpu.memref_squeeze %dma_wait3A_34 : memref<1x128xi32, #tpu.memory_space<vmem>> -> memref<128xi32, #tpu.memory_space<vmem>>
        %dma_wait3A_36 = arith.constant 0 : i32
        %dma_wait3A_37 = arith.constant 0 : i32
        %dma_wait3A_38 = tpu.memref_slice %arg8[%dma_wait3A_36, %dma_wait3A_37] : memref<10768x128xf32, #tpu.memory_space<vmem_shared>> -> memref<10768x128xf32, #tpu.memory_space<vmem_shared>>
        tpu.wait_indirect_dma semaphore(%run_scoped3A : memref<!tpu.dma_semaphore, #tpu.memory_space<semaphore_mem>>) src(%arg7 : memref<128x128xf32, #tpu.memory_space<vmem>>) dst(%dma_wait3A_38 : memref<10768x128xf32, #tpu.memory_space<vmem_shared>>)
        tpu.yield
      }) : () -> ()
    }
    %scan3A_13 = arith.constant 80 : i32
    %barrier3A_14 = arith.constant 0 : index
    tpu.barrier barrier_id(%barrier3A_14)
    %mul3A_15 = arith.constant 624 : i32
    %mul3A_16 = arith.muli %arg1, %mul3A_15 : i32
    %multiple_of3A_17 = tpu.assume_multiple %mul3A_16, 8 : i32
    %lt3A_18 = arith.constant 15 : i32
    %lt3A_19 = arith.cmpi slt, %arg1, %lt3A_18 : i32
    %convert_element_type3A_20 = arith.extui %lt3A_19 : i1 to i32
    %cond3A_21 = arith.constant 0 : i32
    %cond3A_22 = arith.cmpi ne, %convert_element_type3A_20, %cond3A_21 : i32
    scf.if %cond3A_22 {
      "tpu.region"() ({
        %run_scoped3A = tpu.sem_alloc : memref<!tpu.dma_semaphore, #tpu.memory_space<semaphore_mem>>
        %dma_start3A = arith.constant 0 : i32
        %dma_start3A_28 = tpu.memref_slice %arg5[%arg0, %multiple_of3A_17, %dma_start3A] : memref<2x10000x128xf32, #tpu.memory_space<hbm>> -> memref<1x624x128xf32, #tpu.memory_space<hbm>>
        %dma_start3A_29 = tpu.memref_squeeze %dma_start3A_28 : memref<1x624x128xf32, #tpu.memory_space<hbm>> -> memref<624x128xf32, #tpu.memory_space<hbm>>
        %dma_start3A_30 = arith.constant 0 : i32
        %dma_start3A_31 = tpu.memref_slice %arg8[%multiple_of3A_17, %dma_start3A_30] : memref<10768x128xf32, #tpu.memory_space<vmem_shared>> -> memref<624x128xf32, #tpu.memory_space<vmem_shared>>
        tpu.enqueue_dma source(%dma_start3A_31 : memref<624x128xf32, #tpu.memory_space<vmem_shared>>) target(%dma_start3A_29 : memref<624x128xf32, #tpu.memory_space<hbm>>) target_semaphore(%run_scoped3A : memref<!tpu.dma_semaphore, #tpu.memory_space<semaphore_mem>>)
        %dma_wait3A = arith.constant 0 : i32
        %dma_wait3A_32 = tpu.memref_slice %arg5[%arg0, %multiple_of3A_17, %dma_wait3A] : memref<2x10000x128xf32, #tpu.memory_space<hbm>> -> memref<1x624x128xf32, #tpu.memory_space<hbm>>
        %dma_wait3A_33 = tpu.memref_squeeze %dma_wait3A_32 : memref<1x624x128xf32, #tpu.memory_space<hbm>> -> memref<624x128xf32, #tpu.memory_space<hbm>>
        %dma_wait3A_34 = arith.constant 0 : i32
        %dma_wait3A_35 = tpu.memref_slice %arg8[%multiple_of3A_17, %dma_wait3A_34] : memref<10768x128xf32, #tpu.memory_space<vmem_shared>> -> memref<624x128xf32, #tpu.memory_space<vmem_shared>>
        tpu.wait_dma2 semaphore(%run_scoped3A : memref<!tpu.dma_semaphore, #tpu.memory_space<semaphore_mem>>) src(%dma_wait3A_35 : memref<624x128xf32, #tpu.memory_space<vmem_shared>>) dst(%dma_wait3A_33 : memref<624x128xf32, #tpu.memory_space<hbm>>)
        tpu.yield
      }) : () -> ()
    } else {
    }
    %eq3A_23 = arith.constant 15 : i32
    %eq3A_24 = arith.cmpi eq, %arg1, %eq3A_23 : i32
    %convert_element_type3A_25 = arith.extui %eq3A_24 : i1 to i32
    %cond3A_26 = arith.constant 0 : i32
    %cond3A_27 = arith.cmpi ne, %convert_element_type3A_25, %cond3A_26 : i32
    scf.if %cond3A_27 {
      "tpu.region"() ({
        %run_scoped3A = tpu.sem_alloc : memref<!tpu.dma_semaphore, #tpu.memory_space<semaphore_mem>>
        %dma_start3A = arith.constant 9360 : i32
        %dma_start3A_28 = arith.constant 0 : i32
        %dma_start3A_29 = tpu.memref_slice %arg5[%arg0, %dma_start3A, %dma_start3A_28] : memref<2x10000x128xf32, #tpu.memory_space<hbm>> -> memref<1x640x128xf32, #tpu.memory_space<hbm>>
        %dma_start3A_30 = tpu.memref_squeeze %dma_start3A_29 : memref<1x640x128xf32, #tpu.memory_space<hbm>> -> memref<640x128xf32, #tpu.memory_space<hbm>>
        %dma_start3A_31 = arith.constant 9360 : i32
        %dma_start3A_32 = arith.constant 0 : i32
        %dma_start3A_33 = tpu.memref_slice %arg8[%dma_start3A_31, %dma_start3A_32] : memref<10768x128xf32, #tpu.memory_space<vmem_shared>> -> memref<640x128xf32, #tpu.memory_space<vmem_shared>>
        tpu.enqueue_dma source(%dma_start3A_33 : memref<640x128xf32, #tpu.memory_space<vmem_shared>>) target(%dma_start3A_30 : memref<640x128xf32, #tpu.memory_space<hbm>>) target_semaphore(%run_scoped3A : memref<!tpu.dma_semaphore, #tpu.memory_space<semaphore_mem>>)
        %dma_wait3A = arith.constant 9360 : i32
        %dma_wait3A_34 = arith.constant 0 : i32
        %dma_wait3A_35 = tpu.memref_slice %arg5[%arg0, %dma_wait3A, %dma_wait3A_34] : memref<2x10000x128xf32, #tpu.memory_space<hbm>> -> memref<1x640x128xf32, #tpu.memory_space<hbm>>
        %dma_wait3A_36 = tpu.memref_squeeze %dma_wait3A_35 : memref<1x640x128xf32, #tpu.memory_space<hbm>> -> memref<640x128xf32, #tpu.memory_space<hbm>>
        %dma_wait3A_37 = arith.constant 9360 : i32
        %dma_wait3A_38 = arith.constant 0 : i32
        %dma_wait3A_39 = tpu.memref_slice %arg8[%dma_wait3A_37, %dma_wait3A_38] : memref<10768x128xf32, #tpu.memory_space<vmem_shared>> -> memref<640x128xf32, #tpu.memory_space<vmem_shared>>
        tpu.wait_dma2 semaphore(%run_scoped3A : memref<!tpu.dma_semaphore, #tpu.memory_space<semaphore_mem>>) src(%dma_wait3A_39 : memref<640x128xf32, #tpu.memory_space<vmem_shared>>) dst(%dma_wait3A_36 : memref<640x128xf32, #tpu.memory_space<hbm>>)
        tpu.yield
      }) : () -> ()
    } else {
    }
    return
  }
}

#map = affine_map<(d0, d1) -> (0, 0)>
#map1 = affine_map<(d0, d1) -> (0, 0, 0)>
module attributes {stable_mosaic.version = 14 : i64} {
  func.func @_sc_agg_body(%arg0: i32, %arg1: i32, %arg2: memref<10000x128xf32, #tpu.memory_space<hbm>>, %arg3: memref<32x80x128xi32, #tpu.memory_space<hbm>>, %arg4: memref<32x80x128xi32, #tpu.memory_space<hbm>>, %arg5: memref<10768x128xf32, #tpu.memory_space<hbm>>, %arg6: memref<2x10000x128xf32, #tpu.memory_space<hbm>>, %arg7: memref<40x128xi32, #tpu.memory_space<vmem>>, %arg8: memref<40x128xi32, #tpu.memory_space<vmem>>, %arg9: memref<128x128xf32, #tpu.memory_space<vmem>>, %arg10: memref<128x128xf32, #tpu.memory_space<vmem>>, %arg11: memref<10768x128xf32, #tpu.memory_space<vmem_shared>>, %arg12: memref<!tpu.dma_semaphore, #tpu.memory_space<semaphore_mem>>, %arg13: memref<!tpu.dma_semaphore, #tpu.memory_space<semaphore_mem>>) attributes {dimension_semantics = [#tpu.dimension_semantics<core_parallel>, #tpu.dimension_semantics<subcore_parallel>], iteration_bounds = array<i64: 2, 16>, scalar_prefetch = 0 : i64, scratch_operands = 7 : i64, tpu.core_type = #tpu.core_type<sc_vector_subcore>, window_params = [{transform_indices = #map}, {transform_indices = #map1}, {transform_indices = #map1}, {transform_indices = #map}, {transform_indices = #map1}]} {
    %mul3A = arith.constant 2 : i32
    %mul3A_0 = arith.muli %arg1, %mul3A : i32
    %add3A = arith.addi %mul3A_0, %arg0 : i32
    %mul3A_1 = arith.constant 672 : i32
    %mul3A_2 = arith.muli %arg1, %mul3A_1 : i32
    %multiple_of3A = tpu.assume_multiple %mul3A_2, 8 : i32
    %lt3A = arith.constant 15 : i32
    %lt3A_3 = arith.cmpi slt, %arg1, %lt3A : i32
    %convert_element_type3A = arith.extui %lt3A_3 : i1 to i32
    %cond3A = arith.constant 0 : i32
    %cond3A_4 = arith.cmpi ne, %convert_element_type3A, %cond3A : i32
    scf.if %cond3A_4 {
      "tpu.region"() ({
        %run_scoped3A = tpu.sem_alloc : memref<!tpu.dma_semaphore, #tpu.memory_space<semaphore_mem>>
        %dma_start3A_47 = arith.constant 0 : i32
        %dma_start3A_48 = tpu.memref_slice %arg11[%multiple_of3A, %dma_start3A_47] : memref<10768x128xf32, #tpu.memory_space<vmem_shared>> -> memref<672x128xf32, #tpu.memory_space<vmem_shared>>
        %dma_start3A_49 = arith.constant 0 : i32
        %dma_start3A_50 = tpu.memref_slice %arg5[%multiple_of3A, %dma_start3A_49] : memref<10768x128xf32, #tpu.memory_space<hbm>> -> memref<672x128xf32, #tpu.memory_space<hbm>>
        tpu.enqueue_dma source(%dma_start3A_50 : memref<672x128xf32, #tpu.memory_space<hbm>>) target(%dma_start3A_48 : memref<672x128xf32, #tpu.memory_space<vmem_shared>>) target_semaphore(%run_scoped3A : memref<!tpu.dma_semaphore, #tpu.memory_space<semaphore_mem>>)
        %dma_wait3A = arith.constant 0 : i32
        %dma_wait3A_51 = tpu.memref_slice %arg11[%multiple_of3A, %dma_wait3A] : memref<10768x128xf32, #tpu.memory_space<vmem_shared>> -> memref<672x128xf32, #tpu.memory_space<vmem_shared>>
        %dma_wait3A_52 = arith.constant 0 : i32
        %dma_wait3A_53 = tpu.memref_slice %arg5[%multiple_of3A, %dma_wait3A_52] : memref<10768x128xf32, #tpu.memory_space<hbm>> -> memref<672x128xf32, #tpu.memory_space<hbm>>
        tpu.wait_dma2 semaphore(%run_scoped3A : memref<!tpu.dma_semaphore, #tpu.memory_space<semaphore_mem>>) src(%dma_wait3A_53 : memref<672x128xf32, #tpu.memory_space<hbm>>) dst(%dma_wait3A_51 : memref<672x128xf32, #tpu.memory_space<vmem_shared>>)
        tpu.yield
      }) : () -> ()
    } else {
    }
    %eq3A = arith.constant 15 : i32
    %eq3A_5 = arith.cmpi eq, %arg1, %eq3A : i32
    %convert_element_type3A_6 = arith.extui %eq3A_5 : i1 to i32
    %cond3A_7 = arith.constant 0 : i32
    %cond3A_8 = arith.cmpi ne, %convert_element_type3A_6, %cond3A_7 : i32
    scf.if %cond3A_8 {
      "tpu.region"() ({
        %run_scoped3A = tpu.sem_alloc : memref<!tpu.dma_semaphore, #tpu.memory_space<semaphore_mem>>
        %dma_start3A_47 = arith.constant 10080 : i32
        %dma_start3A_48 = arith.constant 0 : i32
        %dma_start3A_49 = tpu.memref_slice %arg11[%dma_start3A_47, %dma_start3A_48] : memref<10768x128xf32, #tpu.memory_space<vmem_shared>> -> memref<688x128xf32, #tpu.memory_space<vmem_shared>>
        %dma_start3A_50 = arith.constant 10080 : i32
        %dma_start3A_51 = arith.constant 0 : i32
        %dma_start3A_52 = tpu.memref_slice %arg5[%dma_start3A_50, %dma_start3A_51] : memref<10768x128xf32, #tpu.memory_space<hbm>> -> memref<688x128xf32, #tpu.memory_space<hbm>>
        tpu.enqueue_dma source(%dma_start3A_52 : memref<688x128xf32, #tpu.memory_space<hbm>>) target(%dma_start3A_49 : memref<688x128xf32, #tpu.memory_space<vmem_shared>>) target_semaphore(%run_scoped3A : memref<!tpu.dma_semaphore, #tpu.memory_space<semaphore_mem>>)
        %dma_wait3A = arith.constant 10080 : i32
        %dma_wait3A_53 = arith.constant 0 : i32
        %dma_wait3A_54 = tpu.memref_slice %arg11[%dma_wait3A, %dma_wait3A_53] : memref<10768x128xf32, #tpu.memory_space<vmem_shared>> -> memref<688x128xf32, #tpu.memory_space<vmem_shared>>
        %dma_wait3A_55 = arith.constant 10080 : i32
        %dma_wait3A_56 = arith.constant 0 : i32
        %dma_wait3A_57 = tpu.memref_slice %arg5[%dma_wait3A_55, %dma_wait3A_56] : memref<10768x128xf32, #tpu.memory_space<hbm>> -> memref<688x128xf32, #tpu.memory_space<hbm>>
        tpu.wait_dma2 semaphore(%run_scoped3A : memref<!tpu.dma_semaphore, #tpu.memory_space<semaphore_mem>>) src(%dma_wait3A_57 : memref<688x128xf32, #tpu.memory_space<hbm>>) dst(%dma_wait3A_54 : memref<688x128xf32, #tpu.memory_space<vmem_shared>>)
        tpu.yield
      }) : () -> ()
    } else {
    }
    %barrier3A = arith.constant 0 : index
    tpu.barrier barrier_id(%barrier3A)
    "tpu.region"() ({
      %run_scoped3A = tpu.sem_alloc : memref<!tpu.dma_semaphore, #tpu.memory_space<semaphore_mem>>
      %dma_start3A_47 = arith.constant 0 : i32
      %dma_start3A_48 = arith.constant 0 : i32
      %dma_start3A_49 = tpu.memref_slice %arg3[%add3A, %dma_start3A_47, %dma_start3A_48] : memref<32x80x128xi32, #tpu.memory_space<hbm>> -> memref<1x40x128xi32, #tpu.memory_space<hbm>>
      %dma_start3A_50 = tpu.memref_squeeze %dma_start3A_49 : memref<1x40x128xi32, #tpu.memory_space<hbm>> -> memref<40x128xi32, #tpu.memory_space<hbm>>
      %dma_start3A_51 = arith.constant 0 : i32
      %dma_start3A_52 = arith.constant 0 : i32
      %dma_start3A_53 = tpu.memref_slice %arg3[%add3A, %dma_start3A_51, %dma_start3A_52] : memref<32x80x128xi32, #tpu.memory_space<hbm>> -> memref<1x40x128xi32, #tpu.memory_space<hbm>>
      %dma_start3A_54 = tpu.memref_squeeze %dma_start3A_53 : memref<1x40x128xi32, #tpu.memory_space<hbm>> -> memref<40x128xi32, #tpu.memory_space<hbm>>
      tpu.enqueue_dma source(%dma_start3A_54 : memref<40x128xi32, #tpu.memory_space<hbm>>) target(%arg7 : memref<40x128xi32, #tpu.memory_space<vmem>>) target_semaphore(%run_scoped3A : memref<!tpu.dma_semaphore, #tpu.memory_space<semaphore_mem>>)
      %dma_wait3A = arith.constant 0 : i32
      %dma_wait3A_55 = arith.constant 0 : i32
      %dma_wait3A_56 = tpu.memref_slice %arg3[%add3A, %dma_wait3A, %dma_wait3A_55] : memref<32x80x128xi32, #tpu.memory_space<hbm>> -> memref<1x40x128xi32, #tpu.memory_space<hbm>>
      %dma_wait3A_57 = tpu.memref_squeeze %dma_wait3A_56 : memref<1x40x128xi32, #tpu.memory_space<hbm>> -> memref<40x128xi32, #tpu.memory_space<hbm>>
      %dma_wait3A_58 = arith.constant 0 : i32
      %dma_wait3A_59 = arith.constant 0 : i32
      %dma_wait3A_60 = tpu.memref_slice %arg3[%add3A, %dma_wait3A_58, %dma_wait3A_59] : memref<32x80x128xi32, #tpu.memory_space<hbm>> -> memref<1x40x128xi32, #tpu.memory_space<hbm>>
      %dma_wait3A_61 = tpu.memref_squeeze %dma_wait3A_60 : memref<1x40x128xi32, #tpu.memory_space<hbm>> -> memref<40x128xi32, #tpu.memory_space<hbm>>
      tpu.wait_dma2 semaphore(%run_scoped3A : memref<!tpu.dma_semaphore, #tpu.memory_space<semaphore_mem>>) src(%dma_wait3A_61 : memref<40x128xi32, #tpu.memory_space<hbm>>) dst(%arg7 : memref<40x128xi32, #tpu.memory_space<vmem>>)
      tpu.yield
    }) : () -> ()
    "tpu.region"() ({
      %run_scoped3A = tpu.sem_alloc : memref<!tpu.dma_semaphore, #tpu.memory_space<semaphore_mem>>
      %dma_start3A_47 = arith.constant 0 : i32
      %dma_start3A_48 = arith.constant 0 : i32
      %dma_start3A_49 = tpu.memref_slice %arg4[%add3A, %dma_start3A_47, %dma_start3A_48] : memref<32x80x128xi32, #tpu.memory_space<hbm>> -> memref<1x40x128xi32, #tpu.memory_space<hbm>>
      %dma_start3A_50 = tpu.memref_squeeze %dma_start3A_49 : memref<1x40x128xi32, #tpu.memory_space<hbm>> -> memref<40x128xi32, #tpu.memory_space<hbm>>
      %dma_start3A_51 = arith.constant 0 : i32
      %dma_start3A_52 = arith.constant 0 : i32
      %dma_start3A_53 = tpu.memref_slice %arg4[%add3A, %dma_start3A_51, %dma_start3A_52] : memref<32x80x128xi32, #tpu.memory_space<hbm>> -> memref<1x40x128xi32, #tpu.memory_space<hbm>>
      %dma_start3A_54 = tpu.memref_squeeze %dma_start3A_53 : memref<1x40x128xi32, #tpu.memory_space<hbm>> -> memref<40x128xi32, #tpu.memory_space<hbm>>
      tpu.enqueue_dma source(%dma_start3A_54 : memref<40x128xi32, #tpu.memory_space<hbm>>) target(%arg8 : memref<40x128xi32, #tpu.memory_space<vmem>>) target_semaphore(%run_scoped3A : memref<!tpu.dma_semaphore, #tpu.memory_space<semaphore_mem>>)
      %dma_wait3A = arith.constant 0 : i32
      %dma_wait3A_55 = arith.constant 0 : i32
      %dma_wait3A_56 = tpu.memref_slice %arg4[%add3A, %dma_wait3A, %dma_wait3A_55] : memref<32x80x128xi32, #tpu.memory_space<hbm>> -> memref<1x40x128xi32, #tpu.memory_space<hbm>>
      %dma_wait3A_57 = tpu.memref_squeeze %dma_wait3A_56 : memref<1x40x128xi32, #tpu.memory_space<hbm>> -> memref<40x128xi32, #tpu.memory_space<hbm>>
      %dma_wait3A_58 = arith.constant 0 : i32
      %dma_wait3A_59 = arith.constant 0 : i32
      %dma_wait3A_60 = tpu.memref_slice %arg4[%add3A, %dma_wait3A_58, %dma_wait3A_59] : memref<32x80x128xi32, #tpu.memory_space<hbm>> -> memref<1x40x128xi32, #tpu.memory_space<hbm>>
      %dma_wait3A_61 = tpu.memref_squeeze %dma_wait3A_60 : memref<1x40x128xi32, #tpu.memory_space<hbm>> -> memref<40x128xi32, #tpu.memory_space<hbm>>
      tpu.wait_dma2 semaphore(%run_scoped3A : memref<!tpu.dma_semaphore, #tpu.memory_space<semaphore_mem>>) src(%dma_wait3A_61 : memref<40x128xi32, #tpu.memory_space<hbm>>) dst(%arg8 : memref<40x128xi32, #tpu.memory_space<vmem>>)
      tpu.yield
    }) : () -> ()
    %dma_start3A = arith.constant 0 : i32
    %dma_start3A_9 = arith.constant 0 : i32
    %dma_start3A_10 = tpu.memref_slice %arg7[%dma_start3A, %dma_start3A_9] : memref<40x128xi32, #tpu.memory_space<vmem>> -> memref<1x128xi32, #tpu.memory_space<vmem>>
    %dma_start3A_11 = tpu.memref_squeeze %dma_start3A_10 : memref<1x128xi32, #tpu.memory_space<vmem>> -> memref<128xi32, #tpu.memory_space<vmem>>
    %dma_start3A_12 = arith.constant 0 : i32
    %dma_start3A_13 = arith.constant 0 : i32
    %dma_start3A_14 = tpu.memref_slice %arg2[%dma_start3A_12, %dma_start3A_13] : memref<10000x128xf32, #tpu.memory_space<hbm>> -> memref<10000x128xf32, #tpu.memory_space<hbm>>
    tpu.enqueue_indirect_dma source(%dma_start3A_14 : memref<10000x128xf32, #tpu.memory_space<hbm>>) target(%arg9 : memref<128x128xf32, #tpu.memory_space<vmem>>) offsets(%dma_start3A_11 : memref<128xi32, #tpu.memory_space<vmem>>) semaphore(%arg12 : memref<!tpu.dma_semaphore, #tpu.memory_space<semaphore_mem>>)
    %scan3A = arith.constant 0 : i32
    %scan3A_15 = arith.constant 0 : i32
    %scan3A_16 = arith.constant 20 : i32
    %scan3A_17 = arith.addi %scan3A_15, %scan3A_16 : i32
    %scan3A_18 = arith.constant 1 : i32
    scf.for %scan3A_47 = %scan3A_15 to %scan3A_17 step %scan3A_18  : i32 {
      %mul3A_48 = arith.constant 2 : i32
      %mul3A_49 = arith.muli %mul3A_48, %scan3A_47 : i32
      %add3A_50 = arith.constant 1 : i32
      %add3A_51 = arith.addi %mul3A_49, %add3A_50 : i32
      %dma_start3A_52 = arith.constant 0 : i32
      %dma_start3A_53 = tpu.memref_slice %arg7[%add3A_51, %dma_start3A_52] : memref<40x128xi32, #tpu.memory_space<vmem>> -> memref<1x128xi32, #tpu.memory_space<vmem>>
      %dma_start3A_54 = tpu.memref_squeeze %dma_start3A_53 : memref<1x128xi32, #tpu.memory_space<vmem>> -> memref<128xi32, #tpu.memory_space<vmem>>
      %dma_start3A_55 = arith.constant 0 : i32
      %dma_start3A_56 = arith.constant 0 : i32
      %dma_start3A_57 = tpu.memref_slice %arg2[%dma_start3A_55, %dma_start3A_56] : memref<10000x128xf32, #tpu.memory_space<hbm>> -> memref<10000x128xf32, #tpu.memory_space<hbm>>
      tpu.enqueue_indirect_dma source(%dma_start3A_57 : memref<10000x128xf32, #tpu.memory_space<hbm>>) target(%arg10 : memref<128x128xf32, #tpu.memory_space<vmem>>) offsets(%dma_start3A_54 : memref<128xi32, #tpu.memory_space<vmem>>) semaphore(%arg13 : memref<!tpu.dma_semaphore, #tpu.memory_space<semaphore_mem>>)
      %dma_wait3A = arith.constant 0 : i32
      %dma_wait3A_58 = tpu.memref_slice %arg7[%mul3A_49, %dma_wait3A] : memref<40x128xi32, #tpu.memory_space<vmem>> -> memref<1x128xi32, #tpu.memory_space<vmem>>
      %dma_wait3A_59 = tpu.memref_squeeze %dma_wait3A_58 : memref<1x128xi32, #tpu.memory_space<vmem>> -> memref<128xi32, #tpu.memory_space<vmem>>
      %dma_wait3A_60 = arith.constant 0 : i32
      %dma_wait3A_61 = arith.constant 0 : i32
      %dma_wait3A_62 = tpu.memref_slice %arg2[%dma_wait3A_60, %dma_wait3A_61] : memref<10000x128xf32, #tpu.memory_space<hbm>> -> memref<10000x128xf32, #tpu.memory_space<hbm>>
      tpu.wait_indirect_dma semaphore(%arg12 : memref<!tpu.dma_semaphore, #tpu.memory_space<semaphore_mem>>) src(%dma_wait3A_62 : memref<10000x128xf32, #tpu.memory_space<hbm>>) dst(%arg9 : memref<128x128xf32, #tpu.memory_space<vmem>>)
      "tpu.region"() ({
        %run_scoped3A = tpu.sem_alloc : memref<!tpu.dma_semaphore, #tpu.memory_space<semaphore_mem>>
        %dma_start3A_74 = arith.constant 0 : i32
        %dma_start3A_75 = tpu.memref_slice %arg8[%mul3A_49, %dma_start3A_74] : memref<40x128xi32, #tpu.memory_space<vmem>> -> memref<1x128xi32, #tpu.memory_space<vmem>>
        %dma_start3A_76 = tpu.memref_squeeze %dma_start3A_75 : memref<1x128xi32, #tpu.memory_space<vmem>> -> memref<128xi32, #tpu.memory_space<vmem>>
        %dma_start3A_77 = arith.constant 0 : i32
        %dma_start3A_78 = arith.constant 0 : i32
        %dma_start3A_79 = tpu.memref_slice %arg11[%dma_start3A_77, %dma_start3A_78] : memref<10768x128xf32, #tpu.memory_space<vmem_shared>> -> memref<10768x128xf32, #tpu.memory_space<vmem_shared>>
        tpu.enqueue_indirect_dma source(%arg9 : memref<128x128xf32, #tpu.memory_space<vmem>>) target(%dma_start3A_79 : memref<10768x128xf32, #tpu.memory_space<vmem_shared>>) offsets(%dma_start3A_76 : memref<128xi32, #tpu.memory_space<vmem>>) semaphore(%run_scoped3A : memref<!tpu.dma_semaphore, #tpu.memory_space<semaphore_mem>>) {add = true}
        %dma_wait3A_80 = arith.constant 0 : i32
        %dma_wait3A_81 = tpu.memref_slice %arg8[%mul3A_49, %dma_wait3A_80] : memref<40x128xi32, #tpu.memory_space<vmem>> -> memref<1x128xi32, #tpu.memory_space<vmem>>
        %dma_wait3A_82 = tpu.memref_squeeze %dma_wait3A_81 : memref<1x128xi32, #tpu.memory_space<vmem>> -> memref<128xi32, #tpu.memory_space<vmem>>
        %dma_wait3A_83 = arith.constant 0 : i32
        %dma_wait3A_84 = arith.constant 0 : i32
        %dma_wait3A_85 = tpu.memref_slice %arg11[%dma_wait3A_83, %dma_wait3A_84] : memref<10768x128xf32, #tpu.memory_space<vmem_shared>> -> memref<10768x128xf32, #tpu.memory_space<vmem_shared>>
        tpu.wait_indirect_dma semaphore(%run_scoped3A : memref<!tpu.dma_semaphore, #tpu.memory_space<semaphore_mem>>) src(%arg9 : memref<128x128xf32, #tpu.memory_space<vmem>>) dst(%dma_wait3A_85 : memref<10768x128xf32, #tpu.memory_space<vmem_shared>>)
        tpu.yield
      }) : () -> ()
      %lt3A_63 = arith.constant 19 : i32
      %lt3A_64 = arith.cmpi slt, %scan3A_47, %lt3A_63 : i32
      %convert_element_type3A_65 = arith.extui %lt3A_64 : i1 to i32
      %cond3A_66 = arith.constant 0 : i32
      %cond3A_67 = arith.cmpi ne, %convert_element_type3A_65, %cond3A_66 : i32
      scf.if %cond3A_67 {
        %add3A_74 = arith.constant 2 : i32
        %add3A_75 = arith.addi %mul3A_49, %add3A_74 : i32
        %dma_start3A_76 = arith.constant 0 : i32
        %dma_start3A_77 = tpu.memref_slice %arg7[%add3A_75, %dma_start3A_76] : memref<40x128xi32, #tpu.memory_space<vmem>> -> memref<1x128xi32, #tpu.memory_space<vmem>>
        %dma_start3A_78 = tpu.memref_squeeze %dma_start3A_77 : memref<1x128xi32, #tpu.memory_space<vmem>> -> memref<128xi32, #tpu.memory_space<vmem>>
        %dma_start3A_79 = arith.constant 0 : i32
        %dma_start3A_80 = arith.constant 0 : i32
        %dma_start3A_81 = tpu.memref_slice %arg2[%dma_start3A_79, %dma_start3A_80] : memref<10000x128xf32, #tpu.memory_space<hbm>> -> memref<10000x128xf32, #tpu.memory_space<hbm>>
        tpu.enqueue_indirect_dma source(%dma_start3A_81 : memref<10000x128xf32, #tpu.memory_space<hbm>>) target(%arg9 : memref<128x128xf32, #tpu.memory_space<vmem>>) offsets(%dma_start3A_78 : memref<128xi32, #tpu.memory_space<vmem>>) semaphore(%arg12 : memref<!tpu.dma_semaphore, #tpu.memory_space<semaphore_mem>>)
      } else {
      }
      %dma_wait3A_68 = arith.constant 0 : i32
      %dma_wait3A_69 = tpu.memref_slice %arg7[%add3A_51, %dma_wait3A_68] : memref<40x128xi32, #tpu.memory_space<vmem>> -> memref<1x128xi32, #tpu.memory_space<vmem>>
      %dma_wait3A_70 = tpu.memref_squeeze %dma_wait3A_69 : memref<1x128xi32, #tpu.memory_space<vmem>> -> memref<128xi32, #tpu.memory_space<vmem>>
      %dma_wait3A_71 = arith.constant 0 : i32
      %dma_wait3A_72 = arith.constant 0 : i32
      %dma_wait3A_73 = tpu.memref_slice %arg2[%dma_wait3A_71, %dma_wait3A_72] : memref<10000x128xf32, #tpu.memory_space<hbm>> -> memref<10000x128xf32, #tpu.memory_space<hbm>>
      tpu.wait_indirect_dma semaphore(%arg13 : memref<!tpu.dma_semaphore, #tpu.memory_space<semaphore_mem>>) src(%dma_wait3A_73 : memref<10000x128xf32, #tpu.memory_space<hbm>>) dst(%arg10 : memref<128x128xf32, #tpu.memory_space<vmem>>)
      "tpu.region"() ({
        %run_scoped3A = tpu.sem_alloc : memref<!tpu.dma_semaphore, #tpu.memory_space<semaphore_mem>>
        %dma_start3A_74 = arith.constant 0 : i32
        %dma_start3A_75 = tpu.memref_slice %arg8[%add3A_51, %dma_start3A_74] : memref<40x128xi32, #tpu.memory_space<vmem>> -> memref<1x128xi32, #tpu.memory_space<vmem>>
        %dma_start3A_76 = tpu.memref_squeeze %dma_start3A_75 : memref<1x128xi32, #tpu.memory_space<vmem>> -> memref<128xi32, #tpu.memory_space<vmem>>
        %dma_start3A_77 = arith.constant 0 : i32
        %dma_start3A_78 = arith.constant 0 : i32
        %dma_start3A_79 = tpu.memref_slice %arg11[%dma_start3A_77, %dma_start3A_78] : memref<10768x128xf32, #tpu.memory_space<vmem_shared>> -> memref<10768x128xf32, #tpu.memory_space<vmem_shared>>
        tpu.enqueue_indirect_dma source(%arg10 : memref<128x128xf32, #tpu.memory_space<vmem>>) target(%dma_start3A_79 : memref<10768x128xf32, #tpu.memory_space<vmem_shared>>) offsets(%dma_start3A_76 : memref<128xi32, #tpu.memory_space<vmem>>) semaphore(%run_scoped3A : memref<!tpu.dma_semaphore, #tpu.memory_space<semaphore_mem>>) {add = true}
        %dma_wait3A_80 = arith.constant 0 : i32
        %dma_wait3A_81 = tpu.memref_slice %arg8[%add3A_51, %dma_wait3A_80] : memref<40x128xi32, #tpu.memory_space<vmem>> -> memref<1x128xi32, #tpu.memory_space<vmem>>
        %dma_wait3A_82 = tpu.memref_squeeze %dma_wait3A_81 : memref<1x128xi32, #tpu.memory_space<vmem>> -> memref<128xi32, #tpu.memory_space<vmem>>
        %dma_wait3A_83 = arith.constant 0 : i32
        %dma_wait3A_84 = arith.constant 0 : i32
        %dma_wait3A_85 = tpu.memref_slice %arg11[%dma_wait3A_83, %dma_wait3A_84] : memref<10768x128xf32, #tpu.memory_space<vmem_shared>> -> memref<10768x128xf32, #tpu.memory_space<vmem_shared>>
        tpu.wait_indirect_dma semaphore(%run_scoped3A : memref<!tpu.dma_semaphore, #tpu.memory_space<semaphore_mem>>) src(%arg10 : memref<128x128xf32, #tpu.memory_space<vmem>>) dst(%dma_wait3A_85 : memref<10768x128xf32, #tpu.memory_space<vmem_shared>>)
        tpu.yield
      }) : () -> ()
    }
    %scan3A_19 = arith.constant 20 : i32
    "tpu.region"() ({
      %run_scoped3A = tpu.sem_alloc : memref<!tpu.dma_semaphore, #tpu.memory_space<semaphore_mem>>
      %dma_start3A_47 = arith.constant 40 : i32
      %dma_start3A_48 = arith.constant 0 : i32
      %dma_start3A_49 = tpu.memref_slice %arg3[%add3A, %dma_start3A_47, %dma_start3A_48] : memref<32x80x128xi32, #tpu.memory_space<hbm>> -> memref<1x40x128xi32, #tpu.memory_space<hbm>>
      %dma_start3A_50 = tpu.memref_squeeze %dma_start3A_49 : memref<1x40x128xi32, #tpu.memory_space<hbm>> -> memref<40x128xi32, #tpu.memory_space<hbm>>
      %dma_start3A_51 = arith.constant 40 : i32
      %dma_start3A_52 = arith.constant 0 : i32
      %dma_start3A_53 = tpu.memref_slice %arg3[%add3A, %dma_start3A_51, %dma_start3A_52] : memref<32x80x128xi32, #tpu.memory_space<hbm>> -> memref<1x40x128xi32, #tpu.memory_space<hbm>>
      %dma_start3A_54 = tpu.memref_squeeze %dma_start3A_53 : memref<1x40x128xi32, #tpu.memory_space<hbm>> -> memref<40x128xi32, #tpu.memory_space<hbm>>
      tpu.enqueue_dma source(%dma_start3A_54 : memref<40x128xi32, #tpu.memory_space<hbm>>) target(%arg7 : memref<40x128xi32, #tpu.memory_space<vmem>>) target_semaphore(%run_scoped3A : memref<!tpu.dma_semaphore, #tpu.memory_space<semaphore_mem>>)
      %dma_wait3A = arith.constant 40 : i32
      %dma_wait3A_55 = arith.constant 0 : i32
      %dma_wait3A_56 = tpu.memref_slice %arg3[%add3A, %dma_wait3A, %dma_wait3A_55] : memref<32x80x128xi32, #tpu.memory_space<hbm>> -> memref<1x40x128xi32, #tpu.memory_space<hbm>>
      %dma_wait3A_57 = tpu.memref_squeeze %dma_wait3A_56 : memref<1x40x128xi32, #tpu.memory_space<hbm>> -> memref<40x128xi32, #tpu.memory_space<hbm>>
      %dma_wait3A_58 = arith.constant 40 : i32
      %dma_wait3A_59 = arith.constant 0 : i32
      %dma_wait3A_60 = tpu.memref_slice %arg3[%add3A, %dma_wait3A_58, %dma_wait3A_59] : memref<32x80x128xi32, #tpu.memory_space<hbm>> -> memref<1x40x128xi32, #tpu.memory_space<hbm>>
      %dma_wait3A_61 = tpu.memref_squeeze %dma_wait3A_60 : memref<1x40x128xi32, #tpu.memory_space<hbm>> -> memref<40x128xi32, #tpu.memory_space<hbm>>
      tpu.wait_dma2 semaphore(%run_scoped3A : memref<!tpu.dma_semaphore, #tpu.memory_space<semaphore_mem>>) src(%dma_wait3A_61 : memref<40x128xi32, #tpu.memory_space<hbm>>) dst(%arg7 : memref<40x128xi32, #tpu.memory_space<vmem>>)
      tpu.yield
    }) : () -> ()
    "tpu.region"() ({
      %run_scoped3A = tpu.sem_alloc : memref<!tpu.dma_semaphore, #tpu.memory_space<semaphore_mem>>
      %dma_start3A_47 = arith.constant 40 : i32
      %dma_start3A_48 = arith.constant 0 : i32
      %dma_start3A_49 = tpu.memref_slice %arg4[%add3A, %dma_start3A_47, %dma_start3A_48] : memref<32x80x128xi32, #tpu.memory_space<hbm>> -> memref<1x40x128xi32, #tpu.memory_space<hbm>>
      %dma_start3A_50 = tpu.memref_squeeze %dma_start3A_49 : memref<1x40x128xi32, #tpu.memory_space<hbm>> -> memref<40x128xi32, #tpu.memory_space<hbm>>
      %dma_start3A_51 = arith.constant 40 : i32
      %dma_start3A_52 = arith.constant 0 : i32
      %dma_start3A_53 = tpu.memref_slice %arg4[%add3A, %dma_start3A_51, %dma_start3A_52] : memref<32x80x128xi32, #tpu.memory_space<hbm>> -> memref<1x40x128xi32, #tpu.memory_space<hbm>>
      %dma_start3A_54 = tpu.memref_squeeze %dma_start3A_53 : memref<1x40x128xi32, #tpu.memory_space<hbm>> -> memref<40x128xi32, #tpu.memory_space<hbm>>
      tpu.enqueue_dma source(%dma_start3A_54 : memref<40x128xi32, #tpu.memory_space<hbm>>) target(%arg8 : memref<40x128xi32, #tpu.memory_space<vmem>>) target_semaphore(%run_scoped3A : memref<!tpu.dma_semaphore, #tpu.memory_space<semaphore_mem>>)
      %dma_wait3A = arith.constant 40 : i32
      %dma_wait3A_55 = arith.constant 0 : i32
      %dma_wait3A_56 = tpu.memref_slice %arg4[%add3A, %dma_wait3A, %dma_wait3A_55] : memref<32x80x128xi32, #tpu.memory_space<hbm>> -> memref<1x40x128xi32, #tpu.memory_space<hbm>>
      %dma_wait3A_57 = tpu.memref_squeeze %dma_wait3A_56 : memref<1x40x128xi32, #tpu.memory_space<hbm>> -> memref<40x128xi32, #tpu.memory_space<hbm>>
      %dma_wait3A_58 = arith.constant 40 : i32
      %dma_wait3A_59 = arith.constant 0 : i32
      %dma_wait3A_60 = tpu.memref_slice %arg4[%add3A, %dma_wait3A_58, %dma_wait3A_59] : memref<32x80x128xi32, #tpu.memory_space<hbm>> -> memref<1x40x128xi32, #tpu.memory_space<hbm>>
      %dma_wait3A_61 = tpu.memref_squeeze %dma_wait3A_60 : memref<1x40x128xi32, #tpu.memory_space<hbm>> -> memref<40x128xi32, #tpu.memory_space<hbm>>
      tpu.wait_dma2 semaphore(%run_scoped3A : memref<!tpu.dma_semaphore, #tpu.memory_space<semaphore_mem>>) src(%dma_wait3A_61 : memref<40x128xi32, #tpu.memory_space<hbm>>) dst(%arg8 : memref<40x128xi32, #tpu.memory_space<vmem>>)
      tpu.yield
    }) : () -> ()
    %dma_start3A_20 = arith.constant 0 : i32
    %dma_start3A_21 = arith.constant 0 : i32
    %dma_start3A_22 = tpu.memref_slice %arg7[%dma_start3A_20, %dma_start3A_21] : memref<40x128xi32, #tpu.memory_space<vmem>> -> memref<1x128xi32, #tpu.memory_space<vmem>>
    %dma_start3A_23 = tpu.memref_squeeze %dma_start3A_22 : memref<1x128xi32, #tpu.memory_space<vmem>> -> memref<128xi32, #tpu.memory_space<vmem>>
    %dma_start3A_24 = arith.constant 0 : i32
    %dma_start3A_25 = arith.constant 0 : i32
    %dma_start3A_26 = tpu.memref_slice %arg2[%dma_start3A_24, %dma_start3A_25] : memref<10000x128xf32, #tpu.memory_space<hbm>> -> memref<10000x128xf32, #tpu.memory_space<hbm>>
    tpu.enqueue_indirect_dma source(%dma_start3A_26 : memref<10000x128xf32, #tpu.memory_space<hbm>>) target(%arg9 : memref<128x128xf32, #tpu.memory_space<vmem>>) offsets(%dma_start3A_23 : memref<128xi32, #tpu.memory_space<vmem>>) semaphore(%arg12 : memref<!tpu.dma_semaphore, #tpu.memory_space<semaphore_mem>>)
    %scan3A_27 = arith.constant 0 : i32
    %scan3A_28 = arith.constant 0 : i32
    %scan3A_29 = arith.constant 20 : i32
    %scan3A_30 = arith.addi %scan3A_28, %scan3A_29 : i32
    %scan3A_31 = arith.constant 1 : i32
    scf.for %scan3A_47 = %scan3A_28 to %scan3A_30 step %scan3A_31  : i32 {
      %mul3A_48 = arith.constant 2 : i32
      %mul3A_49 = arith.muli %mul3A_48, %scan3A_47 : i32
      %add3A_50 = arith.constant 1 : i32
      %add3A_51 = arith.addi %mul3A_49, %add3A_50 : i32
      %dma_start3A_52 = arith.constant 0 : i32
      %dma_start3A_53 = tpu.memref_slice %arg7[%add3A_51, %dma_start3A_52] : memref<40x128xi32, #tpu.memory_space<vmem>> -> memref<1x128xi32, #tpu.memory_space<vmem>>
      %dma_start3A_54 = tpu.memref_squeeze %dma_start3A_53 : memref<1x128xi32, #tpu.memory_space<vmem>> -> memref<128xi32, #tpu.memory_space<vmem>>
      %dma_start3A_55 = arith.constant 0 : i32
      %dma_start3A_56 = arith.constant 0 : i32
      %dma_start3A_57 = tpu.memref_slice %arg2[%dma_start3A_55, %dma_start3A_56] : memref<10000x128xf32, #tpu.memory_space<hbm>> -> memref<10000x128xf32, #tpu.memory_space<hbm>>
      tpu.enqueue_indirect_dma source(%dma_start3A_57 : memref<10000x128xf32, #tpu.memory_space<hbm>>) target(%arg10 : memref<128x128xf32, #tpu.memory_space<vmem>>) offsets(%dma_start3A_54 : memref<128xi32, #tpu.memory_space<vmem>>) semaphore(%arg13 : memref<!tpu.dma_semaphore, #tpu.memory_space<semaphore_mem>>)
      %dma_wait3A = arith.constant 0 : i32
      %dma_wait3A_58 = tpu.memref_slice %arg7[%mul3A_49, %dma_wait3A] : memref<40x128xi32, #tpu.memory_space<vmem>> -> memref<1x128xi32, #tpu.memory_space<vmem>>
      %dma_wait3A_59 = tpu.memref_squeeze %dma_wait3A_58 : memref<1x128xi32, #tpu.memory_space<vmem>> -> memref<128xi32, #tpu.memory_space<vmem>>
      %dma_wait3A_60 = arith.constant 0 : i32
      %dma_wait3A_61 = arith.constant 0 : i32
      %dma_wait3A_62 = tpu.memref_slice %arg2[%dma_wait3A_60, %dma_wait3A_61] : memref<10000x128xf32, #tpu.memory_space<hbm>> -> memref<10000x128xf32, #tpu.memory_space<hbm>>
      tpu.wait_indirect_dma semaphore(%arg12 : memref<!tpu.dma_semaphore, #tpu.memory_space<semaphore_mem>>) src(%dma_wait3A_62 : memref<10000x128xf32, #tpu.memory_space<hbm>>) dst(%arg9 : memref<128x128xf32, #tpu.memory_space<vmem>>)
      "tpu.region"() ({
        %run_scoped3A = tpu.sem_alloc : memref<!tpu.dma_semaphore, #tpu.memory_space<semaphore_mem>>
        %dma_start3A_74 = arith.constant 0 : i32
        %dma_start3A_75 = tpu.memref_slice %arg8[%mul3A_49, %dma_start3A_74] : memref<40x128xi32, #tpu.memory_space<vmem>> -> memref<1x128xi32, #tpu.memory_space<vmem>>
        %dma_start3A_76 = tpu.memref_squeeze %dma_start3A_75 : memref<1x128xi32, #tpu.memory_space<vmem>> -> memref<128xi32, #tpu.memory_space<vmem>>
        %dma_start3A_77 = arith.constant 0 : i32
        %dma_start3A_78 = arith.constant 0 : i32
        %dma_start3A_79 = tpu.memref_slice %arg11[%dma_start3A_77, %dma_start3A_78] : memref<10768x128xf32, #tpu.memory_space<vmem_shared>> -> memref<10768x128xf32, #tpu.memory_space<vmem_shared>>
        tpu.enqueue_indirect_dma source(%arg9 : memref<128x128xf32, #tpu.memory_space<vmem>>) target(%dma_start3A_79 : memref<10768x128xf32, #tpu.memory_space<vmem_shared>>) offsets(%dma_start3A_76 : memref<128xi32, #tpu.memory_space<vmem>>) semaphore(%run_scoped3A : memref<!tpu.dma_semaphore, #tpu.memory_space<semaphore_mem>>) {add = true}
        %dma_wait3A_80 = arith.constant 0 : i32
        %dma_wait3A_81 = tpu.memref_slice %arg8[%mul3A_49, %dma_wait3A_80] : memref<40x128xi32, #tpu.memory_space<vmem>> -> memref<1x128xi32, #tpu.memory_space<vmem>>
        %dma_wait3A_82 = tpu.memref_squeeze %dma_wait3A_81 : memref<1x128xi32, #tpu.memory_space<vmem>> -> memref<128xi32, #tpu.memory_space<vmem>>
        %dma_wait3A_83 = arith.constant 0 : i32
        %dma_wait3A_84 = arith.constant 0 : i32
        %dma_wait3A_85 = tpu.memref_slice %arg11[%dma_wait3A_83, %dma_wait3A_84] : memref<10768x128xf32, #tpu.memory_space<vmem_shared>> -> memref<10768x128xf32, #tpu.memory_space<vmem_shared>>
        tpu.wait_indirect_dma semaphore(%run_scoped3A : memref<!tpu.dma_semaphore, #tpu.memory_space<semaphore_mem>>) src(%arg9 : memref<128x128xf32, #tpu.memory_space<vmem>>) dst(%dma_wait3A_85 : memref<10768x128xf32, #tpu.memory_space<vmem_shared>>)
        tpu.yield
      }) : () -> ()
      %lt3A_63 = arith.constant 19 : i32
      %lt3A_64 = arith.cmpi slt, %scan3A_47, %lt3A_63 : i32
      %convert_element_type3A_65 = arith.extui %lt3A_64 : i1 to i32
      %cond3A_66 = arith.constant 0 : i32
      %cond3A_67 = arith.cmpi ne, %convert_element_type3A_65, %cond3A_66 : i32
      scf.if %cond3A_67 {
        %add3A_74 = arith.constant 2 : i32
        %add3A_75 = arith.addi %mul3A_49, %add3A_74 : i32
        %dma_start3A_76 = arith.constant 0 : i32
        %dma_start3A_77 = tpu.memref_slice %arg7[%add3A_75, %dma_start3A_76] : memref<40x128xi32, #tpu.memory_space<vmem>> -> memref<1x128xi32, #tpu.memory_space<vmem>>
        %dma_start3A_78 = tpu.memref_squeeze %dma_start3A_77 : memref<1x128xi32, #tpu.memory_space<vmem>> -> memref<128xi32, #tpu.memory_space<vmem>>
        %dma_start3A_79 = arith.constant 0 : i32
        %dma_start3A_80 = arith.constant 0 : i32
        %dma_start3A_81 = tpu.memref_slice %arg2[%dma_start3A_79, %dma_start3A_80] : memref<10000x128xf32, #tpu.memory_space<hbm>> -> memref<10000x128xf32, #tpu.memory_space<hbm>>
        tpu.enqueue_indirect_dma source(%dma_start3A_81 : memref<10000x128xf32, #tpu.memory_space<hbm>>) target(%arg9 : memref<128x128xf32, #tpu.memory_space<vmem>>) offsets(%dma_start3A_78 : memref<128xi32, #tpu.memory_space<vmem>>) semaphore(%arg12 : memref<!tpu.dma_semaphore, #tpu.memory_space<semaphore_mem>>)
      } else {
      }
      %dma_wait3A_68 = arith.constant 0 : i32
      %dma_wait3A_69 = tpu.memref_slice %arg7[%add3A_51, %dma_wait3A_68] : memref<40x128xi32, #tpu.memory_space<vmem>> -> memref<1x128xi32, #tpu.memory_space<vmem>>
      %dma_wait3A_70 = tpu.memref_squeeze %dma_wait3A_69 : memref<1x128xi32, #tpu.memory_space<vmem>> -> memref<128xi32, #tpu.memory_space<vmem>>
      %dma_wait3A_71 = arith.constant 0 : i32
      %dma_wait3A_72 = arith.constant 0 : i32
      %dma_wait3A_73 = tpu.memref_slice %arg2[%dma_wait3A_71, %dma_wait3A_72] : memref<10000x128xf32, #tpu.memory_space<hbm>> -> memref<10000x128xf32, #tpu.memory_space<hbm>>
      tpu.wait_indirect_dma semaphore(%arg13 : memref<!tpu.dma_semaphore, #tpu.memory_space<semaphore_mem>>) src(%dma_wait3A_73 : memref<10000x128xf32, #tpu.memory_space<hbm>>) dst(%arg10 : memref<128x128xf32, #tpu.memory_space<vmem>>)
      "tpu.region"() ({
        %run_scoped3A = tpu.sem_alloc : memref<!tpu.dma_semaphore, #tpu.memory_space<semaphore_mem>>
        %dma_start3A_74 = arith.constant 0 : i32
        %dma_start3A_75 = tpu.memref_slice %arg8[%add3A_51, %dma_start3A_74] : memref<40x128xi32, #tpu.memory_space<vmem>> -> memref<1x128xi32, #tpu.memory_space<vmem>>
        %dma_start3A_76 = tpu.memref_squeeze %dma_start3A_75 : memref<1x128xi32, #tpu.memory_space<vmem>> -> memref<128xi32, #tpu.memory_space<vmem>>
        %dma_start3A_77 = arith.constant 0 : i32
        %dma_start3A_78 = arith.constant 0 : i32
        %dma_start3A_79 = tpu.memref_slice %arg11[%dma_start3A_77, %dma_start3A_78] : memref<10768x128xf32, #tpu.memory_space<vmem_shared>> -> memref<10768x128xf32, #tpu.memory_space<vmem_shared>>
        tpu.enqueue_indirect_dma source(%arg10 : memref<128x128xf32, #tpu.memory_space<vmem>>) target(%dma_start3A_79 : memref<10768x128xf32, #tpu.memory_space<vmem_shared>>) offsets(%dma_start3A_76 : memref<128xi32, #tpu.memory_space<vmem>>) semaphore(%run_scoped3A : memref<!tpu.dma_semaphore, #tpu.memory_space<semaphore_mem>>) {add = true}
        %dma_wait3A_80 = arith.constant 0 : i32
        %dma_wait3A_81 = tpu.memref_slice %arg8[%add3A_51, %dma_wait3A_80] : memref<40x128xi32, #tpu.memory_space<vmem>> -> memref<1x128xi32, #tpu.memory_space<vmem>>
        %dma_wait3A_82 = tpu.memref_squeeze %dma_wait3A_81 : memref<1x128xi32, #tpu.memory_space<vmem>> -> memref<128xi32, #tpu.memory_space<vmem>>
        %dma_wait3A_83 = arith.constant 0 : i32
        %dma_wait3A_84 = arith.constant 0 : i32
        %dma_wait3A_85 = tpu.memref_slice %arg11[%dma_wait3A_83, %dma_wait3A_84] : memref<10768x128xf32, #tpu.memory_space<vmem_shared>> -> memref<10768x128xf32, #tpu.memory_space<vmem_shared>>
        tpu.wait_indirect_dma semaphore(%run_scoped3A : memref<!tpu.dma_semaphore, #tpu.memory_space<semaphore_mem>>) src(%arg10 : memref<128x128xf32, #tpu.memory_space<vmem>>) dst(%dma_wait3A_85 : memref<10768x128xf32, #tpu.memory_space<vmem_shared>>)
        tpu.yield
      }) : () -> ()
    }
    %scan3A_32 = arith.constant 20 : i32
    %barrier3A_33 = arith.constant 0 : index
    tpu.barrier barrier_id(%barrier3A_33)
    %mul3A_34 = arith.constant 624 : i32
    %mul3A_35 = arith.muli %arg1, %mul3A_34 : i32
    %multiple_of3A_36 = tpu.assume_multiple %mul3A_35, 8 : i32
    %lt3A_37 = arith.constant 15 : i32
    %lt3A_38 = arith.cmpi slt, %arg1, %lt3A_37 : i32
    %convert_element_type3A_39 = arith.extui %lt3A_38 : i1 to i32
    %cond3A_40 = arith.constant 0 : i32
    %cond3A_41 = arith.cmpi ne, %convert_element_type3A_39, %cond3A_40 : i32
    scf.if %cond3A_41 {
      "tpu.region"() ({
        %run_scoped3A = tpu.sem_alloc : memref<!tpu.dma_semaphore, #tpu.memory_space<semaphore_mem>>
        %dma_start3A_47 = arith.constant 0 : i32
        %dma_start3A_48 = tpu.memref_slice %arg6[%arg0, %multiple_of3A_36, %dma_start3A_47] : memref<2x10000x128xf32, #tpu.memory_space<hbm>> -> memref<1x624x128xf32, #tpu.memory_space<hbm>>
        %dma_start3A_49 = tpu.memref_squeeze %dma_start3A_48 : memref<1x624x128xf32, #tpu.memory_space<hbm>> -> memref<624x128xf32, #tpu.memory_space<hbm>>
        %dma_start3A_50 = arith.constant 0 : i32
        %dma_start3A_51 = tpu.memref_slice %arg11[%multiple_of3A_36, %dma_start3A_50] : memref<10768x128xf32, #tpu.memory_space<vmem_shared>> -> memref<624x128xf32, #tpu.memory_space<vmem_shared>>
        tpu.enqueue_dma source(%dma_start3A_51 : memref<624x128xf32, #tpu.memory_space<vmem_shared>>) target(%dma_start3A_49 : memref<624x128xf32, #tpu.memory_space<hbm>>) target_semaphore(%run_scoped3A : memref<!tpu.dma_semaphore, #tpu.memory_space<semaphore_mem>>)
        %dma_wait3A = arith.constant 0 : i32
        %dma_wait3A_52 = tpu.memref_slice %arg6[%arg0, %multiple_of3A_36, %dma_wait3A] : memref<2x10000x128xf32, #tpu.memory_space<hbm>> -> memref<1x624x128xf32, #tpu.memory_space<hbm>>
        %dma_wait3A_53 = tpu.memref_squeeze %dma_wait3A_52 : memref<1x624x128xf32, #tpu.memory_space<hbm>> -> memref<624x128xf32, #tpu.memory_space<hbm>>
        %dma_wait3A_54 = arith.constant 0 : i32
        %dma_wait3A_55 = tpu.memref_slice %arg11[%multiple_of3A_36, %dma_wait3A_54] : memref<10768x128xf32, #tpu.memory_space<vmem_shared>> -> memref<624x128xf32, #tpu.memory_space<vmem_shared>>
        tpu.wait_dma2 semaphore(%run_scoped3A : memref<!tpu.dma_semaphore, #tpu.memory_space<semaphore_mem>>) src(%dma_wait3A_55 : memref<624x128xf32, #tpu.memory_space<vmem_shared>>) dst(%dma_wait3A_53 : memref<624x128xf32, #tpu.memory_space<hbm>>)
        tpu.yield
      }) : () -> ()
    } else {
    }
    %eq3A_42 = arith.constant 15 : i32
    %eq3A_43 = arith.cmpi eq, %arg1, %eq3A_42 : i32
    %convert_element_type3A_44 = arith.extui %eq3A_43 : i1 to i32
    %cond3A_45 = arith.constant 0 : i32
    %cond3A_46 = arith.cmpi ne, %convert_element_type3A_44, %cond3A_45 : i32
    scf.if %cond3A_46 {
      "tpu.region"() ({
        %run_scoped3A = tpu.sem_alloc : memref<!tpu.dma_semaphore, #tpu.memory_space<semaphore_mem>>
        %dma_start3A_47 = arith.constant 9360 : i32
        %dma_start3A_48 = arith.constant 0 : i32
        %dma_start3A_49 = tpu.memref_slice %arg6[%arg0, %dma_start3A_47, %dma_start3A_48] : memref<2x10000x128xf32, #tpu.memory_space<hbm>> -> memref<1x640x128xf32, #tpu.memory_space<hbm>>
        %dma_start3A_50 = tpu.memref_squeeze %dma_start3A_49 : memref<1x640x128xf32, #tpu.memory_space<hbm>> -> memref<640x128xf32, #tpu.memory_space<hbm>>
        %dma_start3A_51 = arith.constant 9360 : i32
        %dma_start3A_52 = arith.constant 0 : i32
        %dma_start3A_53 = tpu.memref_slice %arg11[%dma_start3A_51, %dma_start3A_52] : memref<10768x128xf32, #tpu.memory_space<vmem_shared>> -> memref<640x128xf32, #tpu.memory_space<vmem_shared>>
        tpu.enqueue_dma source(%dma_start3A_53 : memref<640x128xf32, #tpu.memory_space<vmem_shared>>) target(%dma_start3A_50 : memref<640x128xf32, #tpu.memory_space<hbm>>) target_semaphore(%run_scoped3A : memref<!tpu.dma_semaphore, #tpu.memory_space<semaphore_mem>>)
        %dma_wait3A = arith.constant 9360 : i32
        %dma_wait3A_54 = arith.constant 0 : i32
        %dma_wait3A_55 = tpu.memref_slice %arg6[%arg0, %dma_wait3A, %dma_wait3A_54] : memref<2x10000x128xf32, #tpu.memory_space<hbm>> -> memref<1x640x128xf32, #tpu.memory_space<hbm>>
        %dma_wait3A_56 = tpu.memref_squeeze %dma_wait3A_55 : memref<1x640x128xf32, #tpu.memory_space<hbm>> -> memref<640x128xf32, #tpu.memory_space<hbm>>
        %dma_wait3A_57 = arith.constant 9360 : i32
        %dma_wait3A_58 = arith.constant 0 : i32
        %dma_wait3A_59 = tpu.memref_slice %arg11[%dma_wait3A_57, %dma_wait3A_58] : memref<10768x128xf32, #tpu.memory_space<vmem_shared>> -> memref<640x128xf32, #tpu.memory_space<vmem_shared>>
        tpu.wait_dma2 semaphore(%run_scoped3A : memref<!tpu.dma_semaphore, #tpu.memory_space<semaphore_mem>>) src(%dma_wait3A_59 : memref<640x128xf32, #tpu.memory_space<vmem_shared>>) dst(%dma_wait3A_56 : memref<640x128xf32, #tpu.memory_space<hbm>>)
        tpu.yield
      }) : () -> ()
    } else {
    }
    return
  }
}

#map = affine_map<(d0, d1) -> (0, 0)>
#map1 = affine_map<(d0, d1) -> (0, 0, 0)>
module attributes {stable_mosaic.version = 14 : i64} {
  func.func @_sc_agg_body(%arg0: i32, %arg1: i32, %arg2: memref<10000x128xf32, #tpu.memory_space<hbm>>, %arg3: memref<32x80x128xi32, #tpu.memory_space<hbm>>, %arg4: memref<32x80x128xi32, #tpu.memory_space<hbm>>, %arg5: memref<10768x128xf32, #tpu.memory_space<hbm>>, %arg6: memref<2x10000x128xf32, #tpu.memory_space<hbm>>, %arg7: memref<40x128xi32, #tpu.memory_space<vmem>>, %arg8: memref<40x128xi32, #tpu.memory_space<vmem>>, %arg9: memref<128x128xf32, #tpu.memory_space<vmem>>, %arg10: memref<128x128xf32, #tpu.memory_space<vmem>>, %arg11: memref<10768x128xf32, #tpu.memory_space<vmem_shared>>, %arg12: memref<!tpu.dma_semaphore, #tpu.memory_space<semaphore_mem>>, %arg13: memref<!tpu.dma_semaphore, #tpu.memory_space<semaphore_mem>>) attributes {dimension_semantics = [#tpu.dimension_semantics<core_parallel>, #tpu.dimension_semantics<subcore_parallel>], iteration_bounds = array<i64: 2, 16>, scalar_prefetch = 0 : i64, scratch_operands = 7 : i64, tpu.core_type = #tpu.core_type<sc_vector_subcore>, window_params = [{transform_indices = #map}, {transform_indices = #map1}, {transform_indices = #map1}, {transform_indices = #map}, {transform_indices = #map1}]} {
    %mul3A = arith.constant 2 : i32
    %mul3A_0 = arith.muli %arg1, %mul3A : i32
    %add3A = arith.addi %mul3A_0, %arg0 : i32
    %mul3A_1 = arith.constant 672 : i32
    %mul3A_2 = arith.muli %arg1, %mul3A_1 : i32
    %multiple_of3A = tpu.assume_multiple %mul3A_2, 8 : i32
    %lt3A = arith.constant 15 : i32
    %lt3A_3 = arith.cmpi slt, %arg1, %lt3A : i32
    %convert_element_type3A = arith.extui %lt3A_3 : i1 to i32
    %cond3A = arith.constant 0 : i32
    %cond3A_4 = arith.cmpi ne, %convert_element_type3A, %cond3A : i32
    scf.if %cond3A_4 {
      "tpu.region"() ({
        %run_scoped3A = tpu.sem_alloc : memref<!tpu.dma_semaphore, #tpu.memory_space<semaphore_mem>>
        %dma_start3A_47 = arith.constant 0 : i32
        %dma_start3A_48 = tpu.memref_slice %arg11[%multiple_of3A, %dma_start3A_47] : memref<10768x128xf32, #tpu.memory_space<vmem_shared>> -> memref<672x128xf32, #tpu.memory_space<vmem_shared>>
        %dma_start3A_49 = arith.constant 0 : i32
        %dma_start3A_50 = tpu.memref_slice %arg5[%multiple_of3A, %dma_start3A_49] : memref<10768x128xf32, #tpu.memory_space<hbm>> -> memref<672x128xf32, #tpu.memory_space<hbm>>
        tpu.enqueue_dma source(%dma_start3A_50 : memref<672x128xf32, #tpu.memory_space<hbm>>) target(%dma_start3A_48 : memref<672x128xf32, #tpu.memory_space<vmem_shared>>) target_semaphore(%run_scoped3A : memref<!tpu.dma_semaphore, #tpu.memory_space<semaphore_mem>>)
        %dma_wait3A = arith.constant 0 : i32
        %dma_wait3A_51 = tpu.memref_slice %arg11[%multiple_of3A, %dma_wait3A] : memref<10768x128xf32, #tpu.memory_space<vmem_shared>> -> memref<672x128xf32, #tpu.memory_space<vmem_shared>>
        %dma_wait3A_52 = arith.constant 0 : i32
        %dma_wait3A_53 = tpu.memref_slice %arg5[%multiple_of3A, %dma_wait3A_52] : memref<10768x128xf32, #tpu.memory_space<hbm>> -> memref<672x128xf32, #tpu.memory_space<hbm>>
        tpu.wait_dma2 semaphore(%run_scoped3A : memref<!tpu.dma_semaphore, #tpu.memory_space<semaphore_mem>>) src(%dma_wait3A_53 : memref<672x128xf32, #tpu.memory_space<hbm>>) dst(%dma_wait3A_51 : memref<672x128xf32, #tpu.memory_space<vmem_shared>>)
        tpu.yield
      }) : () -> ()
    } else {
    }
    %eq3A = arith.constant 15 : i32
    %eq3A_5 = arith.cmpi eq, %arg1, %eq3A : i32
    %convert_element_type3A_6 = arith.extui %eq3A_5 : i1 to i32
    %cond3A_7 = arith.constant 0 : i32
    %cond3A_8 = arith.cmpi ne, %convert_element_type3A_6, %cond3A_7 : i32
    scf.if %cond3A_8 {
      "tpu.region"() ({
        %run_scoped3A = tpu.sem_alloc : memref<!tpu.dma_semaphore, #tpu.memory_space<semaphore_mem>>
        %dma_start3A_47 = arith.constant 10080 : i32
        %dma_start3A_48 = arith.constant 0 : i32
        %dma_start3A_49 = tpu.memref_slice %arg11[%dma_start3A_47, %dma_start3A_48] : memref<10768x128xf32, #tpu.memory_space<vmem_shared>> -> memref<688x128xf32, #tpu.memory_space<vmem_shared>>
        %dma_start3A_50 = arith.constant 10080 : i32
        %dma_start3A_51 = arith.constant 0 : i32
        %dma_start3A_52 = tpu.memref_slice %arg5[%dma_start3A_50, %dma_start3A_51] : memref<10768x128xf32, #tpu.memory_space<hbm>> -> memref<688x128xf32, #tpu.memory_space<hbm>>
        tpu.enqueue_dma source(%dma_start3A_52 : memref<688x128xf32, #tpu.memory_space<hbm>>) target(%dma_start3A_49 : memref<688x128xf32, #tpu.memory_space<vmem_shared>>) target_semaphore(%run_scoped3A : memref<!tpu.dma_semaphore, #tpu.memory_space<semaphore_mem>>)
        %dma_wait3A = arith.constant 10080 : i32
        %dma_wait3A_53 = arith.constant 0 : i32
        %dma_wait3A_54 = tpu.memref_slice %arg11[%dma_wait3A, %dma_wait3A_53] : memref<10768x128xf32, #tpu.memory_space<vmem_shared>> -> memref<688x128xf32, #tpu.memory_space<vmem_shared>>
        %dma_wait3A_55 = arith.constant 10080 : i32
        %dma_wait3A_56 = arith.constant 0 : i32
        %dma_wait3A_57 = tpu.memref_slice %arg5[%dma_wait3A_55, %dma_wait3A_56] : memref<10768x128xf32, #tpu.memory_space<hbm>> -> memref<688x128xf32, #tpu.memory_space<hbm>>
        tpu.wait_dma2 semaphore(%run_scoped3A : memref<!tpu.dma_semaphore, #tpu.memory_space<semaphore_mem>>) src(%dma_wait3A_57 : memref<688x128xf32, #tpu.memory_space<hbm>>) dst(%dma_wait3A_54 : memref<688x128xf32, #tpu.memory_space<vmem_shared>>)
        tpu.yield
      }) : () -> ()
    } else {
    }
    %barrier3A = arith.constant 0 : index
    tpu.barrier barrier_id(%barrier3A)
    "tpu.region"() ({
      %run_scoped3A = tpu.sem_alloc : memref<!tpu.dma_semaphore, #tpu.memory_space<semaphore_mem>>
      %dma_start3A_47 = arith.constant 0 : i32
      %dma_start3A_48 = arith.constant 0 : i32
      %dma_start3A_49 = tpu.memref_slice %arg3[%add3A, %dma_start3A_47, %dma_start3A_48] : memref<32x80x128xi32, #tpu.memory_space<hbm>> -> memref<1x40x128xi32, #tpu.memory_space<hbm>>
      %dma_start3A_50 = tpu.memref_squeeze %dma_start3A_49 : memref<1x40x128xi32, #tpu.memory_space<hbm>> -> memref<40x128xi32, #tpu.memory_space<hbm>>
      %dma_start3A_51 = arith.constant 0 : i32
      %dma_start3A_52 = arith.constant 0 : i32
      %dma_start3A_53 = tpu.memref_slice %arg3[%add3A, %dma_start3A_51, %dma_start3A_52] : memref<32x80x128xi32, #tpu.memory_space<hbm>> -> memref<1x40x128xi32, #tpu.memory_space<hbm>>
      %dma_start3A_54 = tpu.memref_squeeze %dma_start3A_53 : memref<1x40x128xi32, #tpu.memory_space<hbm>> -> memref<40x128xi32, #tpu.memory_space<hbm>>
      tpu.enqueue_dma source(%dma_start3A_54 : memref<40x128xi32, #tpu.memory_space<hbm>>) target(%arg7 : memref<40x128xi32, #tpu.memory_space<vmem>>) target_semaphore(%run_scoped3A : memref<!tpu.dma_semaphore, #tpu.memory_space<semaphore_mem>>)
      %dma_wait3A = arith.constant 0 : i32
      %dma_wait3A_55 = arith.constant 0 : i32
      %dma_wait3A_56 = tpu.memref_slice %arg3[%add3A, %dma_wait3A, %dma_wait3A_55] : memref<32x80x128xi32, #tpu.memory_space<hbm>> -> memref<1x40x128xi32, #tpu.memory_space<hbm>>
      %dma_wait3A_57 = tpu.memref_squeeze %dma_wait3A_56 : memref<1x40x128xi32, #tpu.memory_space<hbm>> -> memref<40x128xi32, #tpu.memory_space<hbm>>
      %dma_wait3A_58 = arith.constant 0 : i32
      %dma_wait3A_59 = arith.constant 0 : i32
      %dma_wait3A_60 = tpu.memref_slice %arg3[%add3A, %dma_wait3A_58, %dma_wait3A_59] : memref<32x80x128xi32, #tpu.memory_space<hbm>> -> memref<1x40x128xi32, #tpu.memory_space<hbm>>
      %dma_wait3A_61 = tpu.memref_squeeze %dma_wait3A_60 : memref<1x40x128xi32, #tpu.memory_space<hbm>> -> memref<40x128xi32, #tpu.memory_space<hbm>>
      tpu.wait_dma2 semaphore(%run_scoped3A : memref<!tpu.dma_semaphore, #tpu.memory_space<semaphore_mem>>) src(%dma_wait3A_61 : memref<40x128xi32, #tpu.memory_space<hbm>>) dst(%arg7 : memref<40x128xi32, #tpu.memory_space<vmem>>)
      tpu.yield
    }) : () -> ()
    "tpu.region"() ({
      %run_scoped3A = tpu.sem_alloc : memref<!tpu.dma_semaphore, #tpu.memory_space<semaphore_mem>>
      %dma_start3A_47 = arith.constant 0 : i32
      %dma_start3A_48 = arith.constant 0 : i32
      %dma_start3A_49 = tpu.memref_slice %arg4[%add3A, %dma_start3A_47, %dma_start3A_48] : memref<32x80x128xi32, #tpu.memory_space<hbm>> -> memref<1x40x128xi32, #tpu.memory_space<hbm>>
      %dma_start3A_50 = tpu.memref_squeeze %dma_start3A_49 : memref<1x40x128xi32, #tpu.memory_space<hbm>> -> memref<40x128xi32, #tpu.memory_space<hbm>>
      %dma_start3A_51 = arith.constant 0 : i32
      %dma_start3A_52 = arith.constant 0 : i32
      %dma_start3A_53 = tpu.memref_slice %arg4[%add3A, %dma_start3A_51, %dma_start3A_52] : memref<32x80x128xi32, #tpu.memory_space<hbm>> -> memref<1x40x128xi32, #tpu.memory_space<hbm>>
      %dma_start3A_54 = tpu.memref_squeeze %dma_start3A_53 : memref<1x40x128xi32, #tpu.memory_space<hbm>> -> memref<40x128xi32, #tpu.memory_space<hbm>>
      tpu.enqueue_dma source(%dma_start3A_54 : memref<40x128xi32, #tpu.memory_space<hbm>>) target(%arg8 : memref<40x128xi32, #tpu.memory_space<vmem>>) target_semaphore(%run_scoped3A : memref<!tpu.dma_semaphore, #tpu.memory_space<semaphore_mem>>)
      %dma_wait3A = arith.constant 0 : i32
      %dma_wait3A_55 = arith.constant 0 : i32
      %dma_wait3A_56 = tpu.memref_slice %arg4[%add3A, %dma_wait3A, %dma_wait3A_55] : memref<32x80x128xi32, #tpu.memory_space<hbm>> -> memref<1x40x128xi32, #tpu.memory_space<hbm>>
      %dma_wait3A_57 = tpu.memref_squeeze %dma_wait3A_56 : memref<1x40x128xi32, #tpu.memory_space<hbm>> -> memref<40x128xi32, #tpu.memory_space<hbm>>
      %dma_wait3A_58 = arith.constant 0 : i32
      %dma_wait3A_59 = arith.constant 0 : i32
      %dma_wait3A_60 = tpu.memref_slice %arg4[%add3A, %dma_wait3A_58, %dma_wait3A_59] : memref<32x80x128xi32, #tpu.memory_space<hbm>> -> memref<1x40x128xi32, #tpu.memory_space<hbm>>
      %dma_wait3A_61 = tpu.memref_squeeze %dma_wait3A_60 : memref<1x40x128xi32, #tpu.memory_space<hbm>> -> memref<40x128xi32, #tpu.memory_space<hbm>>
      tpu.wait_dma2 semaphore(%run_scoped3A : memref<!tpu.dma_semaphore, #tpu.memory_space<semaphore_mem>>) src(%dma_wait3A_61 : memref<40x128xi32, #tpu.memory_space<hbm>>) dst(%arg8 : memref<40x128xi32, #tpu.memory_space<vmem>>)
      tpu.yield
    }) : () -> ()
    %dma_start3A = arith.constant 0 : i32
    %dma_start3A_9 = arith.constant 0 : i32
    %dma_start3A_10 = tpu.memref_slice %arg7[%dma_start3A, %dma_start3A_9] : memref<40x128xi32, #tpu.memory_space<vmem>> -> memref<1x128xi32, #tpu.memory_space<vmem>>
    %dma_start3A_11 = tpu.memref_squeeze %dma_start3A_10 : memref<1x128xi32, #tpu.memory_space<vmem>> -> memref<128xi32, #tpu.memory_space<vmem>>
    %dma_start3A_12 = arith.constant 0 : i32
    %dma_start3A_13 = arith.constant 0 : i32
    %dma_start3A_14 = tpu.memref_slice %arg2[%dma_start3A_12, %dma_start3A_13] : memref<10000x128xf32, #tpu.memory_space<hbm>> -> memref<10000x128xf32, #tpu.memory_space<hbm>>
    tpu.enqueue_indirect_dma source(%dma_start3A_14 : memref<10000x128xf32, #tpu.memory_space<hbm>>) target(%arg9 : memref<128x128xf32, #tpu.memory_space<vmem>>) offsets(%dma_start3A_11 : memref<128xi32, #tpu.memory_space<vmem>>) semaphore(%arg12 : memref<!tpu.dma_semaphore, #tpu.memory_space<semaphore_mem>>)
    %scan3A = arith.constant 0 : i32
    %scan3A_15 = arith.constant 0 : i32
    %scan3A_16 = arith.constant 20 : i32
    %scan3A_17 = arith.addi %scan3A_15, %scan3A_16 : i32
    %scan3A_18 = arith.constant 1 : i32
    scf.for %scan3A_47 = %scan3A_15 to %scan3A_17 step %scan3A_18  : i32 {
      %mul3A_48 = arith.constant 2 : i32
      %mul3A_49 = arith.muli %mul3A_48, %scan3A_47 : i32
      %add3A_50 = arith.constant 1 : i32
      %add3A_51 = arith.addi %mul3A_49, %add3A_50 : i32
      %dma_start3A_52 = arith.constant 0 : i32
      %dma_start3A_53 = tpu.memref_slice %arg7[%add3A_51, %dma_start3A_52] : memref<40x128xi32, #tpu.memory_space<vmem>> -> memref<1x128xi32, #tpu.memory_space<vmem>>
      %dma_start3A_54 = tpu.memref_squeeze %dma_start3A_53 : memref<1x128xi32, #tpu.memory_space<vmem>> -> memref<128xi32, #tpu.memory_space<vmem>>
      %dma_start3A_55 = arith.constant 0 : i32
      %dma_start3A_56 = arith.constant 0 : i32
      %dma_start3A_57 = tpu.memref_slice %arg2[%dma_start3A_55, %dma_start3A_56] : memref<10000x128xf32, #tpu.memory_space<hbm>> -> memref<10000x128xf32, #tpu.memory_space<hbm>>
      tpu.enqueue_indirect_dma source(%dma_start3A_57 : memref<10000x128xf32, #tpu.memory_space<hbm>>) target(%arg10 : memref<128x128xf32, #tpu.memory_space<vmem>>) offsets(%dma_start3A_54 : memref<128xi32, #tpu.memory_space<vmem>>) semaphore(%arg13 : memref<!tpu.dma_semaphore, #tpu.memory_space<semaphore_mem>>)
      %dma_wait3A = arith.constant 0 : i32
      %dma_wait3A_58 = tpu.memref_slice %arg7[%mul3A_49, %dma_wait3A] : memref<40x128xi32, #tpu.memory_space<vmem>> -> memref<1x128xi32, #tpu.memory_space<vmem>>
      %dma_wait3A_59 = tpu.memref_squeeze %dma_wait3A_58 : memref<1x128xi32, #tpu.memory_space<vmem>> -> memref<128xi32, #tpu.memory_space<vmem>>
      %dma_wait3A_60 = arith.constant 0 : i32
      %dma_wait3A_61 = arith.constant 0 : i32
      %dma_wait3A_62 = tpu.memref_slice %arg2[%dma_wait3A_60, %dma_wait3A_61] : memref<10000x128xf32, #tpu.memory_space<hbm>> -> memref<10000x128xf32, #tpu.memory_space<hbm>>
      tpu.wait_indirect_dma semaphore(%arg12 : memref<!tpu.dma_semaphore, #tpu.memory_space<semaphore_mem>>) src(%dma_wait3A_62 : memref<10000x128xf32, #tpu.memory_space<hbm>>) dst(%arg9 : memref<128x128xf32, #tpu.memory_space<vmem>>)
      "tpu.region"() ({
        %run_scoped3A = tpu.sem_alloc : memref<!tpu.dma_semaphore, #tpu.memory_space<semaphore_mem>>
        %dma_start3A_74 = arith.constant 0 : i32
        %dma_start3A_75 = tpu.memref_slice %arg8[%mul3A_49, %dma_start3A_74] : memref<40x128xi32, #tpu.memory_space<vmem>> -> memref<1x128xi32, #tpu.memory_space<vmem>>
        %dma_start3A_76 = tpu.memref_squeeze %dma_start3A_75 : memref<1x128xi32, #tpu.memory_space<vmem>> -> memref<128xi32, #tpu.memory_space<vmem>>
        %dma_start3A_77 = arith.constant 0 : i32
        %dma_start3A_78 = arith.constant 0 : i32
        %dma_start3A_79 = tpu.memref_slice %arg11[%dma_start3A_77, %dma_start3A_78] : memref<10768x128xf32, #tpu.memory_space<vmem_shared>> -> memref<10768x128xf32, #tpu.memory_space<vmem_shared>>
        tpu.enqueue_indirect_dma source(%arg9 : memref<128x128xf32, #tpu.memory_space<vmem>>) target(%dma_start3A_79 : memref<10768x128xf32, #tpu.memory_space<vmem_shared>>) offsets(%dma_start3A_76 : memref<128xi32, #tpu.memory_space<vmem>>) semaphore(%run_scoped3A : memref<!tpu.dma_semaphore, #tpu.memory_space<semaphore_mem>>) {add = true}
        %dma_wait3A_80 = arith.constant 0 : i32
        %dma_wait3A_81 = tpu.memref_slice %arg8[%mul3A_49, %dma_wait3A_80] : memref<40x128xi32, #tpu.memory_space<vmem>> -> memref<1x128xi32, #tpu.memory_space<vmem>>
        %dma_wait3A_82 = tpu.memref_squeeze %dma_wait3A_81 : memref<1x128xi32, #tpu.memory_space<vmem>> -> memref<128xi32, #tpu.memory_space<vmem>>
        %dma_wait3A_83 = arith.constant 0 : i32
        %dma_wait3A_84 = arith.constant 0 : i32
        %dma_wait3A_85 = tpu.memref_slice %arg11[%dma_wait3A_83, %dma_wait3A_84] : memref<10768x128xf32, #tpu.memory_space<vmem_shared>> -> memref<10768x128xf32, #tpu.memory_space<vmem_shared>>
        tpu.wait_indirect_dma semaphore(%run_scoped3A : memref<!tpu.dma_semaphore, #tpu.memory_space<semaphore_mem>>) src(%arg9 : memref<128x128xf32, #tpu.memory_space<vmem>>) dst(%dma_wait3A_85 : memref<10768x128xf32, #tpu.memory_space<vmem_shared>>)
        tpu.yield
      }) : () -> ()
      %lt3A_63 = arith.constant 19 : i32
      %lt3A_64 = arith.cmpi slt, %scan3A_47, %lt3A_63 : i32
      %convert_element_type3A_65 = arith.extui %lt3A_64 : i1 to i32
      %cond3A_66 = arith.constant 0 : i32
      %cond3A_67 = arith.cmpi ne, %convert_element_type3A_65, %cond3A_66 : i32
      scf.if %cond3A_67 {
        %add3A_74 = arith.constant 2 : i32
        %add3A_75 = arith.addi %mul3A_49, %add3A_74 : i32
        %dma_start3A_76 = arith.constant 0 : i32
        %dma_start3A_77 = tpu.memref_slice %arg7[%add3A_75, %dma_start3A_76] : memref<40x128xi32, #tpu.memory_space<vmem>> -> memref<1x128xi32, #tpu.memory_space<vmem>>
        %dma_start3A_78 = tpu.memref_squeeze %dma_start3A_77 : memref<1x128xi32, #tpu.memory_space<vmem>> -> memref<128xi32, #tpu.memory_space<vmem>>
        %dma_start3A_79 = arith.constant 0 : i32
        %dma_start3A_80 = arith.constant 0 : i32
        %dma_start3A_81 = tpu.memref_slice %arg2[%dma_start3A_79, %dma_start3A_80] : memref<10000x128xf32, #tpu.memory_space<hbm>> -> memref<10000x128xf32, #tpu.memory_space<hbm>>
        tpu.enqueue_indirect_dma source(%dma_start3A_81 : memref<10000x128xf32, #tpu.memory_space<hbm>>) target(%arg9 : memref<128x128xf32, #tpu.memory_space<vmem>>) offsets(%dma_start3A_78 : memref<128xi32, #tpu.memory_space<vmem>>) semaphore(%arg12 : memref<!tpu.dma_semaphore, #tpu.memory_space<semaphore_mem>>)
      } else {
      }
      %dma_wait3A_68 = arith.constant 0 : i32
      %dma_wait3A_69 = tpu.memref_slice %arg7[%add3A_51, %dma_wait3A_68] : memref<40x128xi32, #tpu.memory_space<vmem>> -> memref<1x128xi32, #tpu.memory_space<vmem>>
      %dma_wait3A_70 = tpu.memref_squeeze %dma_wait3A_69 : memref<1x128xi32, #tpu.memory_space<vmem>> -> memref<128xi32, #tpu.memory_space<vmem>>
      %dma_wait3A_71 = arith.constant 0 : i32
      %dma_wait3A_72 = arith.constant 0 : i32
      %dma_wait3A_73 = tpu.memref_slice %arg2[%dma_wait3A_71, %dma_wait3A_72] : memref<10000x128xf32, #tpu.memory_space<hbm>> -> memref<10000x128xf32, #tpu.memory_space<hbm>>
      tpu.wait_indirect_dma semaphore(%arg13 : memref<!tpu.dma_semaphore, #tpu.memory_space<semaphore_mem>>) src(%dma_wait3A_73 : memref<10000x128xf32, #tpu.memory_space<hbm>>) dst(%arg10 : memref<128x128xf32, #tpu.memory_space<vmem>>)
      "tpu.region"() ({
        %run_scoped3A = tpu.sem_alloc : memref<!tpu.dma_semaphore, #tpu.memory_space<semaphore_mem>>
        %dma_start3A_74 = arith.constant 0 : i32
        %dma_start3A_75 = tpu.memref_slice %arg8[%add3A_51, %dma_start3A_74] : memref<40x128xi32, #tpu.memory_space<vmem>> -> memref<1x128xi32, #tpu.memory_space<vmem>>
        %dma_start3A_76 = tpu.memref_squeeze %dma_start3A_75 : memref<1x128xi32, #tpu.memory_space<vmem>> -> memref<128xi32, #tpu.memory_space<vmem>>
        %dma_start3A_77 = arith.constant 0 : i32
        %dma_start3A_78 = arith.constant 0 : i32
        %dma_start3A_79 = tpu.memref_slice %arg11[%dma_start3A_77, %dma_start3A_78] : memref<10768x128xf32, #tpu.memory_space<vmem_shared>> -> memref<10768x128xf32, #tpu.memory_space<vmem_shared>>
        tpu.enqueue_indirect_dma source(%arg10 : memref<128x128xf32, #tpu.memory_space<vmem>>) target(%dma_start3A_79 : memref<10768x128xf32, #tpu.memory_space<vmem_shared>>) offsets(%dma_start3A_76 : memref<128xi32, #tpu.memory_space<vmem>>) semaphore(%run_scoped3A : memref<!tpu.dma_semaphore, #tpu.memory_space<semaphore_mem>>) {add = true}
        %dma_wait3A_80 = arith.constant 0 : i32
        %dma_wait3A_81 = tpu.memref_slice %arg8[%add3A_51, %dma_wait3A_80] : memref<40x128xi32, #tpu.memory_space<vmem>> -> memref<1x128xi32, #tpu.memory_space<vmem>>
        %dma_wait3A_82 = tpu.memref_squeeze %dma_wait3A_81 : memref<1x128xi32, #tpu.memory_space<vmem>> -> memref<128xi32, #tpu.memory_space<vmem>>
        %dma_wait3A_83 = arith.constant 0 : i32
        %dma_wait3A_84 = arith.constant 0 : i32
        %dma_wait3A_85 = tpu.memref_slice %arg11[%dma_wait3A_83, %dma_wait3A_84] : memref<10768x128xf32, #tpu.memory_space<vmem_shared>> -> memref<10768x128xf32, #tpu.memory_space<vmem_shared>>
        tpu.wait_indirect_dma semaphore(%run_scoped3A : memref<!tpu.dma_semaphore, #tpu.memory_space<semaphore_mem>>) src(%arg10 : memref<128x128xf32, #tpu.memory_space<vmem>>) dst(%dma_wait3A_85 : memref<10768x128xf32, #tpu.memory_space<vmem_shared>>)
        tpu.yield
      }) : () -> ()
    }
    %scan3A_19 = arith.constant 20 : i32
    "tpu.region"() ({
      %run_scoped3A = tpu.sem_alloc : memref<!tpu.dma_semaphore, #tpu.memory_space<semaphore_mem>>
      %dma_start3A_47 = arith.constant 40 : i32
      %dma_start3A_48 = arith.constant 0 : i32
      %dma_start3A_49 = tpu.memref_slice %arg3[%add3A, %dma_start3A_47, %dma_start3A_48] : memref<32x80x128xi32, #tpu.memory_space<hbm>> -> memref<1x40x128xi32, #tpu.memory_space<hbm>>
      %dma_start3A_50 = tpu.memref_squeeze %dma_start3A_49 : memref<1x40x128xi32, #tpu.memory_space<hbm>> -> memref<40x128xi32, #tpu.memory_space<hbm>>
      %dma_start3A_51 = arith.constant 40 : i32
      %dma_start3A_52 = arith.constant 0 : i32
      %dma_start3A_53 = tpu.memref_slice %arg3[%add3A, %dma_start3A_51, %dma_start3A_52] : memref<32x80x128xi32, #tpu.memory_space<hbm>> -> memref<1x40x128xi32, #tpu.memory_space<hbm>>
      %dma_start3A_54 = tpu.memref_squeeze %dma_start3A_53 : memref<1x40x128xi32, #tpu.memory_space<hbm>> -> memref<40x128xi32, #tpu.memory_space<hbm>>
      tpu.enqueue_dma source(%dma_start3A_54 : memref<40x128xi32, #tpu.memory_space<hbm>>) target(%arg7 : memref<40x128xi32, #tpu.memory_space<vmem>>) target_semaphore(%run_scoped3A : memref<!tpu.dma_semaphore, #tpu.memory_space<semaphore_mem>>)
      %dma_wait3A = arith.constant 40 : i32
      %dma_wait3A_55 = arith.constant 0 : i32
      %dma_wait3A_56 = tpu.memref_slice %arg3[%add3A, %dma_wait3A, %dma_wait3A_55] : memref<32x80x128xi32, #tpu.memory_space<hbm>> -> memref<1x40x128xi32, #tpu.memory_space<hbm>>
      %dma_wait3A_57 = tpu.memref_squeeze %dma_wait3A_56 : memref<1x40x128xi32, #tpu.memory_space<hbm>> -> memref<40x128xi32, #tpu.memory_space<hbm>>
      %dma_wait3A_58 = arith.constant 40 : i32
      %dma_wait3A_59 = arith.constant 0 : i32
      %dma_wait3A_60 = tpu.memref_slice %arg3[%add3A, %dma_wait3A_58, %dma_wait3A_59] : memref<32x80x128xi32, #tpu.memory_space<hbm>> -> memref<1x40x128xi32, #tpu.memory_space<hbm>>
      %dma_wait3A_61 = tpu.memref_squeeze %dma_wait3A_60 : memref<1x40x128xi32, #tpu.memory_space<hbm>> -> memref<40x128xi32, #tpu.memory_space<hbm>>
      tpu.wait_dma2 semaphore(%run_scoped3A : memref<!tpu.dma_semaphore, #tpu.memory_space<semaphore_mem>>) src(%dma_wait3A_61 : memref<40x128xi32, #tpu.memory_space<hbm>>) dst(%arg7 : memref<40x128xi32, #tpu.memory_space<vmem>>)
      tpu.yield
    }) : () -> ()
    "tpu.region"() ({
      %run_scoped3A = tpu.sem_alloc : memref<!tpu.dma_semaphore, #tpu.memory_space<semaphore_mem>>
      %dma_start3A_47 = arith.constant 40 : i32
      %dma_start3A_48 = arith.constant 0 : i32
      %dma_start3A_49 = tpu.memref_slice %arg4[%add3A, %dma_start3A_47, %dma_start3A_48] : memref<32x80x128xi32, #tpu.memory_space<hbm>> -> memref<1x40x128xi32, #tpu.memory_space<hbm>>
      %dma_start3A_50 = tpu.memref_squeeze %dma_start3A_49 : memref<1x40x128xi32, #tpu.memory_space<hbm>> -> memref<40x128xi32, #tpu.memory_space<hbm>>
      %dma_start3A_51 = arith.constant 40 : i32
      %dma_start3A_52 = arith.constant 0 : i32
      %dma_start3A_53 = tpu.memref_slice %arg4[%add3A, %dma_start3A_51, %dma_start3A_52] : memref<32x80x128xi32, #tpu.memory_space<hbm>> -> memref<1x40x128xi32, #tpu.memory_space<hbm>>
      %dma_start3A_54 = tpu.memref_squeeze %dma_start3A_53 : memref<1x40x128xi32, #tpu.memory_space<hbm>> -> memref<40x128xi32, #tpu.memory_space<hbm>>
      tpu.enqueue_dma source(%dma_start3A_54 : memref<40x128xi32, #tpu.memory_space<hbm>>) target(%arg8 : memref<40x128xi32, #tpu.memory_space<vmem>>) target_semaphore(%run_scoped3A : memref<!tpu.dma_semaphore, #tpu.memory_space<semaphore_mem>>)
      %dma_wait3A = arith.constant 40 : i32
      %dma_wait3A_55 = arith.constant 0 : i32
      %dma_wait3A_56 = tpu.memref_slice %arg4[%add3A, %dma_wait3A, %dma_wait3A_55] : memref<32x80x128xi32, #tpu.memory_space<hbm>> -> memref<1x40x128xi32, #tpu.memory_space<hbm>>
      %dma_wait3A_57 = tpu.memref_squeeze %dma_wait3A_56 : memref<1x40x128xi32, #tpu.memory_space<hbm>> -> memref<40x128xi32, #tpu.memory_space<hbm>>
      %dma_wait3A_58 = arith.constant 40 : i32
      %dma_wait3A_59 = arith.constant 0 : i32
      %dma_wait3A_60 = tpu.memref_slice %arg4[%add3A, %dma_wait3A_58, %dma_wait3A_59] : memref<32x80x128xi32, #tpu.memory_space<hbm>> -> memref<1x40x128xi32, #tpu.memory_space<hbm>>
      %dma_wait3A_61 = tpu.memref_squeeze %dma_wait3A_60 : memref<1x40x128xi32, #tpu.memory_space<hbm>> -> memref<40x128xi32, #tpu.memory_space<hbm>>
      tpu.wait_dma2 semaphore(%run_scoped3A : memref<!tpu.dma_semaphore, #tpu.memory_space<semaphore_mem>>) src(%dma_wait3A_61 : memref<40x128xi32, #tpu.memory_space<hbm>>) dst(%arg8 : memref<40x128xi32, #tpu.memory_space<vmem>>)
      tpu.yield
    }) : () -> ()
    %dma_start3A_20 = arith.constant 0 : i32
    %dma_start3A_21 = arith.constant 0 : i32
    %dma_start3A_22 = tpu.memref_slice %arg7[%dma_start3A_20, %dma_start3A_21] : memref<40x128xi32, #tpu.memory_space<vmem>> -> memref<1x128xi32, #tpu.memory_space<vmem>>
    %dma_start3A_23 = tpu.memref_squeeze %dma_start3A_22 : memref<1x128xi32, #tpu.memory_space<vmem>> -> memref<128xi32, #tpu.memory_space<vmem>>
    %dma_start3A_24 = arith.constant 0 : i32
    %dma_start3A_25 = arith.constant 0 : i32
    %dma_start3A_26 = tpu.memref_slice %arg2[%dma_start3A_24, %dma_start3A_25] : memref<10000x128xf32, #tpu.memory_space<hbm>> -> memref<10000x128xf32, #tpu.memory_space<hbm>>
    tpu.enqueue_indirect_dma source(%dma_start3A_26 : memref<10000x128xf32, #tpu.memory_space<hbm>>) target(%arg9 : memref<128x128xf32, #tpu.memory_space<vmem>>) offsets(%dma_start3A_23 : memref<128xi32, #tpu.memory_space<vmem>>) semaphore(%arg12 : memref<!tpu.dma_semaphore, #tpu.memory_space<semaphore_mem>>)
    %scan3A_27 = arith.constant 0 : i32
    %scan3A_28 = arith.constant 0 : i32
    %scan3A_29 = arith.constant 20 : i32
    %scan3A_30 = arith.addi %scan3A_28, %scan3A_29 : i32
    %scan3A_31 = arith.constant 1 : i32
    scf.for %scan3A_47 = %scan3A_28 to %scan3A_30 step %scan3A_31  : i32 {
      %mul3A_48 = arith.constant 2 : i32
      %mul3A_49 = arith.muli %mul3A_48, %scan3A_47 : i32
      %add3A_50 = arith.constant 1 : i32
      %add3A_51 = arith.addi %mul3A_49, %add3A_50 : i32
      %dma_start3A_52 = arith.constant 0 : i32
      %dma_start3A_53 = tpu.memref_slice %arg7[%add3A_51, %dma_start3A_52] : memref<40x128xi32, #tpu.memory_space<vmem>> -> memref<1x128xi32, #tpu.memory_space<vmem>>
      %dma_start3A_54 = tpu.memref_squeeze %dma_start3A_53 : memref<1x128xi32, #tpu.memory_space<vmem>> -> memref<128xi32, #tpu.memory_space<vmem>>
      %dma_start3A_55 = arith.constant 0 : i32
      %dma_start3A_56 = arith.constant 0 : i32
      %dma_start3A_57 = tpu.memref_slice %arg2[%dma_start3A_55, %dma_start3A_56] : memref<10000x128xf32, #tpu.memory_space<hbm>> -> memref<10000x128xf32, #tpu.memory_space<hbm>>
      tpu.enqueue_indirect_dma source(%dma_start3A_57 : memref<10000x128xf32, #tpu.memory_space<hbm>>) target(%arg10 : memref<128x128xf32, #tpu.memory_space<vmem>>) offsets(%dma_start3A_54 : memref<128xi32, #tpu.memory_space<vmem>>) semaphore(%arg13 : memref<!tpu.dma_semaphore, #tpu.memory_space<semaphore_mem>>)
      %dma_wait3A = arith.constant 0 : i32
      %dma_wait3A_58 = tpu.memref_slice %arg7[%mul3A_49, %dma_wait3A] : memref<40x128xi32, #tpu.memory_space<vmem>> -> memref<1x128xi32, #tpu.memory_space<vmem>>
      %dma_wait3A_59 = tpu.memref_squeeze %dma_wait3A_58 : memref<1x128xi32, #tpu.memory_space<vmem>> -> memref<128xi32, #tpu.memory_space<vmem>>
      %dma_wait3A_60 = arith.constant 0 : i32
      %dma_wait3A_61 = arith.constant 0 : i32
      %dma_wait3A_62 = tpu.memref_slice %arg2[%dma_wait3A_60, %dma_wait3A_61] : memref<10000x128xf32, #tpu.memory_space<hbm>> -> memref<10000x128xf32, #tpu.memory_space<hbm>>
      tpu.wait_indirect_dma semaphore(%arg12 : memref<!tpu.dma_semaphore, #tpu.memory_space<semaphore_mem>>) src(%dma_wait3A_62 : memref<10000x128xf32, #tpu.memory_space<hbm>>) dst(%arg9 : memref<128x128xf32, #tpu.memory_space<vmem>>)
      "tpu.region"() ({
        %run_scoped3A = tpu.sem_alloc : memref<!tpu.dma_semaphore, #tpu.memory_space<semaphore_mem>>
        %dma_start3A_74 = arith.constant 0 : i32
        %dma_start3A_75 = tpu.memref_slice %arg8[%mul3A_49, %dma_start3A_74] : memref<40x128xi32, #tpu.memory_space<vmem>> -> memref<1x128xi32, #tpu.memory_space<vmem>>
        %dma_start3A_76 = tpu.memref_squeeze %dma_start3A_75 : memref<1x128xi32, #tpu.memory_space<vmem>> -> memref<128xi32, #tpu.memory_space<vmem>>
        %dma_start3A_77 = arith.constant 0 : i32
        %dma_start3A_78 = arith.constant 0 : i32
        %dma_start3A_79 = tpu.memref_slice %arg11[%dma_start3A_77, %dma_start3A_78] : memref<10768x128xf32, #tpu.memory_space<vmem_shared>> -> memref<10768x128xf32, #tpu.memory_space<vmem_shared>>
        tpu.enqueue_indirect_dma source(%arg9 : memref<128x128xf32, #tpu.memory_space<vmem>>) target(%dma_start3A_79 : memref<10768x128xf32, #tpu.memory_space<vmem_shared>>) offsets(%dma_start3A_76 : memref<128xi32, #tpu.memory_space<vmem>>) semaphore(%run_scoped3A : memref<!tpu.dma_semaphore, #tpu.memory_space<semaphore_mem>>) {add = true}
        %dma_wait3A_80 = arith.constant 0 : i32
        %dma_wait3A_81 = tpu.memref_slice %arg8[%mul3A_49, %dma_wait3A_80] : memref<40x128xi32, #tpu.memory_space<vmem>> -> memref<1x128xi32, #tpu.memory_space<vmem>>
        %dma_wait3A_82 = tpu.memref_squeeze %dma_wait3A_81 : memref<1x128xi32, #tpu.memory_space<vmem>> -> memref<128xi32, #tpu.memory_space<vmem>>
        %dma_wait3A_83 = arith.constant 0 : i32
        %dma_wait3A_84 = arith.constant 0 : i32
        %dma_wait3A_85 = tpu.memref_slice %arg11[%dma_wait3A_83, %dma_wait3A_84] : memref<10768x128xf32, #tpu.memory_space<vmem_shared>> -> memref<10768x128xf32, #tpu.memory_space<vmem_shared>>
        tpu.wait_indirect_dma semaphore(%run_scoped3A : memref<!tpu.dma_semaphore, #tpu.memory_space<semaphore_mem>>) src(%arg9 : memref<128x128xf32, #tpu.memory_space<vmem>>) dst(%dma_wait3A_85 : memref<10768x128xf32, #tpu.memory_space<vmem_shared>>)
        tpu.yield
      }) : () -> ()
      %lt3A_63 = arith.constant 19 : i32
      %lt3A_64 = arith.cmpi slt, %scan3A_47, %lt3A_63 : i32
      %convert_element_type3A_65 = arith.extui %lt3A_64 : i1 to i32
      %cond3A_66 = arith.constant 0 : i32
      %cond3A_67 = arith.cmpi ne, %convert_element_type3A_65, %cond3A_66 : i32
      scf.if %cond3A_67 {
        %add3A_74 = arith.constant 2 : i32
        %add3A_75 = arith.addi %mul3A_49, %add3A_74 : i32
        %dma_start3A_76 = arith.constant 0 : i32
        %dma_start3A_77 = tpu.memref_slice %arg7[%add3A_75, %dma_start3A_76] : memref<40x128xi32, #tpu.memory_space<vmem>> -> memref<1x128xi32, #tpu.memory_space<vmem>>
        %dma_start3A_78 = tpu.memref_squeeze %dma_start3A_77 : memref<1x128xi32, #tpu.memory_space<vmem>> -> memref<128xi32, #tpu.memory_space<vmem>>
        %dma_start3A_79 = arith.constant 0 : i32
        %dma_start3A_80 = arith.constant 0 : i32
        %dma_start3A_81 = tpu.memref_slice %arg2[%dma_start3A_79, %dma_start3A_80] : memref<10000x128xf32, #tpu.memory_space<hbm>> -> memref<10000x128xf32, #tpu.memory_space<hbm>>
        tpu.enqueue_indirect_dma source(%dma_start3A_81 : memref<10000x128xf32, #tpu.memory_space<hbm>>) target(%arg9 : memref<128x128xf32, #tpu.memory_space<vmem>>) offsets(%dma_start3A_78 : memref<128xi32, #tpu.memory_space<vmem>>) semaphore(%arg12 : memref<!tpu.dma_semaphore, #tpu.memory_space<semaphore_mem>>)
      } else {
      }
      %dma_wait3A_68 = arith.constant 0 : i32
      %dma_wait3A_69 = tpu.memref_slice %arg7[%add3A_51, %dma_wait3A_68] : memref<40x128xi32, #tpu.memory_space<vmem>> -> memref<1x128xi32, #tpu.memory_space<vmem>>
      %dma_wait3A_70 = tpu.memref_squeeze %dma_wait3A_69 : memref<1x128xi32, #tpu.memory_space<vmem>> -> memref<128xi32, #tpu.memory_space<vmem>>
      %dma_wait3A_71 = arith.constant 0 : i32
      %dma_wait3A_72 = arith.constant 0 : i32
      %dma_wait3A_73 = tpu.memref_slice %arg2[%dma_wait3A_71, %dma_wait3A_72] : memref<10000x128xf32, #tpu.memory_space<hbm>> -> memref<10000x128xf32, #tpu.memory_space<hbm>>
      tpu.wait_indirect_dma semaphore(%arg13 : memref<!tpu.dma_semaphore, #tpu.memory_space<semaphore_mem>>) src(%dma_wait3A_73 : memref<10000x128xf32, #tpu.memory_space<hbm>>) dst(%arg10 : memref<128x128xf32, #tpu.memory_space<vmem>>)
      "tpu.region"() ({
        %run_scoped3A = tpu.sem_alloc : memref<!tpu.dma_semaphore, #tpu.memory_space<semaphore_mem>>
        %dma_start3A_74 = arith.constant 0 : i32
        %dma_start3A_75 = tpu.memref_slice %arg8[%add3A_51, %dma_start3A_74] : memref<40x128xi32, #tpu.memory_space<vmem>> -> memref<1x128xi32, #tpu.memory_space<vmem>>
        %dma_start3A_76 = tpu.memref_squeeze %dma_start3A_75 : memref<1x128xi32, #tpu.memory_space<vmem>> -> memref<128xi32, #tpu.memory_space<vmem>>
        %dma_start3A_77 = arith.constant 0 : i32
        %dma_start3A_78 = arith.constant 0 : i32
        %dma_start3A_79 = tpu.memref_slice %arg11[%dma_start3A_77, %dma_start3A_78] : memref<10768x128xf32, #tpu.memory_space<vmem_shared>> -> memref<10768x128xf32, #tpu.memory_space<vmem_shared>>
        tpu.enqueue_indirect_dma source(%arg10 : memref<128x128xf32, #tpu.memory_space<vmem>>) target(%dma_start3A_79 : memref<10768x128xf32, #tpu.memory_space<vmem_shared>>) offsets(%dma_start3A_76 : memref<128xi32, #tpu.memory_space<vmem>>) semaphore(%run_scoped3A : memref<!tpu.dma_semaphore, #tpu.memory_space<semaphore_mem>>) {add = true}
        %dma_wait3A_80 = arith.constant 0 : i32
        %dma_wait3A_81 = tpu.memref_slice %arg8[%add3A_51, %dma_wait3A_80] : memref<40x128xi32, #tpu.memory_space<vmem>> -> memref<1x128xi32, #tpu.memory_space<vmem>>
        %dma_wait3A_82 = tpu.memref_squeeze %dma_wait3A_81 : memref<1x128xi32, #tpu.memory_space<vmem>> -> memref<128xi32, #tpu.memory_space<vmem>>
        %dma_wait3A_83 = arith.constant 0 : i32
        %dma_wait3A_84 = arith.constant 0 : i32
        %dma_wait3A_85 = tpu.memref_slice %arg11[%dma_wait3A_83, %dma_wait3A_84] : memref<10768x128xf32, #tpu.memory_space<vmem_shared>> -> memref<10768x128xf32, #tpu.memory_space<vmem_shared>>
        tpu.wait_indirect_dma semaphore(%run_scoped3A : memref<!tpu.dma_semaphore, #tpu.memory_space<semaphore_mem>>) src(%arg10 : memref<128x128xf32, #tpu.memory_space<vmem>>) dst(%dma_wait3A_85 : memref<10768x128xf32, #tpu.memory_space<vmem_shared>>)
        tpu.yield
      }) : () -> ()
    }
    %scan3A_32 = arith.constant 20 : i32
    %barrier3A_33 = arith.constant 0 : index
    tpu.barrier barrier_id(%barrier3A_33)
    %mul3A_34 = arith.constant 624 : i32
    %mul3A_35 = arith.muli %arg1, %mul3A_34 : i32
    %multiple_of3A_36 = tpu.assume_multiple %mul3A_35, 8 : i32
    %lt3A_37 = arith.constant 15 : i32
    %lt3A_38 = arith.cmpi slt, %arg1, %lt3A_37 : i32
    %convert_element_type3A_39 = arith.extui %lt3A_38 : i1 to i32
    %cond3A_40 = arith.constant 0 : i32
    %cond3A_41 = arith.cmpi ne, %convert_element_type3A_39, %cond3A_40 : i32
    scf.if %cond3A_41 {
      "tpu.region"() ({
        %run_scoped3A = tpu.sem_alloc : memref<!tpu.dma_semaphore, #tpu.memory_space<semaphore_mem>>
        %dma_start3A_47 = arith.constant 0 : i32
        %dma_start3A_48 = tpu.memref_slice %arg6[%arg0, %multiple_of3A_36, %dma_start3A_47] : memref<2x10000x128xf32, #tpu.memory_space<hbm>> -> memref<1x624x128xf32, #tpu.memory_space<hbm>>
        %dma_start3A_49 = tpu.memref_squeeze %dma_start3A_48 : memref<1x624x128xf32, #tpu.memory_space<hbm>> -> memref<624x128xf32, #tpu.memory_space<hbm>>
        %dma_start3A_50 = arith.constant 0 : i32
        %dma_start3A_51 = tpu.memref_slice %arg11[%multiple_of3A_36, %dma_start3A_50] : memref<10768x128xf32, #tpu.memory_space<vmem_shared>> -> memref<624x128xf32, #tpu.memory_space<vmem_shared>>
        tpu.enqueue_dma source(%dma_start3A_51 : memref<624x128xf32, #tpu.memory_space<vmem_shared>>) target(%dma_start3A_49 : memref<624x128xf32, #tpu.memory_space<hbm>>) target_semaphore(%run_scoped3A : memref<!tpu.dma_semaphore, #tpu.memory_space<semaphore_mem>>)
        %dma_wait3A = arith.constant 0 : i32
        %dma_wait3A_52 = tpu.memref_slice %arg6[%arg0, %multiple_of3A_36, %dma_wait3A] : memref<2x10000x128xf32, #tpu.memory_space<hbm>> -> memref<1x624x128xf32, #tpu.memory_space<hbm>>
        %dma_wait3A_53 = tpu.memref_squeeze %dma_wait3A_52 : memref<1x624x128xf32, #tpu.memory_space<hbm>> -> memref<624x128xf32, #tpu.memory_space<hbm>>
        %dma_wait3A_54 = arith.constant 0 : i32
        %dma_wait3A_55 = tpu.memref_slice %arg11[%multiple_of3A_36, %dma_wait3A_54] : memref<10768x128xf32, #tpu.memory_space<vmem_shared>> -> memref<624x128xf32, #tpu.memory_space<vmem_shared>>
        tpu.wait_dma2 semaphore(%run_scoped3A : memref<!tpu.dma_semaphore, #tpu.memory_space<semaphore_mem>>) src(%dma_wait3A_55 : memref<624x128xf32, #tpu.memory_space<vmem_shared>>) dst(%dma_wait3A_53 : memref<624x128xf32, #tpu.memory_space<hbm>>)
        tpu.yield
      }) : () -> ()
    } else {
    }
    %eq3A_42 = arith.constant 15 : i32
    %eq3A_43 = arith.cmpi eq, %arg1, %eq3A_42 : i32
    %convert_element_type3A_44 = arith.extui %eq3A_43 : i1 to i32
    %cond3A_45 = arith.constant 0 : i32
    %cond3A_46 = arith.cmpi ne, %convert_element_type3A_44, %cond3A_45 : i32
    scf.if %cond3A_46 {
      "tpu.region"() ({
        %run_scoped3A = tpu.sem_alloc : memref<!tpu.dma_semaphore, #tpu.memory_space<semaphore_mem>>
        %dma_start3A_47 = arith.constant 9360 : i32
        %dma_start3A_48 = arith.constant 0 : i32
        %dma_start3A_49 = tpu.memref_slice %arg6[%arg0, %dma_start3A_47, %dma_start3A_48] : memref<2x10000x128xf32, #tpu.memory_space<hbm>> -> memref<1x640x128xf32, #tpu.memory_space<hbm>>
        %dma_start3A_50 = tpu.memref_squeeze %dma_start3A_49 : memref<1x640x128xf32, #tpu.memory_space<hbm>> -> memref<640x128xf32, #tpu.memory_space<hbm>>
        %dma_start3A_51 = arith.constant 9360 : i32
        %dma_start3A_52 = arith.constant 0 : i32
        %dma_start3A_53 = tpu.memref_slice %arg11[%dma_start3A_51, %dma_start3A_52] : memref<10768x128xf32, #tpu.memory_space<vmem_shared>> -> memref<640x128xf32, #tpu.memory_space<vmem_shared>>
        tpu.enqueue_dma source(%dma_start3A_53 : memref<640x128xf32, #tpu.memory_space<vmem_shared>>) target(%dma_start3A_50 : memref<640x128xf32, #tpu.memory_space<hbm>>) target_semaphore(%run_scoped3A : memref<!tpu.dma_semaphore, #tpu.memory_space<semaphore_mem>>)
        %dma_wait3A = arith.constant 9360 : i32
        %dma_wait3A_54 = arith.constant 0 : i32
        %dma_wait3A_55 = tpu.memref_slice %arg6[%arg0, %dma_wait3A, %dma_wait3A_54] : memref<2x10000x128xf32, #tpu.memory_space<hbm>> -> memref<1x640x128xf32, #tpu.memory_space<hbm>>
        %dma_wait3A_56 = tpu.memref_squeeze %dma_wait3A_55 : memref<1x640x128xf32, #tpu.memory_space<hbm>> -> memref<640x128xf32, #tpu.memory_space<hbm>>
        %dma_wait3A_57 = arith.constant 9360 : i32
        %dma_wait3A_58 = arith.constant 0 : i32
        %dma_wait3A_59 = tpu.memref_slice %arg11[%dma_wait3A_57, %dma_wait3A_58] : memref<10768x128xf32, #tpu.memory_space<vmem_shared>> -> memref<640x128xf32, #tpu.memory_space<vmem_shared>>
        tpu.wait_dma2 semaphore(%run_scoped3A : memref<!tpu.dma_semaphore, #tpu.memory_space<semaphore_mem>>) src(%dma_wait3A_59 : memref<640x128xf32, #tpu.memory_space<vmem_shared>>) dst(%dma_wait3A_56 : memref<640x128xf32, #tpu.memory_space<hbm>>)
        tpu.yield
      }) : () -> ()
    } else {
    }
    return
  }
}

module attributes {stable_mosaic.version = 14 : i64} {
  func.func @_tca_body(%arg0: i32, %arg1: memref<1000x128xf32, #tpu.memory_space<vmem>>, %arg2: memref<1x1000x128xf32, #tpu.memory_space<vmem>>, %arg3: memref<1x1000x128xf32, #tpu.memory_space<vmem>>, %arg4: memref<1x128xf32, #tpu.memory_space<vmem>>, %arg5: memref<128x128xf32, #tpu.memory_space<vmem>>, %arg6: memref<1x128xf32, #tpu.memory_space<vmem>>, %arg7: memref<1000x128xf32, #tpu.memory_space<vmem>>) attributes {dimension_semantics = [#tpu.dimension_semantics<arbitrary>], iteration_bounds = array<i64: 10>, scalar_prefetch = 0 : i64, scratch_operands = 0 : i64, tpu.core_type = #tpu.core_type<tc>, window_params = [{transform_indices = @transform_0, window_bounds = array<i64: 1000, 128>}, {transform_indices = @transform_1, window_bounds = array<i64: 1, 1000, 128>}, {transform_indices = @transform_2, window_bounds = array<i64: 1, 1000, 128>}, {pipeline_mode = #tpu.pipeline_mode<synchronous>, transform_indices = @transform_3, window_bounds = array<i64: 1, 128>}, {pipeline_mode = #tpu.pipeline_mode<synchronous>, transform_indices = @transform_4, window_bounds = array<i64: 128, 128>}, {pipeline_mode = #tpu.pipeline_mode<synchronous>, transform_indices = @transform_5, window_bounds = array<i64: 1, 128>}, {transform_indices = @transform_6, window_bounds = array<i64: 1000, 128>}]} {
    %get3A = arith.constant 0 : index
    %get3A_0 = arith.constant 0 : index
    %get3A_1 = arith.constant 0 : index
    %get3A_2 = vector.load %arg2[%get3A, %get3A_0, %get3A_1] : memref<1x1000x128xf32, #tpu.memory_space<vmem>>, vector<1x1000x128xf32>
    %get3A_3 = vector.shape_cast %get3A_2 : vector<1x1000x128xf32> to vector<1000x128xf32>
    %slice3A = vector.extract_strided_slice %get3A_3 {offsets = [0, 0], sizes = [1000, 1], strides = [1, 1]} : vector<1000x128xf32> to vector<1000x1xf32>
    %get3A_4 = arith.constant 0 : index
    %get3A_5 = arith.constant 0 : index
    %get3A_6 = arith.constant 0 : index
    %get3A_7 = vector.load %arg3[%get3A_4, %get3A_5, %get3A_6] : memref<1x1000x128xf32, #tpu.memory_space<vmem>>, vector<1x1000x128xf32>
    %get3A_8 = vector.shape_cast %get3A_7 : vector<1x1000x128xf32> to vector<1000x128xf32>
    %slice3A_9 = vector.extract_strided_slice %get3A_8 {offsets = [0, 0], sizes = [1000, 1], strides = [1, 1]} : vector<1000x128xf32> to vector<1000x1xf32>
    %add3A = arith.addf %slice3A, %slice3A_9 : vector<1000x1xf32>
    %get3A_10 = arith.constant 0 : index
    %get3A_11 = arith.constant 0 : index
    %get3A_12 = vector.load %arg1[%get3A_10, %get3A_11] : memref<1000x128xf32, #tpu.memory_space<vmem>>, vector<1000x128xf32>
    %sub3A = arith.constant 1.000000e+00 : f32
    %sub3A_13 = vector.broadcast %sub3A : f32 to vector<1000x1xf32>
    %sub3A_14 = arith.subf %sub3A_13, %add3A : vector<1000x1xf32>
    %mul3A = vector.broadcast %sub3A_14 : vector<1000x1xf32> to vector<1000x128xf32>
    %mul3A_15 = arith.mulf %get3A_12, %mul3A : vector<1000x128xf32>
    %get3A_16 = arith.constant 0 : index
    %get3A_17 = arith.constant 0 : index
    %get3A_18 = vector.load %arg4[%get3A_16, %get3A_17] : memref<1x128xf32, #tpu.memory_space<vmem>>, vector<1x128xf32>
    %mul3A_19 = vector.broadcast %add3A : vector<1000x1xf32> to vector<1000x128xf32>
    %mul3A_20 = vector.broadcast %get3A_18 : vector<1x128xf32> to vector<1000x128xf32>
    %mul3A_21 = arith.mulf %mul3A_19, %mul3A_20 : vector<1000x128xf32>
    %add3A_22 = arith.addf %mul3A_15, %mul3A_21 : vector<1000x128xf32>
    %get3A_23 = arith.constant 0 : index
    %get3A_24 = arith.constant 0 : index
    %get3A_25 = vector.load %arg5[%get3A_23, %get3A_24] : memref<128x128xf32, #tpu.memory_space<vmem>>, vector<128x128xf32>
    %dot_general3A = arith.constant dense<0.000000e+00> : vector<1000x128xf32>
    %dot_general3A_26 = tpu.matmul %add3A_22, %get3A_25, %dot_general3A {dimension_numbers = #tpu.dot_dimension_numbers<[1], [0], [0], [1], [0, 0, 1, 1], [], []>, transpose_lhs_hint = false} : vector<1000x128xf32>, vector<128x128xf32>, vector<1000x128xf32> -> vector<1000x128xf32>
    %get3A_27 = arith.constant 0 : index
    %get3A_28 = arith.constant 0 : index
    %get3A_29 = vector.load %arg6[%get3A_27, %get3A_28] : memref<1x128xf32, #tpu.memory_space<vmem>>, vector<1x128xf32>
    %add3A_30 = vector.broadcast %get3A_29 : vector<1x128xf32> to vector<1000x128xf32>
    %add3A_31 = arith.addf %dot_general3A_26, %add3A_30 : vector<1000x128xf32>
    %swap3A = arith.constant 0 : index
    %swap3A_32 = arith.constant 0 : index
    %swap3A_33 = vector.load %arg7[%swap3A, %swap3A_32] : memref<1000x128xf32, #tpu.memory_space<vmem>>, vector<1000x128xf32>
    tpu.vector_store %arg7[%swap3A, %swap3A_32], %add3A_31 {strides = array<i32>} : memref<1000x128xf32, #tpu.memory_space<vmem>>, vector<1000x128xf32>,
    return
  }
  func.func @transform_0(%arg0: i32) -> (i32, i32) {
    %c0_i32 = arith.constant 0 : i32
    %c0_i32_0 = arith.constant 0 : i32
    return %arg0, %c0_i32 : i32, i32
  }
  func.func @transform_1(%arg0: i32) -> (i32, i32, i32) {
    %c0_i32 = arith.constant 0 : i32
    %c0_i32_0 = arith.constant 0 : i32
    %c0_i32_1 = arith.constant 0 : i32
    return %c0_i32, %arg0, %c0_i32_0 : i32, i32, i32
  }
  func.func @transform_2(%arg0: i32) -> (i32, i32, i32) {
    %c1_i32 = arith.constant 1 : i32
    %c0_i32 = arith.constant 0 : i32
    %c0_i32_0 = arith.constant 0 : i32
    return %c1_i32, %arg0, %c0_i32 : i32, i32, i32
  }
  func.func @transform_3(%arg0: i32) -> (i32, i32) {
    %c0_i32 = arith.constant 0 : i32
    %c0_i32_0 = arith.constant 0 : i32
    %c0_i32_1 = arith.constant 0 : i32
    return %c0_i32, %c0_i32_0 : i32, i32
  }
  func.func @transform_4(%arg0: i32) -> (i32, i32) {
    %c0_i32 = arith.constant 0 : i32
    %c0_i32_0 = arith.constant 0 : i32
    %c0_i32_1 = arith.constant 0 : i32
    return %c0_i32, %c0_i32_0 : i32, i32
  }
  func.func @transform_5(%arg0: i32) -> (i32, i32) {
    %c0_i32 = arith.constant 0 : i32
    %c0_i32_0 = arith.constant 0 : i32
    %c0_i32_1 = arith.constant 0 : i32
    return %c0_i32, %c0_i32_0 : i32, i32
  }
  func.func @transform_6(%arg0: i32) -> (i32, i32) {
    %c0_i32 = arith.constant 0 : i32
    %c0_i32_0 = arith.constant 0 : i32
    return %arg0, %c0_i32 : i32, i32
  }
}

module attributes {stable_mosaic.version = 14 : i64} {
  func.func @_tcb_body(%arg0: i32, %arg1: memref<1x1000x128xf32, #tpu.memory_space<vmem>>, %arg2: memref<1x1000x128xf32, #tpu.memory_space<vmem>>, %arg3: memref<1x1000x128xf32, #tpu.memory_space<vmem>>, %arg4: memref<1x1000x128xf32, #tpu.memory_space<vmem>>, %arg5: memref<128x128xf32, #tpu.memory_space<vmem>>, %arg6: memref<1x128xf32, #tpu.memory_space<vmem>>, %arg7: memref<1000x128xf32, #tpu.memory_space<vmem>>, %arg8: memref<1000x128xf32, #tpu.memory_space<vmem>>) attributes {dimension_semantics = [#tpu.dimension_semantics<arbitrary>], iteration_bounds = array<i64: 10>, scalar_prefetch = 0 : i64, scratch_operands = 0 : i64, tpu.core_type = #tpu.core_type<tc>, window_params = [{transform_indices = @transform_0, window_bounds = array<i64: 1, 1000, 128>}, {transform_indices = @transform_1, window_bounds = array<i64: 1, 1000, 128>}, {transform_indices = @transform_2, window_bounds = array<i64: 1, 1000, 128>}, {transform_indices = @transform_3, window_bounds = array<i64: 1, 1000, 128>}, {pipeline_mode = #tpu.pipeline_mode<synchronous>, transform_indices = @transform_4, window_bounds = array<i64: 128, 128>}, {pipeline_mode = #tpu.pipeline_mode<synchronous>, transform_indices = @transform_5, window_bounds = array<i64: 1, 128>}, {transform_indices = @transform_6, window_bounds = array<i64: 1000, 128>}, {transform_indices = @transform_7, window_bounds = array<i64: 1000, 128>}]} {
    %get3A = arith.constant 0 : index
    %get3A_0 = arith.constant 0 : index
    %get3A_1 = arith.constant 0 : index
    %get3A_2 = vector.load %arg1[%get3A, %get3A_0, %get3A_1] : memref<1x1000x128xf32, #tpu.memory_space<vmem>>, vector<1x1000x128xf32>
    %get3A_3 = vector.shape_cast %get3A_2 : vector<1x1000x128xf32> to vector<1000x128xf32>
    %get3A_4 = arith.constant 0 : index
    %get3A_5 = arith.constant 0 : index
    %get3A_6 = arith.constant 0 : index
    %get3A_7 = vector.load %arg2[%get3A_4, %get3A_5, %get3A_6] : memref<1x1000x128xf32, #tpu.memory_space<vmem>>, vector<1x1000x128xf32>
    %get3A_8 = vector.shape_cast %get3A_7 : vector<1x1000x128xf32> to vector<1000x128xf32>
    %add3A = arith.addf %get3A_3, %get3A_8 : vector<1000x128xf32>
    %get3A_9 = arith.constant 0 : index
    %get3A_10 = arith.constant 0 : index
    %get3A_11 = arith.constant 0 : index
    %get3A_12 = vector.load %arg3[%get3A_9, %get3A_10, %get3A_11] : memref<1x1000x128xf32, #tpu.memory_space<vmem>>, vector<1x1000x128xf32>
    %get3A_13 = vector.shape_cast %get3A_12 : vector<1x1000x128xf32> to vector<1000x128xf32>
    %slice3A = vector.extract_strided_slice %get3A_13 {offsets = [0, 0], sizes = [1000, 1], strides = [1, 1]} : vector<1000x128xf32> to vector<1000x1xf32>
    %get3A_14 = arith.constant 0 : index
    %get3A_15 = arith.constant 0 : index
    %get3A_16 = arith.constant 0 : index
    %get3A_17 = vector.load %arg4[%get3A_14, %get3A_15, %get3A_16] : memref<1x1000x128xf32, #tpu.memory_space<vmem>>, vector<1x1000x128xf32>
    %get3A_18 = vector.shape_cast %get3A_17 : vector<1x1000x128xf32> to vector<1000x128xf32>
    %slice3A_19 = vector.extract_strided_slice %get3A_18 {offsets = [0, 0], sizes = [1000, 1], strides = [1, 1]} : vector<1000x128xf32> to vector<1000x1xf32>
    %add3A_20 = arith.addf %slice3A, %slice3A_19 : vector<1000x1xf32>
    %max3A = arith.constant 1.000000e+00 : f32
    %max3A_21 = vector.broadcast %max3A : f32 to vector<1000x1xf32>
    %max3A_22 = arith.maximumf %add3A_20, %max3A_21 : vector<1000x1xf32>
    %div3A = vector.broadcast %max3A_22 : vector<1000x1xf32> to vector<1000x128xf32>
    %div3A_23 = arith.divf %add3A, %div3A : vector<1000x128xf32>
    %max3A_24 = arith.constant 0.000000e+00 : f32
    %max3A_25 = vector.broadcast %max3A_24 : f32 to vector<1000x128xf32>
    %max3A_26 = arith.maximumf %div3A_23, %max3A_25 : vector<1000x128xf32>
    %swap3A = arith.constant 0 : index
    %swap3A_27 = arith.constant 0 : index
    %swap3A_28 = vector.load %arg7[%swap3A, %swap3A_27] : memref<1000x128xf32, #tpu.memory_space<vmem>>, vector<1000x128xf32>
    tpu.vector_store %arg7[%swap3A, %swap3A_27], %max3A_26 {strides = array<i32>} : memref<1000x128xf32, #tpu.memory_space<vmem>>, vector<1000x128xf32>,
    %get3A_29 = arith.constant 0 : index
    %get3A_30 = arith.constant 0 : index
    %get3A_31 = vector.load %arg5[%get3A_29, %get3A_30] : memref<128x128xf32, #tpu.memory_space<vmem>>, vector<128x128xf32>
    %dot_general3A = arith.constant dense<0.000000e+00> : vector<1000x128xf32>
    %dot_general3A_32 = tpu.matmul %max3A_26, %get3A_31, %dot_general3A {dimension_numbers = #tpu.dot_dimension_numbers<[1], [0], [0], [1], [0, 0, 1, 1], [], []>, transpose_lhs_hint = false} : vector<1000x128xf32>, vector<128x128xf32>, vector<1000x128xf32> -> vector<1000x128xf32>
    %get3A_33 = arith.constant 0 : index
    %get3A_34 = arith.constant 0 : index
    %get3A_35 = vector.load %arg6[%get3A_33, %get3A_34] : memref<1x128xf32, #tpu.memory_space<vmem>>, vector<1x128xf32>
    %add3A_36 = vector.broadcast %get3A_35 : vector<1x128xf32> to vector<1000x128xf32>
    %add3A_37 = arith.addf %dot_general3A_32, %add3A_36 : vector<1000x128xf32>
    %swap3A_38 = arith.constant 0 : index
    %swap3A_39 = arith.constant 0 : index
    %swap3A_40 = vector.load %arg8[%swap3A_38, %swap3A_39] : memref<1000x128xf32, #tpu.memory_space<vmem>>, vector<1000x128xf32>
    tpu.vector_store %arg8[%swap3A_38, %swap3A_39], %add3A_37 {strides = array<i32>} : memref<1000x128xf32, #tpu.memory_space<vmem>>, vector<1000x128xf32>,
    return
  }
  func.func @transform_0(%arg0: i32) -> (i32, i32, i32) {
    %c0_i32 = arith.constant 0 : i32
    %c0_i32_0 = arith.constant 0 : i32
    %c0_i32_1 = arith.constant 0 : i32
    return %c0_i32, %arg0, %c0_i32_0 : i32, i32, i32
  }
  func.func @transform_1(%arg0: i32) -> (i32, i32, i32) {
    %c1_i32 = arith.constant 1 : i32
    %c0_i32 = arith.constant 0 : i32
    %c0_i32_0 = arith.constant 0 : i32
    return %c1_i32, %arg0, %c0_i32 : i32, i32, i32
  }
  func.func @transform_2(%arg0: i32) -> (i32, i32, i32) {
    %c0_i32 = arith.constant 0 : i32
    %c0_i32_0 = arith.constant 0 : i32
    %c0_i32_1 = arith.constant 0 : i32
    return %c0_i32, %arg0, %c0_i32_0 : i32, i32, i32
  }
  func.func @transform_3(%arg0: i32) -> (i32, i32, i32) {
    %c1_i32 = arith.constant 1 : i32
    %c0_i32 = arith.constant 0 : i32
    %c0_i32_0 = arith.constant 0 : i32
    return %c1_i32, %arg0, %c0_i32 : i32, i32, i32
  }
  func.func @transform_4(%arg0: i32) -> (i32, i32) {
    %c0_i32 = arith.constant 0 : i32
    %c0_i32_0 = arith.constant 0 : i32
    %c0_i32_1 = arith.constant 0 : i32
    return %c0_i32, %c0_i32_0 : i32, i32
  }
  func.func @transform_5(%arg0: i32) -> (i32, i32) {
    %c0_i32 = arith.constant 0 : i32
    %c0_i32_0 = arith.constant 0 : i32
    %c0_i32_1 = arith.constant 0 : i32
    return %c0_i32, %c0_i32_0 : i32, i32
  }
  func.func @transform_6(%arg0: i32) -> (i32, i32) {
    %c0_i32 = arith.constant 0 : i32
    %c0_i32_0 = arith.constant 0 : i32
    return %arg0, %c0_i32 : i32, i32
  }
  func.func @transform_7(%arg0: i32) -> (i32, i32) {
    %c0_i32 = arith.constant 0 : i32
    %c0_i32_0 = arith.constant 0 : i32
    return %arg0, %c0_i32 : i32, i32
  }
}

module attributes {stable_mosaic.version = 14 : i64} {
  func.func @_tcc_body(%arg0: i32, %arg1: memref<1x1000x128xf32, #tpu.memory_space<vmem>>, %arg2: memref<1x1000x128xf32, #tpu.memory_space<vmem>>, %arg3: memref<1x1000x128xf32, #tpu.memory_space<vmem>>, %arg4: memref<1x1000x128xf32, #tpu.memory_space<vmem>>, %arg5: memref<1000x128xf32, #tpu.memory_space<vmem>>, %arg6: memref<1x1000x128xf32, #tpu.memory_space<vmem>>, %arg7: memref<1x1000x128xf32, #tpu.memory_space<vmem>>, %arg8: memref<128x128xf32, #tpu.memory_space<vmem>>, %arg9: memref<128x128xf32, #tpu.memory_space<vmem>>, %arg10: memref<128x128xf32, #tpu.memory_space<vmem>>, %arg11: memref<1x128xf32, #tpu.memory_space<vmem>>, %arg12: memref<1000x128xf32, #tpu.memory_space<vmem>>) attributes {dimension_semantics = [#tpu.dimension_semantics<arbitrary>], iteration_bounds = array<i64: 10>, scalar_prefetch = 0 : i64, scratch_operands = 0 : i64, tpu.core_type = #tpu.core_type<tc>, window_params = [{transform_indices = @transform_0, window_bounds = array<i64: 1, 1000, 128>}, {transform_indices = @transform_1, window_bounds = array<i64: 1, 1000, 128>}, {transform_indices = @transform_2, window_bounds = array<i64: 1, 1000, 128>}, {transform_indices = @transform_3, window_bounds = array<i64: 1, 1000, 128>}, {transform_indices = @transform_4, window_bounds = array<i64: 1000, 128>}, {transform_indices = @transform_5, window_bounds = array<i64: 1, 1000, 128>}, {transform_indices = @transform_6, window_bounds = array<i64: 1, 1000, 128>}, {pipeline_mode = #tpu.pipeline_mode<synchronous>, transform_indices = @transform_7, window_bounds = array<i64: 128, 128>}, {pipeline_mode = #tpu.pipeline_mode<synchronous>, transform_indices = @transform_8, window_bounds = array<i64: 128, 128>}, {pipeline_mode = #tpu.pipeline_mode<synchronous>, transform_indices = @transform_9, window_bounds = array<i64: 128, 128>}, {pipeline_mode = #tpu.pipeline_mode<synchronous>, transform_indices = @transform_10, window_bounds = array<i64: 1, 128>}, {transform_indices = @transform_11, window_bounds = array<i64: 1000, 128>}]} {
    %get3A = arith.constant 0 : index
    %get3A_0 = arith.constant 0 : index
    %get3A_1 = arith.constant 0 : index
    %get3A_2 = vector.load %arg1[%get3A, %get3A_0, %get3A_1] : memref<1x1000x128xf32, #tpu.memory_space<vmem>>, vector<1x1000x128xf32>
    %get3A_3 = vector.shape_cast %get3A_2 : vector<1x1000x128xf32> to vector<1000x128xf32>
    %get3A_4 = arith.constant 0 : index
    %get3A_5 = arith.constant 0 : index
    %get3A_6 = arith.constant 0 : index
    %get3A_7 = vector.load %arg2[%get3A_4, %get3A_5, %get3A_6] : memref<1x1000x128xf32, #tpu.memory_space<vmem>>, vector<1x1000x128xf32>
    %get3A_8 = vector.shape_cast %get3A_7 : vector<1x1000x128xf32> to vector<1000x128xf32>
    %add3A = arith.addf %get3A_3, %get3A_8 : vector<1000x128xf32>
    %get3A_9 = arith.constant 0 : index
    %get3A_10 = arith.constant 0 : index
    %get3A_11 = arith.constant 0 : index
    %get3A_12 = vector.load %arg3[%get3A_9, %get3A_10, %get3A_11] : memref<1x1000x128xf32, #tpu.memory_space<vmem>>, vector<1x1000x128xf32>
    %get3A_13 = vector.shape_cast %get3A_12 : vector<1x1000x128xf32> to vector<1000x128xf32>
    %slice3A = vector.extract_strided_slice %get3A_13 {offsets = [0, 0], sizes = [1000, 1], strides = [1, 1]} : vector<1000x128xf32> to vector<1000x1xf32>
    %get3A_14 = arith.constant 0 : index
    %get3A_15 = arith.constant 0 : index
    %get3A_16 = arith.constant 0 : index
    %get3A_17 = vector.load %arg4[%get3A_14, %get3A_15, %get3A_16] : memref<1x1000x128xf32, #tpu.memory_space<vmem>>, vector<1x1000x128xf32>
    %get3A_18 = vector.shape_cast %get3A_17 : vector<1x1000x128xf32> to vector<1000x128xf32>
    %slice3A_19 = vector.extract_strided_slice %get3A_18 {offsets = [0, 0], sizes = [1000, 1], strides = [1, 1]} : vector<1000x128xf32> to vector<1000x1xf32>
    %add3A_20 = arith.addf %slice3A, %slice3A_19 : vector<1000x1xf32>
    %max3A = arith.constant 1.000000e+00 : f32
    %max3A_21 = vector.broadcast %max3A : f32 to vector<1000x1xf32>
    %max3A_22 = arith.maximumf %add3A_20, %max3A_21 : vector<1000x1xf32>
    %div3A = vector.broadcast %max3A_22 : vector<1000x1xf32> to vector<1000x128xf32>
    %div3A_23 = arith.divf %add3A, %div3A : vector<1000x128xf32>
    %max3A_24 = arith.constant 0.000000e+00 : f32
    %max3A_25 = vector.broadcast %max3A_24 : f32 to vector<1000x128xf32>
    %max3A_26 = arith.maximumf %div3A_23, %max3A_25 : vector<1000x128xf32>
    %get3A_27 = arith.constant 0 : index
    %get3A_28 = arith.constant 0 : index
    %get3A_29 = vector.load %arg5[%get3A_27, %get3A_28] : memref<1000x128xf32, #tpu.memory_space<vmem>>, vector<1000x128xf32>
    %get3A_30 = arith.constant 0 : index
    %get3A_31 = arith.constant 0 : index
    %get3A_32 = vector.load %arg8[%get3A_30, %get3A_31] : memref<128x128xf32, #tpu.memory_space<vmem>>, vector<128x128xf32>
    %dot_general3A = arith.constant dense<0.000000e+00> : vector<1000x128xf32>
    %dot_general3A_33 = tpu.matmul %get3A_29, %get3A_32, %dot_general3A {dimension_numbers = #tpu.dot_dimension_numbers<[1], [0], [0], [1], [0, 0, 1, 1], [], []>, transpose_lhs_hint = false} : vector<1000x128xf32>, vector<128x128xf32>, vector<1000x128xf32> -> vector<1000x128xf32>
    %get3A_34 = arith.constant 0 : index
    %get3A_35 = arith.constant 0 : index
    %get3A_36 = vector.load %arg9[%get3A_34, %get3A_35] : memref<128x128xf32, #tpu.memory_space<vmem>>, vector<128x128xf32>
    %dot_general3A_37 = arith.constant dense<0.000000e+00> : vector<1000x128xf32>
    %dot_general3A_38 = tpu.matmul %max3A_26, %get3A_36, %dot_general3A_37 {dimension_numbers = #tpu.dot_dimension_numbers<[1], [0], [0], [1], [0, 0, 1, 1], [], []>, transpose_lhs_hint = false} : vector<1000x128xf32>, vector<128x128xf32>, vector<1000x128xf32> -> vector<1000x128xf32>
    %add3A_39 = arith.addf %dot_general3A_33, %dot_general3A_38 : vector<1000x128xf32>
    %get3A_40 = arith.constant 0 : index
    %get3A_41 = arith.constant 0 : index
    %get3A_42 = arith.constant 0 : index
    %get3A_43 = vector.load %arg6[%get3A_40, %get3A_41, %get3A_42] : memref<1x1000x128xf32, #tpu.memory_space<vmem>>, vector<1x1000x128xf32>
    %get3A_44 = vector.shape_cast %get3A_43 : vector<1x1000x128xf32> to vector<1000x128xf32>
    %slice3A_45 = vector.extract_strided_slice %get3A_44 {offsets = [0, 0], sizes = [1000, 1], strides = [1, 1]} : vector<1000x128xf32> to vector<1000x1xf32>
    %get3A_46 = arith.constant 0 : index
    %get3A_47 = arith.constant 0 : index
    %get3A_48 = arith.constant 0 : index
    %get3A_49 = vector.load %arg7[%get3A_46, %get3A_47, %get3A_48] : memref<1x1000x128xf32, #tpu.memory_space<vmem>>, vector<1x1000x128xf32>
    %get3A_50 = vector.shape_cast %get3A_49 : vector<1x1000x128xf32> to vector<1000x128xf32>
    %slice3A_51 = vector.extract_strided_slice %get3A_50 {offsets = [0, 0], sizes = [1000, 1], strides = [1, 1]} : vector<1000x128xf32> to vector<1000x1xf32>
    %add3A_52 = arith.addf %slice3A_45, %slice3A_51 : vector<1000x1xf32>
    %sub3A = arith.constant 1.000000e+00 : f32
    %sub3A_53 = vector.broadcast %sub3A : f32 to vector<1000x1xf32>
    %sub3A_54 = arith.subf %sub3A_53, %add3A_52 : vector<1000x1xf32>
    %mul3A = vector.broadcast %sub3A_54 : vector<1000x1xf32> to vector<1000x128xf32>
    %mul3A_55 = arith.mulf %add3A_39, %mul3A : vector<1000x128xf32>
    %get3A_56 = arith.constant 0 : index
    %get3A_57 = arith.constant 0 : index
    %get3A_58 = vector.load %arg10[%get3A_56, %get3A_57] : memref<128x128xf32, #tpu.memory_space<vmem>>, vector<128x128xf32>
    %dot_general3A_59 = arith.constant dense<0.000000e+00> : vector<1000x128xf32>
    %dot_general3A_60 = tpu.matmul %mul3A_55, %get3A_58, %dot_general3A_59 {dimension_numbers = #tpu.dot_dimension_numbers<[1], [0], [0], [1], [0, 0, 1, 1], [], []>, transpose_lhs_hint = false} : vector<1000x128xf32>, vector<128x128xf32>, vector<1000x128xf32> -> vector<1000x128xf32>
    %get3A_61 = arith.constant 0 : index
    %get3A_62 = arith.constant 0 : index
    %get3A_63 = vector.load %arg11[%get3A_61, %get3A_62] : memref<1x128xf32, #tpu.memory_space<vmem>>, vector<1x128xf32>
    %add3A_64 = vector.broadcast %get3A_63 : vector<1x128xf32> to vector<1000x128xf32>
    %add3A_65 = arith.addf %dot_general3A_60, %add3A_64 : vector<1000x128xf32>
    %swap3A = arith.constant 0 : index
    %swap3A_66 = arith.constant 0 : index
    %swap3A_67 = vector.load %arg12[%swap3A, %swap3A_66] : memref<1000x128xf32, #tpu.memory_space<vmem>>, vector<1000x128xf32>
    tpu.vector_store %arg12[%swap3A, %swap3A_66], %add3A_65 {strides = array<i32>} : memref<1000x128xf32, #tpu.memory_space<vmem>>, vector<1000x128xf32>,
    return
  }
  func.func @transform_0(%arg0: i32) -> (i32, i32, i32) {
    %c0_i32 = arith.constant 0 : i32
    %c0_i32_0 = arith.constant 0 : i32
    %c0_i32_1 = arith.constant 0 : i32
    return %c0_i32, %arg0, %c0_i32_0 : i32, i32, i32
  }
  func.func @transform_1(%arg0: i32) -> (i32, i32, i32) {
    %c1_i32 = arith.constant 1 : i32
    %c0_i32 = arith.constant 0 : i32
    %c0_i32_0 = arith.constant 0 : i32
    return %c1_i32, %arg0, %c0_i32 : i32, i32, i32
  }
  func.func @transform_2(%arg0: i32) -> (i32, i32, i32) {
    %c0_i32 = arith.constant 0 : i32
    %c0_i32_0 = arith.constant 0 : i32
    %c0_i32_1 = arith.constant 0 : i32
    return %c0_i32, %arg0, %c0_i32_0 : i32, i32, i32
  }
  func.func @transform_3(%arg0: i32) -> (i32, i32, i32) {
    %c1_i32 = arith.constant 1 : i32
    %c0_i32 = arith.constant 0 : i32
    %c0_i32_0 = arith.constant 0 : i32
    return %c1_i32, %arg0, %c0_i32 : i32, i32, i32
  }
  func.func @transform_4(%arg0: i32) -> (i32, i32) {
    %c0_i32 = arith.constant 0 : i32
    %c0_i32_0 = arith.constant 0 : i32
    return %arg0, %c0_i32 : i32, i32
  }
  func.func @transform_5(%arg0: i32) -> (i32, i32, i32) {
    %c0_i32 = arith.constant 0 : i32
    %c0_i32_0 = arith.constant 0 : i32
    %c0_i32_1 = arith.constant 0 : i32
    return %c0_i32, %arg0, %c0_i32_0 : i32, i32, i32
  }
  func.func @transform_6(%arg0: i32) -> (i32, i32, i32) {
    %c1_i32 = arith.constant 1 : i32
    %c0_i32 = arith.constant 0 : i32
    %c0_i32_0 = arith.constant 0 : i32
    return %c1_i32, %arg0, %c0_i32 : i32, i32, i32
  }
  func.func @transform_7(%arg0: i32) -> (i32, i32) {
    %c0_i32 = arith.constant 0 : i32
    %c0_i32_0 = arith.constant 0 : i32
    %c0_i32_1 = arith.constant 0 : i32
    return %c0_i32, %c0_i32_0 : i32, i32
  }
  func.func @transform_8(%arg0: i32) -> (i32, i32) {
    %c0_i32 = arith.constant 0 : i32
    %c0_i32_0 = arith.constant 0 : i32
    %c0_i32_1 = arith.constant 0 : i32
    return %c0_i32, %c0_i32_0 : i32, i32
  }
  func.func @transform_9(%arg0: i32) -> (i32, i32) {
    %c0_i32 = arith.constant 0 : i32
    %c0_i32_0 = arith.constant 0 : i32
    %c0_i32_1 = arith.constant 0 : i32
    return %c0_i32, %c0_i32_0 : i32, i32
  }
  func.func @transform_10(%arg0: i32) -> (i32, i32) {
    %c0_i32 = arith.constant 0 : i32
    %c0_i32_0 = arith.constant 0 : i32
    %c0_i32_1 = arith.constant 0 : i32
    return %c0_i32, %c0_i32_0 : i32, i32
  }
  func.func @transform_11(%arg0: i32) -> (i32, i32) {
    %c0_i32 = arith.constant 0 : i32
    %c0_i32_0 = arith.constant 0 : i32
    return %arg0, %c0_i32 : i32, i32
  }
}

module attributes {stable_mosaic.version = 14 : i64} {
  func.func @_tcd_body(%arg0: i32, %arg1: memref<1x1000x128xf32, #tpu.memory_space<vmem>>, %arg2: memref<1x1000x128xf32, #tpu.memory_space<vmem>>, %arg3: memref<1x1000x128xf32, #tpu.memory_space<vmem>>, %arg4: memref<1x1000x128xf32, #tpu.memory_space<vmem>>, %arg5: memref<1x1000x128xf32, #tpu.memory_space<vmem>>, %arg6: memref<1x1000x128xf32, #tpu.memory_space<vmem>>, %arg7: memref<1000x128xf32, #tpu.memory_space<vmem>>, %arg8: memref<1x1xf32, #tpu.memory_space<vmem>>) attributes {dimension_semantics = [#tpu.dimension_semantics<arbitrary>], iteration_bounds = array<i64: 10>, scalar_prefetch = 0 : i64, scratch_operands = 0 : i64, tpu.core_type = #tpu.core_type<tc>, window_params = [{transform_indices = @transform_0, window_bounds = array<i64: 1, 1000, 128>}, {transform_indices = @transform_1, window_bounds = array<i64: 1, 1000, 128>}, {transform_indices = @transform_2, window_bounds = array<i64: 1, 1000, 128>}, {transform_indices = @transform_3, window_bounds = array<i64: 1, 1000, 128>}, {transform_indices = @transform_4, window_bounds = array<i64: 1, 1000, 128>}, {transform_indices = @transform_5, window_bounds = array<i64: 1, 1000, 128>}, {transform_indices = @transform_6, window_bounds = array<i64: 1000, 128>}, {pipeline_mode = #tpu.pipeline_mode<synchronous>, transform_indices = @transform_7, window_bounds = array<i64: 1, 1>}]} {
    %get3A = arith.constant 0 : index
    %get3A_0 = arith.constant 0 : index
    %get3A_1 = arith.constant 0 : index
    %get3A_2 = vector.load %arg1[%get3A, %get3A_0, %get3A_1] : memref<1x1000x128xf32, #tpu.memory_space<vmem>>, vector<1x1000x128xf32>
    %get3A_3 = vector.shape_cast %get3A_2 : vector<1x1000x128xf32> to vector<1000x128xf32>
    %get3A_4 = arith.constant 0 : index
    %get3A_5 = arith.constant 0 : index
    %get3A_6 = arith.constant 0 : index
    %get3A_7 = vector.load %arg2[%get3A_4, %get3A_5, %get3A_6] : memref<1x1000x128xf32, #tpu.memory_space<vmem>>, vector<1x1000x128xf32>
    %get3A_8 = vector.shape_cast %get3A_7 : vector<1x1000x128xf32> to vector<1000x128xf32>
    %add3A = arith.addf %get3A_3, %get3A_8 : vector<1000x128xf32>
    %get3A_9 = arith.constant 0 : index
    %get3A_10 = arith.constant 0 : index
    %get3A_11 = arith.constant 0 : index
    %get3A_12 = vector.load %arg3[%get3A_9, %get3A_10, %get3A_11] : memref<1x1000x128xf32, #tpu.memory_space<vmem>>, vector<1x1000x128xf32>
    %get3A_13 = vector.shape_cast %get3A_12 : vector<1x1000x128xf32> to vector<1000x128xf32>
    %slice3A = vector.extract_strided_slice %get3A_13 {offsets = [0, 0], sizes = [1000, 1], strides = [1, 1]} : vector<1000x128xf32> to vector<1000x1xf32>
    %get3A_14 = arith.constant 0 : index
    %get3A_15 = arith.constant 0 : index
    %get3A_16 = arith.constant 0 : index
    %get3A_17 = vector.load %arg4[%get3A_14, %get3A_15, %get3A_16] : memref<1x1000x128xf32, #tpu.memory_space<vmem>>, vector<1x1000x128xf32>
    %get3A_18 = vector.shape_cast %get3A_17 : vector<1x1000x128xf32> to vector<1000x128xf32>
    %slice3A_19 = vector.extract_strided_slice %get3A_18 {offsets = [0, 0], sizes = [1000, 1], strides = [1, 1]} : vector<1000x128xf32> to vector<1000x1xf32>
    %add3A_20 = arith.addf %slice3A, %slice3A_19 : vector<1000x1xf32>
    %max3A = arith.constant 1.000000e+00 : f32
    %max3A_21 = vector.broadcast %max3A : f32 to vector<1000x1xf32>
    %max3A_22 = arith.maximumf %add3A_20, %max3A_21 : vector<1000x1xf32>
    %div3A = vector.broadcast %max3A_22 : vector<1000x1xf32> to vector<1000x128xf32>
    %div3A_23 = arith.divf %add3A, %div3A : vector<1000x128xf32>
    %get3A_24 = arith.constant 0 : index
    %get3A_25 = arith.constant 0 : index
    %get3A_26 = vector.load %arg7[%get3A_24, %get3A_25] : memref<1000x128xf32, #tpu.memory_space<vmem>>, vector<1000x128xf32>
    %mul3A = arith.mulf %get3A_26, %get3A_26 : vector<1000x128xf32>
    %reduce_sum3A = arith.constant dense<0.000000e+00> : vector<1000xf32>
    %reduce_sum3A_27 = vector.multi_reduction <add>, %mul3A, %reduce_sum3A [1] : vector<1000x128xf32> to vector<1000xf32>
    %broadcast_in_dim3A = vector.shape_cast %reduce_sum3A_27 : vector<1000xf32> to vector<1000x1xf32>
    %sqrt3A = math.sqrt %broadcast_in_dim3A : vector<1000x1xf32>
    %add3A_28 = arith.constant 9.99999993E-9 : f32
    %add3A_29 = vector.broadcast %add3A_28 : f32 to vector<1000x1xf32>
    %add3A_30 = arith.addf %sqrt3A, %add3A_29 : vector<1000x1xf32>
    %div3A_31 = vector.broadcast %add3A_30 : vector<1000x1xf32> to vector<1000x128xf32>
    %div3A_32 = arith.divf %get3A_26, %div3A_31 : vector<1000x128xf32>
    %mul3A_33 = arith.mulf %div3A_23, %div3A_23 : vector<1000x128xf32>
    %reduce_sum3A_34 = arith.constant dense<0.000000e+00> : vector<1000xf32>
    %reduce_sum3A_35 = vector.multi_reduction <add>, %mul3A_33, %reduce_sum3A_34 [1] : vector<1000x128xf32> to vector<1000xf32>
    %broadcast_in_dim3A_36 = vector.shape_cast %reduce_sum3A_35 : vector<1000xf32> to vector<1000x1xf32>
    %sqrt3A_37 = math.sqrt %broadcast_in_dim3A_36 : vector<1000x1xf32>
    %add3A_38 = arith.constant 9.99999993E-9 : f32
    %add3A_39 = vector.broadcast %add3A_38 : f32 to vector<1000x1xf32>
    %add3A_40 = arith.addf %sqrt3A_37, %add3A_39 : vector<1000x1xf32>
    %div3A_41 = vector.broadcast %add3A_40 : vector<1000x1xf32> to vector<1000x128xf32>
    %div3A_42 = arith.divf %div3A_23, %div3A_41 : vector<1000x128xf32>
    %mul3A_43 = arith.mulf %div3A_32, %div3A_42 : vector<1000x128xf32>
    %reduce_sum3A_44 = arith.constant dense<0.000000e+00> : vector<1000xf32>
    %reduce_sum3A_45 = vector.multi_reduction <add>, %mul3A_43, %reduce_sum3A_44 [1] : vector<1000x128xf32> to vector<1000xf32>
    %get3A_46 = arith.constant 0 : index
    %get3A_47 = arith.constant 0 : index
    %get3A_48 = arith.constant 0 : index
    %get3A_49 = vector.load %arg5[%get3A_46, %get3A_47, %get3A_48] : memref<1x1000x128xf32, #tpu.memory_space<vmem>>, vector<1x1000x128xf32>
    %get3A_50 = vector.shape_cast %get3A_49 : vector<1x1000x128xf32> to vector<1000x128xf32>
    %slice3A_51 = vector.extract_strided_slice %get3A_50 {offsets = [0, 0], sizes = [1000, 1], strides = [1, 1]} : vector<1000x128xf32> to vector<1000x1xf32>
    %squeeze3A = vector.shape_cast %slice3A_51 : vector<1000x1xf32> to vector<1000xf32>
    %get3A_52 = arith.constant 0 : index
    %get3A_53 = arith.constant 0 : index
    %get3A_54 = arith.constant 0 : index
    %get3A_55 = vector.load %arg6[%get3A_52, %get3A_53, %get3A_54] : memref<1x1000x128xf32, #tpu.memory_space<vmem>>, vector<1x1000x128xf32>
    %get3A_56 = vector.shape_cast %get3A_55 : vector<1x1000x128xf32> to vector<1000x128xf32>
    %slice3A_57 = vector.extract_strided_slice %get3A_56 {offsets = [0, 0], sizes = [1000, 1], strides = [1, 1]} : vector<1000x128xf32> to vector<1000x1xf32>
    %squeeze3A_58 = vector.shape_cast %slice3A_57 : vector<1000x1xf32> to vector<1000xf32>
    %add3A_59 = arith.addf %squeeze3A, %squeeze3A_58 : vector<1000xf32>
    %sub3A = arith.constant 1.000000e+00 : f32
    %sub3A_60 = vector.broadcast %sub3A : f32 to vector<1000xf32>
    %sub3A_61 = arith.subf %sub3A_60, %reduce_sum3A_45 : vector<1000xf32>
    %integer_pow3A = arith.mulf %sub3A_61, %sub3A_61 : vector<1000xf32>
    %mul3A_62 = arith.mulf %add3A_59, %integer_pow3A : vector<1000xf32>
    %reduce_sum3A_63 = vector.shape_cast %mul3A_62 : vector<1000xf32> to vector<1x1000xf32>
    %reduce_sum3A_64 = arith.constant dense<0.000000e+00> : vector<1xf32>
    %reduce_sum3A_65 = vector.multi_reduction <add>, %reduce_sum3A_63, %reduce_sum3A_64 [1] : vector<1x1000xf32> to vector<1xf32>
    %reduce_sum3A_66 = vector.shape_cast %reduce_sum3A_65 : vector<1xf32> to vector<1x1xf32>
    %reduce_sum3A_67 = vector.extract %reduce_sum3A_66[0, 0] : f32 from vector<1x1xf32>
    %mul3A_68 = arith.constant 2.000000e-04 : f32
    %mul3A_69 = arith.mulf %reduce_sum3A_67, %mul3A_68 : f32
    %eq3A = arith.constant 0 : i32
    %eq3A_70 = arith.cmpi eq, %arg0, %eq3A : i32
    %convert_element_type3A = arith.extui %eq3A_70 : i1 to i32
    %cond3A = arith.constant 0 : i32
    %cond3A_71 = arith.cmpi ne, %convert_element_type3A, %cond3A : i32
    scf.if %cond3A_71 {
      %broadcast_in_dim3A_79 = arith.constant 0.000000e+00 : f32
      %broadcast_in_dim3A_80 = vector.broadcast %broadcast_in_dim3A_79 : f32 to vector<1x1xf32>
      %swap3A_81 = arith.constant 0 : index
      %swap3A_82 = arith.constant 0 : index
      %swap3A_83 = vector.load %arg8[%swap3A_81, %swap3A_82] : memref<1x1xf32, #tpu.memory_space<vmem>>, vector<1x1xf32>
      tpu.vector_store %arg8[%swap3A_81, %swap3A_82], %broadcast_in_dim3A_80 {strides = array<i32>} : memref<1x1xf32, #tpu.memory_space<vmem>>, vector<1x1xf32>,
    } else {
    }
    %get3A_72 = arith.constant 0 : index
    %get3A_73 = arith.constant 0 : index
    %get3A_74 = vector.load %arg8[%get3A_72, %get3A_73] : memref<1x1xf32, #tpu.memory_space<vmem>>, vector<1x1xf32>
    %add3A_75 = vector.broadcast %mul3A_69 : f32 to vector<1x1xf32>
    %add3A_76 = arith.addf %get3A_74, %add3A_75 : vector<1x1xf32>
    %swap3A = arith.constant 0 : index
    %swap3A_77 = arith.constant 0 : index
    %swap3A_78 = vector.load %arg8[%swap3A, %swap3A_77] : memref<1x1xf32, #tpu.memory_space<vmem>>, vector<1x1xf32>
    tpu.vector_store %arg8[%swap3A, %swap3A_77], %add3A_76 {strides = array<i32>} : memref<1x1xf32, #tpu.memory_space<vmem>>, vector<1x1xf32>,
    return
  }
  func.func @transform_0(%arg0: i32) -> (i32, i32, i32) {
    %c0_i32 = arith.constant 0 : i32
    %c0_i32_0 = arith.constant 0 : i32
    %c0_i32_1 = arith.constant 0 : i32
    return %c0_i32, %arg0, %c0_i32_0 : i32, i32, i32
  }
  func.func @transform_1(%arg0: i32) -> (i32, i32, i32) {
    %c1_i32 = arith.constant 1 : i32
    %c0_i32 = arith.constant 0 : i32
    %c0_i32_0 = arith.constant 0 : i32
    return %c1_i32, %arg0, %c0_i32 : i32, i32, i32
  }
  func.func @transform_2(%arg0: i32) -> (i32, i32, i32) {
    %c0_i32 = arith.constant 0 : i32
    %c0_i32_0 = arith.constant 0 : i32
    %c0_i32_1 = arith.constant 0 : i32
    return %c0_i32, %arg0, %c0_i32_0 : i32, i32, i32
  }
  func.func @transform_3(%arg0: i32) -> (i32, i32, i32) {
    %c1_i32 = arith.constant 1 : i32
    %c0_i32 = arith.constant 0 : i32
    %c0_i32_0 = arith.constant 0 : i32
    return %c1_i32, %arg0, %c0_i32 : i32, i32, i32
  }
  func.func @transform_4(%arg0: i32) -> (i32, i32, i32) {
    %c0_i32 = arith.constant 0 : i32
    %c0_i32_0 = arith.constant 0 : i32
    %c0_i32_1 = arith.constant 0 : i32
    return %c0_i32, %arg0, %c0_i32_0 : i32, i32, i32
  }
  func.func @transform_5(%arg0: i32) -> (i32, i32, i32) {
    %c1_i32 = arith.constant 1 : i32
    %c0_i32 = arith.constant 0 : i32
    %c0_i32_0 = arith.constant 0 : i32
    return %c1_i32, %arg0, %c0_i32 : i32, i32, i32
  }
  func.func @transform_6(%arg0: i32) -> (i32, i32) {
    %c0_i32 = arith.constant 0 : i32
    %c0_i32_0 = arith.constant 0 : i32
    return %arg0, %c0_i32 : i32, i32
  }
  func.func @transform_7(%arg0: i32) -> (i32, i32) {
    %c0_i32 = arith.constant 0 : i32
    %c0_i32_0 = arith.constant 0 : i32
    %c0_i32_1 = arith.constant 0 : i32
    return %c0_i32, %c0_i32_0 : i32, i32
  }
}

</mosaic_0001>

<sc_bundles>
// kernel: kernel.11.cloned.1.call-start
scs
__scs_entry_jumppad:
0x0: {  	(pc) =	sbr.rel $0x88, $3  }
0x1: {  	(tag) =	ssettag $0x0;
	lr =	simm.s32 $0x1  }
0x2: {  	[smem:$0x3F96] =	sst lr;
	_ =	strace $0xD0000000  }
0x3: {  	_ = 	snop  }
0x4: {  	_ = 	snop  }
0x5: {  	_ = 	snop  }
0x6: {  	_ = 	snop  }
0x7: {  	_ = 	snop  }
__scs_overlays_trampoline_lowered:
0x8: {  	[smem:$0x3FA5] =	sst s0  }
0x9: {  	[smem:$0x3FA6] =	sst s1  }
0xa: {  	[smem:$0x3FA7] =	sst s2  }
0xb: {  	[smem:$0x3FA8] =	sst s3  }
0xc: {  	[smem:$0x3FA9] =	sst s4  }
0xd: {  	[smem:$0x3FAA] =	sst s5  }
0xe: {  	[smem:$0x3FAB] =	sst s6  }
0xf: {  	[smem:$0x3FAC] =	sst s7  }
0x10: {  	[smem:$0x3FAD] =	sst s8  }
0x11: {  	[smem:$0x3FAE] =	sst s9;
	s0 =	simm.s32 @!p0 $0x0  }
0x12: {  	s1 =	sld [smem:$0x3F94];
	s0 =	simm.s32 @p0 $0x1  }
0x13: {  	[smem:$0x3FAF] =	sst s0;
	s0 =	simm.s32 @!p1 $0x0  }
0x14: {  	s2 =	sld [smem:$0x3F93];
	s0 =	simm.s32 @p1 $0x1  }
0x15: {  	[smem:$0x3FB0] =	sst s0;
	s0 =	simm.s32 @!p2 $0x0  }
0x16: {  	s3 =	sld [smem:$0x3FDB];
	s0 =	simm.s32 @p2 $0x1  }
0x17: {  	s4 =	simm.s32 $0x1BF5;
	[smem:$0x3FB2] =	sst s0  }
0x18: {  	s0 =	sld [smem:$0x3F95];
	_ =	swait.ge [sflag:s4], $0x0  }
0x19: {  	s7 =	sld [smem:$0x3F96]  }
0x1a: {  	s8 =	sadd.s32 $0xFFFFE003, lr  }
0x1b: {  	s9 =	sadd.s32 $0xFFFFFEF7, lr;
	s5 =	simm.s32 $0xFFFFFFFF;
	p2 =	slt.u32 s8, $0xFFFFF086  }
0x1c: {  	p1 =	slt.u32 s9, $0xF7A;
	s5 =	simm.s32 @!p2 $0x0  }
0x1d: {  	s5 =	simm.s32 @p1 $0x1;
	p0 =	seq.s32 s7, s2  }
0x1e: {  	s7 =	smul.u32 @!p0 $0xF7A, s2;
	p2 =	seq.s32 @!p0 s5, $0x0  }
0x1f: {  	s9 =	smul.u32 $0xF7A, s1;
	s8 =	simm.s32 @!p0 $0x1BF5;
	p2 =	por !p2, p0  }
0x20: {  	[sflag:s8] =	ssyncset.s32 @!p0 $0xFFFFF086;
	s6 =	sadd.s32 @!p0 s3, s7;
	s7 =	simm.s32 @!p0 $0x108  }
0x21: {  	s3 =	sadd.s32 s3, s9;
	s6 =	sadd.s32 @!p0 $0x88, s6;
	s7 =	simm.s32 @p2 $0x1082  }
0x22: {  	[simem:s7], [sflag:s8] =	dma.local @!p0 [hbm:s6], $0xF7A  }
0x23: {  	s9 =	sor.u32 $0xD0000000, s2;
	s6 =	simm.s32 $0x108;
	_ =	swait.ge @!p0 [sflag:s8], $0x0  }
0x24: {  	s3 =	sadd.s32 $0x88, s3;
	s6 =	simm.s32 @!p1 $0x1082;
	[sflag:s4] =	ssyncset.s32 $0xFFFFF086  }
0x25: {  	[simem:s6], [sflag:s4] =	dma.local [hbm:s3], $0xF7A  }
0x26: {  	[smem:$0x3F96] =	sst s1;
	(tag) =	ssettag s2;
	_ =	strace s9  }
0x27: {  	s1 =	sld [smem:$0x3FA6]  }
0x28: {  	s2 =	sld [smem:$0x3FA7]  }
0x29: {  	s4 =	sld [smem:$0x3FA9]  }
0x2a: {  	p0 =	seq.s32 s5, $0x0;
	s5 =	sld [smem:$0x3FAA]  }
0x2b: {  	s6 =	sld [smem:$0x3FAB]  }
0x2c: {  	s7 =	sld [smem:$0x3FAC]  }
0x2d: {  	s3 =	simm.s32 $0x108;
	s8 =	sld [smem:$0x3FAD]  }
0x2e: {  	s3 =	simm.s32 @!p0 $0x1082;
	s9 =	sld [smem:$0x3FAE]  }
0x2f: {  	lr =	sadd.s32 s0, s3;
	s0 =	sld [smem:$0x3FA5]  }
0x30: {  	s3 =	sld [smem:$0x3FA8]  }
0x31: {  	[smem:$0x3FB1] =	sst s10  }
0x32: {  	s10 =	sld [smem:$0x3FAF];
	_ =	sdelay $0x3  }
0x33: {  	p0 =	seq.s32 s10, $0x1;
	s10 =	sld [smem:$0x3FB1];
	_ =	sdelay $0x3  }
0x34: {  	[smem:$0x3FB1] =	sst s10  }
0x35: {  	s10 =	sld [smem:$0x3FB0];
	_ =	sdelay $0x3  }
0x36: {  	p1 =	seq.s32 s10, $0x1;
	s10 =	sld [smem:$0x3FB1];
	_ =	sdelay $0x3  }
0x37: {  	[smem:$0x3FB1] =	sst s10  }
0x38: {  	s10 =	sld [smem:$0x3FB2]  }
0x39: {  	_ = 	snop;
	(pc) =	sbr.ind lr, $3  }
0x3a: {  	_ = 	snop  }
0x3b: {  	_ = 	snop  }
0x3c: {  	p2 =	seq.s32 s10, $0x1;
	s10 =	sld [smem:$0x3FB1]  }
0x3d: {  	_ =	shalt  }
0x3e: {  	_ =	shalt  }
0x3f: {  	_ =	shalt  }
0x40: {  	_ =	shalt  }
0x41: {  	_ =	shalt  }
0x42: {  	_ =	shalt  }
0x43: {  	_ =	shalt  }
0x44: {  	_ =	shalt  }
0x45: {  	_ =	shalt  }
0x46: {  	_ =	shalt  }
0x47: {  	_ =	shalt  }
0x48: {  	_ =	shalt  }
0x49: {  	_ =	shalt  }
0x4a: {  	_ =	shalt  }
0x4b: {  	_ =	shalt  }
0x4c: {  	_ =	shalt  }
0x4d: {  	_ =	shalt  }
0x4e: {  	_ =	shalt  }
0x4f: {  	_ =	shalt  }
0x50: {  	_ =	shalt  }
0x51: {  	_ =	shalt  }
0x52: {  	_ =	shalt  }
0x53: {  	_ =	shalt  }
0x54: {  	_ =	shalt  }
0x55: {  	_ =	shalt  }
0x56: {  	_ =	shalt  }
0x57: {  	_ =	shalt  }
0x58: {  	_ =	shalt  }
0x59: {  	_ =	shalt  }
0x5a: {  	_ =	shalt  }
0x5b: {  	_ =	shalt  }
0x5c: {  	_ =	shalt  }
0x5d: {  	_ =	shalt  }
0x5e: {  	_ =	shalt  }
0x5f: {  	_ =	shalt  }
0x60: {  	_ =	shalt  }
0x61: {  	_ =	shalt  }
0x62: {  	_ =	shalt  }
0x63: {  	_ =	shalt  }
0x64: {  	_ =	shalt  }
0x65: {  	_ =	shalt  }
0x66: {  	_ =	shalt  }
0x67: {  	_ =	shalt  }
0x68: {  	_ =	shalt  }
0x69: {  	_ =	shalt  }
0x6a: {  	_ =	shalt  }
0x6b: {  	_ =	shalt  }
0x6c: {  	_ =	shalt  }
0x6d: {  	_ =	shalt  }
0x6e: {  	_ =	shalt  }
0x6f: {  	_ =	shalt  }
0x70: {  	_ =	shalt  }
0x71: {  	_ =	shalt  }
0x72: {  	_ =	shalt  }
0x73: {  	_ =	shalt  }
0x74: {  	_ =	shalt  }
0x75: {  	_ =	shalt  }
0x76: {  	_ =	shalt  }
0x77: {  	_ =	shalt  }
0x78: {  	_ =	shalt  }
0x79: {  	_ =	shalt  }
0x7a: {  	_ =	shalt  }
0x7b: {  	_ =	shalt  }
0x7c: {  	_ =	shalt  }
0x7d: {  	_ =	shalt  }
0x7e: {  	_ =	shalt  }
0x7f: {  	_ =	shalt  }
0x80: {  	_ =	shalt  }
0x81: {  	_ =	shalt  }
0x82: {  	_ =	shalt  }
0x83: {  	_ =	shalt  }
0x84: {  	_ =	shalt  }
0x85: {  	_ =	shalt  }
0x86: {  	_ =	shalt  }
0x87: {  	_ =	shalt  }
.Lfunc_end0:
.L_simem_size_0:
called_computation_lowered:
.L_overlay_start_0:
0x88: {  	s2 =	sld [smem:$0x3FD9]  }
0x89: {  	s3 =	sld [smem:$0x3FFE];
	_ =	sdelay $0x1  }
0x8a: {  	s1 =	srdreg.scid  }
0x8b: {  	s0 =	sand.u32 $0x1, s1  }
0x8c: {  	s17 =	sshll.u32 s0, $0xA;
	s2 =	sadd.s32 s3, s2  }
0x8d: {  	s2 =	sadd.s32 s2, s17  }
0x8e: {  	[smem:$0x3FBD] =	sst s2  }
0x8f: {  	_ = 	snop  }
0x90: {  	(tm) =	ssettm $0x1  }
0x91: {  	s18 =	sld [smem:$0x3FFB];
	_ =	sdelay $0x3  }
0x92: {  	_ =	strace s18  }
0x93: {  	s2 =	sld [smem:$0x3FFC];
	_ =	sdelay $0x3  }
0x94: {  	_ =	strace s2  }
0x95: {  	s2 =	sld [smem:$0x3FFD];
	_ =	sdelay $0x3  }
0x96: {  	_ =	strace s2  }
0x97: {  	_ =	strace $0x8FFFFFFF  }
0x98: {  	s19 =	sld [smem:$0x3FDB];
	_ =	sdelay $0x1  }
0x99: {  	s20 =	simm.s32 $_scs_section_size  }
0x9a: {  	s4 =	simm.s32 $_size__tile_overlayer_lowered;
	s5 =	simm.s32 $_tile_overlayer_lowered  }
0x9b: {  	s6 =	simm.s32 $0x1BFF;
	s21 =	sshll.u32 s5, $0x1;
	s3 =	sadd.s32 s20, s19  }
0x9c: {  	s22 =	simm.s32 $0x0;
	s4 =	sshll.u32 s4, $0x1;
	s5 =	sadd.s32 s21, s3  }
0x9d: {  	[timem:s22], [sflag:s6] =	dma.local [hbm:s5], s4  }
0x9e: {  	_ =	swait.ge [sflag:s6], s4  }
0x9f: {  	s4 =	ssub.s32 $0x0, s4;
	[sflag:s6] =	ssyncset.done $0x0  }
0xa0: {  	[sflag:s6] =	ssyncadd.s32 s4;
	_ =	sdelay $0x1  }
0xa1: {  	s23 =	simm.s32 $0x1B8B  }
0xa2: {  	_ =	swait.ge [sflag:s23], $0x1  }
0xa3: {  	[sflag:s23] =	ssyncset.done $0x0  }
0xa4: {  	[sflag:s23] =	ssyncadd.s32 $0xFFFFFFFF  }
0xa5: {  	s4 =	sld [smem:$0x0]  }
0xa6: {  	s5 =	sand.u32 $0xFFFFFFFE, s1  }
0xa7: {  	p0 =	sne.s32 s1, s5  }
0xa8: {  	s5 =	sshll.u32 @p0 s5, $0xE  }
0xa9: {  	s5 =	sadd.s32 @p0 $0x11B8D, s5;
	s6 =	sshll.u32 @p0 s4, $0x11  }
0xaa: {  	s5 =	sor.u32 @p0 s6, s5  }
0xab: {  	[sflag:s5] =	ssyncadd.remote.s32 @p0 $0x1;
	_ =	sdelay $0x1  }
0xac: {  	s5 =	simm.s32 @p0 $0x1B8D  }
0xad: {  	_ =	swait.eq @p0 [sflag:s5], $0x1  }
0xae: {  	[sflag:s5] =	ssyncadd.s32 @p0 $0xFFFFFFFF  }
0xaf: {  	s6 =	sshll.u32 @!p0 s1, $0xE  }
0xb0: {  	s6 =	sor.u32 @!p0 $0x4000, s6;
	s5 =	simm.s32 @!p0 $0x1B8D  }
0xb1: {  	s4 =	sshll.u32 @!p0 s4, $0x11;
	s6 =	sadd.s32 @!p0 $0x11B8D, s6;
	_ =	swait.eq @!p0 [sflag:s5], $0x1  }
0xb2: {  	s4 =	sor.u32 @!p0 s4, s6;
	[sflag:s5] =	ssyncadd.s32 @!p0 $0xFFFFFFFF  }
0xb3: {  	s25 =	simm.s32 $0x1B8E;
	s24 =	sld [smem:$0x3FFE];
	[sflag:s4] =	ssyncadd.remote.s32 @!p0 $0x1  }
0xb4: {  	s26 =	simm.s32 $execute0_lowered;
	[smem:$0x3FD2] =	sst s25  }
0xb5: {  	s5 =	sshll.u32 s26, $0x1;
	_ =	strace $0x80000049;
	[dreg:$0x1] =	wrdreg $0xFFFFFFFF  }
0xb6: {  	s28 =	simm.s32 $_size_execute0_lowered;
	s3 =	sadd.s32 s3, s5;
	[dreg:$0x0] =	wrdreg $0x0  }
0xb7: {  	s5 =	sshll.u32 s28, $0x1;
	[dreg:$0x2] =	wrdreg s3  }
0xb8: {  	[dreg:$0x3] =	wrdreg s5  }
0xb9: {  	[dreg:$0x4] =	wrdreg $0xC0  }
0xba: {  	_ =	task [dreg:s22], $0x5FFFF  }
0xbb: {  	[dreg:$0x1] =	wrdreg $0xFFFFFFFF  }
0xbc: {  	[dreg:$0x0] =	wrdreg $0x60  }
0xbd: {  	[dreg:$0x2] =	wrdreg s24  }
0xbe: {  	[dreg:$0x3] =	wrdreg $0x68000  }
0xbf: {  	[dreg:$0x4] =	wrdreg $0x9  }
0xc0: {  	_ =	task.clear_ibuf [dreg:s22], $0x5FFFF;
	_ =	strace $0x90000049  }
0xc1: {  	s29 =	simm.s32 $0x9;
	_ =	strace $0x8000004B  }
0xc2: {  	_ =	swait.ge [sflag:s29], $0x1  }
0xc3: {  	[sflag:s29] =	ssyncadd.s32 $0xFFFFFFFF  }
0xc4: {  	_ =	strace $0x9000004B  }
0xc5: {  	_ =	sfence  }
0xc6: {  	s30 =	sld [smem:$0x0];
	_ =	sdelay $0x2  }
0xc7: {  	s31 =	sshll.u32 s1, $0xD;
	s1 =	sshrl.u32 s1, $0x2  }
0xc8: {  	s4 =	sand.u32 $0x4000, s31;
	s1 =	sadd.s32 s1, s30  }
0xc9: {  	s0 =	sor.u32 s4, s0;
	s1 =	sshll.u32 s1, $0x11  }
0xca: {  	s0 =	sor.u32 s1, s0  }
0xcb: {  	s0 =	sadd.s32 $0x8F2B, s0  }
0xcc: {  	[sflag:s0] =	ssyncadd.remote.s32 $0x1  }
0xcd: {  	_ =	sfence.sel $0xFFFF  }
0xce: {  	[dreg:$0x0] =	wrdreg $0xFFFFFFFF;
	(pc) =	sbr.abs _section_cstart, $3  }
0xcf: {  	[dreg:$0x1] =	wrdreg $0xFFFFFFFF  }
0xd0: {  	_ =	task.clear_ibuf [dreg:s22], $0x2FFFF;
	_ =	strace $0x9FFFFFFF  }
0xd1: {  	(tm) =	ssettm $0x7FFFFFFF  }
tec
execute0_lowered:
.L_overlay_start_1:
0x0: {  	(tag) =	ssettag $0x1  }
0x1: {  	s1 =	srdreg.scid  }
0x2: {  	s0 =	stileid.u32;
	s7 =	rddreg [dreg:$0x0]  }
0x3: {  	s2 =	rddreg [dreg:$0x1];
	s3 =	simm.s32 $0x0;
	s16 =	simm.s32 $0x80  }
0x4: {  	s19 =	simm.s32 $0x0;
	s5 =	sand.u32 $0x1, s1;
	s6 =	smul.u32 $0x2A00, s0  }
0x5: {  	s25 =	sshll.u32 s0, $0x1;
	s1 =	rddreg [dreg:$0x2];
	s10 =	smul.u32 $0x54000, s0  }
0x6: {  	[smem:$0x7FF] =	sst s3;
	s11 =	sadd.s32 $0x90A00, s7;
	s28 =	smul.u32 $0x13800, s0  }
0x7: {  	s14 =	sadd.s32 $0x13B000, s2;
	s30 =	smul.u32 $0x4E000, s0;
	s17 =	sadd.s32 $0x124800, s2  }
0x8: {  	p0 =	seq.s32 s0, $0xF;
	s4 =	sor.u32 s5, s25;
	_ =	strace $0x8000004A  }
0x9: {  	s9 =	ssub.s32 $0x2, s5;
	s13 =	smul.u32 $0x138800, s5;
	s17 =	sshrl.u32 @p0 s17, $0x3  }
0xa: {  	s4 =	smul.u32 $0x500, s4;
	s12 =	sshrl.u32 s9, $0x1;
	s26 =	sshrl.u32 s10, $0x2  }
0xb: {  	s6 =	sadd.s32 s6, s7;
	s12 =	ssub.s32 s9, s12;
	s15 =	sadd.s32 s26, s2  }
0xc: {  	s6 =	sadd.s32 $0x3E00, s6;
	s29 =	sadd.s32 s28, s13;
	s31 =	sshrl.u32 s13, $0x3  }
0xd: {  	s9 =	sshrl.u32 s30, $0x2;
	s13 =	sshrl.u32 @p0 s14, $0x3;
	s14 =	sshll.u32 @!p0 s0, $0x6  }
0xe: {  	s8 =	sadd.s32 s4, s7;
	s4 =	sadd.s32 $0x2E000, s7;
	s7 =	sadd.s32 $0x2B400, s7  }
0xf: {  	s10 =	sadd.s32 s11, s31;
	s18 =	sadd.s32 s9, s2;
	s14 =	sor.u32 @!p0 $0x1C01, s14  }
0x10: {  	s15 =	sshrl.u32 @!p0 s15, $0x3;
	s5 =	sadd.s32 $0x86A00, s8;
	s8 =	sshrl.u32 s29, $0x3  }
0x11: {  	s9 =	sadd.s32 $0x24900, s10;
	s10 =	smax.u32 s12, $0x1;
	s12 =	simm.s32 $0x1  }
0x12: {  	s18 =	sshrl.u32 @!p0 s18, $0x3;
	s8 =	sadd.s32 s11, s8;
	s11 =	simm.s32 $0x2800  }
.LBB2_1:
0x13: {  	[tilespmem:s11], [sflag:$0x1] =	stream.linear.gather [hbm4b:s4+s3], $0x4000, $0x38;
	[tilespmem:$0x1B880] =	vst v63  }
0x14: {  	_ =	swait.ge [sflag:s12], $0x4000  }
0x15: {  	[sflag:s12] =	ssyncset.done $0x0  }
0x16: {  	[sflag:s12] =	ssyncadd.s32 $0xFFFFC000  }
0x17: {  	[tilespmem:s3], [sflag:$0x1] =	stream.linear.gather [hbm4b:s5+s3], $0x2800, $0x38;
	[tilespmem:$0x1B880] =	vst v63  }
0x18: {  	_ =	swait.ge [sflag:s12], $0x2800  }
0x19: {  	[sflag:s12] =	ssyncset.done $0x0  }
0x1a: {  	s20 =	simm.s32 @p0 $0x1FC1;
	[sflag:s12] =	ssyncadd.s32 $0xFFFFD800  }
0x1b: {  	[spmem:s13], [sflag:s20] =	dma.local @p0 [hbm:s7], $0x2B00  }
0x1c: {  	s20 =	simm.s32 @p0 $0x1  }
0x1d: {  	_ =	swait.ge @p0 [sflag:s20], $0x2B00  }
0x1e: {  	[sflag:s20] =	ssyncset.done @p0 $0x0  }
0x1f: {  	[sflag:s20] =	ssyncadd.s32 @p0 $0xFFFFD500;
	s20 =	simm.s32 @!p0 $0x1  }
0x20: {  	[spmem:s15], [sflag:s14] =	dma.local @!p0 [hbm:s6], $0x2A00  }
0x21: {  	_ =	swait.ge @!p0 [sflag:s20], $0x2A00  }
0x22: {  	[sflag:s20] =	ssyncset.done @!p0 $0x0  }
0x23: {  	[sflag:s20] =	ssyncadd.s32 @!p0 $0xFFFFD600  }
0x24: {  	s31 =	simm.s32 $0x0;
	[bflag:$0x0] =	sbarrier.arrive $0xFFFF  }
0x25: {  	[spmem:s2] =	stream.indirect.scatter.add.f32 [tilespmem:s11], [sflag:$0x1], $0x80, s31, s16, $0xb8;
	[tilespmem:$0x1B880] =	vst v63  }
0x26: {  	_ =	swait.ge [sflag:s12], $0x4000  }
0x27: {  	s20 =	simm.s32 $0x200;
	[sflag:s12] =	ssyncset.done $0x0  }
.LBB2_2:
0x28: {  	s21 =	sshra.s32 s20, $0x2;
	[sflag:s12] =	ssyncadd.s32 $0xFFFFC000;
	p1 =	sne.s32 s20, $0x9E00  }
0x29: {  	[spmem:s2] =	stream.indirect.scatter.add.f32 [tilespmem:s11], [sflag:$0x1], $0x80, s21, s16, $0xb8;
	[tilespmem:$0x1B880] =	vst v63  }
.Ltmp0:
0x2a: {  	_ = 	snop;
	(pc) =	sbr.rel @p1 .LBB2_2-.Ltmp0, $4  }
0x2b: {  	_ = 	snop  }
0x2c: {  	s20 =	sadd.s32 $0x200, s20  }
0x2d: {  	_ =	swait.ge [sflag:s12], $0x4000  }
0x2e: {  	[sflag:s12] =	ssyncset.done $0x0  }
0x2f: {  	[sflag:s12] =	ssyncadd.s32 $0xFFFFC000  }
0x30: {  	s20 =	simm.s32 @p0 $0x1FC1;
	[bflag:$0x0] =	sbarrier.arrive $0xFFFF  }
0x31: {  	[hbm:s9], [sflag:s20] =	dma.local @p0 [spmem:s17], $0x2800  }
0x32: {  	s20 =	simm.s32 @p0 $0x1  }
0x33: {  	s19 =	sadd.s32 $0x1, s19;
	_ =	swait.ge @p0 [sflag:s20], $0x2800  }
0x34: {  	p1 =	sne.s32 s19, s10;
	[sflag:s20] =	ssyncset.done @p0 $0x0  }
.Ltmp1:
0x35: {  	[sflag:s20] =	ssyncadd.s32 @p0 $0xFFFFD800;
	s20 =	simm.s32 @!p0 $0x1;
	(pc) =	sbr.rel @p1 .LBB2_1-.Ltmp1, $4  }
0x36: {  	[hbm:s8], [sflag:s14] =	dma.local @!p0 [spmem:s18], $0x2700  }
0x37: {  	_ =	swait.ge @!p0 [sflag:s20], $0x2700  }
0x38: {  	[sflag:s20] =	ssyncset.done @!p0 $0x0  }
0x39: {  	[sflag:s20] =	ssyncadd.s32 @!p0 $0xFFFFD900  }
0x3a: {  	_ =	sfence.sel $0x180000  }
0x3b: {  	[bflag:$0x0] =	sbarrier.arrive $0xFFFF  }
0x3c: {  	p0 =	sne.s32 s0, $0x0;
	_ =	strace $0x9000004A  }
0x3d: {  	s0 =	sadd.s32 @!p0 $0x100000, s1;
	[bflag:$0x2] =	sbarrier.arrive $0xFFFF  }
0x3e: {  	[sflag:s0] =	ssyncadd.tile.s32 @!p0 $0x1;
	_ =	shalt  }
.Lfunc_end2:
_tile_overlayer_lowered:
.L_overlay_start_2:
0x3f: {  	(tag) =	ssettag $0x2  }
0x40: {  	s0 =	rddreg [dreg:$0x0];
	s2 =	stileid.u32  }
0x41: {  	s1 =	rddreg [dreg:$0x1];
	p0 =	sne.s32 s2, $0x0  }
0x42: {  	s3 =	rddreg [dreg:$0x2];
	[bflag:$0x3] =	sbarrier.arrive $0xFFFF;
	s2 =	simm.s32 @!p0 $0x1C01  }
0x43: {  	[timem:s3], [sflag:s2] =	dma.local @!p0 [hbm:s0], s1  }
0x44: {  	s0 =	simm.s32 @!p0 $0x1  }
0x45: {  	_ =	swait.ge @!p0 [sflag:s0], s1  }
0x46: {  	s1 =	ssub.s32 @!p0 $0x0, s1;
	[sflag:s0] =	ssyncset.done @!p0 $0x0  }
0x47: {  	[sflag:s0] =	ssyncadd.s32 @!p0 s1  }
0x48: {  	[bflag:$0x3] =	sbarrier.arrive $0xFFFF  }
0x49: {  	_ =	shalt  }

// kernel: kernel.14.cloned.1.call-start
scs
__scs_entry_jumppad:
0x0: {  	(pc) =	sbr.rel $0x88, $3  }
0x1: {  	(tag) =	ssettag $0x0;
	lr =	simm.s32 $0x1  }
0x2: {  	[smem:$0x3F96] =	sst lr;
	_ =	strace $0xD0000000  }
0x3: {  	_ = 	snop  }
0x4: {  	_ = 	snop  }
0x5: {  	_ = 	snop  }
0x6: {  	_ = 	snop  }
0x7: {  	_ = 	snop  }
__scs_overlays_trampoline_lowered:
0x8: {  	[smem:$0x3FA5] =	sst s0  }
0x9: {  	[smem:$0x3FA6] =	sst s1  }
0xa: {  	[smem:$0x3FA7] =	sst s2  }
0xb: {  	[smem:$0x3FA8] =	sst s3  }
0xc: {  	[smem:$0x3FA9] =	sst s4  }
0xd: {  	[smem:$0x3FAA] =	sst s5  }
0xe: {  	[smem:$0x3FAB] =	sst s6  }
0xf: {  	[smem:$0x3FAC] =	sst s7  }
0x10: {  	[smem:$0x3FAD] =	sst s8  }
0x11: {  	[smem:$0x3FAE] =	sst s9;
	s0 =	simm.s32 @!p0 $0x0  }
0x12: {  	s1 =	sld [smem:$0x3F94];
	s0 =	simm.s32 @p0 $0x1  }
0x13: {  	[smem:$0x3FAF] =	sst s0;
	s0 =	simm.s32 @!p1 $0x0  }
0x14: {  	s2 =	sld [smem:$0x3F93];
	s0 =	simm.s32 @p1 $0x1  }
0x15: {  	[smem:$0x3FB0] =	sst s0;
	s0 =	simm.s32 @!p2 $0x0  }
0x16: {  	s3 =	sld [smem:$0x3FDB];
	s0 =	simm.s32 @p2 $0x1  }
0x17: {  	s4 =	simm.s32 $0x1BF5;
	[smem:$0x3FB2] =	sst s0  }
0x18: {  	s0 =	sld [smem:$0x3F95];
	_ =	swait.ge [sflag:s4], $0x0  }
0x19: {  	s7 =	sld [smem:$0x3F96]  }
0x1a: {  	s8 =	sadd.s32 $0xFFFFE003, lr  }
0x1b: {  	s9 =	sadd.s32 $0xFFFFFEF7, lr;
	s5 =	simm.s32 $0xFFFFFFFF;
	p2 =	slt.u32 s8, $0xFFFFF086  }
0x1c: {  	p1 =	slt.u32 s9, $0xF7A;
	s5 =	simm.s32 @!p2 $0x0  }
0x1d: {  	s5 =	simm.s32 @p1 $0x1;
	p0 =	seq.s32 s7, s2  }
0x1e: {  	s7 =	smul.u32 @!p0 $0xF7A, s2;
	p2 =	seq.s32 @!p0 s5, $0x0  }
0x1f: {  	s9 =	smul.u32 $0xF7A, s1;
	s8 =	simm.s32 @!p0 $0x1BF5;
	p2 =	por !p2, p0  }
0x20: {  	[sflag:s8] =	ssyncset.s32 @!p0 $0xFFFFF086;
	s6 =	sadd.s32 @!p0 s3, s7;
	s7 =	simm.s32 @!p0 $0x108  }
0x21: {  	s3 =	sadd.s32 s3, s9;
	s6 =	sadd.s32 @!p0 $0x88, s6;
	s7 =	simm.s32 @p2 $0x1082  }
0x22: {  	[simem:s7], [sflag:s8] =	dma.local @!p0 [hbm:s6], $0xF7A  }
0x23: {  	s9 =	sor.u32 $0xD0000000, s2;
	s6 =	simm.s32 $0x108;
	_ =	swait.ge @!p0 [sflag:s8], $0x0  }
0x24: {  	s3 =	sadd.s32 $0x88, s3;
	s6 =	simm.s32 @!p1 $0x1082;
	[sflag:s4] =	ssyncset.s32 $0xFFFFF086  }
0x25: {  	[simem:s6], [sflag:s4] =	dma.local [hbm:s3], $0xF7A  }
0x26: {  	[smem:$0x3F96] =	sst s1;
	(tag) =	ssettag s2;
	_ =	strace s9  }
0x27: {  	s1 =	sld [smem:$0x3FA6]  }
0x28: {  	s2 =	sld [smem:$0x3FA7]  }
0x29: {  	s4 =	sld [smem:$0x3FA9]  }
0x2a: {  	p0 =	seq.s32 s5, $0x0;
	s5 =	sld [smem:$0x3FAA]  }
0x2b: {  	s6 =	sld [smem:$0x3FAB]  }
0x2c: {  	s7 =	sld [smem:$0x3FAC]  }
0x2d: {  	s3 =	simm.s32 $0x108;
	s8 =	sld [smem:$0x3FAD]  }
0x2e: {  	s3 =	simm.s32 @!p0 $0x1082;
	s9 =	sld [smem:$0x3FAE]  }
0x2f: {  	lr =	sadd.s32 s0, s3;
	s0 =	sld [smem:$0x3FA5]  }
0x30: {  	s3 =	sld [smem:$0x3FA8]  }
0x31: {  	[smem:$0x3FB1] =	sst s10  }
0x32: {  	s10 =	sld [smem:$0x3FAF];
	_ =	sdelay $0x3  }
0x33: {  	p0 =	seq.s32 s10, $0x1;
	s10 =	sld [smem:$0x3FB1];
	_ =	sdelay $0x3  }
0x34: {  	[smem:$0x3FB1] =	sst s10  }
0x35: {  	s10 =	sld [smem:$0x3FB0];
	_ =	sdelay $0x3  }
0x36: {  	p1 =	seq.s32 s10, $0x1;
	s10 =	sld [smem:$0x3FB1];
	_ =	sdelay $0x3  }
0x37: {  	[smem:$0x3FB1] =	sst s10  }
0x38: {  	s10 =	sld [smem:$0x3FB2]  }
0x39: {  	_ = 	snop;
	(pc) =	sbr.ind lr, $3  }
0x3a: {  	_ = 	snop  }
0x3b: {  	_ = 	snop  }
0x3c: {  	p2 =	seq.s32 s10, $0x1;
	s10 =	sld [smem:$0x3FB1]  }
0x3d: {  	_ =	shalt  }
0x3e: {  	_ =	shalt  }
0x3f: {  	_ =	shalt  }
0x40: {  	_ =	shalt  }
0x41: {  	_ =	shalt  }
0x42: {  	_ =	shalt  }
0x43: {  	_ =	shalt  }
0x44: {  	_ =	shalt  }
0x45: {  	_ =	shalt  }
0x46: {  	_ =	shalt  }
0x47: {  	_ =	shalt  }
0x48: {  	_ =	shalt  }
0x49: {  	_ =	shalt  }
0x4a: {  	_ =	shalt  }
0x4b: {  	_ =	shalt  }
0x4c: {  	_ =	shalt  }
0x4d: {  	_ =	shalt  }
0x4e: {  	_ =	shalt  }
0x4f: {  	_ =	shalt  }
0x50: {  	_ =	shalt  }
0x51: {  	_ =	shalt  }
0x52: {  	_ =	shalt  }
0x53: {  	_ =	shalt  }
0x54: {  	_ =	shalt  }
0x55: {  	_ =	shalt  }
0x56: {  	_ =	shalt  }
0x57: {  	_ =	shalt  }
0x58: {  	_ =	shalt  }
0x59: {  	_ =	shalt  }
0x5a: {  	_ =	shalt  }
0x5b: {  	_ =	shalt  }
0x5c: {  	_ =	shalt  }
0x5d: {  	_ =	shalt  }
0x5e: {  	_ =	shalt  }
0x5f: {  	_ =	shalt  }
0x60: {  	_ =	shalt  }
0x61: {  	_ =	shalt  }
0x62: {  	_ =	shalt  }
0x63: {  	_ =	shalt  }
0x64: {  	_ =	shalt  }
0x65: {  	_ =	shalt  }
0x66: {  	_ =	shalt  }
0x67: {  	_ =	shalt  }
0x68: {  	_ =	shalt  }
0x69: {  	_ =	shalt  }
0x6a: {  	_ =	shalt  }
0x6b: {  	_ =	shalt  }
0x6c: {  	_ =	shalt  }
0x6d: {  	_ =	shalt  }
0x6e: {  	_ =	shalt  }
0x6f: {  	_ =	shalt  }
0x70: {  	_ =	shalt  }
0x71: {  	_ =	shalt  }
0x72: {  	_ =	shalt  }
0x73: {  	_ =	shalt  }
0x74: {  	_ =	shalt  }
0x75: {  	_ =	shalt  }
0x76: {  	_ =	shalt  }
0x77: {  	_ =	shalt  }
0x78: {  	_ =	shalt  }
0x79: {  	_ =	shalt  }
0x7a: {  	_ =	shalt  }
0x7b: {  	_ =	shalt  }
0x7c: {  	_ =	shalt  }
0x7d: {  	_ =	shalt  }
0x7e: {  	_ =	shalt  }
0x7f: {  	_ =	shalt  }
0x80: {  	_ =	shalt  }
0x81: {  	_ =	shalt  }
0x82: {  	_ =	shalt  }
0x83: {  	_ =	shalt  }
0x84: {  	_ =	shalt  }
0x85: {  	_ =	shalt  }
0x86: {  	_ =	shalt  }
0x87: {  	_ =	shalt  }
.Lfunc_end0:
.L_simem_size_0:
called_computation.1_lowered:
.L_overlay_start_0:
0x88: {  	s2 =	sld [smem:$0x3FD9]  }
0x89: {  	s3 =	sld [smem:$0x3FFE];
	_ =	sdelay $0x1  }
0x8a: {  	s1 =	srdreg.scid  }
0x8b: {  	s0 =	sand.u32 $0x1, s1  }
0x8c: {  	s16 =	sshll.u32 s0, $0xA;
	s2 =	sadd.s32 s3, s2  }
0x8d: {  	s2 =	sadd.s32 s2, s16  }
0x8e: {  	[smem:$0x3FBD] =	sst s2  }
0x8f: {  	_ = 	snop  }
0x90: {  	(tm) =	ssettm $0x1  }
0x91: {  	s17 =	sld [smem:$0x3FFB];
	_ =	sdelay $0x3  }
0x92: {  	_ =	strace s17  }
0x93: {  	s2 =	sld [smem:$0x3FFC];
	_ =	sdelay $0x3  }
0x94: {  	_ =	strace s2  }
0x95: {  	s2 =	sld [smem:$0x3FFD];
	_ =	sdelay $0x3  }
0x96: {  	_ =	strace s2  }
0x97: {  	_ =	strace $0x8FFFFFFF  }
0x98: {  	s18 =	sld [smem:$0x3FDB];
	_ =	sdelay $0x1  }
0x99: {  	s19 =	simm.s32 $_scs_section_size  }
0x9a: {  	s4 =	simm.s32 $_size__tile_overlayer_lowered;
	s5 =	simm.s32 $_tile_overlayer_lowered  }
0x9b: {  	s22 =	simm.s32 $0x1BFF;
	s21 =	sshll.u32 s5, $0x1;
	s2 =	sadd.s32 s19, s18  }
0x9c: {  	s6 =	simm.s32 $0x0;
	s20 =	sshll.u32 s4, $0x1;
	s4 =	sadd.s32 s21, s2  }
0x9d: {  	[timem:s6], [sflag:s22] =	dma.local [hbm:s4], s20  }
0x9e: {  	_ =	swait.ge [sflag:s22], s20  }
0x9f: {  	s3 =	ssub.s32 $0x0, s20;
	[sflag:s22] =	ssyncset.done $0x0  }
0xa0: {  	[sflag:s22] =	ssyncadd.s32 s3;
	_ =	sdelay $0x1  }
0xa1: {  	s23 =	simm.s32 $0x1B8B  }
0xa2: {  	_ =	swait.ge [sflag:s23], $0x1  }
0xa3: {  	[sflag:s23] =	ssyncset.done $0x0  }
0xa4: {  	s25 =	simm.s32 $0x1B8E;
	s24 =	sld [smem:$0x3FFE];
	[sflag:s23] =	ssyncadd.s32 $0xFFFFFFFF  }
0xa5: {  	s26 =	simm.s32 $execute0_lowered;
	[smem:$0x3FD2] =	sst s25  }
0xa6: {  	s4 =	sshll.u32 s26, $0x1;
	_ =	strace $0x80000046;
	[dreg:$0x1] =	wrdreg $0xFFFFFFFF  }
0xa7: {  	s28 =	simm.s32 $_size_execute0_lowered;
	s2 =	sadd.s32 s2, s4;
	[dreg:$0x0] =	wrdreg $0x0  }
0xa8: {  	s4 =	sshll.u32 s28, $0x1;
	[dreg:$0x2] =	wrdreg s2  }
0xa9: {  	[dreg:$0x3] =	wrdreg s4  }
0xaa: {  	[dreg:$0x4] =	wrdreg $0xC0  }
0xab: {  	_ =	task [dreg:s6], $0x5FFFF  }
0xac: {  	[dreg:$0x1] =	wrdreg $0xFFFFFFFF  }
0xad: {  	[dreg:$0x0] =	wrdreg $0x60  }
0xae: {  	[dreg:$0x2] =	wrdreg s24  }
0xaf: {  	[dreg:$0x3] =	wrdreg $0x41000  }
0xb0: {  	[dreg:$0x4] =	wrdreg $0xA  }
0xb1: {  	_ =	task.clear_ibuf [dreg:s6], $0x5FFFF;
	_ =	strace $0x90000046  }
0xb2: {  	s29 =	simm.s32 $0xA;
	_ =	strace $0x80000048  }
0xb3: {  	_ =	swait.ge [sflag:s29], $0x1  }
0xb4: {  	[sflag:s29] =	ssyncadd.s32 $0xFFFFFFFF  }
0xb5: {  	_ =	strace $0x90000048  }
0xb6: {  	_ =	sfence  }
0xb7: {  	s30 =	sld [smem:$0x0];
	_ =	sdelay $0x2  }
0xb8: {  	s31 =	sshll.u32 s1, $0xD;
	s1 =	sshrl.u32 s1, $0x2  }
0xb9: {  	s3 =	sand.u32 $0x4000, s31;
	s1 =	sadd.s32 s1, s30  }
0xba: {  	s0 =	sor.u32 s3, s0;
	s1 =	sshll.u32 s1, $0x11  }
0xbb: {  	s0 =	sor.u32 s1, s0  }
0xbc: {  	s0 =	sadd.s32 $0x8F2B, s0  }
0xbd: {  	[sflag:s0] =	ssyncadd.remote.s32 $0x1  }
0xbe: {  	_ =	sfence.sel $0xFFFF  }
0xbf: {  	[dreg:$0x0] =	wrdreg $0xFFFFFFFF;
	(pc) =	sbr.abs _section_cstart, $3  }
0xc0: {  	[dreg:$0x1] =	wrdreg $0xFFFFFFFF  }
0xc1: {  	_ =	task.clear_ibuf [dreg:s6], $0x2FFFF;
	_ =	strace $0x9FFFFFFF  }
0xc2: {  	(tm) =	ssettm $0x7FFFFFFF  }
0xc3: {  	_ =	shalt  }
tec
execute0_lowered:
.L_overlay_start_1:
0x0: {  	(tag) =	ssettag $0x1  }
0x1: {  	s17 =	rddreg [dreg:$0x0]  }
0x2: {  	s1 =	rddreg [dreg:$0x1]  }
0x3: {  	s0 =	rddreg [dreg:$0x2];
	s2 =	srdreg.scid  }
0x4: {  	s3 =	simm.s32 $0x0;
	s5 =	simm.s32 $0x100;
	s18 =	sand.u32 $0x1, s2  }
0x5: {  	[smem:$0x7FF] =	sst s3;
	s4 =	sadd.s32 $0x2E000, s17;
	s2 =	sshll.u32 s18, $0x5  }
0x6: {  	_ =	strace $0x80000047;
	s7 =	sadd.s32 s2, s17;
	s2 =	stileid.u32  }
0x7: {  	[tilespmem:s5], [sflag:$0x1] =	stream.linear.gather [hbm4b:s4+s3], $0x4000, $0x38;
	[tilespmem:$0x19180] =	vst v63  }
0x8: {  	s6 =	simm.s32 $0x1;
	s8 =	smul.u32 $0x2A00, s2;
	s9 =	sshll.u32 s2, $0x6  }
0x9: {  	s10 =	smul.u32 $0x54000, s2;
	_ =	swait.ge [sflag:s6], $0x4000;
	p0 =	seq.s32 s2, $0xF  }
0xa: {  	s7 =	sadd.s32 s9, s7;
	[sflag:s6] =	ssyncset.done $0x0;
	s9 =	sadd.s32 $0x13B000, s1  }
0xb: {  	s11 =	simm.s32 @p0 $0x1;
	s7 =	sadd.s32 $0x3A00, s7;
	[sflag:s6] =	ssyncadd.s32 $0xFFFFC000  }
0xc: {  	[tilespmem:s3], [sflag:$0x1] =	stream.linear.gather [hbm4b:s7+s3], $0x100, $0x38;
	[tilespmem:$0x19180] =	vst v63  }
0xd: {  	s14 =	sshll.u32 @!p0 s2, $0x6;
	s12 =	sadd.s32 s8, s17;
	_ =	swait.ge [sflag:s6], $0x100  }
0xe: {  	s13 =	sshrl.u32 s10, $0x2;
	s8 =	sadd.s32 $0x2B400, s17;
	[sflag:s6] =	ssyncset.done $0x0  }
0xf: {  	s9 =	sshrl.u32 @p0 s9, $0x3;
	s10 =	simm.s32 @p0 $0x1FC1;
	[sflag:s6] =	ssyncadd.s32 $0xFFFFFF00  }
0x10: {  	[spmem:s9], [sflag:s10] =	dma.local @p0 [hbm:s8], $0x2B00  }
0x11: {  	s14 =	sor.u32 @!p0 $0x1C01, s14;
	_ =	swait.ge @p0 [sflag:s11], $0x2B00  }
0x12: {  	s13 =	sadd.s32 s13, s1;
	s12 =	sadd.s32 $0x3E00, s12;
	[sflag:s11] =	ssyncset.done @p0 $0x0  }
0x13: {  	s15 =	sshrl.u32 @!p0 s13, $0x3;
	s13 =	simm.s32 @!p0 $0x1;
	[sflag:s11] =	ssyncadd.s32 @p0 $0xFFFFD500  }
0x14: {  	[spmem:s15], [sflag:s14] =	dma.local @!p0 [hbm:s12], $0x2A00  }
0x15: {  	_ =	swait.ge @!p0 [sflag:s13], $0x2A00  }
0x16: {  	[sflag:s13] =	ssyncset.done @!p0 $0x0  }
0x17: {  	s16 =	simm.s32 $0x80;
	s21 =	sadd.s32 $0x2E800, s17;
	[sflag:s13] =	ssyncadd.s32 @!p0 $0xFFFFD600  }
0x18: {  	s19 =	smul.u32 $0x138800, s18;
	s28 =	ssub.s32 $0x2, s18;
	[bflag:$0x0] =	sbarrier.arrive $0xFFFF  }
0x19: {  	[spmem:s1] =	stream.indirect.scatter.add.f32 [tilespmem:s5], [sflag:$0x1], $0x80, s3, s16, $0xb8;
	[tilespmem:$0x19180] =	vst v63  }
0x1a: {  	s18 =	sshrl.u32 s28, $0x1;
	s20 =	smul.u32 $0x13800, s2;
	_ =	swait.ge [sflag:s6], $0x4000  }
0x1b: {  	s22 =	ssub.s32 s28, s18;
	s23 =	smul.u32 $0x4E000, s2;
	[sflag:s6] =	ssyncset.done $0x0  }
0x1c: {  	s29 =	sshrl.u32 s19, $0x3;
	s18 =	sadd.s32 $0x124800, s1;
	[sflag:s6] =	ssyncadd.s32 $0xFFFFC000  }
0x1d: {  	[spmem:s1] =	stream.indirect.scatter.add.f32 [tilespmem:s5], [sflag:$0x1], $0x80, s16, s16, $0xb8;
	[tilespmem:$0x19180] =	vst v63  }
0x1e: {  	s18 =	sshrl.u32 @p0 s18, $0x3;
	s31 =	smax.u32 s22, $0x1;
	_ =	swait.ge [sflag:s6], $0x4000  }
0x1f: {  	s20 =	sadd.s32 s20, s19;
	s17 =	sadd.s32 s21, s29;
	[sflag:s6] =	ssyncset.done $0x0  }
0x20: {  	s20 =	sshrl.u32 s20, $0x3;
	s17 =	sadd.s32 $0x24900, s17;
	[sflag:s6] =	ssyncadd.s32 $0xFFFFC000  }
0x21: {  	s19 =	sadd.s32 s21, s20;
	s21 =	sadd.s32 $0xFFFFFFFF, s31;
	[bflag:$0x0] =	sbarrier.arrive $0xFFFF  }
0x22: {  	[hbm:s17], [sflag:s10] =	dma.local @p0 [spmem:s18], $0x2800  }
0x23: {  	s30 =	sshrl.u32 s23, $0x2;
	p1 =	sne.s32 s21, $0x0;
	_ =	swait.ge @p0 [sflag:s11], $0x2800  }
.Ltmp0:
0x24: {  	s20 =	sadd.s32 s30, s1;
	[sflag:s11] =	ssyncset.done @p0 $0x0;
	(pc) =	sbr.rel @!p1 .LBB2_2-.Ltmp0, $4  }
0x25: {  	s20 =	sshrl.u32 @!p0 s20, $0x3;
	[sflag:s11] =	ssyncadd.s32 @p0 $0xFFFFD800  }
0x26: {  	[hbm:s19], [sflag:s14] =	dma.local @!p0 [spmem:s20], $0x2700  }
0x27: {  	_ =	swait.ge @!p0 [sflag:s13], $0x2700  }
0x28: {  	[sflag:s13] =	ssyncset.done @!p0 $0x0  }
.LBB2_1:
0x29: {  	s21 =	sadd.s32 $0xFFFFFFFF, s21;
	[sflag:s13] =	ssyncadd.s32 @!p0 $0xFFFFD900  }
0x2a: {  	[tilespmem:s5], [sflag:$0x1] =	stream.linear.gather [hbm4b:s4+s3], $0x4000, $0x38;
	[tilespmem:$0x19180] =	vst v63  }
0x2b: {  	p1 =	sne.s32 s21, $0x0;
	_ =	swait.ge [sflag:s6], $0x4000  }
0x2c: {  	[sflag:s6] =	ssyncset.done $0x0  }
0x2d: {  	[sflag:s6] =	ssyncadd.s32 $0xFFFFC000  }
0x2e: {  	[tilespmem:s3], [sflag:$0x1] =	stream.linear.gather [hbm4b:s7+s3], $0x100, $0x38;
	[tilespmem:$0x19180] =	vst v63  }
0x2f: {  	_ =	swait.ge [sflag:s6], $0x100  }
0x30: {  	[sflag:s6] =	ssyncset.done $0x0  }
0x31: {  	[sflag:s6] =	ssyncadd.s32 $0xFFFFFF00  }
0x32: {  	[spmem:s9], [sflag:s10] =	dma.local @p0 [hbm:s8], $0x2B00  }
0x33: {  	_ =	swait.ge @p0 [sflag:s11], $0x2B00  }
0x34: {  	[sflag:s11] =	ssyncset.done @p0 $0x0  }
0x35: {  	[sflag:s11] =	ssyncadd.s32 @p0 $0xFFFFD500  }
0x36: {  	[spmem:s15], [sflag:s14] =	dma.local @!p0 [hbm:s12], $0x2A00  }
0x37: {  	_ =	swait.ge @!p0 [sflag:s13], $0x2A00  }
0x38: {  	[sflag:s13] =	ssyncset.done @!p0 $0x0  }
0x39: {  	[sflag:s13] =	ssyncadd.s32 @!p0 $0xFFFFD600  }
0x3a: {  	[bflag:$0x0] =	sbarrier.arrive $0xFFFF  }
0x3b: {  	[spmem:s1] =	stream.indirect.scatter.add.f32 [tilespmem:s5], [sflag:$0x1], $0x80, s3, s16, $0xb8;
	[tilespmem:$0x19180] =	vst v63  }
0x3c: {  	_ =	swait.ge [sflag:s6], $0x4000  }
0x3d: {  	[sflag:s6] =	ssyncset.done $0x0  }
0x3e: {  	[sflag:s6] =	ssyncadd.s32 $0xFFFFC000  }
0x3f: {  	[spmem:s1] =	stream.indirect.scatter.add.f32 [tilespmem:s5], [sflag:$0x1], $0x80, s16, s16, $0xb8;
	[tilespmem:$0x19180] =	vst v63  }
0x40: {  	_ =	swait.ge [sflag:s6], $0x4000  }
0x41: {  	[sflag:s6] =	ssyncset.done $0x0  }
0x42: {  	[sflag:s6] =	ssyncadd.s32 $0xFFFFC000  }
0x43: {  	[bflag:$0x0] =	sbarrier.arrive $0xFFFF  }
0x44: {  	[hbm:s17], [sflag:s10] =	dma.local @p0 [spmem:s18], $0x2800  }
0x45: {  	_ =	swait.ge @p0 [sflag:s11], $0x2800  }
.Ltmp1:
0x46: {  	[sflag:s11] =	ssyncset.done @p0 $0x0;
	(pc) =	sbr.rel @p1 .LBB2_1-.Ltmp1, $4  }
0x47: {  	[sflag:s11] =	ssyncadd.s32 @p0 $0xFFFFD800  }
0x48: {  	[hbm:s19], [sflag:s14] =	dma.local @!p0 [spmem:s20], $0x2700  }
0x49: {  	_ =	swait.ge @!p0 [sflag:s13], $0x2700  }
0x4a: {  	[sflag:s13] =	ssyncset.done @!p0 $0x0  }
.LBB2_2:
0x4b: {  	[sflag:s13] =	ssyncadd.s32 @!p0 $0xFFFFD900  }
0x4c: {  	_ =	sfence.sel $0x180000  }
0x4d: {  	[bflag:$0x0] =	sbarrier.arrive $0xFFFF  }
0x4e: {  	p0 =	sne.s32 s2, $0x0;
	_ =	strace $0x90000047  }
0x4f: {  	s0 =	sadd.s32 @!p0 $0x100000, s0;
	[bflag:$0x2] =	sbarrier.arrive $0xFFFF  }
0x50: {  	[sflag:s0] =	ssyncadd.tile.s32 @!p0 $0x1;
	_ =	shalt  }
.Lfunc_end2:
_tile_overlayer_lowered:
.L_overlay_start_2:
0x51: {  	(tag) =	ssettag $0x2  }
0x52: {  	s0 =	rddreg [dreg:$0x0];
	s2 =	stileid.u32  }
0x53: {  	s1 =	rddreg [dreg:$0x1];
	p0 =	sne.s32 s2, $0x0  }
0x54: {  	s3 =	rddreg [dreg:$0x2];
	[bflag:$0x3] =	sbarrier.arrive $0xFFFF;
	s2 =	simm.s32 @!p0 $0x1C01  }
0x55: {  	[timem:s3], [sflag:s2] =	dma.local @!p0 [hbm:s0], s1  }
0x56: {  	s0 =	simm.s32 @!p0 $0x1  }
0x57: {  	_ =	swait.ge @!p0 [sflag:s0], s1  }
0x58: {  	s1 =	ssub.s32 @!p0 $0x0, s1;
	[sflag:s0] =	ssyncset.done @!p0 $0x0  }
0x59: {  	[sflag:s0] =	ssyncadd.s32 @!p0 s1  }
0x5a: {  	[bflag:$0x3] =	sbarrier.arrive $0xFFFF  }
0x5b: {  	_ =	shalt  }

// kernel: kernel.17.cloned.1.call-start
scs
__scs_entry_jumppad:
0x0: {  	(pc) =	sbr.rel $0x88, $3  }
0x1: {  	(tag) =	ssettag $0x0;
	lr =	simm.s32 $0x1  }
0x2: {  	[smem:$0x3F96] =	sst lr;
	_ =	strace $0xD0000000  }
0x3: {  	_ = 	snop  }
0x4: {  	_ = 	snop  }
0x5: {  	_ = 	snop  }
0x6: {  	_ = 	snop  }
0x7: {  	_ = 	snop  }
__scs_overlays_trampoline_lowered:
0x8: {  	[smem:$0x3FA5] =	sst s0  }
0x9: {  	[smem:$0x3FA6] =	sst s1  }
0xa: {  	[smem:$0x3FA7] =	sst s2  }
0xb: {  	[smem:$0x3FA8] =	sst s3  }
0xc: {  	[smem:$0x3FA9] =	sst s4  }
0xd: {  	[smem:$0x3FAA] =	sst s5  }
0xe: {  	[smem:$0x3FAB] =	sst s6  }
0xf: {  	[smem:$0x3FAC] =	sst s7  }
0x10: {  	[smem:$0x3FAD] =	sst s8  }
0x11: {  	[smem:$0x3FAE] =	sst s9;
	s0 =	simm.s32 @!p0 $0x0  }
0x12: {  	s1 =	sld [smem:$0x3F94];
	s0 =	simm.s32 @p0 $0x1  }
0x13: {  	[smem:$0x3FAF] =	sst s0;
	s0 =	simm.s32 @!p1 $0x0  }
0x14: {  	s2 =	sld [smem:$0x3F93];
	s0 =	simm.s32 @p1 $0x1  }
0x15: {  	[smem:$0x3FB0] =	sst s0;
	s0 =	simm.s32 @!p2 $0x0  }
0x16: {  	s3 =	sld [smem:$0x3FDB];
	s0 =	simm.s32 @p2 $0x1  }
0x17: {  	s4 =	simm.s32 $0x1BF5;
	[smem:$0x3FB2] =	sst s0  }
0x18: {  	s0 =	sld [smem:$0x3F95];
	_ =	swait.ge [sflag:s4], $0x0  }
0x19: {  	s7 =	sld [smem:$0x3F96]  }
0x1a: {  	s8 =	sadd.s32 $0xFFFFE003, lr  }
0x1b: {  	s9 =	sadd.s32 $0xFFFFFEF7, lr;
	s5 =	simm.s32 $0xFFFFFFFF;
	p2 =	slt.u32 s8, $0xFFFFF086  }
0x1c: {  	p1 =	slt.u32 s9, $0xF7A;
	s5 =	simm.s32 @!p2 $0x0  }
0x1d: {  	s5 =	simm.s32 @p1 $0x1;
	p0 =	seq.s32 s7, s2  }
0x1e: {  	s7 =	smul.u32 @!p0 $0xF7A, s2;
	p2 =	seq.s32 @!p0 s5, $0x0  }
0x1f: {  	s9 =	smul.u32 $0xF7A, s1;
	s8 =	simm.s32 @!p0 $0x1BF5;
	p2 =	por !p2, p0  }
0x20: {  	[sflag:s8] =	ssyncset.s32 @!p0 $0xFFFFF086;
	s6 =	sadd.s32 @!p0 s3, s7;
	s7 =	simm.s32 @!p0 $0x108  }
0x21: {  	s3 =	sadd.s32 s3, s9;
	s6 =	sadd.s32 @!p0 $0x88, s6;
	s7 =	simm.s32 @p2 $0x1082  }
0x22: {  	[simem:s7], [sflag:s8] =	dma.local @!p0 [hbm:s6], $0xF7A  }
0x23: {  	s9 =	sor.u32 $0xD0000000, s2;
	s6 =	simm.s32 $0x108;
	_ =	swait.ge @!p0 [sflag:s8], $0x0  }
0x24: {  	s3 =	sadd.s32 $0x88, s3;
	s6 =	simm.s32 @!p1 $0x1082;
	[sflag:s4] =	ssyncset.s32 $0xFFFFF086  }
0x25: {  	[simem:s6], [sflag:s4] =	dma.local [hbm:s3], $0xF7A  }
0x26: {  	[smem:$0x3F96] =	sst s1;
	(tag) =	ssettag s2;
	_ =	strace s9  }
0x27: {  	s1 =	sld [smem:$0x3FA6]  }
0x28: {  	s2 =	sld [smem:$0x3FA7]  }
0x29: {  	s4 =	sld [smem:$0x3FA9]  }
0x2a: {  	p0 =	seq.s32 s5, $0x0;
	s5 =	sld [smem:$0x3FAA]  }
0x2b: {  	s6 =	sld [smem:$0x3FAB]  }
0x2c: {  	s7 =	sld [smem:$0x3FAC]  }
0x2d: {  	s3 =	simm.s32 $0x108;
	s8 =	sld [smem:$0x3FAD]  }
0x2e: {  	s3 =	simm.s32 @!p0 $0x1082;
	s9 =	sld [smem:$0x3FAE]  }
0x2f: {  	lr =	sadd.s32 s0, s3;
	s0 =	sld [smem:$0x3FA5]  }
0x30: {  	s3 =	sld [smem:$0x3FA8]  }
0x31: {  	[smem:$0x3FB1] =	sst s10  }
0x32: {  	s10 =	sld [smem:$0x3FAF];
	_ =	sdelay $0x3  }
0x33: {  	p0 =	seq.s32 s10, $0x1;
	s10 =	sld [smem:$0x3FB1];
	_ =	sdelay $0x3  }
0x34: {  	[smem:$0x3FB1] =	sst s10  }
0x35: {  	s10 =	sld [smem:$0x3FB0];
	_ =	sdelay $0x3  }
0x36: {  	p1 =	seq.s32 s10, $0x1;
	s10 =	sld [smem:$0x3FB1];
	_ =	sdelay $0x3  }
0x37: {  	[smem:$0x3FB1] =	sst s10  }
0x38: {  	s10 =	sld [smem:$0x3FB2]  }
0x39: {  	_ = 	snop;
	(pc) =	sbr.ind lr, $3  }
0x3a: {  	_ = 	snop  }
0x3b: {  	_ = 	snop  }
0x3c: {  	p2 =	seq.s32 s10, $0x1;
	s10 =	sld [smem:$0x3FB1]  }
0x3d: {  	_ =	shalt  }
0x3e: {  	_ =	shalt  }
0x3f: {  	_ =	shalt  }
0x40: {  	_ =	shalt  }
0x41: {  	_ =	shalt  }
0x42: {  	_ =	shalt  }
0x43: {  	_ =	shalt  }
0x44: {  	_ =	shalt  }
0x45: {  	_ =	shalt  }
0x46: {  	_ =	shalt  }
0x47: {  	_ =	shalt  }
0x48: {  	_ =	shalt  }
0x49: {  	_ =	shalt  }
0x4a: {  	_ =	shalt  }
0x4b: {  	_ =	shalt  }
0x4c: {  	_ =	shalt  }
0x4d: {  	_ =	shalt  }
0x4e: {  	_ =	shalt  }
0x4f: {  	_ =	shalt  }
0x50: {  	_ =	shalt  }
0x51: {  	_ =	shalt  }
0x52: {  	_ =	shalt  }
0x53: {  	_ =	shalt  }
0x54: {  	_ =	shalt  }
0x55: {  	_ =	shalt  }
0x56: {  	_ =	shalt  }
0x57: {  	_ =	shalt  }
0x58: {  	_ =	shalt  }
0x59: {  	_ =	shalt  }
0x5a: {  	_ =	shalt  }
0x5b: {  	_ =	shalt  }
0x5c: {  	_ =	shalt  }
0x5d: {  	_ =	shalt  }
0x5e: {  	_ =	shalt  }
0x5f: {  	_ =	shalt  }
0x60: {  	_ =	shalt  }
0x61: {  	_ =	shalt  }
0x62: {  	_ =	shalt  }
0x63: {  	_ =	shalt  }
0x64: {  	_ =	shalt  }
0x65: {  	_ =	shalt  }
0x66: {  	_ =	shalt  }
0x67: {  	_ =	shalt  }
0x68: {  	_ =	shalt  }
0x69: {  	_ =	shalt  }
0x6a: {  	_ =	shalt  }
0x6b: {  	_ =	shalt  }
0x6c: {  	_ =	shalt  }
0x6d: {  	_ =	shalt  }
0x6e: {  	_ =	shalt  }
0x6f: {  	_ =	shalt  }
0x70: {  	_ =	shalt  }
0x71: {  	_ =	shalt  }
0x72: {  	_ =	shalt  }
0x73: {  	_ =	shalt  }
0x74: {  	_ =	shalt  }
0x75: {  	_ =	shalt  }
0x76: {  	_ =	shalt  }
0x77: {  	_ =	shalt  }
0x78: {  	_ =	shalt  }
0x79: {  	_ =	shalt  }
0x7a: {  	_ =	shalt  }
0x7b: {  	_ =	shalt  }
0x7c: {  	_ =	shalt  }
0x7d: {  	_ =	shalt  }
0x7e: {  	_ =	shalt  }
0x7f: {  	_ =	shalt  }
0x80: {  	_ =	shalt  }
0x81: {  	_ =	shalt  }
0x82: {  	_ =	shalt  }
0x83: {  	_ =	shalt  }
0x84: {  	_ =	shalt  }
0x85: {  	_ =	shalt  }
0x86: {  	_ =	shalt  }
0x87: {  	_ =	shalt  }
.Lfunc_end0:
.L_simem_size_0:
called_computation.2_lowered:
.L_overlay_start_0:
0x88: {  	s2 =	sld [smem:$0x3FD9]  }
0x89: {  	s3 =	sld [smem:$0x3FFE];
	_ =	sdelay $0x1  }
0x8a: {  	s1 =	srdreg.scid  }
0x8b: {  	s0 =	sand.u32 $0x1, s1  }
0x8c: {  	s17 =	sshll.u32 s0, $0xA;
	s2 =	sadd.s32 s3, s2  }
0x8d: {  	s2 =	sadd.s32 s2, s17  }
0x8e: {  	[smem:$0x3FBD] =	sst s2  }
0x8f: {  	_ = 	snop  }
0x90: {  	(tm) =	ssettm $0x1  }
0x91: {  	s18 =	sld [smem:$0x3FFB];
	_ =	sdelay $0x3  }
0x92: {  	_ =	strace s18  }
0x93: {  	s2 =	sld [smem:$0x3FFC];
	_ =	sdelay $0x3  }
0x94: {  	_ =	strace s2  }
0x95: {  	s2 =	sld [smem:$0x3FFD];
	_ =	sdelay $0x3  }
0x96: {  	_ =	strace s2  }
0x97: {  	_ =	strace $0x8FFFFFFF  }
0x98: {  	s19 =	sld [smem:$0x3FDB];
	_ =	sdelay $0x1  }
0x99: {  	s20 =	simm.s32 $_scs_section_size  }
0x9a: {  	s4 =	simm.s32 $_size__tile_overlayer_lowered;
	s5 =	simm.s32 $_tile_overlayer_lowered  }
0x9b: {  	s6 =	simm.s32 $0x1BFF;
	s21 =	sshll.u32 s5, $0x1;
	s3 =	sadd.s32 s20, s19  }
0x9c: {  	s22 =	simm.s32 $0x0;
	s4 =	sshll.u32 s4, $0x1;
	s5 =	sadd.s32 s21, s3  }
0x9d: {  	[timem:s22], [sflag:s6] =	dma.local [hbm:s5], s4  }
0x9e: {  	_ =	swait.ge [sflag:s6], s4  }
0x9f: {  	s4 =	ssub.s32 $0x0, s4;
	[sflag:s6] =	ssyncset.done $0x0  }
0xa0: {  	[sflag:s6] =	ssyncadd.s32 s4;
	_ =	sdelay $0x1  }
0xa1: {  	s23 =	simm.s32 $0x1B8B  }
0xa2: {  	_ =	swait.ge [sflag:s23], $0x1  }
0xa3: {  	[sflag:s23] =	ssyncset.done $0x0  }
0xa4: {  	[sflag:s23] =	ssyncadd.s32 $0xFFFFFFFF  }
0xa5: {  	s4 =	sld [smem:$0x0]  }
0xa6: {  	s5 =	sand.u32 $0xFFFFFFFE, s1  }
0xa7: {  	p0 =	sne.s32 s1, s5  }
0xa8: {  	s5 =	sshll.u32 @p0 s5, $0xE  }
0xa9: {  	s5 =	sadd.s32 @p0 $0x11B8D, s5;
	s6 =	sshll.u32 @p0 s4, $0x11  }
0xaa: {  	s5 =	sor.u32 @p0 s6, s5  }
0xab: {  	[sflag:s5] =	ssyncadd.remote.s32 @p0 $0x1;
	_ =	sdelay $0x1  }
0xac: {  	s5 =	simm.s32 @p0 $0x1B8D  }
0xad: {  	_ =	swait.eq @p0 [sflag:s5], $0x1  }
0xae: {  	[sflag:s5] =	ssyncadd.s32 @p0 $0xFFFFFFFF  }
0xaf: {  	s6 =	sshll.u32 @!p0 s1, $0xE  }
0xb0: {  	s6 =	sor.u32 @!p0 $0x4000, s6;
	s5 =	simm.s32 @!p0 $0x1B8D  }
0xb1: {  	s4 =	sshll.u32 @!p0 s4, $0x11;
	s6 =	sadd.s32 @!p0 $0x11B8D, s6;
	_ =	swait.eq @!p0 [sflag:s5], $0x1  }
0xb2: {  	s4 =	sor.u32 @!p0 s4, s6;
	[sflag:s5] =	ssyncadd.s32 @!p0 $0xFFFFFFFF  }
0xb3: {  	s25 =	simm.s32 $0x1B8E;
	s24 =	sld [smem:$0x3FFE];
	[sflag:s4] =	ssyncadd.remote.s32 @!p0 $0x1  }
0xb4: {  	s26 =	simm.s32 $execute0_lowered;
	[smem:$0x3FD2] =	sst s25  }
0xb5: {  	s5 =	sshll.u32 s26, $0x1;
	_ =	strace $0x8000004C;
	[dreg:$0x1] =	wrdreg $0xFFFFFFFF  }
0xb6: {  	s28 =	simm.s32 $_size_execute0_lowered;
	s3 =	sadd.s32 s3, s5;
	[dreg:$0x0] =	wrdreg $0x0  }
0xb7: {  	s5 =	sshll.u32 s28, $0x1;
	[dreg:$0x2] =	wrdreg s3  }
0xb8: {  	[dreg:$0x3] =	wrdreg s5  }
0xb9: {  	[dreg:$0x4] =	wrdreg $0xC0  }
0xba: {  	_ =	task [dreg:s22], $0x5FFFF  }
0xbb: {  	[dreg:$0x1] =	wrdreg $0xFFFFFFFF  }
0xbc: {  	[dreg:$0x0] =	wrdreg $0x60  }
0xbd: {  	[dreg:$0x2] =	wrdreg s24  }
0xbe: {  	[dreg:$0x3] =	wrdreg $0xA8000  }
0xbf: {  	[dreg:$0x4] =	wrdreg $0xA  }
0xc0: {  	_ =	task.clear_ibuf [dreg:s22], $0x5FFFF;
	_ =	strace $0x9000004C  }
0xc1: {  	s29 =	simm.s32 $0xA;
	_ =	strace $0x8000004E  }
0xc2: {  	_ =	swait.ge [sflag:s29], $0x1  }
0xc3: {  	[sflag:s29] =	ssyncadd.s32 $0xFFFFFFFF  }
0xc4: {  	_ =	strace $0x9000004E  }
0xc5: {  	_ =	sfence  }
0xc6: {  	s30 =	sld [smem:$0x0];
	_ =	sdelay $0x2  }
0xc7: {  	s31 =	sshll.u32 s1, $0xD;
	s1 =	sshrl.u32 s1, $0x2  }
0xc8: {  	s4 =	sand.u32 $0x4000, s31;
	s1 =	sadd.s32 s1, s30  }
0xc9: {  	s0 =	sor.u32 s4, s0;
	s1 =	sshll.u32 s1, $0x11  }
0xca: {  	s0 =	sor.u32 s1, s0  }
0xcb: {  	s0 =	sadd.s32 $0x8F2B, s0  }
0xcc: {  	[sflag:s0] =	ssyncadd.remote.s32 $0x1  }
0xcd: {  	_ =	sfence.sel $0xFFFF  }
0xce: {  	[dreg:$0x0] =	wrdreg $0xFFFFFFFF;
	(pc) =	sbr.abs _section_cstart, $3  }
0xcf: {  	[dreg:$0x1] =	wrdreg $0xFFFFFFFF  }
0xd0: {  	_ =	task.clear_ibuf [dreg:s22], $0x2FFFF;
	_ =	strace $0x9FFFFFFF  }
0xd1: {  	(tm) =	ssettm $0x7FFFFFFF  }
tec
execute0_lowered:
.L_overlay_start_1:
0x0: {  	(tag) =	ssettag $0x1  }
0x1: {  	s0 =	rddreg [dreg:$0x0]  }
0x2: {  	s2 =	rddreg [dreg:$0x1]  }
0x3: {  	s3 =	simm.s32 $0x0;
	s1 =	stileid.u32;
	s6 =	srdreg.scid  }
0x4: {  	s18 =	simm.s32 $0x1400;
	s19 =	simm.s32 $0x80;
	s20 =	simm.s32 $0x2800  }
0x5: {  	s21 =	simm.s32 $0x6800;
	s22 =	simm.s32 $0x1;
	s23 =	simm.s32 $0x2  }
0x6: {  	s28 =	simm.s32 $0x2700;
	s29 =	simm.s32 $0x2780;
	s30 =	simm.s32 $0x0  }
0x7: {  	[smem:$0x7FF] =	sst s3;
	s5 =	smul.u32 $0x2A00, s1;
	s4 =	sadd.s32 $0xDEC00, s0  }
0x8: {  	s9 =	sadd.s32 $0x7CA00, s0;
	s10 =	sadd.s32 $0x86A00, s0;
	s6 =	sand.u32 $0x1, s6  }
0x9: {  	s7 =	sshll.u32 s1, $0x1;
	s8 =	smul.u32 $0x54000, s1;
	s12 =	sadd.s32 $0x105E00, s0  }
0xa: {  	s14 =	sadd.s32 $0x13B000, s2;
	s31 =	smul.u32 $0x13800, s1;
	s24 =	sadd.s32 $0x124800, s2  }
0xb: {  	s17 =	smul.u32 $0x4E000, s1;
	p0 =	seq.s32 s1, $0xF;
	_ =	strace $0x8000004D  }
0xc: {  	s11 =	ssub.s32 $0x2, s6;
	s7 =	sor.u32 s6, s7;
	s15 =	smul.u32 $0x138800, s6  }
0xd: {  	s14 =	sshrl.u32 @p0 s14, $0x3;
	s24 =	sshrl.u32 @p0 s24, $0x3;
	s5 =	sadd.s32 s5, s0  }
0xe: {  	s13 =	sshrl.u32 s11, $0x1;
	s8 =	sshrl.u32 s8, $0x2;
	s7 =	smul.u32 $0x2800, s7  }
0xf: {  	s0 =	sadd.s32 $0x2B400, s0;
	s17 =	sshrl.u32 s17, $0x2;
	s13 =	ssub.s32 s11, s13  }
0x10: {  	s16 =	sadd.s32 s8, s2;
	s5 =	sadd.s32 $0x3E00, s5;
	[dreg:$0x4] =	wrdreg s0  }
0x11: {  	s0 =	sadd.s32 s31, s15;
	s15 =	sshrl.u32 s15, $0x3;
	[dreg:$0x3] =	wrdreg s5  }
0x12: {  	s26 =	sshrl.u32 s7, $0x3;
	s0 =	sshrl.u32 s0, $0x3;
	s13 =	smax.u32 s13, $0x1  }
0x13: {  	s16 =	sshrl.u32 @!p0 s16, $0x3;
	s7 =	sadd.s32 s9, s26;
	s11 =	sadd.s32 $0x280, s26  }
0x14: {  	s8 =	sadd.s32 s10, s26;
	s26 =	simm.s32 $0x1380;
	s9 =	sadd.s32 s9, s11  }
0x15: {  	s10 =	sadd.s32 s10, s11;
	s11 =	sadd.s32 s12, s0;
	s0 =	sadd.s32 s17, s2  }
0x16: {  	s12 =	sadd.s32 s12, s15;
	s15 =	sshll.u32 @!p0 s1, $0x6;
	s17 =	simm.s32 $0x3  }
0x17: {  	s12 =	sadd.s32 $0x24900, s12;
	s15 =	sor.u32 @!p0 $0x1C03, s15;
	s25 =	sshrl.u32 @!p0 s0, $0x3  }
.LBB2_1:
0x18: {  	s0 =	simm.s32 @p0 $0x1FC3;
	s1 =	rddreg [dreg:$0x4]  }
0x19: {  	[spmem:s14], [sflag:s0] =	dma.local @p0 [hbm:s1], $0x2B00  }
0x1a: {  	s0 =	simm.s32 @p0 $0x3  }
0x1b: {  	_ =	swait.ge @p0 [sflag:s0], $0x2B00  }
0x1c: {  	[sflag:s0] =	ssyncset.done @p0 $0x0  }
0x1d: {  	[sflag:s0] =	ssyncadd.s32 @p0 $0xFFFFD500;
	s0 =	rddreg [dreg:$0x3]  }
0x1e: {  	[spmem:s16], [sflag:s15] =	dma.local @!p0 [hbm:s0], $0x2A00  }
0x1f: {  	s0 =	simm.s32 @!p0 $0x3  }
0x20: {  	_ =	swait.ge @!p0 [sflag:s0], $0x2A00  }
0x21: {  	[sflag:s0] =	ssyncset.done @!p0 $0x0  }
0x22: {  	[sflag:s0] =	ssyncadd.s32 @!p0 $0xFFFFD600  }
0x23: {  	[bflag:$0x0] =	sbarrier.arrive $0xFFFF  }
0x24: {  	[tilespmem:s3], [sflag:$0x3] =	stream.linear.gather [hbm4b:s7+s3], $0x1400, $0x38;
	[tilespmem:$0x1F880] =	vst v63  }
0x25: {  	_ =	swait.ge [sflag:s17], $0x1400  }
0x26: {  	[sflag:s17] =	ssyncset.done $0x0  }
0x27: {  	[sflag:s17] =	ssyncadd.s32 $0xFFFFEC00  }
0x28: {  	[tilespmem:s18], [sflag:$0x3] =	stream.linear.gather [hbm4b:s8+s3], $0x1400, $0x38;
	[tilespmem:$0x1F880] =	vst v63  }
0x29: {  	_ =	swait.ge [sflag:s17], $0x1400  }
0x2a: {  	[sflag:s17] =	ssyncset.done $0x0  }
0x2b: {  	[sflag:s17] =	ssyncadd.s32 $0xFFFFEC00  }
0x2c: {  	[tilespmem:s20], [sflag:$0x1] =	stream.indirect.gather [hbm4b:s4+s19], $0x80, s3, s19, $0xb8;
	[tilespmem:$0x1F880] =	vst v63  }
0x2d: {  	s6 =	simm.s32 $0x80  }
0x2e: {  	[tilespmem:s21], [sflag:$0x2] =	stream.indirect.gather [hbm4b:s4+s19], $0x80, s6, s19, $0xb8;
	[tilespmem:$0x1F880] =	vst v63  }
0x2f: {  	_ =	swait.ge [sflag:s22], $0x4000  }
0x30: {  	[sflag:s22] =	ssyncset.done $0x0  }
0x31: {  	s1 =	simm.s32 $0x1400;
	[sflag:s22] =	ssyncadd.s32 $0xFFFFC000  }
0x32: {  	[spmem:s2] =	stream.indirect.scatter.add.f32 [tilespmem:s20], [sflag:$0x3], $0x80, s1, s19, $0xb8;
	[tilespmem:$0x1F880] =	vst v63  }
0x33: {  	_ =	swait.ge [sflag:s17], $0x4000  }
0x34: {  	[sflag:s17] =	ssyncset.done $0x0  }
0x35: {  	s5 =	simm.s32 $0x100;
	[sflag:s17] =	ssyncadd.s32 $0xFFFFC000  }
0x36: {  	[tilespmem:s20], [sflag:$0x1] =	stream.indirect.gather [hbm4b:s4+s19], $0x80, s5, s19, $0xb8;
	[tilespmem:$0x1F880] =	vst v63  }
0x37: {  	_ =	swait.ge [sflag:s23], $0x4000  }
0x38: {  	[sflag:s23] =	ssyncset.done $0x0  }
0x39: {  	s6 =	simm.s32 $0x1480;
	[sflag:s23] =	ssyncadd.s32 $0xFFFFC000  }
0x3a: {  	[spmem:s2] =	stream.indirect.scatter.add.f32 [tilespmem:s21], [sflag:$0x3], $0x80, s6, s19, $0xb8;
	[tilespmem:$0x1F880] =	vst v63  }
0x3b: {  	_ =	swait.ge [sflag:s17], $0x4000  }
0x3c: {  	s31 =	simm.s32 $0x100;
	s0 =	simm.s32 $0x800;
	[sflag:s17] =	ssyncset.done $0x0  }
.LBB2_2:
0x3d: {  	s1 =	sadd.s32 $0x80, s31  }
0x3e: {  	[sflag:s17] =	ssyncadd.s32 $0xFFFFC000;
	s5 =	smov.u32 s0;
	s6 =	sadd.s32 $0x400, s0  }
0x3f: {  	[tilespmem:s21], [sflag:$0x2] =	stream.indirect.gather [hbm4b:s4+s19], $0x80, s1, s19, $0xb8;
	[tilespmem:$0x1F880] =	vst v63  }
0x40: {  	p1 =	sne.s32 s0, $0x4800;
	_ =	swait.ge [sflag:s22], $0x4000  }
0x41: {  	[sflag:s22] =	ssyncset.done $0x0  }
0x42: {  	s0 =	sadd.s32 $0x1400, s31;
	[sflag:s22] =	ssyncadd.s32 $0xFFFFC000  }
0x43: {  	[spmem:s2] =	stream.indirect.scatter.add.f32 [tilespmem:s20], [sflag:$0x3], $0x80, s0, s19, $0xb8;
	[tilespmem:$0x1F880] =	vst v63  }
0x44: {  	_ =	swait.ge [sflag:s17], $0x4000  }
0x45: {  	[sflag:s17] =	ssyncset.done $0x0  }
0x46: {  	s0 =	sadd.s32 $0x100, s31;
	[sflag:s17] =	ssyncadd.s32 $0xFFFFC000  }
0x47: {  	[tilespmem:s20], [sflag:$0x1] =	stream.indirect.gather [hbm4b:s4+s19], $0x80, s0, s19, $0xb8;
	[tilespmem:$0x1F880] =	vst v63  }
0x48: {  	_ =	swait.ge [sflag:s23], $0x4000  }
.Ltmp0:
0x49: {  	[sflag:s23] =	ssyncset.done $0x0;
	(pc) =	sbr.rel @p1 .LBB2_2-.Ltmp0, $4  }
0x4a: {  	s0 =	sadd.s32 $0x1480, s31;
	[sflag:s23] =	ssyncadd.s32 $0xFFFFC000  }
0x4b: {  	[spmem:s2] =	stream.indirect.scatter.add.f32 [tilespmem:s21], [sflag:$0x3], $0x80, s0, s19, $0xb8;
	[tilespmem:$0x1F880] =	vst v63  }
0x4c: {  	_ =	swait.ge [sflag:s17], $0x4000  }
0x4d: {  	s31 =	sshra.s32 s5, $0x2;
	s0 =	smov.u32 s6;
	[sflag:s17] =	ssyncset.done $0x0  }
0x4e: {  	s0 =	sadd.s32 $0x80, s31;
	[sflag:s17] =	ssyncadd.s32 $0xFFFFC000  }
0x4f: {  	[tilespmem:s21], [sflag:$0x2] =	stream.indirect.gather [hbm4b:s4+s19], $0x80, s0, s19, $0xb8;
	[tilespmem:$0x1F880] =	vst v63  }
0x50: {  	_ =	swait.ge [sflag:s22], $0x4000  }
0x51: {  	[sflag:s22] =	ssyncset.done $0x0  }
0x52: {  	s5 =	sadd.s32 $0x1400, s31;
	[sflag:s22] =	ssyncadd.s32 $0xFFFFC000  }
0x53: {  	[spmem:s2] =	stream.indirect.scatter.add.f32 [tilespmem:s20], [sflag:$0x3], $0x80, s5, s19, $0xb8;
	[tilespmem:$0x1F880] =	vst v63  }
0x54: {  	_ =	swait.ge [sflag:s17], $0x4000  }
0x55: {  	[sflag:s17] =	ssyncset.done $0x0  }
0x56: {  	s6 =	sadd.s32 $0x100, s31;
	[sflag:s17] =	ssyncadd.s32 $0xFFFFC000  }
0x57: {  	[tilespmem:s20], [sflag:$0x1] =	stream.indirect.gather [hbm4b:s4+s19], $0x80, s6, s19, $0xb8;
	[tilespmem:$0x1F880] =	vst v63  }
0x58: {  	_ =	swait.ge [sflag:s23], $0x4000  }
0x59: {  	[sflag:s23] =	ssyncset.done $0x0  }
0x5a: {  	s1 =	sadd.s32 $0x1480, s31;
	[sflag:s23] =	ssyncadd.s32 $0xFFFFC000  }
0x5b: {  	[spmem:s2] =	stream.indirect.scatter.add.f32 [tilespmem:s21], [sflag:$0x3], $0x80, s1, s19, $0xb8;
	[tilespmem:$0x1F880] =	vst v63  }
0x5c: {  	_ =	swait.ge [sflag:s17], $0x4000  }
0x5d: {  	[sflag:s17] =	ssyncset.done $0x0  }
0x5e: {  	[sflag:s17] =	ssyncadd.s32 $0xFFFFC000  }
0x5f: {  	[tilespmem:s21], [sflag:$0x2] =	stream.indirect.gather [hbm4b:s4+s19], $0x80, s26, s19, $0xb8;
	[tilespmem:$0x1F880] =	vst v63  }
0x60: {  	_ =	swait.ge [sflag:s22], $0x4000  }
0x61: {  	[sflag:s22] =	ssyncset.done $0x0  }
0x62: {  	[sflag:s22] =	ssyncadd.s32 $0xFFFFC000  }
0x63: {  	[spmem:s2] =	stream.indirect.scatter.add.f32 [tilespmem:s20], [sflag:$0x3], $0x80, s28, s19, $0xb8;
	[tilespmem:$0x1F880] =	vst v63  }
0x64: {  	_ =	swait.ge [sflag:s17], $0x4000  }
0x65: {  	[sflag:s17] =	ssyncset.done $0x0  }
0x66: {  	[sflag:s17] =	ssyncadd.s32 $0xFFFFC000  }
0x67: {  	_ =	swait.ge [sflag:s23], $0x4000  }
0x68: {  	[sflag:s23] =	ssyncset.done $0x0  }
0x69: {  	[sflag:s23] =	ssyncadd.s32 $0xFFFFC000  }
0x6a: {  	[spmem:s2] =	stream.indirect.scatter.add.f32 [tilespmem:s21], [sflag:$0x3], $0x80, s29, s19, $0xb8;
	[tilespmem:$0x1F880] =	vst v63  }
0x6b: {  	_ =	swait.ge [sflag:s17], $0x4000  }
0x6c: {  	[sflag:s17] =	ssyncset.done $0x0  }
0x6d: {  	s5 =	simm.s32 $0x0;
	[sflag:s17] =	ssyncadd.s32 $0xFFFFC000  }
0x6e: {  	[tilespmem:s5], [sflag:$0x3] =	stream.linear.gather [hbm4b:s9+s5], $0x1400, $0x38;
	[tilespmem:$0x1F880] =	vst v63  }
0x6f: {  	_ =	swait.ge [sflag:s17], $0x1400  }
0x70: {  	[sflag:s17] =	ssyncset.done $0x0  }
0x71: {  	[sflag:s17] =	ssyncadd.s32 $0xFFFFEC00  }
0x72: {  	[tilespmem:s18], [sflag:$0x3] =	stream.linear.gather [hbm4b:s10+s5], $0x1400, $0x38;
	[tilespmem:$0x1F880] =	vst v63  }
0x73: {  	_ =	swait.ge [sflag:s17], $0x1400  }
0x74: {  	[sflag:s17] =	ssyncset.done $0x0  }
0x75: {  	[sflag:s17] =	ssyncadd.s32 $0xFFFFEC00  }
0x76: {  	[tilespmem:s20], [sflag:$0x1] =	stream.indirect.gather [hbm4b:s4+s19], $0x80, s5, s19, $0xb8;
	[tilespmem:$0x1F880] =	vst v63  }
0x77: {  	s6 =	simm.s32 $0x80  }
0x78: {  	[tilespmem:s21], [sflag:$0x2] =	stream.indirect.gather [hbm4b:s4+s19], $0x80, s6, s19, $0xb8;
	[tilespmem:$0x1F880] =	vst v63  }
0x79: {  	_ =	swait.ge [sflag:s22], $0x4000  }
0x7a: {  	[sflag:s22] =	ssyncset.done $0x0  }
0x7b: {  	s1 =	simm.s32 $0x1400;
	[sflag:s22] =	ssyncadd.s32 $0xFFFFC000  }
0x7c: {  	[spmem:s2] =	stream.indirect.scatter.add.f32 [tilespmem:s20], [sflag:$0x3], $0x80, s1, s19, $0xb8;
	[tilespmem:$0x1F880] =	vst v63  }
0x7d: {  	_ =	swait.ge [sflag:s17], $0x4000  }
0x7e: {  	[sflag:s17] =	ssyncset.done $0x0  }
0x7f: {  	s5 =	simm.s32 $0x100;
	[sflag:s17] =	ssyncadd.s32 $0xFFFFC000  }
0x80: {  	[tilespmem:s20], [sflag:$0x1] =	stream.indirect.gather [hbm4b:s4+s19], $0x80, s5, s19, $0xb8;
	[tilespmem:$0x1F880] =	vst v63  }
0x81: {  	_ =	swait.ge [sflag:s23], $0x4000  }
0x82: {  	[sflag:s23] =	ssyncset.done $0x0  }
0x83: {  	s6 =	simm.s32 $0x1480;
	[sflag:s23] =	ssyncadd.s32 $0xFFFFC000  }
0x84: {  	[spmem:s2] =	stream.indirect.scatter.add.f32 [tilespmem:s21], [sflag:$0x3], $0x80, s6, s19, $0xb8;
	[tilespmem:$0x1F880] =	vst v63  }
0x85: {  	_ =	swait.ge [sflag:s17], $0x4000  }
0x86: {  	s31 =	simm.s32 $0x100;
	s0 =	simm.s32 $0x800;
	[sflag:s17] =	ssyncset.done $0x0  }
.LBB2_4:
0x87: {  	s1 =	sadd.s32 $0x80, s31  }
0x88: {  	[sflag:s17] =	ssyncadd.s32 $0xFFFFC000;
	s5 =	smov.u32 s0;
	s6 =	sadd.s32 $0x400, s0  }
0x89: {  	[tilespmem:s21], [sflag:$0x2] =	stream.indirect.gather [hbm4b:s4+s19], $0x80, s1, s19, $0xb8;
	[tilespmem:$0x1F880] =	vst v63  }
0x8a: {  	p1 =	sne.s32 s0, $0x4800;
	_ =	swait.ge [sflag:s22], $0x4000  }
0x8b: {  	[sflag:s22] =	ssyncset.done $0x0  }
0x8c: {  	s0 =	sadd.s32 $0x1400, s31;
	[sflag:s22] =	ssyncadd.s32 $0xFFFFC000  }
0x8d: {  	[spmem:s2] =	stream.indirect.scatter.add.f32 [tilespmem:s20], [sflag:$0x3], $0x80, s0, s19, $0xb8;
	[tilespmem:$0x1F880] =	vst v63  }
0x8e: {  	_ =	swait.ge [sflag:s17], $0x4000  }
0x8f: {  	[sflag:s17] =	ssyncset.done $0x0  }
0x90: {  	s0 =	sadd.s32 $0x100, s31;
	[sflag:s17] =	ssyncadd.s32 $0xFFFFC000  }
0x91: {  	[tilespmem:s20], [sflag:$0x1] =	stream.indirect.gather [hbm4b:s4+s19], $0x80, s0, s19, $0xb8;
	[tilespmem:$0x1F880] =	vst v63  }
0x92: {  	_ =	swait.ge [sflag:s23], $0x4000  }
.Ltmp1:
0x93: {  	[sflag:s23] =	ssyncset.done $0x0;
	(pc) =	sbr.rel @p1 .LBB2_4-.Ltmp1, $4  }
0x94: {  	s0 =	sadd.s32 $0x1480, s31;
	[sflag:s23] =	ssyncadd.s32 $0xFFFFC000  }
0x95: {  	[spmem:s2] =	stream.indirect.scatter.add.f32 [tilespmem:s21], [sflag:$0x3], $0x80, s0, s19, $0xb8;
	[tilespmem:$0x1F880] =	vst v63  }
0x96: {  	_ =	swait.ge [sflag:s17], $0x4000  }
0x97: {  	s31 =	sshra.s32 s5, $0x2;
	s0 =	smov.u32 s6;
	[sflag:s17] =	ssyncset.done $0x0  }
0x98: {  	s0 =	sadd.s32 $0x80, s31;
	[sflag:s17] =	ssyncadd.s32 $0xFFFFC000  }
0x99: {  	[tilespmem:s21], [sflag:$0x2] =	stream.indirect.gather [hbm4b:s4+s19], $0x80, s0, s19, $0xb8;
	[tilespmem:$0x1F880] =	vst v63  }
0x9a: {  	_ =	swait.ge [sflag:s22], $0x4000  }
0x9b: {  	[sflag:s22] =	ssyncset.done $0x0  }
0x9c: {  	s5 =	sadd.s32 $0x1400, s31;
	[sflag:s22] =	ssyncadd.s32 $0xFFFFC000  }
0x9d: {  	[spmem:s2] =	stream.indirect.scatter.add.f32 [tilespmem:s20], [sflag:$0x3], $0x80, s5, s19, $0xb8;
	[tilespmem:$0x1F880] =	vst v63  }
0x9e: {  	_ =	swait.ge [sflag:s17], $0x4000  }
0x9f: {  	[sflag:s17] =	ssyncset.done $0x0  }
0xa0: {  	s6 =	sadd.s32 $0x100, s31;
	[sflag:s17] =	ssyncadd.s32 $0xFFFFC000  }
0xa1: {  	[tilespmem:s20], [sflag:$0x1] =	stream.indirect.gather [hbm4b:s4+s19], $0x80, s6, s19, $0xb8;
	[tilespmem:$0x1F880] =	vst v63  }
0xa2: {  	_ =	swait.ge [sflag:s23], $0x4000  }
0xa3: {  	[sflag:s23] =	ssyncset.done $0x0  }
0xa4: {  	s31 =	sadd.s32 $0x1480, s31;
	[sflag:s23] =	ssyncadd.s32 $0xFFFFC000  }
0xa5: {  	[spmem:s2] =	stream.indirect.scatter.add.f32 [tilespmem:s21], [sflag:$0x3], $0x80, s31, s19, $0xb8;
	[tilespmem:$0x1F880] =	vst v63  }
0xa6: {  	_ =	swait.ge [sflag:s17], $0x4000  }
0xa7: {  	[sflag:s17] =	ssyncset.done $0x0  }
0xa8: {  	[sflag:s17] =	ssyncadd.s32 $0xFFFFC000  }
0xa9: {  	[tilespmem:s21], [sflag:$0x2] =	stream.indirect.gather [hbm4b:s4+s19], $0x80, s26, s19, $0xb8;
	[tilespmem:$0x1F880] =	vst v63  }
0xaa: {  	_ =	swait.ge [sflag:s22], $0x4000  }
0xab: {  	[sflag:s22] =	ssyncset.done $0x0  }
0xac: {  	[sflag:s22] =	ssyncadd.s32 $0xFFFFC000  }
0xad: {  	[spmem:s2] =	stream.indirect.scatter.add.f32 [tilespmem:s20], [sflag:$0x3], $0x80, s28, s19, $0xb8;
	[tilespmem:$0x1F880] =	vst v63  }
0xae: {  	_ =	swait.ge [sflag:s17], $0x4000  }
0xaf: {  	[sflag:s17] =	ssyncset.done $0x0  }
0xb0: {  	[sflag:s17] =	ssyncadd.s32 $0xFFFFC000  }
0xb1: {  	_ =	swait.ge [sflag:s23], $0x4000  }
0xb2: {  	[sflag:s23] =	ssyncset.done $0x0  }
0xb3: {  	[sflag:s23] =	ssyncadd.s32 $0xFFFFC000  }
0xb4: {  	[spmem:s2] =	stream.indirect.scatter.add.f32 [tilespmem:s21], [sflag:$0x3], $0x80, s29, s19, $0xb8;
	[tilespmem:$0x1F880] =	vst v63  }
0xb5: {  	_ =	swait.ge [sflag:s17], $0x4000  }
0xb6: {  	[sflag:s17] =	ssyncset.done $0x0  }
0xb7: {  	[sflag:s17] =	ssyncadd.s32 $0xFFFFC000  }
0xb8: {  	s0 =	simm.s32 @p0 $0x1FC3;
	[bflag:$0x0] =	sbarrier.arrive $0xFFFF  }
0xb9: {  	[hbm:s12], [sflag:s0] =	dma.local @p0 [spmem:s24], $0x2800  }
0xba: {  	s0 =	simm.s32 @p0 $0x3  }
0xbb: {  	s30 =	sadd.s32 $0x1, s30;
	_ =	swait.ge @p0 [sflag:s0], $0x2800  }
0xbc: {  	p1 =	sne.s32 s30, s13;
	[sflag:s0] =	ssyncset.done @p0 $0x0  }
.Ltmp2:
0xbd: {  	[sflag:s0] =	ssyncadd.s32 @p0 $0xFFFFD800;
	s0 =	simm.s32 @!p0 $0x3;
	(pc) =	sbr.rel @p1 .LBB2_1-.Ltmp2, $4  }
0xbe: {  	[hbm:s11], [sflag:s15] =	dma.local @!p0 [spmem:s25], $0x2700  }
0xbf: {  	_ =	swait.ge @!p0 [sflag:s0], $0x2700  }
0xc0: {  	[sflag:s0] =	ssyncset.done @!p0 $0x0  }
0xc1: {  	[sflag:s0] =	ssyncadd.s32 @!p0 $0xFFFFD900  }
0xc2: {  	_ =	sfence.sel $0x180000  }
0xc3: {  	[bflag:$0x0] =	sbarrier.arrive $0xFFFF  }
0xc4: {  	_ =	strace $0x9000004D  }
0xc5: {  	s0 =	stileid.u32;
	[bflag:$0x2] =	sbarrier.arrive $0xFFFF  }
0xc6: {  	p0 =	sne.s32 s0, $0x0;
	s0 =	rddreg [dreg:$0x2]  }
0xc7: {  	s0 =	sadd.s32 @!p0 $0x100000, s0  }
0xc8: {  	[sflag:s0] =	ssyncadd.tile.s32 @!p0 $0x1;
	_ =	shalt  }
.Lfunc_end2:
_tile_overlayer_lowered:
.L_overlay_start_2:
0xc9: {  	(tag) =	ssettag $0x2  }
0xca: {  	s0 =	rddreg [dreg:$0x0];
	s2 =	stileid.u32  }
0xcb: {  	s1 =	rddreg [dreg:$0x1];
	p0 =	sne.s32 s2, $0x0  }
0xcc: {  	s3 =	rddreg [dreg:$0x2];
	[bflag:$0x3] =	sbarrier.arrive $0xFFFF;
	s2 =	simm.s32 @!p0 $0x1C03  }
0xcd: {  	[timem:s3], [sflag:s2] =	dma.local @!p0 [hbm:s0], s1  }
0xce: {  	s0 =	simm.s32 @!p0 $0x3  }
0xcf: {  	_ =	swait.ge @!p0 [sflag:s0], s1  }
0xd0: {  	s1 =	ssub.s32 @!p0 $0x0, s1;
	[sflag:s0] =	ssyncset.done @!p0 $0x0  }
0xd1: {  	[sflag:s0] =	ssyncadd.s32 @!p0 s1  }
0xd2: {  	[bflag:$0x3] =	sbarrier.arrive $0xFFFF  }
0xd3: {  	_ =	shalt  }

// kernel: kernel.20.cloned.1.call-start
scs
__scs_entry_jumppad:
0x0: {  	(pc) =	sbr.rel $0x88, $3  }
0x1: {  	(tag) =	ssettag $0x0;
	lr =	simm.s32 $0x1  }
0x2: {  	[smem:$0x3F96] =	sst lr;
	_ =	strace $0xD0000000  }
0x3: {  	_ = 	snop  }
0x4: {  	_ = 	snop  }
0x5: {  	_ = 	snop  }
0x6: {  	_ = 	snop  }
0x7: {  	_ = 	snop  }
__scs_overlays_trampoline_lowered:
0x8: {  	[smem:$0x3FA5] =	sst s0  }
0x9: {  	[smem:$0x3FA6] =	sst s1  }
0xa: {  	[smem:$0x3FA7] =	sst s2  }
0xb: {  	[smem:$0x3FA8] =	sst s3  }
0xc: {  	[smem:$0x3FA9] =	sst s4  }
0xd: {  	[smem:$0x3FAA] =	sst s5  }
0xe: {  	[smem:$0x3FAB] =	sst s6  }
0xf: {  	[smem:$0x3FAC] =	sst s7  }
0x10: {  	[smem:$0x3FAD] =	sst s8  }
0x11: {  	[smem:$0x3FAE] =	sst s9;
	s0 =	simm.s32 @!p0 $0x0  }
0x12: {  	s1 =	sld [smem:$0x3F94];
	s0 =	simm.s32 @p0 $0x1  }
0x13: {  	[smem:$0x3FAF] =	sst s0;
	s0 =	simm.s32 @!p1 $0x0  }
0x14: {  	s2 =	sld [smem:$0x3F93];
	s0 =	simm.s32 @p1 $0x1  }
0x15: {  	[smem:$0x3FB0] =	sst s0;
	s0 =	simm.s32 @!p2 $0x0  }
0x16: {  	s3 =	sld [smem:$0x3FDB];
	s0 =	simm.s32 @p2 $0x1  }
0x17: {  	s4 =	simm.s32 $0x1BF5;
	[smem:$0x3FB2] =	sst s0  }
0x18: {  	s0 =	sld [smem:$0x3F95];
	_ =	swait.ge [sflag:s4], $0x0  }
0x19: {  	s7 =	sld [smem:$0x3F96]  }
0x1a: {  	s8 =	sadd.s32 $0xFFFFE003, lr  }
0x1b: {  	s9 =	sadd.s32 $0xFFFFFEF7, lr;
	s5 =	simm.s32 $0xFFFFFFFF;
	p2 =	slt.u32 s8, $0xFFFFF086  }
0x1c: {  	p1 =	slt.u32 s9, $0xF7A;
	s5 =	simm.s32 @!p2 $0x0  }
0x1d: {  	s5 =	simm.s32 @p1 $0x1;
	p0 =	seq.s32 s7, s2  }
0x1e: {  	s7 =	smul.u32 @!p0 $0xF7A, s2;
	p2 =	seq.s32 @!p0 s5, $0x0  }
0x1f: {  	s9 =	smul.u32 $0xF7A, s1;
	s8 =	simm.s32 @!p0 $0x1BF5;
	p2 =	por !p2, p0  }
0x20: {  	[sflag:s8] =	ssyncset.s32 @!p0 $0xFFFFF086;
	s6 =	sadd.s32 @!p0 s3, s7;
	s7 =	simm.s32 @!p0 $0x108  }
0x21: {  	s3 =	sadd.s32 s3, s9;
	s6 =	sadd.s32 @!p0 $0x88, s6;
	s7 =	simm.s32 @p2 $0x1082  }
0x22: {  	[simem:s7], [sflag:s8] =	dma.local @!p0 [hbm:s6], $0xF7A  }
0x23: {  	s9 =	sor.u32 $0xD0000000, s2;
	s6 =	simm.s32 $0x108;
	_ =	swait.ge @!p0 [sflag:s8], $0x0  }
0x24: {  	s3 =	sadd.s32 $0x88, s3;
	s6 =	simm.s32 @!p1 $0x1082;
	[sflag:s4] =	ssyncset.s32 $0xFFFFF086  }
0x25: {  	[simem:s6], [sflag:s4] =	dma.local [hbm:s3], $0xF7A  }
0x26: {  	[smem:$0x3F96] =	sst s1;
	(tag) =	ssettag s2;
	_ =	strace s9  }
0x27: {  	s1 =	sld [smem:$0x3FA6]  }
0x28: {  	s2 =	sld [smem:$0x3FA7]  }
0x29: {  	s4 =	sld [smem:$0x3FA9]  }
0x2a: {  	p0 =	seq.s32 s5, $0x0;
	s5 =	sld [smem:$0x3FAA]  }
0x2b: {  	s6 =	sld [smem:$0x3FAB]  }
0x2c: {  	s7 =	sld [smem:$0x3FAC]  }
0x2d: {  	s3 =	simm.s32 $0x108;
	s8 =	sld [smem:$0x3FAD]  }
0x2e: {  	s3 =	simm.s32 @!p0 $0x1082;
	s9 =	sld [smem:$0x3FAE]  }
0x2f: {  	lr =	sadd.s32 s0, s3;
	s0 =	sld [smem:$0x3FA5]  }
0x30: {  	s3 =	sld [smem:$0x3FA8]  }
0x31: {  	[smem:$0x3FB1] =	sst s10  }
0x32: {  	s10 =	sld [smem:$0x3FAF];
	_ =	sdelay $0x3  }
0x33: {  	p0 =	seq.s32 s10, $0x1;
	s10 =	sld [smem:$0x3FB1];
	_ =	sdelay $0x3  }
0x34: {  	[smem:$0x3FB1] =	sst s10  }
0x35: {  	s10 =	sld [smem:$0x3FB0];
	_ =	sdelay $0x3  }
0x36: {  	p1 =	seq.s32 s10, $0x1;
	s10 =	sld [smem:$0x3FB1];
	_ =	sdelay $0x3  }
0x37: {  	[smem:$0x3FB1] =	sst s10  }
0x38: {  	s10 =	sld [smem:$0x3FB2]  }
0x39: {  	_ = 	snop;
	(pc) =	sbr.ind lr, $3  }
0x3a: {  	_ = 	snop  }
0x3b: {  	_ = 	snop  }
0x3c: {  	p2 =	seq.s32 s10, $0x1;
	s10 =	sld [smem:$0x3FB1]  }
0x3d: {  	_ =	shalt  }
0x3e: {  	_ =	shalt  }
0x3f: {  	_ =	shalt  }
0x40: {  	_ =	shalt  }
0x41: {  	_ =	shalt  }
0x42: {  	_ =	shalt  }
0x43: {  	_ =	shalt  }
0x44: {  	_ =	shalt  }
0x45: {  	_ =	shalt  }
0x46: {  	_ =	shalt  }
0x47: {  	_ =	shalt  }
0x48: {  	_ =	shalt  }
0x49: {  	_ =	shalt  }
0x4a: {  	_ =	shalt  }
0x4b: {  	_ =	shalt  }
0x4c: {  	_ =	shalt  }
0x4d: {  	_ =	shalt  }
0x4e: {  	_ =	shalt  }
0x4f: {  	_ =	shalt  }
0x50: {  	_ =	shalt  }
0x51: {  	_ =	shalt  }
0x52: {  	_ =	shalt  }
0x53: {  	_ =	shalt  }
0x54: {  	_ =	shalt  }
0x55: {  	_ =	shalt  }
0x56: {  	_ =	shalt  }
0x57: {  	_ =	shalt  }
0x58: {  	_ =	shalt  }
0x59: {  	_ =	shalt  }
0x5a: {  	_ =	shalt  }
0x5b: {  	_ =	shalt  }
0x5c: {  	_ =	shalt  }
0x5d: {  	_ =	shalt  }
0x5e: {  	_ =	shalt  }
0x5f: {  	_ =	shalt  }
0x60: {  	_ =	shalt  }
0x61: {  	_ =	shalt  }
0x62: {  	_ =	shalt  }
0x63: {  	_ =	shalt  }
0x64: {  	_ =	shalt  }
0x65: {  	_ =	shalt  }
0x66: {  	_ =	shalt  }
0x67: {  	_ =	shalt  }
0x68: {  	_ =	shalt  }
0x69: {  	_ =	shalt  }
0x6a: {  	_ =	shalt  }
0x6b: {  	_ =	shalt  }
0x6c: {  	_ =	shalt  }
0x6d: {  	_ =	shalt  }
0x6e: {  	_ =	shalt  }
0x6f: {  	_ =	shalt  }
0x70: {  	_ =	shalt  }
0x71: {  	_ =	shalt  }
0x72: {  	_ =	shalt  }
0x73: {  	_ =	shalt  }
0x74: {  	_ =	shalt  }
0x75: {  	_ =	shalt  }
0x76: {  	_ =	shalt  }
0x77: {  	_ =	shalt  }
0x78: {  	_ =	shalt  }
0x79: {  	_ =	shalt  }
0x7a: {  	_ =	shalt  }
0x7b: {  	_ =	shalt  }
0x7c: {  	_ =	shalt  }
0x7d: {  	_ =	shalt  }
0x7e: {  	_ =	shalt  }
0x7f: {  	_ =	shalt  }
0x80: {  	_ =	shalt  }
0x81: {  	_ =	shalt  }
0x82: {  	_ =	shalt  }
0x83: {  	_ =	shalt  }
0x84: {  	_ =	shalt  }
0x85: {  	_ =	shalt  }
0x86: {  	_ =	shalt  }
0x87: {  	_ =	shalt  }
.Lfunc_end0:
.L_simem_size_0:
called_computation.3_lowered:
.L_overlay_start_0:
0x88: {  	s2 =	sld [smem:$0x3FD9]  }
0x89: {  	s3 =	sld [smem:$0x3FFE];
	_ =	sdelay $0x1  }
0x8a: {  	s1 =	srdreg.scid  }
0x8b: {  	s0 =	sand.u32 $0x1, s1  }
0x8c: {  	s16 =	sshll.u32 s0, $0xA;
	s2 =	sadd.s32 s3, s2  }
0x8d: {  	s2 =	sadd.s32 s2, s16  }
0x8e: {  	[smem:$0x3FBD] =	sst s2  }
0x8f: {  	_ = 	snop  }
0x90: {  	(tm) =	ssettm $0x1  }
0x91: {  	s17 =	sld [smem:$0x3FFB];
	_ =	sdelay $0x3  }
0x92: {  	_ =	strace s17  }
0x93: {  	s2 =	sld [smem:$0x3FFC];
	_ =	sdelay $0x3  }
0x94: {  	_ =	strace s2  }
0x95: {  	s2 =	sld [smem:$0x3FFD];
	_ =	sdelay $0x3  }
0x96: {  	_ =	strace s2  }
0x97: {  	_ =	strace $0x8FFFFFFF  }
0x98: {  	s18 =	sld [smem:$0x3FDB];
	_ =	sdelay $0x1  }
0x99: {  	s19 =	simm.s32 $_scs_section_size  }
0x9a: {  	s4 =	simm.s32 $_size__tile_overlayer_lowered;
	s5 =	simm.s32 $_tile_overlayer_lowered  }
0x9b: {  	s22 =	simm.s32 $0x1BFF;
	s21 =	sshll.u32 s5, $0x1;
	s2 =	sadd.s32 s19, s18  }
0x9c: {  	s6 =	simm.s32 $0x0;
	s20 =	sshll.u32 s4, $0x1;
	s4 =	sadd.s32 s21, s2  }
0x9d: {  	[timem:s6], [sflag:s22] =	dma.local [hbm:s4], s20  }
0x9e: {  	_ =	swait.ge [sflag:s22], s20  }
0x9f: {  	s3 =	ssub.s32 $0x0, s20;
	[sflag:s22] =	ssyncset.done $0x0  }
0xa0: {  	[sflag:s22] =	ssyncadd.s32 s3;
	_ =	sdelay $0x1  }
0xa1: {  	s23 =	simm.s32 $0x1B8B  }
0xa2: {  	_ =	swait.ge [sflag:s23], $0x1  }
0xa3: {  	[sflag:s23] =	ssyncset.done $0x0  }
0xa4: {  	s25 =	simm.s32 $0x1B8E;
	s24 =	sld [smem:$0x3FFE];
	[sflag:s23] =	ssyncadd.s32 $0xFFFFFFFF  }
0xa5: {  	s26 =	simm.s32 $execute0_lowered;
	[smem:$0x3FD2] =	sst s25  }
0xa6: {  	s4 =	sshll.u32 s26, $0x1;
	_ =	strace $0x8000004F;
	[dreg:$0x1] =	wrdreg $0xFFFFFFFF  }
0xa7: {  	s28 =	simm.s32 $_size_execute0_lowered;
	s2 =	sadd.s32 s2, s4;
	[dreg:$0x0] =	wrdreg $0x0  }
0xa8: {  	s4 =	sshll.u32 s28, $0x1;
	[dreg:$0x2] =	wrdreg s2  }
0xa9: {  	[dreg:$0x3] =	wrdreg s4  }
0xaa: {  	[dreg:$0x4] =	wrdreg $0xC0  }
0xab: {  	_ =	task [dreg:s6], $0x5FFFF  }
0xac: {  	[dreg:$0x1] =	wrdreg $0xFFFFFFFF  }
0xad: {  	[dreg:$0x0] =	wrdreg $0x60  }
0xae: {  	[dreg:$0x2] =	wrdreg s24  }
0xaf: {  	[dreg:$0x3] =	wrdreg $0xA8000  }
0xb0: {  	[dreg:$0x4] =	wrdreg $0x9  }
0xb1: {  	_ =	task.clear_ibuf [dreg:s6], $0x5FFFF;
	_ =	strace $0x9000004F  }
0xb2: {  	s29 =	simm.s32 $0x9;
	_ =	strace $0x80000051  }
0xb3: {  	_ =	swait.ge [sflag:s29], $0x1  }
0xb4: {  	[sflag:s29] =	ssyncadd.s32 $0xFFFFFFFF  }
0xb5: {  	_ =	strace $0x90000051  }
0xb6: {  	_ =	sfence  }
0xb7: {  	s30 =	sld [smem:$0x0];
	_ =	sdelay $0x2  }
0xb8: {  	s31 =	sshll.u32 s1, $0xD;
	s1 =	sshrl.u32 s1, $0x2  }
0xb9: {  	s3 =	sand.u32 $0x4000, s31;
	s1 =	sadd.s32 s1, s30  }
0xba: {  	s0 =	sor.u32 s3, s0;
	s1 =	sshll.u32 s1, $0x11  }
0xbb: {  	s0 =	sor.u32 s1, s0  }
0xbc: {  	s0 =	sadd.s32 $0x8F2B, s0  }
0xbd: {  	[sflag:s0] =	ssyncadd.remote.s32 $0x1  }
0xbe: {  	_ =	sfence.sel $0xFFFF  }
0xbf: {  	[dreg:$0x0] =	wrdreg $0xFFFFFFFF;
	(pc) =	sbr.abs _section_cstart, $3  }
0xc0: {  	[dreg:$0x1] =	wrdreg $0xFFFFFFFF  }
0xc1: {  	_ =	task.clear_ibuf [dreg:s6], $0x2FFFF;
	_ =	strace $0x9FFFFFFF  }
0xc2: {  	(tm) =	ssettm $0x7FFFFFFF  }
0xc3: {  	_ =	shalt  }
tec
execute0_lowered:
.L_overlay_start_1:
0x0: {  	(tag) =	ssettag $0x1  }
0x1: {  	s0 =	rddreg [dreg:$0x0]  }
0x2: {  	s2 =	rddreg [dreg:$0x1]  }
0x3: {  	s3 =	simm.s32 $0x0;
	s1 =	stileid.u32;
	s6 =	srdreg.scid  }
0x4: {  	s18 =	simm.s32 $0x1400;
	s19 =	simm.s32 $0x80;
	s20 =	simm.s32 $0x2800  }
0x5: {  	s21 =	simm.s32 $0x6800;
	s22 =	simm.s32 $0x1;
	s23 =	simm.s32 $0x2  }
0x6: {  	s28 =	simm.s32 $0x2700;
	s29 =	simm.s32 $0x2780;
	s30 =	simm.s32 $0x0  }
0x7: {  	[smem:$0x7FF] =	sst s3;
	s5 =	smul.u32 $0x2A00, s1;
	s4 =	sadd.s32 $0xDEC00, s0  }
0x8: {  	s9 =	sadd.s32 $0x7CA00, s0;
	s10 =	sadd.s32 $0x86A00, s0;
	s6 =	sand.u32 $0x1, s6  }
0x9: {  	s7 =	sshll.u32 s1, $0x1;
	s8 =	smul.u32 $0x54000, s1;
	s12 =	sadd.s32 $0x105E00, s0  }
0xa: {  	s14 =	sadd.s32 $0x13B000, s2;
	s31 =	smul.u32 $0x13800, s1;
	s24 =	sadd.s32 $0x124800, s2  }
0xb: {  	s17 =	smul.u32 $0x4E000, s1;
	p0 =	seq.s32 s1, $0xF;
	_ =	strace $0x80000050  }
0xc: {  	s11 =	ssub.s32 $0x2, s6;
	s7 =	sor.u32 s6, s7;
	s15 =	smul.u32 $0x138800, s6  }
0xd: {  	s14 =	sshrl.u32 @p0 s14, $0x3;
	s24 =	sshrl.u32 @p0 s24, $0x3;
	s5 =	sadd.s32 s5, s0  }
0xe: {  	s13 =	sshrl.u32 s11, $0x1;
	s8 =	sshrl.u32 s8, $0x2;
	s7 =	smul.u32 $0x2800, s7  }
0xf: {  	s0 =	sadd.s32 $0x2B400, s0;
	s17 =	sshrl.u32 s17, $0x2;
	s13 =	ssub.s32 s11, s13  }
0x10: {  	s16 =	sadd.s32 s8, s2;
	s5 =	sadd.s32 $0x3E00, s5;
	[dreg:$0x4] =	wrdreg s0  }
0x11: {  	s0 =	sadd.s32 s31, s15;
	s15 =	sshrl.u32 s15, $0x3;
	[dreg:$0x3] =	wrdreg s5  }
0x12: {  	s26 =	sshrl.u32 s7, $0x3;
	s0 =	sshrl.u32 s0, $0x3;
	s13 =	smax.u32 s13, $0x1  }
0x13: {  	s16 =	sshrl.u32 @!p0 s16, $0x3;
	s7 =	sadd.s32 s9, s26;
	s11 =	sadd.s32 $0x280, s26  }
0x14: {  	s8 =	sadd.s32 s10, s26;
	s26 =	simm.s32 $0x1380;
	s9 =	sadd.s32 s9, s11  }
0x15: {  	s10 =	sadd.s32 s10, s11;
	s11 =	sadd.s32 s12, s0;
	s0 =	sadd.s32 s17, s2  }
0x16: {  	s12 =	sadd.s32 s12, s15;
	s15 =	sshll.u32 @!p0 s1, $0x6;
	s17 =	simm.s32 $0x3  }
0x17: {  	s12 =	sadd.s32 $0x24900, s12;
	s15 =	sor.u32 @!p0 $0x1C03, s15;
	s25 =	sshrl.u32 @!p0 s0, $0x3  }
.LBB2_1:
0x18: {  	s0 =	simm.s32 @p0 $0x1FC3;
	s1 =	rddreg [dreg:$0x4]  }
0x19: {  	[spmem:s14], [sflag:s0] =	dma.local @p0 [hbm:s1], $0x2B00  }
0x1a: {  	s0 =	simm.s32 @p0 $0x3  }
0x1b: {  	_ =	swait.ge @p0 [sflag:s0], $0x2B00  }
0x1c: {  	[sflag:s0] =	ssyncset.done @p0 $0x0  }
0x1d: {  	[sflag:s0] =	ssyncadd.s32 @p0 $0xFFFFD500;
	s0 =	rddreg [dreg:$0x3]  }
0x1e: {  	[spmem:s16], [sflag:s15] =	dma.local @!p0 [hbm:s0], $0x2A00  }
0x1f: {  	s0 =	simm.s32 @!p0 $0x3  }
0x20: {  	_ =	swait.ge @!p0 [sflag:s0], $0x2A00  }
0x21: {  	[sflag:s0] =	ssyncset.done @!p0 $0x0  }
0x22: {  	[sflag:s0] =	ssyncadd.s32 @!p0 $0xFFFFD600  }
0x23: {  	[bflag:$0x0] =	sbarrier.arrive $0xFFFF  }
0x24: {  	[tilespmem:s3], [sflag:$0x3] =	stream.linear.gather [hbm4b:s7+s3], $0x1400, $0x38;
	[tilespmem:$0x1F880] =	vst v63  }
0x25: {  	_ =	swait.ge [sflag:s17], $0x1400  }
0x26: {  	[sflag:s17] =	ssyncset.done $0x0  }
0x27: {  	[sflag:s17] =	ssyncadd.s32 $0xFFFFEC00  }
0x28: {  	[tilespmem:s18], [sflag:$0x3] =	stream.linear.gather [hbm4b:s8+s3], $0x1400, $0x38;
	[tilespmem:$0x1F880] =	vst v63  }
0x29: {  	_ =	swait.ge [sflag:s17], $0x1400  }
0x2a: {  	[sflag:s17] =	ssyncset.done $0x0  }
0x2b: {  	[sflag:s17] =	ssyncadd.s32 $0xFFFFEC00  }
0x2c: {  	[tilespmem:s20], [sflag:$0x1] =	stream.indirect.gather [hbm4b:s4+s19], $0x80, s3, s19, $0xb8;
	[tilespmem:$0x1F880] =	vst v63  }
0x2d: {  	s6 =	simm.s32 $0x80  }
0x2e: {  	[tilespmem:s21], [sflag:$0x2] =	stream.indirect.gather [hbm4b:s4+s19], $0x80, s6, s19, $0xb8;
	[tilespmem:$0x1F880] =	vst v63  }
0x2f: {  	_ =	swait.ge [sflag:s22], $0x4000  }
0x30: {  	[sflag:s22] =	ssyncset.done $0x0  }
0x31: {  	s1 =	simm.s32 $0x1400;
	[sflag:s22] =	ssyncadd.s32 $0xFFFFC000  }
0x32: {  	[spmem:s2] =	stream.indirect.scatter.add.f32 [tilespmem:s20], [sflag:$0x3], $0x80, s1, s19, $0xb8;
	[tilespmem:$0x1F880] =	vst v63  }
0x33: {  	_ =	swait.ge [sflag:s17], $0x4000  }
0x34: {  	[sflag:s17] =	ssyncset.done $0x0  }
0x35: {  	s5 =	simm.s32 $0x100;
	[sflag:s17] =	ssyncadd.s32 $0xFFFFC000  }
0x36: {  	[tilespmem:s20], [sflag:$0x1] =	stream.indirect.gather [hbm4b:s4+s19], $0x80, s5, s19, $0xb8;
	[tilespmem:$0x1F880] =	vst v63  }
0x37: {  	_ =	swait.ge [sflag:s23], $0x4000  }
0x38: {  	[sflag:s23] =	ssyncset.done $0x0  }
0x39: {  	s6 =	simm.s32 $0x1480;
	[sflag:s23] =	ssyncadd.s32 $0xFFFFC000  }
0x3a: {  	[spmem:s2] =	stream.indirect.scatter.add.f32 [tilespmem:s21], [sflag:$0x3], $0x80, s6, s19, $0xb8;
	[tilespmem:$0x1F880] =	vst v63  }
0x3b: {  	_ =	swait.ge [sflag:s17], $0x4000  }
0x3c: {  	s31 =	simm.s32 $0x100;
	s0 =	simm.s32 $0x800;
	[sflag:s17] =	ssyncset.done $0x0  }
.LBB2_2:
0x3d: {  	s1 =	sadd.s32 $0x80, s31  }
0x3e: {  	[sflag:s17] =	ssyncadd.s32 $0xFFFFC000;
	s5 =	smov.u32 s0;
	s6 =	sadd.s32 $0x400, s0  }
0x3f: {  	[tilespmem:s21], [sflag:$0x2] =	stream.indirect.gather [hbm4b:s4+s19], $0x80, s1, s19, $0xb8;
	[tilespmem:$0x1F880] =	vst v63  }
0x40: {  	p1 =	sne.s32 s0, $0x4800;
	_ =	swait.ge [sflag:s22], $0x4000  }
0x41: {  	[sflag:s22] =	ssyncset.done $0x0  }
0x42: {  	s0 =	sadd.s32 $0x1400, s31;
	[sflag:s22] =	ssyncadd.s32 $0xFFFFC000  }
0x43: {  	[spmem:s2] =	stream.indirect.scatter.add.f32 [tilespmem:s20], [sflag:$0x3], $0x80, s0, s19, $0xb8;
	[tilespmem:$0x1F880] =	vst v63  }
0x44: {  	_ =	swait.ge [sflag:s17], $0x4000  }
0x45: {  	[sflag:s17] =	ssyncset.done $0x0  }
0x46: {  	s0 =	sadd.s32 $0x100, s31;
	[sflag:s17] =	ssyncadd.s32 $0xFFFFC000  }
0x47: {  	[tilespmem:s20], [sflag:$0x1] =	stream.indirect.gather [hbm4b:s4+s19], $0x80, s0, s19, $0xb8;
	[tilespmem:$0x1F880] =	vst v63  }
0x48: {  	_ =	swait.ge [sflag:s23], $0x4000  }
.Ltmp0:
0x49: {  	[sflag:s23] =	ssyncset.done $0x0;
	(pc) =	sbr.rel @p1 .LBB2_2-.Ltmp0, $4  }
0x4a: {  	s0 =	sadd.s32 $0x1480, s31;
	[sflag:s23] =	ssyncadd.s32 $0xFFFFC000  }
0x4b: {  	[spmem:s2] =	stream.indirect.scatter.add.f32 [tilespmem:s21], [sflag:$0x3], $0x80, s0, s19, $0xb8;
	[tilespmem:$0x1F880] =	vst v63  }
0x4c: {  	_ =	swait.ge [sflag:s17], $0x4000  }
0x4d: {  	s31 =	sshra.s32 s5, $0x2;
	s0 =	smov.u32 s6;
	[sflag:s17] =	ssyncset.done $0x0  }
0x4e: {  	s0 =	sadd.s32 $0x80, s31;
	[sflag:s17] =	ssyncadd.s32 $0xFFFFC000  }
0x4f: {  	[tilespmem:s21], [sflag:$0x2] =	stream.indirect.gather [hbm4b:s4+s19], $0x80, s0, s19, $0xb8;
	[tilespmem:$0x1F880] =	vst v63  }
0x50: {  	_ =	swait.ge [sflag:s22], $0x4000  }
0x51: {  	[sflag:s22] =	ssyncset.done $0x0  }
0x52: {  	s5 =	sadd.s32 $0x1400, s31;
	[sflag:s22] =	ssyncadd.s32 $0xFFFFC000  }
0x53: {  	[spmem:s2] =	stream.indirect.scatter.add.f32 [tilespmem:s20], [sflag:$0x3], $0x80, s5, s19, $0xb8;
	[tilespmem:$0x1F880] =	vst v63  }
0x54: {  	_ =	swait.ge [sflag:s17], $0x4000  }
0x55: {  	[sflag:s17] =	ssyncset.done $0x0  }
0x56: {  	s6 =	sadd.s32 $0x100, s31;
	[sflag:s17] =	ssyncadd.s32 $0xFFFFC000  }
0x57: {  	[tilespmem:s20], [sflag:$0x1] =	stream.indirect.gather [hbm4b:s4+s19], $0x80, s6, s19, $0xb8;
	[tilespmem:$0x1F880] =	vst v63  }
0x58: {  	_ =	swait.ge [sflag:s23], $0x4000  }
0x59: {  	[sflag:s23] =	ssyncset.done $0x0  }
0x5a: {  	s1 =	sadd.s32 $0x1480, s31;
	[sflag:s23] =	ssyncadd.s32 $0xFFFFC000  }
0x5b: {  	[spmem:s2] =	stream.indirect.scatter.add.f32 [tilespmem:s21], [sflag:$0x3], $0x80, s1, s19, $0xb8;
	[tilespmem:$0x1F880] =	vst v63  }
0x5c: {  	_ =	swait.ge [sflag:s17], $0x4000  }
0x5d: {  	[sflag:s17] =	ssyncset.done $0x0  }
0x5e: {  	[sflag:s17] =	ssyncadd.s32 $0xFFFFC000  }
0x5f: {  	[tilespmem:s21], [sflag:$0x2] =	stream.indirect.gather [hbm4b:s4+s19], $0x80, s26, s19, $0xb8;
	[tilespmem:$0x1F880] =	vst v63  }
0x60: {  	_ =	swait.ge [sflag:s22], $0x4000  }
0x61: {  	[sflag:s22] =	ssyncset.done $0x0  }
0x62: {  	[sflag:s22] =	ssyncadd.s32 $0xFFFFC000  }
0x63: {  	[spmem:s2] =	stream.indirect.scatter.add.f32 [tilespmem:s20], [sflag:$0x3], $0x80, s28, s19, $0xb8;
	[tilespmem:$0x1F880] =	vst v63  }
0x64: {  	_ =	swait.ge [sflag:s17], $0x4000  }
0x65: {  	[sflag:s17] =	ssyncset.done $0x0  }
0x66: {  	[sflag:s17] =	ssyncadd.s32 $0xFFFFC000  }
0x67: {  	_ =	swait.ge [sflag:s23], $0x4000  }
0x68: {  	[sflag:s23] =	ssyncset.done $0x0  }
0x69: {  	[sflag:s23] =	ssyncadd.s32 $0xFFFFC000  }
0x6a: {  	[spmem:s2] =	stream.indirect.scatter.add.f32 [tilespmem:s21], [sflag:$0x3], $0x80, s29, s19, $0xb8;
	[tilespmem:$0x1F880] =	vst v63  }
0x6b: {  	_ =	swait.ge [sflag:s17], $0x4000  }
0x6c: {  	[sflag:s17] =	ssyncset.done $0x0  }
0x6d: {  	s5 =	simm.s32 $0x0;
	[sflag:s17] =	ssyncadd.s32 $0xFFFFC000  }
0x6e: {  	[tilespmem:s5], [sflag:$0x3] =	stream.linear.gather [hbm4b:s9+s5], $0x1400, $0x38;
	[tilespmem:$0x1F880] =	vst v63  }
0x6f: {  	_ =	swait.ge [sflag:s17], $0x1400  }
0x70: {  	[sflag:s17] =	ssyncset.done $0x0  }
0x71: {  	[sflag:s17] =	ssyncadd.s32 $0xFFFFEC00  }
0x72: {  	[tilespmem:s18], [sflag:$0x3] =	stream.linear.gather [hbm4b:s10+s5], $0x1400, $0x38;
	[tilespmem:$0x1F880] =	vst v63  }
0x73: {  	_ =	swait.ge [sflag:s17], $0x1400  }
0x74: {  	[sflag:s17] =	ssyncset.done $0x0  }
0x75: {  	[sflag:s17] =	ssyncadd.s32 $0xFFFFEC00  }
0x76: {  	[tilespmem:s20], [sflag:$0x1] =	stream.indirect.gather [hbm4b:s4+s19], $0x80, s5, s19, $0xb8;
	[tilespmem:$0x1F880] =	vst v63  }
0x77: {  	s6 =	simm.s32 $0x80  }
0x78: {  	[tilespmem:s21], [sflag:$0x2] =	stream.indirect.gather [hbm4b:s4+s19], $0x80, s6, s19, $0xb8;
	[tilespmem:$0x1F880] =	vst v63  }
0x79: {  	_ =	swait.ge [sflag:s22], $0x4000  }
0x7a: {  	[sflag:s22] =	ssyncset.done $0x0  }
0x7b: {  	s1 =	simm.s32 $0x1400;
	[sflag:s22] =	ssyncadd.s32 $0xFFFFC000  }
0x7c: {  	[spmem:s2] =	stream.indirect.scatter.add.f32 [tilespmem:s20], [sflag:$0x3], $0x80, s1, s19, $0xb8;
	[tilespmem:$0x1F880] =	vst v63  }
0x7d: {  	_ =	swait.ge [sflag:s17], $0x4000  }
0x7e: {  	[sflag:s17] =	ssyncset.done $0x0  }
0x7f: {  	s5 =	simm.s32 $0x100;
	[sflag:s17] =	ssyncadd.s32 $0xFFFFC000  }
0x80: {  	[tilespmem:s20], [sflag:$0x1] =	stream.indirect.gather [hbm4b:s4+s19], $0x80, s5, s19, $0xb8;
	[tilespmem:$0x1F880] =	vst v63  }
0x81: {  	_ =	swait.ge [sflag:s23], $0x4000  }
0x82: {  	[sflag:s23] =	ssyncset.done $0x0  }
0x83: {  	s6 =	simm.s32 $0x1480;
	[sflag:s23] =	ssyncadd.s32 $0xFFFFC000  }
0x84: {  	[spmem:s2] =	stream.indirect.scatter.add.f32 [tilespmem:s21], [sflag:$0x3], $0x80, s6, s19, $0xb8;
	[tilespmem:$0x1F880] =	vst v63  }
0x85: {  	_ =	swait.ge [sflag:s17], $0x4000  }
0x86: {  	s31 =	simm.s32 $0x100;
	s0 =	simm.s32 $0x800;
	[sflag:s17] =	ssyncset.done $0x0  }
.LBB2_4:
0x87: {  	s1 =	sadd.s32 $0x80, s31  }
0x88: {  	[sflag:s17] =	ssyncadd.s32 $0xFFFFC000;
	s5 =	smov.u32 s0;
	s6 =	sadd.s32 $0x400, s0  }
0x89: {  	[tilespmem:s21], [sflag:$0x2] =	stream.indirect.gather [hbm4b:s4+s19], $0x80, s1, s19, $0xb8;
	[tilespmem:$0x1F880] =	vst v63  }
0x8a: {  	p1 =	sne.s32 s0, $0x4800;
	_ =	swait.ge [sflag:s22], $0x4000  }
0x8b: {  	[sflag:s22] =	ssyncset.done $0x0  }
0x8c: {  	s0 =	sadd.s32 $0x1400, s31;
	[sflag:s22] =	ssyncadd.s32 $0xFFFFC000  }
0x8d: {  	[spmem:s2] =	stream.indirect.scatter.add.f32 [tilespmem:s20], [sflag:$0x3], $0x80, s0, s19, $0xb8;
	[tilespmem:$0x1F880] =	vst v63  }
0x8e: {  	_ =	swait.ge [sflag:s17], $0x4000  }
0x8f: {  	[sflag:s17] =	ssyncset.done $0x0  }
0x90: {  	s0 =	sadd.s32 $0x100, s31;
	[sflag:s17] =	ssyncadd.s32 $0xFFFFC000  }
0x91: {  	[tilespmem:s20], [sflag:$0x1] =	stream.indirect.gather [hbm4b:s4+s19], $0x80, s0, s19, $0xb8;
	[tilespmem:$0x1F880] =	vst v63  }
0x92: {  	_ =	swait.ge [sflag:s23], $0x4000  }
.Ltmp1:
0x93: {  	[sflag:s23] =	ssyncset.done $0x0;
	(pc) =	sbr.rel @p1 .LBB2_4-.Ltmp1, $4  }
0x94: {  	s0 =	sadd.s32 $0x1480, s31;
	[sflag:s23] =	ssyncadd.s32 $0xFFFFC000  }
0x95: {  	[spmem:s2] =	stream.indirect.scatter.add.f32 [tilespmem:s21], [sflag:$0x3], $0x80, s0, s19, $0xb8;
	[tilespmem:$0x1F880] =	vst v63  }
0x96: {  	_ =	swait.ge [sflag:s17], $0x4000  }
0x97: {  	s31 =	sshra.s32 s5, $0x2;
	s0 =	smov.u32 s6;
	[sflag:s17] =	ssyncset.done $0x0  }
0x98: {  	s0 =	sadd.s32 $0x80, s31;
	[sflag:s17] =	ssyncadd.s32 $0xFFFFC000  }
0x99: {  	[tilespmem:s21], [sflag:$0x2] =	stream.indirect.gather [hbm4b:s4+s19], $0x80, s0, s19, $0xb8;
	[tilespmem:$0x1F880] =	vst v63  }
0x9a: {  	_ =	swait.ge [sflag:s22], $0x4000  }
0x9b: {  	[sflag:s22] =	ssyncset.done $0x0  }
0x9c: {  	s5 =	sadd.s32 $0x1400, s31;
	[sflag:s22] =	ssyncadd.s32 $0xFFFFC000  }
0x9d: {  	[spmem:s2] =	stream.indirect.scatter.add.f32 [tilespmem:s20], [sflag:$0x3], $0x80, s5, s19, $0xb8;
	[tilespmem:$0x1F880] =	vst v63  }
0x9e: {  	_ =	swait.ge [sflag:s17], $0x4000  }
0x9f: {  	[sflag:s17] =	ssyncset.done $0x0  }
0xa0: {  	s6 =	sadd.s32 $0x100, s31;
	[sflag:s17] =	ssyncadd.s32 $0xFFFFC000  }
0xa1: {  	[tilespmem:s20], [sflag:$0x1] =	stream.indirect.gather [hbm4b:s4+s19], $0x80, s6, s19, $0xb8;
	[tilespmem:$0x1F880] =	vst v63  }
0xa2: {  	_ =	swait.ge [sflag:s23], $0x4000  }
0xa3: {  	[sflag:s23] =	ssyncset.done $0x0  }
0xa4: {  	s31 =	sadd.s32 $0x1480, s31;
	[sflag:s23] =	ssyncadd.s32 $0xFFFFC000  }
0xa5: {  	[spmem:s2] =	stream.indirect.scatter.add.f32 [tilespmem:s21], [sflag:$0x3], $0x80, s31, s19, $0xb8;
	[tilespmem:$0x1F880] =	vst v63  }
0xa6: {  	_ =	swait.ge [sflag:s17], $0x4000  }
0xa7: {  	[sflag:s17] =	ssyncset.done $0x0  }
0xa8: {  	[sflag:s17] =	ssyncadd.s32 $0xFFFFC000  }
0xa9: {  	[tilespmem:s21], [sflag:$0x2] =	stream.indirect.gather [hbm4b:s4+s19], $0x80, s26, s19, $0xb8;
	[tilespmem:$0x1F880] =	vst v63  }
0xaa: {  	_ =	swait.ge [sflag:s22], $0x4000  }
0xab: {  	[sflag:s22] =	ssyncset.done $0x0  }
0xac: {  	[sflag:s22] =	ssyncadd.s32 $0xFFFFC000  }
0xad: {  	[spmem:s2] =	stream.indirect.scatter.add.f32 [tilespmem:s20], [sflag:$0x3], $0x80, s28, s19, $0xb8;
	[tilespmem:$0x1F880] =	vst v63  }
0xae: {  	_ =	swait.ge [sflag:s17], $0x4000  }
0xaf: {  	[sflag:s17] =	ssyncset.done $0x0  }
0xb0: {  	[sflag:s17] =	ssyncadd.s32 $0xFFFFC000  }
0xb1: {  	_ =	swait.ge [sflag:s23], $0x4000  }
0xb2: {  	[sflag:s23] =	ssyncset.done $0x0  }
0xb3: {  	[sflag:s23] =	ssyncadd.s32 $0xFFFFC000  }
0xb4: {  	[spmem:s2] =	stream.indirect.scatter.add.f32 [tilespmem:s21], [sflag:$0x3], $0x80, s29, s19, $0xb8;
	[tilespmem:$0x1F880] =	vst v63  }
0xb5: {  	_ =	swait.ge [sflag:s17], $0x4000  }
0xb6: {  	[sflag:s17] =	ssyncset.done $0x0  }
0xb7: {  	[sflag:s17] =	ssyncadd.s32 $0xFFFFC000  }
0xb8: {  	s0 =	simm.s32 @p0 $0x1FC3;
	[bflag:$0x0] =	sbarrier.arrive $0xFFFF  }
0xb9: {  	[hbm:s12], [sflag:s0] =	dma.local @p0 [spmem:s24], $0x2800  }
0xba: {  	s0 =	simm.s32 @p0 $0x3  }
0xbb: {  	s30 =	sadd.s32 $0x1, s30;
	_ =	swait.ge @p0 [sflag:s0], $0x2800  }
0xbc: {  	p1 =	sne.s32 s30, s13;
	[sflag:s0] =	ssyncset.done @p0 $0x0  }
.Ltmp2:
0xbd: {  	[sflag:s0] =	ssyncadd.s32 @p0 $0xFFFFD800;
	s0 =	simm.s32 @!p0 $0x3;
	(pc) =	sbr.rel @p1 .LBB2_1-.Ltmp2, $4  }
0xbe: {  	[hbm:s11], [sflag:s15] =	dma.local @!p0 [spmem:s25], $0x2700  }
0xbf: {  	_ =	swait.ge @!p0 [sflag:s0], $0x2700  }
0xc0: {  	[sflag:s0] =	ssyncset.done @!p0 $0x0  }
0xc1: {  	[sflag:s0] =	ssyncadd.s32 @!p0 $0xFFFFD900  }
0xc2: {  	_ =	sfence.sel $0x180000  }
0xc3: {  	[bflag:$0x0] =	sbarrier.arrive $0xFFFF  }
0xc4: {  	_ =	strace $0x90000050  }
0xc5: {  	s0 =	stileid.u32;
	[bflag:$0x2] =	sbarrier.arrive $0xFFFF  }
0xc6: {  	p0 =	sne.s32 s0, $0x0;
	s0 =	rddreg [dreg:$0x2]  }
0xc7: {  	s0 =	sadd.s32 @!p0 $0x100000, s0  }
0xc8: {  	[sflag:s0] =	ssyncadd.tile.s32 @!p0 $0x1;
	_ =	shalt  }
.Lfunc_end2:
_tile_overlayer_lowered:
.L_overlay_start_2:
0xc9: {  	(tag) =	ssettag $0x2  }
0xca: {  	s0 =	rddreg [dreg:$0x0];
	s2 =	stileid.u32  }
0xcb: {  	s1 =	rddreg [dreg:$0x1];
	p0 =	sne.s32 s2, $0x0  }
0xcc: {  	s3 =	rddreg [dreg:$0x2];
	[bflag:$0x3] =	sbarrier.arrive $0xFFFF;
	s2 =	simm.s32 @!p0 $0x1C03  }
0xcd: {  	[timem:s3], [sflag:s2] =	dma.local @!p0 [hbm:s0], s1  }
0xce: {  	s0 =	simm.s32 @!p0 $0x3  }
0xcf: {  	_ =	swait.ge @!p0 [sflag:s0], s1  }
0xd0: {  	s1 =	ssub.s32 @!p0 $0x0, s1;
	[sflag:s0] =	ssyncset.done @!p0 $0x0  }
0xd1: {  	[sflag:s0] =	ssyncadd.s32 @!p0 s1  }
0xd2: {  	[bflag:$0x3] =	sbarrier.arrive $0xFFFF  }
0xd3: {  	_ =	shalt  }

// kernel: kernel.23.cloned.1.call-start
scs
__scs_entry_jumppad:
0x0: {  	(pc) =	sbr.rel $0x88, $3  }
0x1: {  	(tag) =	ssettag $0x0;
	lr =	simm.s32 $0x1  }
0x2: {  	[smem:$0x3F96] =	sst lr;
	_ =	strace $0xD0000000  }
0x3: {  	_ = 	snop  }
0x4: {  	_ = 	snop  }
0x5: {  	_ = 	snop  }
0x6: {  	_ = 	snop  }
0x7: {  	_ = 	snop  }
__scs_overlays_trampoline_lowered:
0x8: {  	[smem:$0x3FA5] =	sst s0  }
0x9: {  	[smem:$0x3FA6] =	sst s1  }
0xa: {  	[smem:$0x3FA7] =	sst s2  }
0xb: {  	[smem:$0x3FA8] =	sst s3  }
0xc: {  	[smem:$0x3FA9] =	sst s4  }
0xd: {  	[smem:$0x3FAA] =	sst s5  }
0xe: {  	[smem:$0x3FAB] =	sst s6  }
0xf: {  	[smem:$0x3FAC] =	sst s7  }
0x10: {  	[smem:$0x3FAD] =	sst s8  }
0x11: {  	[smem:$0x3FAE] =	sst s9;
	s0 =	simm.s32 @!p0 $0x0  }
0x12: {  	s1 =	sld [smem:$0x3F94];
	s0 =	simm.s32 @p0 $0x1  }
0x13: {  	[smem:$0x3FAF] =	sst s0;
	s0 =	simm.s32 @!p1 $0x0  }
0x14: {  	s2 =	sld [smem:$0x3F93];
	s0 =	simm.s32 @p1 $0x1  }
0x15: {  	[smem:$0x3FB0] =	sst s0;
	s0 =	simm.s32 @!p2 $0x0  }
0x16: {  	s3 =	sld [smem:$0x3FDB];
	s0 =	simm.s32 @p2 $0x1  }
0x17: {  	s4 =	simm.s32 $0x1BF5;
	[smem:$0x3FB2] =	sst s0  }
0x18: {  	s0 =	sld [smem:$0x3F95];
	_ =	swait.ge [sflag:s4], $0x0  }
0x19: {  	s7 =	sld [smem:$0x3F96]  }
0x1a: {  	s8 =	sadd.s32 $0xFFFFE003, lr  }
0x1b: {  	s9 =	sadd.s32 $0xFFFFFEF7, lr;
	s5 =	simm.s32 $0xFFFFFFFF;
	p2 =	slt.u32 s8, $0xFFFFF086  }
0x1c: {  	p1 =	slt.u32 s9, $0xF7A;
	s5 =	simm.s32 @!p2 $0x0  }
0x1d: {  	s5 =	simm.s32 @p1 $0x1;
	p0 =	seq.s32 s7, s2  }
0x1e: {  	s7 =	smul.u32 @!p0 $0xF7A, s2;
	p2 =	seq.s32 @!p0 s5, $0x0  }
0x1f: {  	s9 =	smul.u32 $0xF7A, s1;
	s8 =	simm.s32 @!p0 $0x1BF5;
	p2 =	por !p2, p0  }
0x20: {  	[sflag:s8] =	ssyncset.s32 @!p0 $0xFFFFF086;
	s6 =	sadd.s32 @!p0 s3, s7;
	s7 =	simm.s32 @!p0 $0x108  }
0x21: {  	s3 =	sadd.s32 s3, s9;
	s6 =	sadd.s32 @!p0 $0x88, s6;
	s7 =	simm.s32 @p2 $0x1082  }
0x22: {  	[simem:s7], [sflag:s8] =	dma.local @!p0 [hbm:s6], $0xF7A  }
0x23: {  	s9 =	sor.u32 $0xD0000000, s2;
	s6 =	simm.s32 $0x108;
	_ =	swait.ge @!p0 [sflag:s8], $0x0  }
0x24: {  	s3 =	sadd.s32 $0x88, s3;
	s6 =	simm.s32 @!p1 $0x1082;
	[sflag:s4] =	ssyncset.s32 $0xFFFFF086  }
0x25: {  	[simem:s6], [sflag:s4] =	dma.local [hbm:s3], $0xF7A  }
0x26: {  	[smem:$0x3F96] =	sst s1;
	(tag) =	ssettag s2;
	_ =	strace s9  }
0x27: {  	s1 =	sld [smem:$0x3FA6]  }
0x28: {  	s2 =	sld [smem:$0x3FA7]  }
0x29: {  	s4 =	sld [smem:$0x3FA9]  }
0x2a: {  	p0 =	seq.s32 s5, $0x0;
	s5 =	sld [smem:$0x3FAA]  }
0x2b: {  	s6 =	sld [smem:$0x3FAB]  }
0x2c: {  	s7 =	sld [smem:$0x3FAC]  }
0x2d: {  	s3 =	simm.s32 $0x108;
	s8 =	sld [smem:$0x3FAD]  }
0x2e: {  	s3 =	simm.s32 @!p0 $0x1082;
	s9 =	sld [smem:$0x3FAE]  }
0x2f: {  	lr =	sadd.s32 s0, s3;
	s0 =	sld [smem:$0x3FA5]  }
0x30: {  	s3 =	sld [smem:$0x3FA8]  }
0x31: {  	[smem:$0x3FB1] =	sst s10  }
0x32: {  	s10 =	sld [smem:$0x3FAF];
	_ =	sdelay $0x3  }
0x33: {  	p0 =	seq.s32 s10, $0x1;
	s10 =	sld [smem:$0x3FB1];
	_ =	sdelay $0x3  }
0x34: {  	[smem:$0x3FB1] =	sst s10  }
0x35: {  	s10 =	sld [smem:$0x3FB0];
	_ =	sdelay $0x3  }
0x36: {  	p1 =	seq.s32 s10, $0x1;
	s10 =	sld [smem:$0x3FB1];
	_ =	sdelay $0x3  }
0x37: {  	[smem:$0x3FB1] =	sst s10  }
0x38: {  	s10 =	sld [smem:$0x3FB2]  }
0x39: {  	_ = 	snop;
	(pc) =	sbr.ind lr, $3  }
0x3a: {  	_ = 	snop  }
0x3b: {  	_ = 	snop  }
0x3c: {  	p2 =	seq.s32 s10, $0x1;
	s10 =	sld [smem:$0x3FB1]  }
0x3d: {  	_ =	shalt  }
0x3e: {  	_ =	shalt  }
0x3f: {  	_ =	shalt  }
0x40: {  	_ =	shalt  }
0x41: {  	_ =	shalt  }
0x42: {  	_ =	shalt  }
0x43: {  	_ =	shalt  }
0x44: {  	_ =	shalt  }
0x45: {  	_ =	shalt  }
0x46: {  	_ =	shalt  }
0x47: {  	_ =	shalt  }
0x48: {  	_ =	shalt  }
0x49: {  	_ =	shalt  }
0x4a: {  	_ =	shalt  }
0x4b: {  	_ =	shalt  }
0x4c: {  	_ =	shalt  }
0x4d: {  	_ =	shalt  }
0x4e: {  	_ =	shalt  }
0x4f: {  	_ =	shalt  }
0x50: {  	_ =	shalt  }
0x51: {  	_ =	shalt  }
0x52: {  	_ =	shalt  }
0x53: {  	_ =	shalt  }
0x54: {  	_ =	shalt  }
0x55: {  	_ =	shalt  }
0x56: {  	_ =	shalt  }
0x57: {  	_ =	shalt  }
0x58: {  	_ =	shalt  }
0x59: {  	_ =	shalt  }
0x5a: {  	_ =	shalt  }
0x5b: {  	_ =	shalt  }
0x5c: {  	_ =	shalt  }
0x5d: {  	_ =	shalt  }
0x5e: {  	_ =	shalt  }
0x5f: {  	_ =	shalt  }
0x60: {  	_ =	shalt  }
0x61: {  	_ =	shalt  }
0x62: {  	_ =	shalt  }
0x63: {  	_ =	shalt  }
0x64: {  	_ =	shalt  }
0x65: {  	_ =	shalt  }
0x66: {  	_ =	shalt  }
0x67: {  	_ =	shalt  }
0x68: {  	_ =	shalt  }
0x69: {  	_ =	shalt  }
0x6a: {  	_ =	shalt  }
0x6b: {  	_ =	shalt  }
0x6c: {  	_ =	shalt  }
0x6d: {  	_ =	shalt  }
0x6e: {  	_ =	shalt  }
0x6f: {  	_ =	shalt  }
0x70: {  	_ =	shalt  }
0x71: {  	_ =	shalt  }
0x72: {  	_ =	shalt  }
0x73: {  	_ =	shalt  }
0x74: {  	_ =	shalt  }
0x75: {  	_ =	shalt  }
0x76: {  	_ =	shalt  }
0x77: {  	_ =	shalt  }
0x78: {  	_ =	shalt  }
0x79: {  	_ =	shalt  }
0x7a: {  	_ =	shalt  }
0x7b: {  	_ =	shalt  }
0x7c: {  	_ =	shalt  }
0x7d: {  	_ =	shalt  }
0x7e: {  	_ =	shalt  }
0x7f: {  	_ =	shalt  }
0x80: {  	_ =	shalt  }
0x81: {  	_ =	shalt  }
0x82: {  	_ =	shalt  }
0x83: {  	_ =	shalt  }
0x84: {  	_ =	shalt  }
0x85: {  	_ =	shalt  }
0x86: {  	_ =	shalt  }
0x87: {  	_ =	shalt  }
.Lfunc_end0:
.L_simem_size_0:
called_computation.4_lowered:
.L_overlay_start_0:
0x88: {  	s2 =	sld [smem:$0x3FD9]  }
0x89: {  	s3 =	sld [smem:$0x3FFE];
	_ =	sdelay $0x1  }
0x8a: {  	s1 =	srdreg.scid  }
0x8b: {  	s0 =	sand.u32 $0x1, s1  }
0x8c: {  	s16 =	sshll.u32 s0, $0xA;
	s2 =	sadd.s32 s3, s2  }
0x8d: {  	s2 =	sadd.s32 s2, s16  }
0x8e: {  	[smem:$0x3FBD] =	sst s2  }
0x8f: {  	_ = 	snop  }
0x90: {  	(tm) =	ssettm $0x1  }
0x91: {  	s17 =	sld [smem:$0x3FFB];
	_ =	sdelay $0x3  }
0x92: {  	_ =	strace s17  }
0x93: {  	s2 =	sld [smem:$0x3FFC];
	_ =	sdelay $0x3  }
0x94: {  	_ =	strace s2  }
0x95: {  	s2 =	sld [smem:$0x3FFD];
	_ =	sdelay $0x3  }
0x96: {  	_ =	strace s2  }
0x97: {  	_ =	strace $0x8FFFFFFF  }
0x98: {  	s18 =	sld [smem:$0x3FDB];
	_ =	sdelay $0x1  }
0x99: {  	s19 =	simm.s32 $_scs_section_size  }
0x9a: {  	s4 =	simm.s32 $_size__tile_overlayer_lowered;
	s5 =	simm.s32 $_tile_overlayer_lowered  }
0x9b: {  	s22 =	simm.s32 $0x1BFF;
	s21 =	sshll.u32 s5, $0x1;
	s2 =	sadd.s32 s19, s18  }
0x9c: {  	s6 =	simm.s32 $0x0;
	s20 =	sshll.u32 s4, $0x1;
	s4 =	sadd.s32 s21, s2  }
0x9d: {  	[timem:s6], [sflag:s22] =	dma.local [hbm:s4], s20  }
0x9e: {  	_ =	swait.ge [sflag:s22], s20  }
0x9f: {  	s3 =	ssub.s32 $0x0, s20;
	[sflag:s22] =	ssyncset.done $0x0  }
0xa0: {  	[sflag:s22] =	ssyncadd.s32 s3;
	_ =	sdelay $0x1  }
0xa1: {  	s23 =	simm.s32 $0x1B8B  }
0xa2: {  	_ =	swait.ge [sflag:s23], $0x1  }
0xa3: {  	[sflag:s23] =	ssyncset.done $0x0  }
0xa4: {  	s25 =	simm.s32 $0x1B8E;
	s24 =	sld [smem:$0x3FFE];
	[sflag:s23] =	ssyncadd.s32 $0xFFFFFFFF  }
0xa5: {  	s26 =	simm.s32 $execute0_lowered;
	[smem:$0x3FD2] =	sst s25  }
0xa6: {  	s4 =	sshll.u32 s26, $0x1;
	_ =	strace $0x80000052;
	[dreg:$0x1] =	wrdreg $0xFFFFFFFF  }
0xa7: {  	s28 =	simm.s32 $_size_execute0_lowered;
	s2 =	sadd.s32 s2, s4;
	[dreg:$0x0] =	wrdreg $0x0  }
0xa8: {  	s4 =	sshll.u32 s28, $0x1;
	[dreg:$0x2] =	wrdreg s2  }
0xa9: {  	[dreg:$0x3] =	wrdreg s4  }
0xaa: {  	[dreg:$0x4] =	wrdreg $0xC0  }
0xab: {  	_ =	task [dreg:s6], $0x5FFFF  }
0xac: {  	[dreg:$0x1] =	wrdreg $0xFFFFFFFF  }
0xad: {  	[dreg:$0x0] =	wrdreg $0x60  }
0xae: {  	[dreg:$0x2] =	wrdreg s24  }
0xaf: {  	[dreg:$0x3] =	wrdreg $0xA8000  }
0xb0: {  	[dreg:$0x4] =	wrdreg $0x9  }
0xb1: {  	_ =	task.clear_ibuf [dreg:s6], $0x5FFFF;
	_ =	strace $0x90000052  }
0xb2: {  	s29 =	simm.s32 $0x9;
	_ =	strace $0x80000054  }
0xb3: {  	_ =	swait.ge [sflag:s29], $0x1  }
0xb4: {  	[sflag:s29] =	ssyncadd.s32 $0xFFFFFFFF  }
0xb5: {  	_ =	strace $0x90000054  }
0xb6: {  	_ =	sfence  }
0xb7: {  	s30 =	sld [smem:$0x0];
	_ =	sdelay $0x2  }
0xb8: {  	s31 =	sshll.u32 s1, $0xD;
	s1 =	sshrl.u32 s1, $0x2  }
0xb9: {  	s3 =	sand.u32 $0x4000, s31;
	s1 =	sadd.s32 s1, s30  }
0xba: {  	s0 =	sor.u32 s3, s0;
	s1 =	sshll.u32 s1, $0x11  }
0xbb: {  	s0 =	sor.u32 s1, s0  }
0xbc: {  	s0 =	sadd.s32 $0x8F2B, s0  }
0xbd: {  	[sflag:s0] =	ssyncadd.remote.s32 $0x1  }
0xbe: {  	_ =	sfence.sel $0xFFFF  }
0xbf: {  	[dreg:$0x0] =	wrdreg $0xFFFFFFFF;
	(pc) =	sbr.abs _section_cstart, $3  }
0xc0: {  	[dreg:$0x1] =	wrdreg $0xFFFFFFFF  }
0xc1: {  	_ =	task.clear_ibuf [dreg:s6], $0x2FFFF;
	_ =	strace $0x9FFFFFFF  }
0xc2: {  	(tm) =	ssettm $0x7FFFFFFF  }
0xc3: {  	_ =	shalt  }
tec
execute0_lowered:
.L_overlay_start_1:
0x0: {  	(tag) =	ssettag $0x1  }
0x1: {  	s0 =	rddreg [dreg:$0x0]  }
0x2: {  	s2 =	rddreg [dreg:$0x1]  }
0x3: {  	s3 =	simm.s32 $0x0;
	s1 =	stileid.u32;
	s6 =	srdreg.scid  }
0x4: {  	s18 =	simm.s32 $0x1400;
	s19 =	simm.s32 $0x80;
	s20 =	simm.s32 $0x2800  }
0x5: {  	s21 =	simm.s32 $0x6800;
	s22 =	simm.s32 $0x1;
	s23 =	simm.s32 $0x2  }
0x6: {  	s28 =	simm.s32 $0x2700;
	s29 =	simm.s32 $0x2780;
	s30 =	simm.s32 $0x0  }
0x7: {  	[smem:$0x7FF] =	sst s3;
	s5 =	smul.u32 $0x2A00, s1;
	s4 =	sadd.s32 $0xDEC00, s0  }
0x8: {  	s9 =	sadd.s32 $0x7CA00, s0;
	s10 =	sadd.s32 $0x86A00, s0;
	s6 =	sand.u32 $0x1, s6  }
0x9: {  	s7 =	sshll.u32 s1, $0x1;
	s8 =	smul.u32 $0x54000, s1;
	s12 =	sadd.s32 $0x105E00, s0  }
0xa: {  	s14 =	sadd.s32 $0x13B000, s2;
	s31 =	smul.u32 $0x13800, s1;
	s24 =	sadd.s32 $0x124800, s2  }
0xb: {  	s17 =	smul.u32 $0x4E000, s1;
	p0 =	seq.s32 s1, $0xF;
	_ =	strace $0x80000053  }
0xc: {  	s11 =	ssub.s32 $0x2, s6;
	s7 =	sor.u32 s6, s7;
	s15 =	smul.u32 $0x138800, s6  }
0xd: {  	s14 =	sshrl.u32 @p0 s14, $0x3;
	s24 =	sshrl.u32 @p0 s24, $0x3;
	s5 =	sadd.s32 s5, s0  }
0xe: {  	s13 =	sshrl.u32 s11, $0x1;
	s8 =	sshrl.u32 s8, $0x2;
	s7 =	smul.u32 $0x2800, s7  }
0xf: {  	s0 =	sadd.s32 $0x2B400, s0;
	s17 =	sshrl.u32 s17, $0x2;
	s13 =	ssub.s32 s11, s13  }
0x10: {  	s16 =	sadd.s32 s8, s2;
	s5 =	sadd.s32 $0x3E00, s5;
	[dreg:$0x4] =	wrdreg s0  }
0x11: {  	s0 =	sadd.s32 s31, s15;
	s15 =	sshrl.u32 s15, $0x3;
	[dreg:$0x3] =	wrdreg s5  }
0x12: {  	s26 =	sshrl.u32 s7, $0x3;
	s0 =	sshrl.u32 s0, $0x3;
	s13 =	smax.u32 s13, $0x1  }
0x13: {  	s16 =	sshrl.u32 @!p0 s16, $0x3;
	s7 =	sadd.s32 s9, s26;
	s11 =	sadd.s32 $0x280, s26  }
0x14: {  	s8 =	sadd.s32 s10, s26;
	s26 =	simm.s32 $0x1380;
	s9 =	sadd.s32 s9, s11  }
0x15: {  	s10 =	sadd.s32 s10, s11;
	s11 =	sadd.s32 s12, s0;
	s0 =	sadd.s32 s17, s2  }
0x16: {  	s12 =	sadd.s32 s12, s15;
	s15 =	sshll.u32 @!p0 s1, $0x6;
	s17 =	simm.s32 $0x3  }
0x17: {  	s12 =	sadd.s32 $0x24900, s12;
	s15 =	sor.u32 @!p0 $0x1C03, s15;
	s25 =	sshrl.u32 @!p0 s0, $0x3  }
.LBB2_1:
0x18: {  	s0 =	simm.s32 @p0 $0x1FC3;
	s1 =	rddreg [dreg:$0x4]  }
0x19: {  	[spmem:s14], [sflag:s0] =	dma.local @p0 [hbm:s1], $0x2B00  }
0x1a: {  	s0 =	simm.s32 @p0 $0x3  }
0x1b: {  	_ =	swait.ge @p0 [sflag:s0], $0x2B00  }
0x1c: {  	[sflag:s0] =	ssyncset.done @p0 $0x0  }
0x1d: {  	[sflag:s0] =	ssyncadd.s32 @p0 $0xFFFFD500;
	s0 =	rddreg [dreg:$0x3]  }
0x1e: {  	[spmem:s16], [sflag:s15] =	dma.local @!p0 [hbm:s0], $0x2A00  }
0x1f: {  	s0 =	simm.s32 @!p0 $0x3  }
0x20: {  	_ =	swait.ge @!p0 [sflag:s0], $0x2A00  }
0x21: {  	[sflag:s0] =	ssyncset.done @!p0 $0x0  }
0x22: {  	[sflag:s0] =	ssyncadd.s32 @!p0 $0xFFFFD600  }
0x23: {  	[bflag:$0x0] =	sbarrier.arrive $0xFFFF  }
0x24: {  	[tilespmem:s3], [sflag:$0x3] =	stream.linear.gather [hbm4b:s7+s3], $0x1400, $0x38;
	[tilespmem:$0x1F880] =	vst v63  }
0x25: {  	_ =	swait.ge [sflag:s17], $0x1400  }
0x26: {  	[sflag:s17] =	ssyncset.done $0x0  }
0x27: {  	[sflag:s17] =	ssyncadd.s32 $0xFFFFEC00  }
0x28: {  	[tilespmem:s18], [sflag:$0x3] =	stream.linear.gather [hbm4b:s8+s3], $0x1400, $0x38;
	[tilespmem:$0x1F880] =	vst v63  }
0x29: {  	_ =	swait.ge [sflag:s17], $0x1400  }
0x2a: {  	[sflag:s17] =	ssyncset.done $0x0  }
0x2b: {  	[sflag:s17] =	ssyncadd.s32 $0xFFFFEC00  }
0x2c: {  	[tilespmem:s20], [sflag:$0x1] =	stream.indirect.gather [hbm4b:s4+s19], $0x80, s3, s19, $0xb8;
	[tilespmem:$0x1F880] =	vst v63  }
0x2d: {  	s6 =	simm.s32 $0x80  }
0x2e: {  	[tilespmem:s21], [sflag:$0x2] =	stream.indirect.gather [hbm4b:s4+s19], $0x80, s6, s19, $0xb8;
	[tilespmem:$0x1F880] =	vst v63  }
0x2f: {  	_ =	swait.ge [sflag:s22], $0x4000  }
0x30: {  	[sflag:s22] =	ssyncset.done $0x0  }
0x31: {  	s1 =	simm.s32 $0x1400;
	[sflag:s22] =	ssyncadd.s32 $0xFFFFC000  }
0x32: {  	[spmem:s2] =	stream.indirect.scatter.add.f32 [tilespmem:s20], [sflag:$0x3], $0x80, s1, s19, $0xb8;
	[tilespmem:$0x1F880] =	vst v63  }
0x33: {  	_ =	swait.ge [sflag:s17], $0x4000  }
0x34: {  	[sflag:s17] =	ssyncset.done $0x0  }
0x35: {  	s5 =	simm.s32 $0x100;
	[sflag:s17] =	ssyncadd.s32 $0xFFFFC000  }
0x36: {  	[tilespmem:s20], [sflag:$0x1] =	stream.indirect.gather [hbm4b:s4+s19], $0x80, s5, s19, $0xb8;
	[tilespmem:$0x1F880] =	vst v63  }
0x37: {  	_ =	swait.ge [sflag:s23], $0x4000  }
0x38: {  	[sflag:s23] =	ssyncset.done $0x0  }
0x39: {  	s6 =	simm.s32 $0x1480;
	[sflag:s23] =	ssyncadd.s32 $0xFFFFC000  }
0x3a: {  	[spmem:s2] =	stream.indirect.scatter.add.f32 [tilespmem:s21], [sflag:$0x3], $0x80, s6, s19, $0xb8;
	[tilespmem:$0x1F880] =	vst v63  }
0x3b: {  	_ =	swait.ge [sflag:s17], $0x4000  }
0x3c: {  	s31 =	simm.s32 $0x100;
	s0 =	simm.s32 $0x800;
	[sflag:s17] =	ssyncset.done $0x0  }
.LBB2_2:
0x3d: {  	s1 =	sadd.s32 $0x80, s31  }
0x3e: {  	[sflag:s17] =	ssyncadd.s32 $0xFFFFC000;
	s5 =	smov.u32 s0;
	s6 =	sadd.s32 $0x400, s0  }
0x3f: {  	[tilespmem:s21], [sflag:$0x2] =	stream.indirect.gather [hbm4b:s4+s19], $0x80, s1, s19, $0xb8;
	[tilespmem:$0x1F880] =	vst v63  }
0x40: {  	p1 =	sne.s32 s0, $0x4800;
	_ =	swait.ge [sflag:s22], $0x4000  }
0x41: {  	[sflag:s22] =	ssyncset.done $0x0  }
0x42: {  	s0 =	sadd.s32 $0x1400, s31;
	[sflag:s22] =	ssyncadd.s32 $0xFFFFC000  }
0x43: {  	[spmem:s2] =	stream.indirect.scatter.add.f32 [tilespmem:s20], [sflag:$0x3], $0x80, s0, s19, $0xb8;
	[tilespmem:$0x1F880] =	vst v63  }
0x44: {  	_ =	swait.ge [sflag:s17], $0x4000  }
0x45: {  	[sflag:s17] =	ssyncset.done $0x0  }
0x46: {  	s0 =	sadd.s32 $0x100, s31;
	[sflag:s17] =	ssyncadd.s32 $0xFFFFC000  }
0x47: {  	[tilespmem:s20], [sflag:$0x1] =	stream.indirect.gather [hbm4b:s4+s19], $0x80, s0, s19, $0xb8;
	[tilespmem:$0x1F880] =	vst v63  }
0x48: {  	_ =	swait.ge [sflag:s23], $0x4000  }
.Ltmp0:
0x49: {  	[sflag:s23] =	ssyncset.done $0x0;
	(pc) =	sbr.rel @p1 .LBB2_2-.Ltmp0, $4  }
0x4a: {  	s0 =	sadd.s32 $0x1480, s31;
	[sflag:s23] =	ssyncadd.s32 $0xFFFFC000  }
0x4b: {  	[spmem:s2] =	stream.indirect.scatter.add.f32 [tilespmem:s21], [sflag:$0x3], $0x80, s0, s19, $0xb8;
	[tilespmem:$0x1F880] =	vst v63  }
0x4c: {  	_ =	swait.ge [sflag:s17], $0x4000  }
0x4d: {  	s31 =	sshra.s32 s5, $0x2;
	s0 =	smov.u32 s6;
	[sflag:s17] =	ssyncset.done $0x0  }
0x4e: {  	s0 =	sadd.s32 $0x80, s31;
	[sflag:s17] =	ssyncadd.s32 $0xFFFFC000  }
0x4f: {  	[tilespmem:s21], [sflag:$0x2] =	stream.indirect.gather [hbm4b:s4+s19], $0x80, s0, s19, $0xb8;
	[tilespmem:$0x1F880] =	vst v63  }
0x50: {  	_ =	swait.ge [sflag:s22], $0x4000  }
0x51: {  	[sflag:s22] =	ssyncset.done $0x0  }
0x52: {  	s5 =	sadd.s32 $0x1400, s31;
	[sflag:s22] =	ssyncadd.s32 $0xFFFFC000  }
0x53: {  	[spmem:s2] =	stream.indirect.scatter.add.f32 [tilespmem:s20], [sflag:$0x3], $0x80, s5, s19, $0xb8;
	[tilespmem:$0x1F880] =	vst v63  }
0x54: {  	_ =	swait.ge [sflag:s17], $0x4000  }
0x55: {  	[sflag:s17] =	ssyncset.done $0x0  }
0x56: {  	s6 =	sadd.s32 $0x100, s31;
	[sflag:s17] =	ssyncadd.s32 $0xFFFFC000  }
0x57: {  	[tilespmem:s20], [sflag:$0x1] =	stream.indirect.gather [hbm4b:s4+s19], $0x80, s6, s19, $0xb8;
	[tilespmem:$0x1F880] =	vst v63  }
0x58: {  	_ =	swait.ge [sflag:s23], $0x4000  }
0x59: {  	[sflag:s23] =	ssyncset.done $0x0  }
0x5a: {  	s1 =	sadd.s32 $0x1480, s31;
	[sflag:s23] =	ssyncadd.s32 $0xFFFFC000  }
0x5b: {  	[spmem:s2] =	stream.indirect.scatter.add.f32 [tilespmem:s21], [sflag:$0x3], $0x80, s1, s19, $0xb8;
	[tilespmem:$0x1F880] =	vst v63  }
0x5c: {  	_ =	swait.ge [sflag:s17], $0x4000  }
0x5d: {  	[sflag:s17] =	ssyncset.done $0x0  }
0x5e: {  	[sflag:s17] =	ssyncadd.s32 $0xFFFFC000  }
0x5f: {  	[tilespmem:s21], [sflag:$0x2] =	stream.indirect.gather [hbm4b:s4+s19], $0x80, s26, s19, $0xb8;
	[tilespmem:$0x1F880] =	vst v63  }
0x60: {  	_ =	swait.ge [sflag:s22], $0x4000  }
0x61: {  	[sflag:s22] =	ssyncset.done $0x0  }
0x62: {  	[sflag:s22] =	ssyncadd.s32 $0xFFFFC000  }
0x63: {  	[spmem:s2] =	stream.indirect.scatter.add.f32 [tilespmem:s20], [sflag:$0x3], $0x80, s28, s19, $0xb8;
	[tilespmem:$0x1F880] =	vst v63  }
0x64: {  	_ =	swait.ge [sflag:s17], $0x4000  }
0x65: {  	[sflag:s17] =	ssyncset.done $0x0  }
0x66: {  	[sflag:s17] =	ssyncadd.s32 $0xFFFFC000  }
0x67: {  	_ =	swait.ge [sflag:s23], $0x4000  }
0x68: {  	[sflag:s23] =	ssyncset.done $0x0  }
0x69: {  	[sflag:s23] =	ssyncadd.s32 $0xFFFFC000  }
0x6a: {  	[spmem:s2] =	stream.indirect.scatter.add.f32 [tilespmem:s21], [sflag:$0x3], $0x80, s29, s19, $0xb8;
	[tilespmem:$0x1F880] =	vst v63  }
0x6b: {  	_ =	swait.ge [sflag:s17], $0x4000  }
0x6c: {  	[sflag:s17] =	ssyncset.done $0x0  }
0x6d: {  	s5 =	simm.s32 $0x0;
	[sflag:s17] =	ssyncadd.s32 $0xFFFFC000  }
0x6e: {  	[tilespmem:s5], [sflag:$0x3] =	stream.linear.gather [hbm4b:s9+s5], $0x1400, $0x38;
	[tilespmem:$0x1F880] =	vst v63  }
0x6f: {  	_ =	swait.ge [sflag:s17], $0x1400  }
0x70: {  	[sflag:s17] =	ssyncset.done $0x0  }
0x71: {  	[sflag:s17] =	ssyncadd.s32 $0xFFFFEC00  }
0x72: {  	[tilespmem:s18], [sflag:$0x3] =	stream.linear.gather [hbm4b:s10+s5], $0x1400, $0x38;
	[tilespmem:$0x1F880] =	vst v63  }
0x73: {  	_ =	swait.ge [sflag:s17], $0x1400  }
0x74: {  	[sflag:s17] =	ssyncset.done $0x0  }
0x75: {  	[sflag:s17] =	ssyncadd.s32 $0xFFFFEC00  }
0x76: {  	[tilespmem:s20], [sflag:$0x1] =	stream.indirect.gather [hbm4b:s4+s19], $0x80, s5, s19, $0xb8;
	[tilespmem:$0x1F880] =	vst v63  }
0x77: {  	s6 =	simm.s32 $0x80  }
0x78: {  	[tilespmem:s21], [sflag:$0x2] =	stream.indirect.gather [hbm4b:s4+s19], $0x80, s6, s19, $0xb8;
	[tilespmem:$0x1F880] =	vst v63  }
0x79: {  	_ =	swait.ge [sflag:s22], $0x4000  }
0x7a: {  	[sflag:s22] =	ssyncset.done $0x0  }
0x7b: {  	s1 =	simm.s32 $0x1400;
	[sflag:s22] =	ssyncadd.s32 $0xFFFFC000  }
0x7c: {  	[spmem:s2] =	stream.indirect.scatter.add.f32 [tilespmem:s20], [sflag:$0x3], $0x80, s1, s19, $0xb8;
	[tilespmem:$0x1F880] =	vst v63  }
0x7d: {  	_ =	swait.ge [sflag:s17], $0x4000  }
0x7e: {  	[sflag:s17] =	ssyncset.done $0x0  }
0x7f: {  	s5 =	simm.s32 $0x100;
	[sflag:s17] =	ssyncadd.s32 $0xFFFFC000  }
0x80: {  	[tilespmem:s20], [sflag:$0x1] =	stream.indirect.gather [hbm4b:s4+s19], $0x80, s5, s19, $0xb8;
	[tilespmem:$0x1F880] =	vst v63  }
0x81: {  	_ =	swait.ge [sflag:s23], $0x4000  }
0x82: {  	[sflag:s23] =	ssyncset.done $0x0  }
0x83: {  	s6 =	simm.s32 $0x1480;
	[sflag:s23] =	ssyncadd.s32 $0xFFFFC000  }
0x84: {  	[spmem:s2] =	stream.indirect.scatter.add.f32 [tilespmem:s21], [sflag:$0x3], $0x80, s6, s19, $0xb8;
	[tilespmem:$0x1F880] =	vst v63  }
0x85: {  	_ =	swait.ge [sflag:s17], $0x4000  }
0x86: {  	s31 =	simm.s32 $0x100;
	s0 =	simm.s32 $0x800;
	[sflag:s17] =	ssyncset.done $0x0  }
.LBB2_4:
0x87: {  	s1 =	sadd.s32 $0x80, s31  }
0x88: {  	[sflag:s17] =	ssyncadd.s32 $0xFFFFC000;
	s5 =	smov.u32 s0;
	s6 =	sadd.s32 $0x400, s0  }
0x89: {  	[tilespmem:s21], [sflag:$0x2] =	stream.indirect.gather [hbm4b:s4+s19], $0x80, s1, s19, $0xb8;
	[tilespmem:$0x1F880] =	vst v63  }
0x8a: {  	p1 =	sne.s32 s0, $0x4800;
	_ =	swait.ge [sflag:s22], $0x4000  }
0x8b: {  	[sflag:s22] =	ssyncset.done $0x0  }
0x8c: {  	s0 =	sadd.s32 $0x1400, s31;
	[sflag:s22] =	ssyncadd.s32 $0xFFFFC000  }
0x8d: {  	[spmem:s2] =	stream.indirect.scatter.add.f32 [tilespmem:s20], [sflag:$0x3], $0x80, s0, s19, $0xb8;
	[tilespmem:$0x1F880] =	vst v63  }
0x8e: {  	_ =	swait.ge [sflag:s17], $0x4000  }
0x8f: {  	[sflag:s17] =	ssyncset.done $0x0  }
0x90: {  	s0 =	sadd.s32 $0x100, s31;
	[sflag:s17] =	ssyncadd.s32 $0xFFFFC000  }
0x91: {  	[tilespmem:s20], [sflag:$0x1] =	stream.indirect.gather [hbm4b:s4+s19], $0x80, s0, s19, $0xb8;
	[tilespmem:$0x1F880] =	vst v63  }
0x92: {  	_ =	swait.ge [sflag:s23], $0x4000  }
.Ltmp1:
0x93: {  	[sflag:s23] =	ssyncset.done $0x0;
	(pc) =	sbr.rel @p1 .LBB2_4-.Ltmp1, $4  }
0x94: {  	s0 =	sadd.s32 $0x1480, s31;
	[sflag:s23] =	ssyncadd.s32 $0xFFFFC000  }
0x95: {  	[spmem:s2] =	stream.indirect.scatter.add.f32 [tilespmem:s21], [sflag:$0x3], $0x80, s0, s19, $0xb8;
	[tilespmem:$0x1F880] =	vst v63  }
0x96: {  	_ =	swait.ge [sflag:s17], $0x4000  }
0x97: {  	s31 =	sshra.s32 s5, $0x2;
	s0 =	smov.u32 s6;
	[sflag:s17] =	ssyncset.done $0x0  }
0x98: {  	s0 =	sadd.s32 $0x80, s31;
	[sflag:s17] =	ssyncadd.s32 $0xFFFFC000  }
0x99: {  	[tilespmem:s21], [sflag:$0x2] =	stream.indirect.gather [hbm4b:s4+s19], $0x80, s0, s19, $0xb8;
	[tilespmem:$0x1F880] =	vst v63  }
0x9a: {  	_ =	swait.ge [sflag:s22], $0x4000  }
0x9b: {  	[sflag:s22] =	ssyncset.done $0x0  }
0x9c: {  	s5 =	sadd.s32 $0x1400, s31;
	[sflag:s22] =	ssyncadd.s32 $0xFFFFC000  }
0x9d: {  	[spmem:s2] =	stream.indirect.scatter.add.f32 [tilespmem:s20], [sflag:$0x3], $0x80, s5, s19, $0xb8;
	[tilespmem:$0x1F880] =	vst v63  }
0x9e: {  	_ =	swait.ge [sflag:s17], $0x4000  }
0x9f: {  	[sflag:s17] =	ssyncset.done $0x0  }
0xa0: {  	s6 =	sadd.s32 $0x100, s31;
	[sflag:s17] =	ssyncadd.s32 $0xFFFFC000  }
0xa1: {  	[tilespmem:s20], [sflag:$0x1] =	stream.indirect.gather [hbm4b:s4+s19], $0x80, s6, s19, $0xb8;
	[tilespmem:$0x1F880] =	vst v63  }
0xa2: {  	_ =	swait.ge [sflag:s23], $0x4000  }
0xa3: {  	[sflag:s23] =	ssyncset.done $0x0  }
0xa4: {  	s31 =	sadd.s32 $0x1480, s31;
	[sflag:s23] =	ssyncadd.s32 $0xFFFFC000  }
0xa5: {  	[spmem:s2] =	stream.indirect.scatter.add.f32 [tilespmem:s21], [sflag:$0x3], $0x80, s31, s19, $0xb8;
	[tilespmem:$0x1F880] =	vst v63  }
0xa6: {  	_ =	swait.ge [sflag:s17], $0x4000  }
0xa7: {  	[sflag:s17] =	ssyncset.done $0x0  }
0xa8: {  	[sflag:s17] =	ssyncadd.s32 $0xFFFFC000  }
0xa9: {  	[tilespmem:s21], [sflag:$0x2] =	stream.indirect.gather [hbm4b:s4+s19], $0x80, s26, s19, $0xb8;
	[tilespmem:$0x1F880] =	vst v63  }
0xaa: {  	_ =	swait.ge [sflag:s22], $0x4000  }
0xab: {  	[sflag:s22] =	ssyncset.done $0x0  }
0xac: {  	[sflag:s22] =	ssyncadd.s32 $0xFFFFC000  }
0xad: {  	[spmem:s2] =	stream.indirect.scatter.add.f32 [tilespmem:s20], [sflag:$0x3], $0x80, s28, s19, $0xb8;
	[tilespmem:$0x1F880] =	vst v63  }
0xae: {  	_ =	swait.ge [sflag:s17], $0x4000  }
0xaf: {  	[sflag:s17] =	ssyncset.done $0x0  }
0xb0: {  	[sflag:s17] =	ssyncadd.s32 $0xFFFFC000  }
0xb1: {  	_ =	swait.ge [sflag:s23], $0x4000  }
0xb2: {  	[sflag:s23] =	ssyncset.done $0x0  }
0xb3: {  	[sflag:s23] =	ssyncadd.s32 $0xFFFFC000  }
0xb4: {  	[spmem:s2] =	stream.indirect.scatter.add.f32 [tilespmem:s21], [sflag:$0x3], $0x80, s29, s19, $0xb8;
	[tilespmem:$0x1F880] =	vst v63  }
0xb5: {  	_ =	swait.ge [sflag:s17], $0x4000  }
0xb6: {  	[sflag:s17] =	ssyncset.done $0x0  }
0xb7: {  	[sflag:s17] =	ssyncadd.s32 $0xFFFFC000  }
0xb8: {  	s0 =	simm.s32 @p0 $0x1FC3;
	[bflag:$0x0] =	sbarrier.arrive $0xFFFF  }
0xb9: {  	[hbm:s12], [sflag:s0] =	dma.local @p0 [spmem:s24], $0x2800  }
0xba: {  	s0 =	simm.s32 @p0 $0x3  }
0xbb: {  	s30 =	sadd.s32 $0x1, s30;
	_ =	swait.ge @p0 [sflag:s0], $0x2800  }
0xbc: {  	p1 =	sne.s32 s30, s13;
	[sflag:s0] =	ssyncset.done @p0 $0x0  }
.Ltmp2:
0xbd: {  	[sflag:s0] =	ssyncadd.s32 @p0 $0xFFFFD800;
	s0 =	simm.s32 @!p0 $0x3;
	(pc) =	sbr.rel @p1 .LBB2_1-.Ltmp2, $4  }
0xbe: {  	[hbm:s11], [sflag:s15] =	dma.local @!p0 [spmem:s25], $0x2700  }
0xbf: {  	_ =	swait.ge @!p0 [sflag:s0], $0x2700  }
0xc0: {  	[sflag:s0] =	ssyncset.done @!p0 $0x0  }
0xc1: {  	[sflag:s0] =	ssyncadd.s32 @!p0 $0xFFFFD900  }
0xc2: {  	_ =	sfence.sel $0x180000  }
0xc3: {  	[bflag:$0x0] =	sbarrier.arrive $0xFFFF  }
0xc4: {  	_ =	strace $0x90000053  }
0xc5: {  	s0 =	stileid.u32;
	[bflag:$0x2] =	sbarrier.arrive $0xFFFF  }
0xc6: {  	p0 =	sne.s32 s0, $0x0;
	s0 =	rddreg [dreg:$0x2]  }
0xc7: {  	s0 =	sadd.s32 @!p0 $0x100000, s0  }
0xc8: {  	[sflag:s0] =	ssyncadd.tile.s32 @!p0 $0x1;
	_ =	shalt  }
.Lfunc_end2:
_tile_overlayer_lowered:
.L_overlay_start_2:
0xc9: {  	(tag) =	ssettag $0x2  }
0xca: {  	s0 =	rddreg [dreg:$0x0];
	s2 =	stileid.u32  }
0xcb: {  	s1 =	rddreg [dreg:$0x1];
	p0 =	sne.s32 s2, $0x0  }
0xcc: {  	s3 =	rddreg [dreg:$0x2];
	[bflag:$0x3] =	sbarrier.arrive $0xFFFF;
	s2 =	simm.s32 @!p0 $0x1C03  }
0xcd: {  	[timem:s3], [sflag:s2] =	dma.local @!p0 [hbm:s0], s1  }
0xce: {  	s0 =	simm.s32 @!p0 $0x3  }
0xcf: {  	_ =	swait.ge @!p0 [sflag:s0], s1  }
0xd0: {  	s1 =	ssub.s32 @!p0 $0x0, s1;
	[sflag:s0] =	ssyncset.done @!p0 $0x0  }
0xd1: {  	[sflag:s0] =	ssyncadd.s32 @!p0 s1  }
0xd2: {  	[bflag:$0x3] =	sbarrier.arrive $0xFFFF  }
0xd3: {  	_ =	shalt  }

</sc_bundles>
